<compile_context>
chip_gen: v7x
topology: tpu7x:2x2x1
jax: 0.10.2.dev20260603
libtpu: 0.0.44.dev20260713+nightly
codegen_flags: <defaults>
</compile_context>

<pallas_src>
import jax
import jax.numpy as jnp
from jax.experimental import pallas as pl
from jax.experimental.pallas import tpu as pltpu
from jax.experimental.pallas import tpu_sc as plsc

M = 100000
D = 32
B = 16384
K = 1000
LR = 0.01
LIMIT = 1.0

NC = 2
NS = 16
ROW_BLK = 8192
DBLK = ROW_BLK // 4
DSH = 11
NBLK = (M + ROW_BLK - 1) // ROW_BLK
MB = NBLK * ROW_BLK
MD = MB // 4
NPAD_ROWS = NBLK * 8

HALF_B = MB // NC
RPT = HALF_B // NS
GPT = B // NS
NCHUNK = GPT // 128
ZROWS = RPT // 32


def _to_dense(y):
    return jnp.concatenate(
        [y[b * DBLK:(b + 1) * DBLK, :] for b in range(4)], axis=1)


def _to_rows(x):
    return jnp.concatenate(
        [x[:, b * D:(b + 1) * D] for b in range(4)], axis=0)


def _clip_body(x_ref, o_ref):
    x = x_ref[...]
    n = jnp.sqrt(jnp.sum(x * x, axis=0, keepdims=True))
    scale = jnp.where(n > LIMIT, LIMIT / jnp.maximum(n, 1e-12), 1.0)
    o_ref[...] = _to_dense(jnp.transpose(x * scale))


def _sc_bank_body(g3d, items_hbm, bg_out, acc, g_buf, idx_buf,
                  tgt_buf, zbuf):
    c = jax.lax.axis_index("c")
    s = jax.lax.axis_index("s")
    base_row = c * HALF_B + s * RPT
    zv = jnp.zeros((16,), jnp.float32)

    def _zrow(j, carry):
        zbuf[j, pl.ds(0, 16)] = zv
        zbuf[j, pl.ds(16, 16)] = zv
        return carry

    jax.lax.fori_loop(0, ZROWS, _zrow, jnp.int32(0))
    for k in range(RPT // ZROWS):
        pltpu.sync_copy(zbuf, acc.at[pl.ds(s * RPT + k * ZROWS, ZROWS)])
    base_p = (s >> 3) * ROW_BLK + (s & 7) * 256
    for j in range(NCHUNK):
        pltpu.sync_copy(
            items_hbm.at[pl.ds(base_p + (j >> 1) * DBLK + (j & 1) * 128,
                               128)],
            idx_buf.at[j])
    lo = c * HALF_B
    for cc in range(NCHUNK):
        for q in range(8):
            rbv = cc * 128 + q * 16 + jax.lax.broadcasted_iota(
                jnp.int32, (16,), 0)
            p = (rbv & 3) * 256 + (rbv >> 2)
            v = plsc.load_gather(idx_buf, [p >> 7, p & 127])
            loc = v & (ROW_BLK - 1)
            rb_t = (v - loc) + ((loc & (DBLK - 1)) << 2) + (loc >> DSH)
            lrb = rb_t - lo
            oob = (lrb < 0) | (lrb >= HALF_B)
            tgt_buf[cc, pl.ds(q * 16, 16)] = jnp.where(oob, HALF_B, lrb)
    plsc.subcore_barrier()
    for h in range(2):
        pltpu.sync_copy(g3d.at[s, h], g_buf)
        for j in range(NCHUNK // 2):
            pltpu.sync_copy(g_buf.at[j],
                            acc.at[tgt_buf.at[h * (NCHUNK // 2) + j]],
                            add=True)
    plsc.subcore_barrier()
    pltpu.sync_copy(acc.at[pl.ds(s * RPT, RPT)],
                    bg_out.at[pl.ds(base_row, RPT)])


def _m1_body(bg_ref, igb_ref, v_ref, t_ref, n2s_ref):
    i = pl.program_id(0)

    @pl.when(i < NBLK)
    def _phase1():
        bk_t = (jnp.transpose(_to_rows(bg_ref[...]))
                + igb_ref[...])
        n2 = jnp.sum(bk_t * bk_t, axis=0, keepdims=True)
        rid = (i * ROW_BLK
               + jax.lax.broadcasted_iota(jnp.int32, (1, ROW_BLK), 1))
        n2s_ref[pl.ds(i, 1), :] = jnp.where(rid < M, n2, 0.0)

    @pl.when(i == NBLK)
    def _phase2():
        x = n2s_ref[...]
        bits = jax.lax.bitcast_convert_type(x, jnp.int32)

        def step(p, u):
            shift = 28 - 4 * p
            dstar = jnp.int32(0)
            for d in range(1, 16):
                cand = jnp.bitwise_or(u, jnp.left_shift(jnp.int32(d), shift))
                ok = jnp.logical_and(
                    cand > 0,
                    jnp.sum((bits >= cand).astype(jnp.int32)) >= K)
                dstar = dstar + ok.astype(jnp.int32)
            return jnp.bitwise_or(u, jnp.left_shift(dstar, shift))

        u = jax.lax.fori_loop(0, 8, step, jnp.int32(0))
        v = jax.lax.bitcast_convert_type(u, jnp.float32)
        tsum = jnp.sum(jnp.where(x >= v, jnp.sqrt(x), 0.0))
        v_ref[...] = jnp.full((1, 1), v, jnp.float32)
        t_ref[...] = jnp.full((1, 1), tsum / K, jnp.float32)


def _m2_body(bg_ref, igb_ref, e_ref, v_ref, t_ref, o_ref):
    bk_t = (jnp.transpose(_to_rows(bg_ref[...]))
            + igb_ref[...])
    e = e_ref[...]
    v = v_ref[0, 0]
    t = t_ref[0, 0]
    n2 = jnp.sum(bk_t * bk_t, axis=0, keepdims=True)
    bn = jnp.sqrt(n2)
    scale = jnp.where(bn > t, t / jnp.maximum(bn, 1e-12), 1.0)
    factor = jnp.where(n2 >= v, scale, 0.0)
    o_ref[...] = e - LR * (bk_t * factor)


def kernel(items_emb, item_grad_bank, items, items_emb_grad):
    f32 = jnp.float32
    emb_t = jnp.transpose(items_emb)
    igb_t = jnp.transpose(item_grad_bank)
    grad_t = jnp.transpose(items_emb_grad)

    g_dense = pl.pallas_call(
        _clip_body,
        grid=(B // ROW_BLK,),
        in_specs=[pl.BlockSpec((D, ROW_BLK), lambda i: (0, i))],
        out_specs=pl.BlockSpec((DBLK, 128), lambda i: (i, 0)),
        out_shape=jax.ShapeDtypeStruct((B // 4, 128), f32),
    )(grad_t)

    g3d = g_dense.reshape(NS, 2, NCHUNK // 2, 128, D)
    mesh = plsc.VectorSubcoreMesh(core_axis_name="c", subcore_axis_name="s")
    bg = pl.kernel(
        _sc_bank_body,
        out_type=jax.ShapeDtypeStruct((MB, D), f32),
        mesh=mesh,
        scratch_types=[
            pltpu.VMEM_SHARED((HALF_B + 8, D), f32),
            pltpu.VMEM((NCHUNK // 2, 128, D), f32),
            pltpu.VMEM((NCHUNK, 128), jnp.int32),
            pltpu.VMEM((NCHUNK, 128), jnp.int32),
            pltpu.VMEM((ZROWS, D), f32),
        ],
        compiler_params=pltpu.CompilerParams(
            use_tc_tiling_on_sc=False, needs_layout_passes=False),
    )(g3d, items)
    bg_dense = bg.reshape(MD, 128)

    v, t = pl.pallas_call(
        _m1_body,
        grid=(NBLK + 1,),
        in_specs=[
            pl.BlockSpec((DBLK, 128),
                         lambda i: (jnp.where(i < NBLK, i, 0), 0)),
            pl.BlockSpec((D, ROW_BLK),
                         lambda i: (0, jnp.where(i < NBLK, i, 0))),
        ],
        out_specs=[pl.BlockSpec((1, 1), lambda i: (0, 0)),
                   pl.BlockSpec((1, 1), lambda i: (0, 0))],
        out_shape=[jax.ShapeDtypeStruct((1, 1), f32),
                   jax.ShapeDtypeStruct((1, 1), f32)],
        scratch_shapes=[pltpu.VMEM((NBLK, ROW_BLK), f32)],
    )(bg_dense, igb_t)

    out_t = pl.pallas_call(
        _m2_body,
        grid=(NBLK,),
        in_specs=[
            pl.BlockSpec((DBLK, 128), lambda i: (i, 0)),
            pl.BlockSpec((D, ROW_BLK), lambda i: (0, i)),
            pl.BlockSpec((D, ROW_BLK), lambda i: (0, i)),
            pl.BlockSpec(memory_space=pltpu.MemorySpace.SMEM),
            pl.BlockSpec(memory_space=pltpu.MemorySpace.SMEM),
        ],
        out_specs=pl.BlockSpec((D, ROW_BLK), lambda i: (0, i)),
        out_shape=jax.ShapeDtypeStruct((D, M), f32),
    )(bg_dense, igb_t, emb_t, v, t)
    return jnp.transpose(out_t)

# --- scband reference (transcript-rebuilt; emitter-appended) ---
"""Pipeline reference for scband-fed-rec-server-20461224198325 (READ-ONLY COPY).

The authoritative reference and input builder live on the scoring server;
editing this copy changes nothing except your own understanding.
"""

import jax, jax.numpy as jnp
import numpy as np

M_ITEM = 100000
DIM = 32
BATCH = 16384
GRAD_LIMIT = 1.0
LR = 0.01
ITEM_PROPORTION = 0.01


def setup_inputs(seed: int = 0) -> dict:
    key = jax.random.key(seed)
    k1, k2, k3, k4 = jax.random.split(key, 4)
    items_emb = jax.random.normal(k1, (M_ITEM, DIM), dtype=jnp.float32) * 0.01
    item_grad_bank = jax.random.normal(k2, (M_ITEM, DIM), dtype=jnp.float32) * 0.01
    items = jax.random.randint(k3, (BATCH,), 0, M_ITEM, dtype=jnp.int32)
    items_emb_grad = jax.random.normal(k4, (BATCH, DIM), dtype=jnp.float32)
    return {
        'items_emb': items_emb,
        'item_grad_bank': item_grad_bank,
        'items': items,
        'items_emb_grad': items_emb_grad,
    }


def reference(items_emb, item_grad_bank, items, items_emb_grad):
    # --- per-row gradient clipping (args.use_clip) ---
    gnorm = jnp.linalg.norm(items_emb_grad, axis=-1, keepdims=True)
    scale = jnp.where(gnorm > GRAD_LIMIT, GRAD_LIMIT / jnp.maximum(gnorm, 1e-12), 1.0)
    g = items_emb_grad * scale
    # --- scatter-add client sparse grads into dense batch grad ---
    batch_grad = jnp.zeros_like(items_emb).at[items].add(g)
    # --- sparse-update path (args.use_sparse) ---
    bank = item_grad_bank + batch_grad
    bank_norm = jnp.linalg.norm(bank, axis=-1)
    k = int(ITEM_PROPORTION * M_ITEM)
    _, selected = jax.lax.top_k(bank_norm, k)
    sel_rows = jnp.take(bank, selected, axis=0)
    batch_grad2 = jnp.zeros_like(items_emb).at[selected].add(sel_rows)
    tmp_grad_limit = jnp.sum(jnp.take(bank_norm, selected)) / k
    bn = jnp.linalg.norm(batch_grad2, axis=-1, keepdims=True)
    scale2 = jnp.where(bn > tmp_grad_limit, tmp_grad_limit / jnp.maximum(bn, 1e-12), 1.0)
    batch_grad2 = batch_grad2 * scale2
    # bank[selected] -= bank[selected]  (zero-out handled server-side state)
    # --- SGD update of embedding table ---
    new_items_emb = items_emb - LR * batch_grad2
    return new_items_emb

if __name__ == "__main__":
    import jax
    _d = setup_inputs()
    print(jax.jit(kernel)(*tuple(_d.values())))

</pallas_src>

<mosaic_0001>
#map = affine_map<(d0, d1) -> (0, 0, 0, 0, 0)>
#map1 = affine_map<(d0, d1) -> (0)>
#map2 = affine_map<(d0, d1) -> (0, 0)>
module attributes {stable_mosaic.version = 14 : i64} {
  func.func @_sc_bank_body(%arg0: i32, %arg1: i32, %arg2: memref<16x2x4x128x32xf32, #tpu.memory_space<hbm>>, %arg3: memref<16384xi32, #tpu.memory_space<hbm>>, %arg4: memref<106496x32xf32, #tpu.memory_space<hbm>>, %arg5: memref<53256x32xf32, #tpu.memory_space<vmem_shared>>, %arg6: memref<4x128x32xf32, #tpu.memory_space<vmem>>, %arg7: memref<8x128xi32, #tpu.memory_space<vmem>>, %arg8: memref<8x128xi32, #tpu.memory_space<vmem>>, %arg9: memref<104x32xf32, #tpu.memory_space<vmem>>) attributes {dimension_semantics = [#tpu.dimension_semantics<core_parallel>, #tpu.dimension_semantics<subcore_parallel>], iteration_bounds = array<i64: 2, 16>, scalar_prefetch = 0 : i64, scratch_operands = 5 : i64, tpu.core_type = #tpu.core_type<sc_vector_subcore>, window_params = [{transform_indices = #map}, {transform_indices = #map1}, {transform_indices = #map2}]} {
    %mul3A = arith.constant 53248 : i32
    %mul3A_0 = arith.muli %arg0, %mul3A : i32
    %mul3A_1 = arith.constant 3328 : i32
    %mul3A_2 = arith.muli %arg1, %mul3A_1 : i32
    %add3A = arith.addi %mul3A_0, %mul3A_2 : i32
    %broadcast_in_dim3A = arith.constant 0.000000e+00 : f32
    %broadcast_in_dim3A_3 = vector.broadcast %broadcast_in_dim3A : f32 to vector<16xf32>
    %scan3A = arith.constant 0 : i32
    %scan3A_4 = arith.constant 0 : i32
    %scan3A_5 = arith.constant 104 : i32
    %scan3A_6 = arith.addi %scan3A_4, %scan3A_5 : i32
    %scan3A_7 = arith.constant 1 : i32
    scf.for %scan3A_3524 = %scan3A_4 to %scan3A_6 step %scan3A_7  : i32 {
      %swap3A_3525 = arith.index_cast %scan3A_3524 : i32 to index
      %swap3A_3526 = arith.constant 0 : index
      %swap3A_3527 = tpu.vector_load %arg9[%swap3A_3525, %swap3A_3526] {strides = array<i32>} : memref<104x32xf32, #tpu.memory_space<vmem>>, vector<16xf32>,
      tpu.vector_store %arg9[%swap3A_3525, %swap3A_3526], %broadcast_in_dim3A_3 {strides = array<i32>} : memref<104x32xf32, #tpu.memory_space<vmem>>, vector<16xf32>,
      %swap3A_3528 = arith.index_cast %scan3A_3524 : i32 to index
      %swap3A_3529 = arith.constant 16 : index
      %swap3A_3530 = tpu.vector_load %arg9[%swap3A_3528, %swap3A_3529] {strides = array<i32>} : memref<104x32xf32, #tpu.memory_space<vmem>>, vector<16xf32>,
      tpu.vector_store %arg9[%swap3A_3528, %swap3A_3529], %broadcast_in_dim3A_3 {strides = array<i32>} : memref<104x32xf32, #tpu.memory_space<vmem>>, vector<16xf32>,
    }
    %scan3A_8 = arith.constant 104 : i32
    %mul3A_9 = arith.constant 3328 : i32
    %mul3A_10 = arith.muli %arg1, %mul3A_9 : i32
    %add3A_11 = arith.constant 0 : i32
    %add3A_12 = arith.addi %mul3A_10, %add3A_11 : i32
    "tpu.region"() ({
      %run_scoped3A_3524 = tpu.sem_alloc : memref<!tpu.dma_semaphore, #tpu.memory_space<semaphore_mem>>
      %dma_start3A = arith.constant 0 : i32
      %dma_start3A_3525 = tpu.memref_slice %arg5[%add3A_12, %dma_start3A] : memref<53256x32xf32, #tpu.memory_space<vmem_shared>> -> memref<104x32xf32, #tpu.memory_space<vmem_shared>>
      %dma_start3A_3526 = arith.constant 0 : i32
      %dma_start3A_3527 = tpu.memref_slice %arg5[%add3A_12, %dma_start3A_3526] : memref<53256x32xf32, #tpu.memory_space<vmem_shared>> -> memref<104x32xf32, #tpu.memory_space<vmem_shared>>
      tpu.enqueue_dma source(%arg9 : memref<104x32xf32, #tpu.memory_space<vmem>>) target(%dma_start3A_3527 : memref<104x32xf32, #tpu.memory_space<vmem_shared>>) target_semaphore(%run_scoped3A_3524 : memref<!tpu.dma_semaphore, #tpu.memory_space<semaphore_mem>>)
      %dma_wait3A = arith.constant 0 : i32
      %dma_wait3A_3528 = tpu.memref_slice %arg5[%add3A_12, %dma_wait3A] : memref<53256x32xf32, #tpu.memory_space<vmem_shared>> -> memref<104x32xf32, #tpu.memory_space<vmem_shared>>
      %dma_wait3A_3529 = arith.constant 0 : i32
      %dma_wait3A_3530 = tpu.memref_slice %arg5[%add3A_12, %dma_wait3A_3529] : memref<53256x32xf32, #tpu.memory_space<vmem_shared>> -> memref<104x32xf32, #tpu.memory_space<vmem_shared>>
      tpu.wait_dma2 semaphore(%run_scoped3A_3524 : memref<!tpu.dma_semaphore, #tpu.memory_space<semaphore_mem>>) src(%arg9 : memref<104x32xf32, #tpu.memory_space<vmem>>) dst(%dma_wait3A_3530 : memref<104x32xf32, #tpu.memory_space<vmem_shared>>)
      tpu.yield
    }) : () -> ()
    %mul3A_13 = arith.constant 3328 : i32
    %mul3A_14 = arith.muli %arg1, %mul3A_13 : i32
    %add3A_15 = arith.constant 104 : i32
    %add3A_16 = arith.addi %mul3A_14, %add3A_15 : i32
    "tpu.region"() ({
      %run_scoped3A_3524 = tpu.sem_alloc : memref<!tpu.dma_semaphore, #tpu.memory_space<semaphore_mem>>
      %dma_start3A = arith.constant 0 : i32
      %dma_start3A_3525 = tpu.memref_slice %arg5[%add3A_16, %dma_start3A] : memref<53256x32xf32, #tpu.memory_space<vmem_shared>> -> memref<104x32xf32, #tpu.memory_space<vmem_shared>>
      %dma_start3A_3526 = arith.constant 0 : i32
      %dma_start3A_3527 = tpu.memref_slice %arg5[%add3A_16, %dma_start3A_3526] : memref<53256x32xf32, #tpu.memory_space<vmem_shared>> -> memref<104x32xf32, #tpu.memory_space<vmem_shared>>
      tpu.enqueue_dma source(%arg9 : memref<104x32xf32, #tpu.memory_space<vmem>>) target(%dma_start3A_3527 : memref<104x32xf32, #tpu.memory_space<vmem_shared>>) target_semaphore(%run_scoped3A_3524 : memref<!tpu.dma_semaphore, #tpu.memory_space<semaphore_mem>>)
      %dma_wait3A = arith.constant 0 : i32
      %dma_wait3A_3528 = tpu.memref_slice %arg5[%add3A_16, %dma_wait3A] : memref<53256x32xf32, #tpu.memory_space<vmem_shared>> -> memref<104x32xf32, #tpu.memory_space<vmem_shared>>
      %dma_wait3A_3529 = arith.constant 0 : i32
      %dma_wait3A_3530 = tpu.memref_slice %arg5[%add3A_16, %dma_wait3A_3529] : memref<53256x32xf32, #tpu.memory_space<vmem_shared>> -> memref<104x32xf32, #tpu.memory_space<vmem_shared>>
      tpu.wait_dma2 semaphore(%run_scoped3A_3524 : memref<!tpu.dma_semaphore, #tpu.memory_space<semaphore_mem>>) src(%arg9 : memref<104x32xf32, #tpu.memory_space<vmem>>) dst(%dma_wait3A_3530 : memref<104x32xf32, #tpu.memory_space<vmem_shared>>)
      tpu.yield
    }) : () -> ()
    %mul3A_17 = arith.constant 3328 : i32
    %mul3A_18 = arith.muli %arg1, %mul3A_17 : i32
    %add3A_19 = arith.constant 208 : i32
    %add3A_20 = arith.addi %mul3A_18, %add3A_19 : i32
    "tpu.region"() ({
      %run_scoped3A_3524 = tpu.sem_alloc : memref<!tpu.dma_semaphore, #tpu.memory_space<semaphore_mem>>
      %dma_start3A = arith.constant 0 : i32
      %dma_start3A_3525 = tpu.memref_slice %arg5[%add3A_20, %dma_start3A] : memref<53256x32xf32, #tpu.memory_space<vmem_shared>> -> memref<104x32xf32, #tpu.memory_space<vmem_shared>>
      %dma_start3A_3526 = arith.constant 0 : i32
      %dma_start3A_3527 = tpu.memref_slice %arg5[%add3A_20, %dma_start3A_3526] : memref<53256x32xf32, #tpu.memory_space<vmem_shared>> -> memref<104x32xf32, #tpu.memory_space<vmem_shared>>
      tpu.enqueue_dma source(%arg9 : memref<104x32xf32, #tpu.memory_space<vmem>>) target(%dma_start3A_3527 : memref<104x32xf32, #tpu.memory_space<vmem_shared>>) target_semaphore(%run_scoped3A_3524 : memref<!tpu.dma_semaphore, #tpu.memory_space<semaphore_mem>>)
      %dma_wait3A = arith.constant 0 : i32
      %dma_wait3A_3528 = tpu.memref_slice %arg5[%add3A_20, %dma_wait3A] : memref<53256x32xf32, #tpu.memory_space<vmem_shared>> -> memref<104x32xf32, #tpu.memory_space<vmem_shared>>
      %dma_wait3A_3529 = arith.constant 0 : i32
      %dma_wait3A_3530 = tpu.memref_slice %arg5[%add3A_20, %dma_wait3A_3529] : memref<53256x32xf32, #tpu.memory_space<vmem_shared>> -> memref<104x32xf32, #tpu.memory_space<vmem_shared>>
      tpu.wait_dma2 semaphore(%run_scoped3A_3524 : memref<!tpu.dma_semaphore, #tpu.memory_space<semaphore_mem>>) src(%arg9 : memref<104x32xf32, #tpu.memory_space<vmem>>) dst(%dma_wait3A_3530 : memref<104x32xf32, #tpu.memory_space<vmem_shared>>)
      tpu.yield
    }) : () -> ()
    %mul3A_21 = arith.constant 3328 : i32
    %mul3A_22 = arith.muli %arg1, %mul3A_21 : i32
    %add3A_23 = arith.constant 312 : i32
    %add3A_24 = arith.addi %mul3A_22, %add3A_23 : i32
    "tpu.region"() ({
      %run_scoped3A_3524 = tpu.sem_alloc : memref<!tpu.dma_semaphore, #tpu.memory_space<semaphore_mem>>
      %dma_start3A = arith.constant 0 : i32
      %dma_start3A_3525 = tpu.memref_slice %arg5[%add3A_24, %dma_start3A] : memref<53256x32xf32, #tpu.memory_space<vmem_shared>> -> memref<104x32xf32, #tpu.memory_space<vmem_shared>>
      %dma_start3A_3526 = arith.constant 0 : i32
      %dma_start3A_3527 = tpu.memref_slice %arg5[%add3A_24, %dma_start3A_3526] : memref<53256x32xf32, #tpu.memory_space<vmem_shared>> -> memref<104x32xf32, #tpu.memory_space<vmem_shared>>
      tpu.enqueue_dma source(%arg9 : memref<104x32xf32, #tpu.memory_space<vmem>>) target(%dma_start3A_3527 : memref<104x32xf32, #tpu.memory_space<vmem_shared>>) target_semaphore(%run_scoped3A_3524 : memref<!tpu.dma_semaphore, #tpu.memory_space<semaphore_mem>>)
      %dma_wait3A = arith.constant 0 : i32
      %dma_wait3A_3528 = tpu.memref_slice %arg5[%add3A_24, %dma_wait3A] : memref<53256x32xf32, #tpu.memory_space<vmem_shared>> -> memref<104x32xf32, #tpu.memory_space<vmem_shared>>
      %dma_wait3A_3529 = arith.constant 0 : i32
      %dma_wait3A_3530 = tpu.memref_slice %arg5[%add3A_24, %dma_wait3A_3529] : memref<53256x32xf32, #tpu.memory_space<vmem_shared>> -> memref<104x32xf32, #tpu.memory_space<vmem_shared>>
      tpu.wait_dma2 semaphore(%run_scoped3A_3524 : memref<!tpu.dma_semaphore, #tpu.memory_space<semaphore_mem>>) src(%arg9 : memref<104x32xf32, #tpu.memory_space<vmem>>) dst(%dma_wait3A_3530 : memref<104x32xf32, #tpu.memory_space<vmem_shared>>)
      tpu.yield
    }) : () -> ()
    %mul3A_25 = arith.constant 3328 : i32
    %mul3A_26 = arith.muli %arg1, %mul3A_25 : i32
    %add3A_27 = arith.constant 416 : i32
    %add3A_28 = arith.addi %mul3A_26, %add3A_27 : i32
    "tpu.region"() ({
      %run_scoped3A_3524 = tpu.sem_alloc : memref<!tpu.dma_semaphore, #tpu.memory_space<semaphore_mem>>
      %dma_start3A = arith.constant 0 : i32
      %dma_start3A_3525 = tpu.memref_slice %arg5[%add3A_28, %dma_start3A] : memref<53256x32xf32, #tpu.memory_space<vmem_shared>> -> memref<104x32xf32, #tpu.memory_space<vmem_shared>>
      %dma_start3A_3526 = arith.constant 0 : i32
      %dma_start3A_3527 = tpu.memref_slice %arg5[%add3A_28, %dma_start3A_3526] : memref<53256x32xf32, #tpu.memory_space<vmem_shared>> -> memref<104x32xf32, #tpu.memory_space<vmem_shared>>
      tpu.enqueue_dma source(%arg9 : memref<104x32xf32, #tpu.memory_space<vmem>>) target(%dma_start3A_3527 : memref<104x32xf32, #tpu.memory_space<vmem_shared>>) target_semaphore(%run_scoped3A_3524 : memref<!tpu.dma_semaphore, #tpu.memory_space<semaphore_mem>>)
      %dma_wait3A = arith.constant 0 : i32
      %dma_wait3A_3528 = tpu.memref_slice %arg5[%add3A_28, %dma_wait3A] : memref<53256x32xf32, #tpu.memory_space<vmem_shared>> -> memref<104x32xf32, #tpu.memory_space<vmem_shared>>
      %dma_wait3A_3529 = arith.constant 0 : i32
      %dma_wait3A_3530 = tpu.memref_slice %arg5[%add3A_28, %dma_wait3A_3529] : memref<53256x32xf32, #tpu.memory_space<vmem_shared>> -> memref<104x32xf32, #tpu.memory_space<vmem_shared>>
      tpu.wait_dma2 semaphore(%run_scoped3A_3524 : memref<!tpu.dma_semaphore, #tpu.memory_space<semaphore_mem>>) src(%arg9 : memref<104x32xf32, #tpu.memory_space<vmem>>) dst(%dma_wait3A_3530 : memref<104x32xf32, #tpu.memory_space<vmem_shared>>)
      tpu.yield
    }) : () -> ()
    %mul3A_29 = arith.constant 3328 : i32
    %mul3A_30 = arith.muli %arg1, %mul3A_29 : i32
    %add3A_31 = arith.constant 520 : i32
    %add3A_32 = arith.addi %mul3A_30, %add3A_31 : i32
    "tpu.region"() ({
      %run_scoped3A_3524 = tpu.sem_alloc : memref<!tpu.dma_semaphore, #tpu.memory_space<semaphore_mem>>
      %dma_start3A = arith.constant 0 : i32
      %dma_start3A_3525 = tpu.memref_slice %arg5[%add3A_32, %dma_start3A] : memref<53256x32xf32, #tpu.memory_space<vmem_shared>> -> memref<104x32xf32, #tpu.memory_space<vmem_shared>>
      %dma_start3A_3526 = arith.constant 0 : i32
      %dma_start3A_3527 = tpu.memref_slice %arg5[%add3A_32, %dma_start3A_3526] : memref<53256x32xf32, #tpu.memory_space<vmem_shared>> -> memref<104x32xf32, #tpu.memory_space<vmem_shared>>
      tpu.enqueue_dma source(%arg9 : memref<104x32xf32, #tpu.memory_space<vmem>>) target(%dma_start3A_3527 : memref<104x32xf32, #tpu.memory_space<vmem_shared>>) target_semaphore(%run_scoped3A_3524 : memref<!tpu.dma_semaphore, #tpu.memory_space<semaphore_mem>>)
      %dma_wait3A = arith.constant 0 : i32
      %dma_wait3A_3528 = tpu.memref_slice %arg5[%add3A_32, %dma_wait3A] : memref<53256x32xf32, #tpu.memory_space<vmem_shared>> -> memref<104x32xf32, #tpu.memory_space<vmem_shared>>
      %dma_wait3A_3529 = arith.constant 0 : i32
      %dma_wait3A_3530 = tpu.memref_slice %arg5[%add3A_32, %dma_wait3A_3529] : memref<53256x32xf32, #tpu.memory_space<vmem_shared>> -> memref<104x32xf32, #tpu.memory_space<vmem_shared>>
      tpu.wait_dma2 semaphore(%run_scoped3A_3524 : memref<!tpu.dma_semaphore, #tpu.memory_space<semaphore_mem>>) src(%arg9 : memref<104x32xf32, #tpu.memory_space<vmem>>) dst(%dma_wait3A_3530 : memref<104x32xf32, #tpu.memory_space<vmem_shared>>)
      tpu.yield
    }) : () -> ()
    %mul3A_33 = arith.constant 3328 : i32
    %mul3A_34 = arith.muli %arg1, %mul3A_33 : i32
    %add3A_35 = arith.constant 624 : i32
    %add3A_36 = arith.addi %mul3A_34, %add3A_35 : i32
    "tpu.region"() ({
      %run_scoped3A_3524 = tpu.sem_alloc : memref<!tpu.dma_semaphore, #tpu.memory_space<semaphore_mem>>
      %dma_start3A = arith.constant 0 : i32
      %dma_start3A_3525 = tpu.memref_slice %arg5[%add3A_36, %dma_start3A] : memref<53256x32xf32, #tpu.memory_space<vmem_shared>> -> memref<104x32xf32, #tpu.memory_space<vmem_shared>>
      %dma_start3A_3526 = arith.constant 0 : i32
      %dma_start3A_3527 = tpu.memref_slice %arg5[%add3A_36, %dma_start3A_3526] : memref<53256x32xf32, #tpu.memory_space<vmem_shared>> -> memref<104x32xf32, #tpu.memory_space<vmem_shared>>
      tpu.enqueue_dma source(%arg9 : memref<104x32xf32, #tpu.memory_space<vmem>>) target(%dma_start3A_3527 : memref<104x32xf32, #tpu.memory_space<vmem_shared>>) target_semaphore(%run_scoped3A_3524 : memref<!tpu.dma_semaphore, #tpu.memory_space<semaphore_mem>>)
      %dma_wait3A = arith.constant 0 : i32
      %dma_wait3A_3528 = tpu.memref_slice %arg5[%add3A_36, %dma_wait3A] : memref<53256x32xf32, #tpu.memory_space<vmem_shared>> -> memref<104x32xf32, #tpu.memory_space<vmem_shared>>
      %dma_wait3A_3529 = arith.constant 0 : i32
      %dma_wait3A_3530 = tpu.memref_slice %arg5[%add3A_36, %dma_wait3A_3529] : memref<53256x32xf32, #tpu.memory_space<vmem_shared>> -> memref<104x32xf32, #tpu.memory_space<vmem_shared>>
      tpu.wait_dma2 semaphore(%run_scoped3A_3524 : memref<!tpu.dma_semaphore, #tpu.memory_space<semaphore_mem>>) src(%arg9 : memref<104x32xf32, #tpu.memory_space<vmem>>) dst(%dma_wait3A_3530 : memref<104x32xf32, #tpu.memory_space<vmem_shared>>)
      tpu.yield
    }) : () -> ()
    %mul3A_37 = arith.constant 3328 : i32
    %mul3A_38 = arith.muli %arg1, %mul3A_37 : i32
    %add3A_39 = arith.constant 728 : i32
    %add3A_40 = arith.addi %mul3A_38, %add3A_39 : i32
    "tpu.region"() ({
      %run_scoped3A_3524 = tpu.sem_alloc : memref<!tpu.dma_semaphore, #tpu.memory_space<semaphore_mem>>
      %dma_start3A = arith.constant 0 : i32
      %dma_start3A_3525 = tpu.memref_slice %arg5[%add3A_40, %dma_start3A] : memref<53256x32xf32, #tpu.memory_space<vmem_shared>> -> memref<104x32xf32, #tpu.memory_space<vmem_shared>>
      %dma_start3A_3526 = arith.constant 0 : i32
      %dma_start3A_3527 = tpu.memref_slice %arg5[%add3A_40, %dma_start3A_3526] : memref<53256x32xf32, #tpu.memory_space<vmem_shared>> -> memref<104x32xf32, #tpu.memory_space<vmem_shared>>
      tpu.enqueue_dma source(%arg9 : memref<104x32xf32, #tpu.memory_space<vmem>>) target(%dma_start3A_3527 : memref<104x32xf32, #tpu.memory_space<vmem_shared>>) target_semaphore(%run_scoped3A_3524 : memref<!tpu.dma_semaphore, #tpu.memory_space<semaphore_mem>>)
      %dma_wait3A = arith.constant 0 : i32
      %dma_wait3A_3528 = tpu.memref_slice %arg5[%add3A_40, %dma_wait3A] : memref<53256x32xf32, #tpu.memory_space<vmem_shared>> -> memref<104x32xf32, #tpu.memory_space<vmem_shared>>
      %dma_wait3A_3529 = arith.constant 0 : i32
      %dma_wait3A_3530 = tpu.memref_slice %arg5[%add3A_40, %dma_wait3A_3529] : memref<53256x32xf32, #tpu.memory_space<vmem_shared>> -> memref<104x32xf32, #tpu.memory_space<vmem_shared>>
      tpu.wait_dma2 semaphore(%run_scoped3A_3524 : memref<!tpu.dma_semaphore, #tpu.memory_space<semaphore_mem>>) src(%arg9 : memref<104x32xf32, #tpu.memory_space<vmem>>) dst(%dma_wait3A_3530 : memref<104x32xf32, #tpu.memory_space<vmem_shared>>)
      tpu.yield
    }) : () -> ()
    %mul3A_41 = arith.constant 3328 : i32
    %mul3A_42 = arith.muli %arg1, %mul3A_41 : i32
    %add3A_43 = arith.constant 832 : i32
    %add3A_44 = arith.addi %mul3A_42, %add3A_43 : i32
    "tpu.region"() ({
      %run_scoped3A_3524 = tpu.sem_alloc : memref<!tpu.dma_semaphore, #tpu.memory_space<semaphore_mem>>
      %dma_start3A = arith.constant 0 : i32
      %dma_start3A_3525 = tpu.memref_slice %arg5[%add3A_44, %dma_start3A] : memref<53256x32xf32, #tpu.memory_space<vmem_shared>> -> memref<104x32xf32, #tpu.memory_space<vmem_shared>>
      %dma_start3A_3526 = arith.constant 0 : i32
      %dma_start3A_3527 = tpu.memref_slice %arg5[%add3A_44, %dma_start3A_3526] : memref<53256x32xf32, #tpu.memory_space<vmem_shared>> -> memref<104x32xf32, #tpu.memory_space<vmem_shared>>
      tpu.enqueue_dma source(%arg9 : memref<104x32xf32, #tpu.memory_space<vmem>>) target(%dma_start3A_3527 : memref<104x32xf32, #tpu.memory_space<vmem_shared>>) target_semaphore(%run_scoped3A_3524 : memref<!tpu.dma_semaphore, #tpu.memory_space<semaphore_mem>>)
      %dma_wait3A = arith.constant 0 : i32
      %dma_wait3A_3528 = tpu.memref_slice %arg5[%add3A_44, %dma_wait3A] : memref<53256x32xf32, #tpu.memory_space<vmem_shared>> -> memref<104x32xf32, #tpu.memory_space<vmem_shared>>
      %dma_wait3A_3529 = arith.constant 0 : i32
      %dma_wait3A_3530 = tpu.memref_slice %arg5[%add3A_44, %dma_wait3A_3529] : memref<53256x32xf32, #tpu.memory_space<vmem_shared>> -> memref<104x32xf32, #tpu.memory_space<vmem_shared>>
      tpu.wait_dma2 semaphore(%run_scoped3A_3524 : memref<!tpu.dma_semaphore, #tpu.memory_space<semaphore_mem>>) src(%arg9 : memref<104x32xf32, #tpu.memory_space<vmem>>) dst(%dma_wait3A_3530 : memref<104x32xf32, #tpu.memory_space<vmem_shared>>)
      tpu.yield
    }) : () -> ()
    %mul3A_45 = arith.constant 3328 : i32
    %mul3A_46 = arith.muli %arg1, %mul3A_45 : i32
    %add3A_47 = arith.constant 936 : i32
    %add3A_48 = arith.addi %mul3A_46, %add3A_47 : i32
    "tpu.region"() ({
      %run_scoped3A_3524 = tpu.sem_alloc : memref<!tpu.dma_semaphore, #tpu.memory_space<semaphore_mem>>
      %dma_start3A = arith.constant 0 : i32
      %dma_start3A_3525 = tpu.memref_slice %arg5[%add3A_48, %dma_start3A] : memref<53256x32xf32, #tpu.memory_space<vmem_shared>> -> memref<104x32xf32, #tpu.memory_space<vmem_shared>>
      %dma_start3A_3526 = arith.constant 0 : i32
      %dma_start3A_3527 = tpu.memref_slice %arg5[%add3A_48, %dma_start3A_3526] : memref<53256x32xf32, #tpu.memory_space<vmem_shared>> -> memref<104x32xf32, #tpu.memory_space<vmem_shared>>
      tpu.enqueue_dma source(%arg9 : memref<104x32xf32, #tpu.memory_space<vmem>>) target(%dma_start3A_3527 : memref<104x32xf32, #tpu.memory_space<vmem_shared>>) target_semaphore(%run_scoped3A_3524 : memref<!tpu.dma_semaphore, #tpu.memory_space<semaphore_mem>>)
      %dma_wait3A = arith.constant 0 : i32
      %dma_wait3A_3528 = tpu.memref_slice %arg5[%add3A_48, %dma_wait3A] : memref<53256x32xf32, #tpu.memory_space<vmem_shared>> -> memref<104x32xf32, #tpu.memory_space<vmem_shared>>
      %dma_wait3A_3529 = arith.constant 0 : i32
      %dma_wait3A_3530 = tpu.memref_slice %arg5[%add3A_48, %dma_wait3A_3529] : memref<53256x32xf32, #tpu.memory_space<vmem_shared>> -> memref<104x32xf32, #tpu.memory_space<vmem_shared>>
      tpu.wait_dma2 semaphore(%run_scoped3A_3524 : memref<!tpu.dma_semaphore, #tpu.memory_space<semaphore_mem>>) src(%arg9 : memref<104x32xf32, #tpu.memory_space<vmem>>) dst(%dma_wait3A_3530 : memref<104x32xf32, #tpu.memory_space<vmem_shared>>)
      tpu.yield
    }) : () -> ()
    %mul3A_49 = arith.constant 3328 : i32
    %mul3A_50 = arith.muli %arg1, %mul3A_49 : i32
    %add3A_51 = arith.constant 1040 : i32
    %add3A_52 = arith.addi %mul3A_50, %add3A_51 : i32
    "tpu.region"() ({
      %run_scoped3A_3524 = tpu.sem_alloc : memref<!tpu.dma_semaphore, #tpu.memory_space<semaphore_mem>>
      %dma_start3A = arith.constant 0 : i32
      %dma_start3A_3525 = tpu.memref_slice %arg5[%add3A_52, %dma_start3A] : memref<53256x32xf32, #tpu.memory_space<vmem_shared>> -> memref<104x32xf32, #tpu.memory_space<vmem_shared>>
      %dma_start3A_3526 = arith.constant 0 : i32
      %dma_start3A_3527 = tpu.memref_slice %arg5[%add3A_52, %dma_start3A_3526] : memref<53256x32xf32, #tpu.memory_space<vmem_shared>> -> memref<104x32xf32, #tpu.memory_space<vmem_shared>>
      tpu.enqueue_dma source(%arg9 : memref<104x32xf32, #tpu.memory_space<vmem>>) target(%dma_start3A_3527 : memref<104x32xf32, #tpu.memory_space<vmem_shared>>) target_semaphore(%run_scoped3A_3524 : memref<!tpu.dma_semaphore, #tpu.memory_space<semaphore_mem>>)
      %dma_wait3A = arith.constant 0 : i32
      %dma_wait3A_3528 = tpu.memref_slice %arg5[%add3A_52, %dma_wait3A] : memref<53256x32xf32, #tpu.memory_space<vmem_shared>> -> memref<104x32xf32, #tpu.memory_space<vmem_shared>>
      %dma_wait3A_3529 = arith.constant 0 : i32
      %dma_wait3A_3530 = tpu.memref_slice %arg5[%add3A_52, %dma_wait3A_3529] : memref<53256x32xf32, #tpu.memory_space<vmem_shared>> -> memref<104x32xf32, #tpu.memory_space<vmem_shared>>
      tpu.wait_dma2 semaphore(%run_scoped3A_3524 : memref<!tpu.dma_semaphore, #tpu.memory_space<semaphore_mem>>) src(%arg9 : memref<104x32xf32, #tpu.memory_space<vmem>>) dst(%dma_wait3A_3530 : memref<104x32xf32, #tpu.memory_space<vmem_shared>>)
      tpu.yield
    }) : () -> ()
    %mul3A_53 = arith.constant 3328 : i32
    %mul3A_54 = arith.muli %arg1, %mul3A_53 : i32
    %add3A_55 = arith.constant 1144 : i32
    %add3A_56 = arith.addi %mul3A_54, %add3A_55 : i32
    "tpu.region"() ({
      %run_scoped3A_3524 = tpu.sem_alloc : memref<!tpu.dma_semaphore, #tpu.memory_space<semaphore_mem>>
      %dma_start3A = arith.constant 0 : i32
      %dma_start3A_3525 = tpu.memref_slice %arg5[%add3A_56, %dma_start3A] : memref<53256x32xf32, #tpu.memory_space<vmem_shared>> -> memref<104x32xf32, #tpu.memory_space<vmem_shared>>
      %dma_start3A_3526 = arith.constant 0 : i32
      %dma_start3A_3527 = tpu.memref_slice %arg5[%add3A_56, %dma_start3A_3526] : memref<53256x32xf32, #tpu.memory_space<vmem_shared>> -> memref<104x32xf32, #tpu.memory_space<vmem_shared>>
      tpu.enqueue_dma source(%arg9 : memref<104x32xf32, #tpu.memory_space<vmem>>) target(%dma_start3A_3527 : memref<104x32xf32, #tpu.memory_space<vmem_shared>>) target_semaphore(%run_scoped3A_3524 : memref<!tpu.dma_semaphore, #tpu.memory_space<semaphore_mem>>)
      %dma_wait3A = arith.constant 0 : i32
      %dma_wait3A_3528 = tpu.memref_slice %arg5[%add3A_56, %dma_wait3A] : memref<53256x32xf32, #tpu.memory_space<vmem_shared>> -> memref<104x32xf32, #tpu.memory_space<vmem_shared>>
      %dma_wait3A_3529 = arith.constant 0 : i32
      %dma_wait3A_3530 = tpu.memref_slice %arg5[%add3A_56, %dma_wait3A_3529] : memref<53256x32xf32, #tpu.memory_space<vmem_shared>> -> memref<104x32xf32, #tpu.memory_space<vmem_shared>>
      tpu.wait_dma2 semaphore(%run_scoped3A_3524 : memref<!tpu.dma_semaphore, #tpu.memory_space<semaphore_mem>>) src(%arg9 : memref<104x32xf32, #tpu.memory_space<vmem>>) dst(%dma_wait3A_3530 : memref<104x32xf32, #tpu.memory_space<vmem_shared>>)
      tpu.yield
    }) : () -> ()
    %mul3A_57 = arith.constant 3328 : i32
    %mul3A_58 = arith.muli %arg1, %mul3A_57 : i32
    %add3A_59 = arith.constant 1248 : i32
    %add3A_60 = arith.addi %mul3A_58, %add3A_59 : i32
    "tpu.region"() ({
      %run_scoped3A_3524 = tpu.sem_alloc : memref<!tpu.dma_semaphore, #tpu.memory_space<semaphore_mem>>
      %dma_start3A = arith.constant 0 : i32
      %dma_start3A_3525 = tpu.memref_slice %arg5[%add3A_60, %dma_start3A] : memref<53256x32xf32, #tpu.memory_space<vmem_shared>> -> memref<104x32xf32, #tpu.memory_space<vmem_shared>>
      %dma_start3A_3526 = arith.constant 0 : i32
      %dma_start3A_3527 = tpu.memref_slice %arg5[%add3A_60, %dma_start3A_3526] : memref<53256x32xf32, #tpu.memory_space<vmem_shared>> -> memref<104x32xf32, #tpu.memory_space<vmem_shared>>
      tpu.enqueue_dma source(%arg9 : memref<104x32xf32, #tpu.memory_space<vmem>>) target(%dma_start3A_3527 : memref<104x32xf32, #tpu.memory_space<vmem_shared>>) target_semaphore(%run_scoped3A_3524 : memref<!tpu.dma_semaphore, #tpu.memory_space<semaphore_mem>>)
      %dma_wait3A = arith.constant 0 : i32
      %dma_wait3A_3528 = tpu.memref_slice %arg5[%add3A_60, %dma_wait3A] : memref<53256x32xf32, #tpu.memory_space<vmem_shared>> -> memref<104x32xf32, #tpu.memory_space<vmem_shared>>
      %dma_wait3A_3529 = arith.constant 0 : i32
      %dma_wait3A_3530 = tpu.memref_slice %arg5[%add3A_60, %dma_wait3A_3529] : memref<53256x32xf32, #tpu.memory_space<vmem_shared>> -> memref<104x32xf32, #tpu.memory_space<vmem_shared>>
      tpu.wait_dma2 semaphore(%run_scoped3A_3524 : memref<!tpu.dma_semaphore, #tpu.memory_space<semaphore_mem>>) src(%arg9 : memref<104x32xf32, #tpu.memory_space<vmem>>) dst(%dma_wait3A_3530 : memref<104x32xf32, #tpu.memory_space<vmem_shared>>)
      tpu.yield
    }) : () -> ()
    %mul3A_61 = arith.constant 3328 : i32
    %mul3A_62 = arith.muli %arg1, %mul3A_61 : i32
    %add3A_63 = arith.constant 1352 : i32
    %add3A_64 = arith.addi %mul3A_62, %add3A_63 : i32
    "tpu.region"() ({
      %run_scoped3A_3524 = tpu.sem_alloc : memref<!tpu.dma_semaphore, #tpu.memory_space<semaphore_mem>>
      %dma_start3A = arith.constant 0 : i32
      %dma_start3A_3525 = tpu.memref_slice %arg5[%add3A_64, %dma_start3A] : memref<53256x32xf32, #tpu.memory_space<vmem_shared>> -> memref<104x32xf32, #tpu.memory_space<vmem_shared>>
      %dma_start3A_3526 = arith.constant 0 : i32
      %dma_start3A_3527 = tpu.memref_slice %arg5[%add3A_64, %dma_start3A_3526] : memref<53256x32xf32, #tpu.memory_space<vmem_shared>> -> memref<104x32xf32, #tpu.memory_space<vmem_shared>>
      tpu.enqueue_dma source(%arg9 : memref<104x32xf32, #tpu.memory_space<vmem>>) target(%dma_start3A_3527 : memref<104x32xf32, #tpu.memory_space<vmem_shared>>) target_semaphore(%run_scoped3A_3524 : memref<!tpu.dma_semaphore, #tpu.memory_space<semaphore_mem>>)
      %dma_wait3A = arith.constant 0 : i32
      %dma_wait3A_3528 = tpu.memref_slice %arg5[%add3A_64, %dma_wait3A] : memref<53256x32xf32, #tpu.memory_space<vmem_shared>> -> memref<104x32xf32, #tpu.memory_space<vmem_shared>>
      %dma_wait3A_3529 = arith.constant 0 : i32
      %dma_wait3A_3530 = tpu.memref_slice %arg5[%add3A_64, %dma_wait3A_3529] : memref<53256x32xf32, #tpu.memory_space<vmem_shared>> -> memref<104x32xf32, #tpu.memory_space<vmem_shared>>
      tpu.wait_dma2 semaphore(%run_scoped3A_3524 : memref<!tpu.dma_semaphore, #tpu.memory_space<semaphore_mem>>) src(%arg9 : memref<104x32xf32, #tpu.memory_space<vmem>>) dst(%dma_wait3A_3530 : memref<104x32xf32, #tpu.memory_space<vmem_shared>>)
      tpu.yield
    }) : () -> ()
    %mul3A_65 = arith.constant 3328 : i32
    %mul3A_66 = arith.muli %arg1, %mul3A_65 : i32
    %add3A_67 = arith.constant 1456 : i32
    %add3A_68 = arith.addi %mul3A_66, %add3A_67 : i32
    "tpu.region"() ({
      %run_scoped3A_3524 = tpu.sem_alloc : memref<!tpu.dma_semaphore, #tpu.memory_space<semaphore_mem>>
      %dma_start3A = arith.constant 0 : i32
      %dma_start3A_3525 = tpu.memref_slice %arg5[%add3A_68, %dma_start3A] : memref<53256x32xf32, #tpu.memory_space<vmem_shared>> -> memref<104x32xf32, #tpu.memory_space<vmem_shared>>
      %dma_start3A_3526 = arith.constant 0 : i32
      %dma_start3A_3527 = tpu.memref_slice %arg5[%add3A_68, %dma_start3A_3526] : memref<53256x32xf32, #tpu.memory_space<vmem_shared>> -> memref<104x32xf32, #tpu.memory_space<vmem_shared>>
      tpu.enqueue_dma source(%arg9 : memref<104x32xf32, #tpu.memory_space<vmem>>) target(%dma_start3A_3527 : memref<104x32xf32, #tpu.memory_space<vmem_shared>>) target_semaphore(%run_scoped3A_3524 : memref<!tpu.dma_semaphore, #tpu.memory_space<semaphore_mem>>)
      %dma_wait3A = arith.constant 0 : i32
      %dma_wait3A_3528 = tpu.memref_slice %arg5[%add3A_68, %dma_wait3A] : memref<53256x32xf32, #tpu.memory_space<vmem_shared>> -> memref<104x32xf32, #tpu.memory_space<vmem_shared>>
      %dma_wait3A_3529 = arith.constant 0 : i32
      %dma_wait3A_3530 = tpu.memref_slice %arg5[%add3A_68, %dma_wait3A_3529] : memref<53256x32xf32, #tpu.memory_space<vmem_shared>> -> memref<104x32xf32, #tpu.memory_space<vmem_shared>>
      tpu.wait_dma2 semaphore(%run_scoped3A_3524 : memref<!tpu.dma_semaphore, #tpu.memory_space<semaphore_mem>>) src(%arg9 : memref<104x32xf32, #tpu.memory_space<vmem>>) dst(%dma_wait3A_3530 : memref<104x32xf32, #tpu.memory_space<vmem_shared>>)
      tpu.yield
    }) : () -> ()
    %mul3A_69 = arith.constant 3328 : i32
    %mul3A_70 = arith.muli %arg1, %mul3A_69 : i32
    %add3A_71 = arith.constant 1560 : i32
    %add3A_72 = arith.addi %mul3A_70, %add3A_71 : i32
    "tpu.region"() ({
      %run_scoped3A_3524 = tpu.sem_alloc : memref<!tpu.dma_semaphore, #tpu.memory_space<semaphore_mem>>
      %dma_start3A = arith.constant 0 : i32
      %dma_start3A_3525 = tpu.memref_slice %arg5[%add3A_72, %dma_start3A] : memref<53256x32xf32, #tpu.memory_space<vmem_shared>> -> memref<104x32xf32, #tpu.memory_space<vmem_shared>>
      %dma_start3A_3526 = arith.constant 0 : i32
      %dma_start3A_3527 = tpu.memref_slice %arg5[%add3A_72, %dma_start3A_3526] : memref<53256x32xf32, #tpu.memory_space<vmem_shared>> -> memref<104x32xf32, #tpu.memory_space<vmem_shared>>
      tpu.enqueue_dma source(%arg9 : memref<104x32xf32, #tpu.memory_space<vmem>>) target(%dma_start3A_3527 : memref<104x32xf32, #tpu.memory_space<vmem_shared>>) target_semaphore(%run_scoped3A_3524 : memref<!tpu.dma_semaphore, #tpu.memory_space<semaphore_mem>>)
      %dma_wait3A = arith.constant 0 : i32
      %dma_wait3A_3528 = tpu.memref_slice %arg5[%add3A_72, %dma_wait3A] : memref<53256x32xf32, #tpu.memory_space<vmem_shared>> -> memref<104x32xf32, #tpu.memory_space<vmem_shared>>
      %dma_wait3A_3529 = arith.constant 0 : i32
      %dma_wait3A_3530 = tpu.memref_slice %arg5[%add3A_72, %dma_wait3A_3529] : memref<53256x32xf32, #tpu.memory_space<vmem_shared>> -> memref<104x32xf32, #tpu.memory_space<vmem_shared>>
      tpu.wait_dma2 semaphore(%run_scoped3A_3524 : memref<!tpu.dma_semaphore, #tpu.memory_space<semaphore_mem>>) src(%arg9 : memref<104x32xf32, #tpu.memory_space<vmem>>) dst(%dma_wait3A_3530 : memref<104x32xf32, #tpu.memory_space<vmem_shared>>)
      tpu.yield
    }) : () -> ()
    %mul3A_73 = arith.constant 3328 : i32
    %mul3A_74 = arith.muli %arg1, %mul3A_73 : i32
    %add3A_75 = arith.constant 1664 : i32
    %add3A_76 = arith.addi %mul3A_74, %add3A_75 : i32
    "tpu.region"() ({
      %run_scoped3A_3524 = tpu.sem_alloc : memref<!tpu.dma_semaphore, #tpu.memory_space<semaphore_mem>>
      %dma_start3A = arith.constant 0 : i32
      %dma_start3A_3525 = tpu.memref_slice %arg5[%add3A_76, %dma_start3A] : memref<53256x32xf32, #tpu.memory_space<vmem_shared>> -> memref<104x32xf32, #tpu.memory_space<vmem_shared>>
      %dma_start3A_3526 = arith.constant 0 : i32
      %dma_start3A_3527 = tpu.memref_slice %arg5[%add3A_76, %dma_start3A_3526] : memref<53256x32xf32, #tpu.memory_space<vmem_shared>> -> memref<104x32xf32, #tpu.memory_space<vmem_shared>>
      tpu.enqueue_dma source(%arg9 : memref<104x32xf32, #tpu.memory_space<vmem>>) target(%dma_start3A_3527 : memref<104x32xf32, #tpu.memory_space<vmem_shared>>) target_semaphore(%run_scoped3A_3524 : memref<!tpu.dma_semaphore, #tpu.memory_space<semaphore_mem>>)
      %dma_wait3A = arith.constant 0 : i32
      %dma_wait3A_3528 = tpu.memref_slice %arg5[%add3A_76, %dma_wait3A] : memref<53256x32xf32, #tpu.memory_space<vmem_shared>> -> memref<104x32xf32, #tpu.memory_space<vmem_shared>>
      %dma_wait3A_3529 = arith.constant 0 : i32
      %dma_wait3A_3530 = tpu.memref_slice %arg5[%add3A_76, %dma_wait3A_3529] : memref<53256x32xf32, #tpu.memory_space<vmem_shared>> -> memref<104x32xf32, #tpu.memory_space<vmem_shared>>
      tpu.wait_dma2 semaphore(%run_scoped3A_3524 : memref<!tpu.dma_semaphore, #tpu.memory_space<semaphore_mem>>) src(%arg9 : memref<104x32xf32, #tpu.memory_space<vmem>>) dst(%dma_wait3A_3530 : memref<104x32xf32, #tpu.memory_space<vmem_shared>>)
      tpu.yield
    }) : () -> ()
    %mul3A_77 = arith.constant 3328 : i32
    %mul3A_78 = arith.muli %arg1, %mul3A_77 : i32
    %add3A_79 = arith.constant 1768 : i32
    %add3A_80 = arith.addi %mul3A_78, %add3A_79 : i32
    "tpu.region"() ({
      %run_scoped3A_3524 = tpu.sem_alloc : memref<!tpu.dma_semaphore, #tpu.memory_space<semaphore_mem>>
      %dma_start3A = arith.constant 0 : i32
      %dma_start3A_3525 = tpu.memref_slice %arg5[%add3A_80, %dma_start3A] : memref<53256x32xf32, #tpu.memory_space<vmem_shared>> -> memref<104x32xf32, #tpu.memory_space<vmem_shared>>
      %dma_start3A_3526 = arith.constant 0 : i32
      %dma_start3A_3527 = tpu.memref_slice %arg5[%add3A_80, %dma_start3A_3526] : memref<53256x32xf32, #tpu.memory_space<vmem_shared>> -> memref<104x32xf32, #tpu.memory_space<vmem_shared>>
      tpu.enqueue_dma source(%arg9 : memref<104x32xf32, #tpu.memory_space<vmem>>) target(%dma_start3A_3527 : memref<104x32xf32, #tpu.memory_space<vmem_shared>>) target_semaphore(%run_scoped3A_3524 : memref<!tpu.dma_semaphore, #tpu.memory_space<semaphore_mem>>)
      %dma_wait3A = arith.constant 0 : i32
      %dma_wait3A_3528 = tpu.memref_slice %arg5[%add3A_80, %dma_wait3A] : memref<53256x32xf32, #tpu.memory_space<vmem_shared>> -> memref<104x32xf32, #tpu.memory_space<vmem_shared>>
      %dma_wait3A_3529 = arith.constant 0 : i32
      %dma_wait3A_3530 = tpu.memref_slice %arg5[%add3A_80, %dma_wait3A_3529] : memref<53256x32xf32, #tpu.memory_space<vmem_shared>> -> memref<104x32xf32, #tpu.memory_space<vmem_shared>>
      tpu.wait_dma2 semaphore(%run_scoped3A_3524 : memref<!tpu.dma_semaphore, #tpu.memory_space<semaphore_mem>>) src(%arg9 : memref<104x32xf32, #tpu.memory_space<vmem>>) dst(%dma_wait3A_3530 : memref<104x32xf32, #tpu.memory_space<vmem_shared>>)
      tpu.yield
    }) : () -> ()
    %mul3A_81 = arith.constant 3328 : i32
    %mul3A_82 = arith.muli %arg1, %mul3A_81 : i32
    %add3A_83 = arith.constant 1872 : i32
    %add3A_84 = arith.addi %mul3A_82, %add3A_83 : i32
    "tpu.region"() ({
      %run_scoped3A_3524 = tpu.sem_alloc : memref<!tpu.dma_semaphore, #tpu.memory_space<semaphore_mem>>
      %dma_start3A = arith.constant 0 : i32
      %dma_start3A_3525 = tpu.memref_slice %arg5[%add3A_84, %dma_start3A] : memref<53256x32xf32, #tpu.memory_space<vmem_shared>> -> memref<104x32xf32, #tpu.memory_space<vmem_shared>>
      %dma_start3A_3526 = arith.constant 0 : i32
      %dma_start3A_3527 = tpu.memref_slice %arg5[%add3A_84, %dma_start3A_3526] : memref<53256x32xf32, #tpu.memory_space<vmem_shared>> -> memref<104x32xf32, #tpu.memory_space<vmem_shared>>
      tpu.enqueue_dma source(%arg9 : memref<104x32xf32, #tpu.memory_space<vmem>>) target(%dma_start3A_3527 : memref<104x32xf32, #tpu.memory_space<vmem_shared>>) target_semaphore(%run_scoped3A_3524 : memref<!tpu.dma_semaphore, #tpu.memory_space<semaphore_mem>>)
      %dma_wait3A = arith.constant 0 : i32
      %dma_wait3A_3528 = tpu.memref_slice %arg5[%add3A_84, %dma_wait3A] : memref<53256x32xf32, #tpu.memory_space<vmem_shared>> -> memref<104x32xf32, #tpu.memory_space<vmem_shared>>
      %dma_wait3A_3529 = arith.constant 0 : i32
      %dma_wait3A_3530 = tpu.memref_slice %arg5[%add3A_84, %dma_wait3A_3529] : memref<53256x32xf32, #tpu.memory_space<vmem_shared>> -> memref<104x32xf32, #tpu.memory_space<vmem_shared>>
      tpu.wait_dma2 semaphore(%run_scoped3A_3524 : memref<!tpu.dma_semaphore, #tpu.memory_space<semaphore_mem>>) src(%arg9 : memref<104x32xf32, #tpu.memory_space<vmem>>) dst(%dma_wait3A_3530 : memref<104x32xf32, #tpu.memory_space<vmem_shared>>)
      tpu.yield
    }) : () -> ()
    %mul3A_85 = arith.constant 3328 : i32
    %mul3A_86 = arith.muli %arg1, %mul3A_85 : i32
    %add3A_87 = arith.constant 1976 : i32
    %add3A_88 = arith.addi %mul3A_86, %add3A_87 : i32
    "tpu.region"() ({
      %run_scoped3A_3524 = tpu.sem_alloc : memref<!tpu.dma_semaphore, #tpu.memory_space<semaphore_mem>>
      %dma_start3A = arith.constant 0 : i32
      %dma_start3A_3525 = tpu.memref_slice %arg5[%add3A_88, %dma_start3A] : memref<53256x32xf32, #tpu.memory_space<vmem_shared>> -> memref<104x32xf32, #tpu.memory_space<vmem_shared>>
      %dma_start3A_3526 = arith.constant 0 : i32
      %dma_start3A_3527 = tpu.memref_slice %arg5[%add3A_88, %dma_start3A_3526] : memref<53256x32xf32, #tpu.memory_space<vmem_shared>> -> memref<104x32xf32, #tpu.memory_space<vmem_shared>>
      tpu.enqueue_dma source(%arg9 : memref<104x32xf32, #tpu.memory_space<vmem>>) target(%dma_start3A_3527 : memref<104x32xf32, #tpu.memory_space<vmem_shared>>) target_semaphore(%run_scoped3A_3524 : memref<!tpu.dma_semaphore, #tpu.memory_space<semaphore_mem>>)
      %dma_wait3A = arith.constant 0 : i32
      %dma_wait3A_3528 = tpu.memref_slice %arg5[%add3A_88, %dma_wait3A] : memref<53256x32xf32, #tpu.memory_space<vmem_shared>> -> memref<104x32xf32, #tpu.memory_space<vmem_shared>>
      %dma_wait3A_3529 = arith.constant 0 : i32
      %dma_wait3A_3530 = tpu.memref_slice %arg5[%add3A_88, %dma_wait3A_3529] : memref<53256x32xf32, #tpu.memory_space<vmem_shared>> -> memref<104x32xf32, #tpu.memory_space<vmem_shared>>
      tpu.wait_dma2 semaphore(%run_scoped3A_3524 : memref<!tpu.dma_semaphore, #tpu.memory_space<semaphore_mem>>) src(%arg9 : memref<104x32xf32, #tpu.memory_space<vmem>>) dst(%dma_wait3A_3530 : memref<104x32xf32, #tpu.memory_space<vmem_shared>>)
      tpu.yield
    }) : () -> ()
    %mul3A_89 = arith.constant 3328 : i32
    %mul3A_90 = arith.muli %arg1, %mul3A_89 : i32
    %add3A_91 = arith.constant 2080 : i32
    %add3A_92 = arith.addi %mul3A_90, %add3A_91 : i32
    "tpu.region"() ({
      %run_scoped3A_3524 = tpu.sem_alloc : memref<!tpu.dma_semaphore, #tpu.memory_space<semaphore_mem>>
      %dma_start3A = arith.constant 0 : i32
      %dma_start3A_3525 = tpu.memref_slice %arg5[%add3A_92, %dma_start3A] : memref<53256x32xf32, #tpu.memory_space<vmem_shared>> -> memref<104x32xf32, #tpu.memory_space<vmem_shared>>
      %dma_start3A_3526 = arith.constant 0 : i32
      %dma_start3A_3527 = tpu.memref_slice %arg5[%add3A_92, %dma_start3A_3526] : memref<53256x32xf32, #tpu.memory_space<vmem_shared>> -> memref<104x32xf32, #tpu.memory_space<vmem_shared>>
      tpu.enqueue_dma source(%arg9 : memref<104x32xf32, #tpu.memory_space<vmem>>) target(%dma_start3A_3527 : memref<104x32xf32, #tpu.memory_space<vmem_shared>>) target_semaphore(%run_scoped3A_3524 : memref<!tpu.dma_semaphore, #tpu.memory_space<semaphore_mem>>)
      %dma_wait3A = arith.constant 0 : i32
      %dma_wait3A_3528 = tpu.memref_slice %arg5[%add3A_92, %dma_wait3A] : memref<53256x32xf32, #tpu.memory_space<vmem_shared>> -> memref<104x32xf32, #tpu.memory_space<vmem_shared>>
      %dma_wait3A_3529 = arith.constant 0 : i32
      %dma_wait3A_3530 = tpu.memref_slice %arg5[%add3A_92, %dma_wait3A_3529] : memref<53256x32xf32, #tpu.memory_space<vmem_shared>> -> memref<104x32xf32, #tpu.memory_space<vmem_shared>>
      tpu.wait_dma2 semaphore(%run_scoped3A_3524 : memref<!tpu.dma_semaphore, #tpu.memory_space<semaphore_mem>>) src(%arg9 : memref<104x32xf32, #tpu.memory_space<vmem>>) dst(%dma_wait3A_3530 : memref<104x32xf32, #tpu.memory_space<vmem_shared>>)
      tpu.yield
    }) : () -> ()
    %mul3A_93 = arith.constant 3328 : i32
    %mul3A_94 = arith.muli %arg1, %mul3A_93 : i32
    %add3A_95 = arith.constant 2184 : i32
    %add3A_96 = arith.addi %mul3A_94, %add3A_95 : i32
    "tpu.region"() ({
      %run_scoped3A_3524 = tpu.sem_alloc : memref<!tpu.dma_semaphore, #tpu.memory_space<semaphore_mem>>
      %dma_start3A = arith.constant 0 : i32
      %dma_start3A_3525 = tpu.memref_slice %arg5[%add3A_96, %dma_start3A] : memref<53256x32xf32, #tpu.memory_space<vmem_shared>> -> memref<104x32xf32, #tpu.memory_space<vmem_shared>>
      %dma_start3A_3526 = arith.constant 0 : i32
      %dma_start3A_3527 = tpu.memref_slice %arg5[%add3A_96, %dma_start3A_3526] : memref<53256x32xf32, #tpu.memory_space<vmem_shared>> -> memref<104x32xf32, #tpu.memory_space<vmem_shared>>
      tpu.enqueue_dma source(%arg9 : memref<104x32xf32, #tpu.memory_space<vmem>>) target(%dma_start3A_3527 : memref<104x32xf32, #tpu.memory_space<vmem_shared>>) target_semaphore(%run_scoped3A_3524 : memref<!tpu.dma_semaphore, #tpu.memory_space<semaphore_mem>>)
      %dma_wait3A = arith.constant 0 : i32
      %dma_wait3A_3528 = tpu.memref_slice %arg5[%add3A_96, %dma_wait3A] : memref<53256x32xf32, #tpu.memory_space<vmem_shared>> -> memref<104x32xf32, #tpu.memory_space<vmem_shared>>
      %dma_wait3A_3529 = arith.constant 0 : i32
      %dma_wait3A_3530 = tpu.memref_slice %arg5[%add3A_96, %dma_wait3A_3529] : memref<53256x32xf32, #tpu.memory_space<vmem_shared>> -> memref<104x32xf32, #tpu.memory_space<vmem_shared>>
      tpu.wait_dma2 semaphore(%run_scoped3A_3524 : memref<!tpu.dma_semaphore, #tpu.memory_space<semaphore_mem>>) src(%arg9 : memref<104x32xf32, #tpu.memory_space<vmem>>) dst(%dma_wait3A_3530 : memref<104x32xf32, #tpu.memory_space<vmem_shared>>)
      tpu.yield
    }) : () -> ()
    %mul3A_97 = arith.constant 3328 : i32
    %mul3A_98 = arith.muli %arg1, %mul3A_97 : i32
    %add3A_99 = arith.constant 2288 : i32
    %add3A_100 = arith.addi %mul3A_98, %add3A_99 : i32
    "tpu.region"() ({
      %run_scoped3A_3524 = tpu.sem_alloc : memref<!tpu.dma_semaphore, #tpu.memory_space<semaphore_mem>>
      %dma_start3A = arith.constant 0 : i32
      %dma_start3A_3525 = tpu.memref_slice %arg5[%add3A_100, %dma_start3A] : memref<53256x32xf32, #tpu.memory_space<vmem_shared>> -> memref<104x32xf32, #tpu.memory_space<vmem_shared>>
      %dma_start3A_3526 = arith.constant 0 : i32
      %dma_start3A_3527 = tpu.memref_slice %arg5[%add3A_100, %dma_start3A_3526] : memref<53256x32xf32, #tpu.memory_space<vmem_shared>> -> memref<104x32xf32, #tpu.memory_space<vmem_shared>>
      tpu.enqueue_dma source(%arg9 : memref<104x32xf32, #tpu.memory_space<vmem>>) target(%dma_start3A_3527 : memref<104x32xf32, #tpu.memory_space<vmem_shared>>) target_semaphore(%run_scoped3A_3524 : memref<!tpu.dma_semaphore, #tpu.memory_space<semaphore_mem>>)
      %dma_wait3A = arith.constant 0 : i32
      %dma_wait3A_3528 = tpu.memref_slice %arg5[%add3A_100, %dma_wait3A] : memref<53256x32xf32, #tpu.memory_space<vmem_shared>> -> memref<104x32xf32, #tpu.memory_space<vmem_shared>>
      %dma_wait3A_3529 = arith.constant 0 : i32
      %dma_wait3A_3530 = tpu.memref_slice %arg5[%add3A_100, %dma_wait3A_3529] : memref<53256x32xf32, #tpu.memory_space<vmem_shared>> -> memref<104x32xf32, #tpu.memory_space<vmem_shared>>
      tpu.wait_dma2 semaphore(%run_scoped3A_3524 : memref<!tpu.dma_semaphore, #tpu.memory_space<semaphore_mem>>) src(%arg9 : memref<104x32xf32, #tpu.memory_space<vmem>>) dst(%dma_wait3A_3530 : memref<104x32xf32, #tpu.memory_space<vmem_shared>>)
      tpu.yield
    }) : () -> ()
    %mul3A_101 = arith.constant 3328 : i32
    %mul3A_102 = arith.muli %arg1, %mul3A_101 : i32
    %add3A_103 = arith.constant 2392 : i32
    %add3A_104 = arith.addi %mul3A_102, %add3A_103 : i32
    "tpu.region"() ({
      %run_scoped3A_3524 = tpu.sem_alloc : memref<!tpu.dma_semaphore, #tpu.memory_space<semaphore_mem>>
      %dma_start3A = arith.constant 0 : i32
      %dma_start3A_3525 = tpu.memref_slice %arg5[%add3A_104, %dma_start3A] : memref<53256x32xf32, #tpu.memory_space<vmem_shared>> -> memref<104x32xf32, #tpu.memory_space<vmem_shared>>
      %dma_start3A_3526 = arith.constant 0 : i32
      %dma_start3A_3527 = tpu.memref_slice %arg5[%add3A_104, %dma_start3A_3526] : memref<53256x32xf32, #tpu.memory_space<vmem_shared>> -> memref<104x32xf32, #tpu.memory_space<vmem_shared>>
      tpu.enqueue_dma source(%arg9 : memref<104x32xf32, #tpu.memory_space<vmem>>) target(%dma_start3A_3527 : memref<104x32xf32, #tpu.memory_space<vmem_shared>>) target_semaphore(%run_scoped3A_3524 : memref<!tpu.dma_semaphore, #tpu.memory_space<semaphore_mem>>)
      %dma_wait3A = arith.constant 0 : i32
      %dma_wait3A_3528 = tpu.memref_slice %arg5[%add3A_104, %dma_wait3A] : memref<53256x32xf32, #tpu.memory_space<vmem_shared>> -> memref<104x32xf32, #tpu.memory_space<vmem_shared>>
      %dma_wait3A_3529 = arith.constant 0 : i32
      %dma_wait3A_3530 = tpu.memref_slice %arg5[%add3A_104, %dma_wait3A_3529] : memref<53256x32xf32, #tpu.memory_space<vmem_shared>> -> memref<104x32xf32, #tpu.memory_space<vmem_shared>>
      tpu.wait_dma2 semaphore(%run_scoped3A_3524 : memref<!tpu.dma_semaphore, #tpu.memory_space<semaphore_mem>>) src(%arg9 : memref<104x32xf32, #tpu.memory_space<vmem>>) dst(%dma_wait3A_3530 : memref<104x32xf32, #tpu.memory_space<vmem_shared>>)
      tpu.yield
    }) : () -> ()
    %mul3A_105 = arith.constant 3328 : i32
    %mul3A_106 = arith.muli %arg1, %mul3A_105 : i32
    %add3A_107 = arith.constant 2496 : i32
    %add3A_108 = arith.addi %mul3A_106, %add3A_107 : i32
    "tpu.region"() ({
      %run_scoped3A_3524 = tpu.sem_alloc : memref<!tpu.dma_semaphore, #tpu.memory_space<semaphore_mem>>
      %dma_start3A = arith.constant 0 : i32
      %dma_start3A_3525 = tpu.memref_slice %arg5[%add3A_108, %dma_start3A] : memref<53256x32xf32, #tpu.memory_space<vmem_shared>> -> memref<104x32xf32, #tpu.memory_space<vmem_shared>>
      %dma_start3A_3526 = arith.constant 0 : i32
      %dma_start3A_3527 = tpu.memref_slice %arg5[%add3A_108, %dma_start3A_3526] : memref<53256x32xf32, #tpu.memory_space<vmem_shared>> -> memref<104x32xf32, #tpu.memory_space<vmem_shared>>
      tpu.enqueue_dma source(%arg9 : memref<104x32xf32, #tpu.memory_space<vmem>>) target(%dma_start3A_3527 : memref<104x32xf32, #tpu.memory_space<vmem_shared>>) target_semaphore(%run_scoped3A_3524 : memref<!tpu.dma_semaphore, #tpu.memory_space<semaphore_mem>>)
      %dma_wait3A = arith.constant 0 : i32
      %dma_wait3A_3528 = tpu.memref_slice %arg5[%add3A_108, %dma_wait3A] : memref<53256x32xf32, #tpu.memory_space<vmem_shared>> -> memref<104x32xf32, #tpu.memory_space<vmem_shared>>
      %dma_wait3A_3529 = arith.constant 0 : i32
      %dma_wait3A_3530 = tpu.memref_slice %arg5[%add3A_108, %dma_wait3A_3529] : memref<53256x32xf32, #tpu.memory_space<vmem_shared>> -> memref<104x32xf32, #tpu.memory_space<vmem_shared>>
      tpu.wait_dma2 semaphore(%run_scoped3A_3524 : memref<!tpu.dma_semaphore, #tpu.memory_space<semaphore_mem>>) src(%arg9 : memref<104x32xf32, #tpu.memory_space<vmem>>) dst(%dma_wait3A_3530 : memref<104x32xf32, #tpu.memory_space<vmem_shared>>)
      tpu.yield
    }) : () -> ()
    %mul3A_109 = arith.constant 3328 : i32
    %mul3A_110 = arith.muli %arg1, %mul3A_109 : i32
    %add3A_111 = arith.constant 2600 : i32
    %add3A_112 = arith.addi %mul3A_110, %add3A_111 : i32
    "tpu.region"() ({
      %run_scoped3A_3524 = tpu.sem_alloc : memref<!tpu.dma_semaphore, #tpu.memory_space<semaphore_mem>>
      %dma_start3A = arith.constant 0 : i32
      %dma_start3A_3525 = tpu.memref_slice %arg5[%add3A_112, %dma_start3A] : memref<53256x32xf32, #tpu.memory_space<vmem_shared>> -> memref<104x32xf32, #tpu.memory_space<vmem_shared>>
      %dma_start3A_3526 = arith.constant 0 : i32
      %dma_start3A_3527 = tpu.memref_slice %arg5[%add3A_112, %dma_start3A_3526] : memref<53256x32xf32, #tpu.memory_space<vmem_shared>> -> memref<104x32xf32, #tpu.memory_space<vmem_shared>>
      tpu.enqueue_dma source(%arg9 : memref<104x32xf32, #tpu.memory_space<vmem>>) target(%dma_start3A_3527 : memref<104x32xf32, #tpu.memory_space<vmem_shared>>) target_semaphore(%run_scoped3A_3524 : memref<!tpu.dma_semaphore, #tpu.memory_space<semaphore_mem>>)
      %dma_wait3A = arith.constant 0 : i32
      %dma_wait3A_3528 = tpu.memref_slice %arg5[%add3A_112, %dma_wait3A] : memref<53256x32xf32, #tpu.memory_space<vmem_shared>> -> memref<104x32xf32, #tpu.memory_space<vmem_shared>>
      %dma_wait3A_3529 = arith.constant 0 : i32
      %dma_wait3A_3530 = tpu.memref_slice %arg5[%add3A_112, %dma_wait3A_3529] : memref<53256x32xf32, #tpu.memory_space<vmem_shared>> -> memref<104x32xf32, #tpu.memory_space<vmem_shared>>
      tpu.wait_dma2 semaphore(%run_scoped3A_3524 : memref<!tpu.dma_semaphore, #tpu.memory_space<semaphore_mem>>) src(%arg9 : memref<104x32xf32, #tpu.memory_space<vmem>>) dst(%dma_wait3A_3530 : memref<104x32xf32, #tpu.memory_space<vmem_shared>>)
      tpu.yield
    }) : () -> ()
    %mul3A_113 = arith.constant 3328 : i32
    %mul3A_114 = arith.muli %arg1, %mul3A_113 : i32
    %add3A_115 = arith.constant 2704 : i32
    %add3A_116 = arith.addi %mul3A_114, %add3A_115 : i32
    "tpu.region"() ({
      %run_scoped3A_3524 = tpu.sem_alloc : memref<!tpu.dma_semaphore, #tpu.memory_space<semaphore_mem>>
      %dma_start3A = arith.constant 0 : i32
      %dma_start3A_3525 = tpu.memref_slice %arg5[%add3A_116, %dma_start3A] : memref<53256x32xf32, #tpu.memory_space<vmem_shared>> -> memref<104x32xf32, #tpu.memory_space<vmem_shared>>
      %dma_start3A_3526 = arith.constant 0 : i32
      %dma_start3A_3527 = tpu.memref_slice %arg5[%add3A_116, %dma_start3A_3526] : memref<53256x32xf32, #tpu.memory_space<vmem_shared>> -> memref<104x32xf32, #tpu.memory_space<vmem_shared>>
      tpu.enqueue_dma source(%arg9 : memref<104x32xf32, #tpu.memory_space<vmem>>) target(%dma_start3A_3527 : memref<104x32xf32, #tpu.memory_space<vmem_shared>>) target_semaphore(%run_scoped3A_3524 : memref<!tpu.dma_semaphore, #tpu.memory_space<semaphore_mem>>)
      %dma_wait3A = arith.constant 0 : i32
      %dma_wait3A_3528 = tpu.memref_slice %arg5[%add3A_116, %dma_wait3A] : memref<53256x32xf32, #tpu.memory_space<vmem_shared>> -> memref<104x32xf32, #tpu.memory_space<vmem_shared>>
      %dma_wait3A_3529 = arith.constant 0 : i32
      %dma_wait3A_3530 = tpu.memref_slice %arg5[%add3A_116, %dma_wait3A_3529] : memref<53256x32xf32, #tpu.memory_space<vmem_shared>> -> memref<104x32xf32, #tpu.memory_space<vmem_shared>>
      tpu.wait_dma2 semaphore(%run_scoped3A_3524 : memref<!tpu.dma_semaphore, #tpu.memory_space<semaphore_mem>>) src(%arg9 : memref<104x32xf32, #tpu.memory_space<vmem>>) dst(%dma_wait3A_3530 : memref<104x32xf32, #tpu.memory_space<vmem_shared>>)
      tpu.yield
    }) : () -> ()
    %mul3A_117 = arith.constant 3328 : i32
    %mul3A_118 = arith.muli %arg1, %mul3A_117 : i32
    %add3A_119 = arith.constant 2808 : i32
    %add3A_120 = arith.addi %mul3A_118, %add3A_119 : i32
    "tpu.region"() ({
      %run_scoped3A_3524 = tpu.sem_alloc : memref<!tpu.dma_semaphore, #tpu.memory_space<semaphore_mem>>
      %dma_start3A = arith.constant 0 : i32
      %dma_start3A_3525 = tpu.memref_slice %arg5[%add3A_120, %dma_start3A] : memref<53256x32xf32, #tpu.memory_space<vmem_shared>> -> memref<104x32xf32, #tpu.memory_space<vmem_shared>>
      %dma_start3A_3526 = arith.constant 0 : i32
      %dma_start3A_3527 = tpu.memref_slice %arg5[%add3A_120, %dma_start3A_3526] : memref<53256x32xf32, #tpu.memory_space<vmem_shared>> -> memref<104x32xf32, #tpu.memory_space<vmem_shared>>
      tpu.enqueue_dma source(%arg9 : memref<104x32xf32, #tpu.memory_space<vmem>>) target(%dma_start3A_3527 : memref<104x32xf32, #tpu.memory_space<vmem_shared>>) target_semaphore(%run_scoped3A_3524 : memref<!tpu.dma_semaphore, #tpu.memory_space<semaphore_mem>>)
      %dma_wait3A = arith.constant 0 : i32
      %dma_wait3A_3528 = tpu.memref_slice %arg5[%add3A_120, %dma_wait3A] : memref<53256x32xf32, #tpu.memory_space<vmem_shared>> -> memref<104x32xf32, #tpu.memory_space<vmem_shared>>
      %dma_wait3A_3529 = arith.constant 0 : i32
      %dma_wait3A_3530 = tpu.memref_slice %arg5[%add3A_120, %dma_wait3A_3529] : memref<53256x32xf32, #tpu.memory_space<vmem_shared>> -> memref<104x32xf32, #tpu.memory_space<vmem_shared>>
      tpu.wait_dma2 semaphore(%run_scoped3A_3524 : memref<!tpu.dma_semaphore, #tpu.memory_space<semaphore_mem>>) src(%arg9 : memref<104x32xf32, #tpu.memory_space<vmem>>) dst(%dma_wait3A_3530 : memref<104x32xf32, #tpu.memory_space<vmem_shared>>)
      tpu.yield
    }) : () -> ()
    %mul3A_121 = arith.constant 3328 : i32
    %mul3A_122 = arith.muli %arg1, %mul3A_121 : i32
    %add3A_123 = arith.constant 2912 : i32
    %add3A_124 = arith.addi %mul3A_122, %add3A_123 : i32
    "tpu.region"() ({
      %run_scoped3A_3524 = tpu.sem_alloc : memref<!tpu.dma_semaphore, #tpu.memory_space<semaphore_mem>>
      %dma_start3A = arith.constant 0 : i32
      %dma_start3A_3525 = tpu.memref_slice %arg5[%add3A_124, %dma_start3A] : memref<53256x32xf32, #tpu.memory_space<vmem_shared>> -> memref<104x32xf32, #tpu.memory_space<vmem_shared>>
      %dma_start3A_3526 = arith.constant 0 : i32
      %dma_start3A_3527 = tpu.memref_slice %arg5[%add3A_124, %dma_start3A_3526] : memref<53256x32xf32, #tpu.memory_space<vmem_shared>> -> memref<104x32xf32, #tpu.memory_space<vmem_shared>>
      tpu.enqueue_dma source(%arg9 : memref<104x32xf32, #tpu.memory_space<vmem>>) target(%dma_start3A_3527 : memref<104x32xf32, #tpu.memory_space<vmem_shared>>) target_semaphore(%run_scoped3A_3524 : memref<!tpu.dma_semaphore, #tpu.memory_space<semaphore_mem>>)
      %dma_wait3A = arith.constant 0 : i32
      %dma_wait3A_3528 = tpu.memref_slice %arg5[%add3A_124, %dma_wait3A] : memref<53256x32xf32, #tpu.memory_space<vmem_shared>> -> memref<104x32xf32, #tpu.memory_space<vmem_shared>>
      %dma_wait3A_3529 = arith.constant 0 : i32
      %dma_wait3A_3530 = tpu.memref_slice %arg5[%add3A_124, %dma_wait3A_3529] : memref<53256x32xf32, #tpu.memory_space<vmem_shared>> -> memref<104x32xf32, #tpu.memory_space<vmem_shared>>
      tpu.wait_dma2 semaphore(%run_scoped3A_3524 : memref<!tpu.dma_semaphore, #tpu.memory_space<semaphore_mem>>) src(%arg9 : memref<104x32xf32, #tpu.memory_space<vmem>>) dst(%dma_wait3A_3530 : memref<104x32xf32, #tpu.memory_space<vmem_shared>>)
      tpu.yield
    }) : () -> ()
    %mul3A_125 = arith.constant 3328 : i32
    %mul3A_126 = arith.muli %arg1, %mul3A_125 : i32
    %add3A_127 = arith.constant 3016 : i32
    %add3A_128 = arith.addi %mul3A_126, %add3A_127 : i32
    "tpu.region"() ({
      %run_scoped3A_3524 = tpu.sem_alloc : memref<!tpu.dma_semaphore, #tpu.memory_space<semaphore_mem>>
      %dma_start3A = arith.constant 0 : i32
      %dma_start3A_3525 = tpu.memref_slice %arg5[%add3A_128, %dma_start3A] : memref<53256x32xf32, #tpu.memory_space<vmem_shared>> -> memref<104x32xf32, #tpu.memory_space<vmem_shared>>
      %dma_start3A_3526 = arith.constant 0 : i32
      %dma_start3A_3527 = tpu.memref_slice %arg5[%add3A_128, %dma_start3A_3526] : memref<53256x32xf32, #tpu.memory_space<vmem_shared>> -> memref<104x32xf32, #tpu.memory_space<vmem_shared>>
      tpu.enqueue_dma source(%arg9 : memref<104x32xf32, #tpu.memory_space<vmem>>) target(%dma_start3A_3527 : memref<104x32xf32, #tpu.memory_space<vmem_shared>>) target_semaphore(%run_scoped3A_3524 : memref<!tpu.dma_semaphore, #tpu.memory_space<semaphore_mem>>)
      %dma_wait3A = arith.constant 0 : i32
      %dma_wait3A_3528 = tpu.memref_slice %arg5[%add3A_128, %dma_wait3A] : memref<53256x32xf32, #tpu.memory_space<vmem_shared>> -> memref<104x32xf32, #tpu.memory_space<vmem_shared>>
      %dma_wait3A_3529 = arith.constant 0 : i32
      %dma_wait3A_3530 = tpu.memref_slice %arg5[%add3A_128, %dma_wait3A_3529] : memref<53256x32xf32, #tpu.memory_space<vmem_shared>> -> memref<104x32xf32, #tpu.memory_space<vmem_shared>>
      tpu.wait_dma2 semaphore(%run_scoped3A_3524 : memref<!tpu.dma_semaphore, #tpu.memory_space<semaphore_mem>>) src(%arg9 : memref<104x32xf32, #tpu.memory_space<vmem>>) dst(%dma_wait3A_3530 : memref<104x32xf32, #tpu.memory_space<vmem_shared>>)
      tpu.yield
    }) : () -> ()
    %mul3A_129 = arith.constant 3328 : i32
    %mul3A_130 = arith.muli %arg1, %mul3A_129 : i32
    %add3A_131 = arith.constant 3120 : i32
    %add3A_132 = arith.addi %mul3A_130, %add3A_131 : i32
    "tpu.region"() ({
      %run_scoped3A_3524 = tpu.sem_alloc : memref<!tpu.dma_semaphore, #tpu.memory_space<semaphore_mem>>
      %dma_start3A = arith.constant 0 : i32
      %dma_start3A_3525 = tpu.memref_slice %arg5[%add3A_132, %dma_start3A] : memref<53256x32xf32, #tpu.memory_space<vmem_shared>> -> memref<104x32xf32, #tpu.memory_space<vmem_shared>>
      %dma_start3A_3526 = arith.constant 0 : i32
      %dma_start3A_3527 = tpu.memref_slice %arg5[%add3A_132, %dma_start3A_3526] : memref<53256x32xf32, #tpu.memory_space<vmem_shared>> -> memref<104x32xf32, #tpu.memory_space<vmem_shared>>
      tpu.enqueue_dma source(%arg9 : memref<104x32xf32, #tpu.memory_space<vmem>>) target(%dma_start3A_3527 : memref<104x32xf32, #tpu.memory_space<vmem_shared>>) target_semaphore(%run_scoped3A_3524 : memref<!tpu.dma_semaphore, #tpu.memory_space<semaphore_mem>>)
      %dma_wait3A = arith.constant 0 : i32
      %dma_wait3A_3528 = tpu.memref_slice %arg5[%add3A_132, %dma_wait3A] : memref<53256x32xf32, #tpu.memory_space<vmem_shared>> -> memref<104x32xf32, #tpu.memory_space<vmem_shared>>
      %dma_wait3A_3529 = arith.constant 0 : i32
      %dma_wait3A_3530 = tpu.memref_slice %arg5[%add3A_132, %dma_wait3A_3529] : memref<53256x32xf32, #tpu.memory_space<vmem_shared>> -> memref<104x32xf32, #tpu.memory_space<vmem_shared>>
      tpu.wait_dma2 semaphore(%run_scoped3A_3524 : memref<!tpu.dma_semaphore, #tpu.memory_space<semaphore_mem>>) src(%arg9 : memref<104x32xf32, #tpu.memory_space<vmem>>) dst(%dma_wait3A_3530 : memref<104x32xf32, #tpu.memory_space<vmem_shared>>)
      tpu.yield
    }) : () -> ()
    %mul3A_133 = arith.constant 3328 : i32
    %mul3A_134 = arith.muli %arg1, %mul3A_133 : i32
    %add3A_135 = arith.constant 3224 : i32
    %add3A_136 = arith.addi %mul3A_134, %add3A_135 : i32
    "tpu.region"() ({
      %run_scoped3A_3524 = tpu.sem_alloc : memref<!tpu.dma_semaphore, #tpu.memory_space<semaphore_mem>>
      %dma_start3A = arith.constant 0 : i32
      %dma_start3A_3525 = tpu.memref_slice %arg5[%add3A_136, %dma_start3A] : memref<53256x32xf32, #tpu.memory_space<vmem_shared>> -> memref<104x32xf32, #tpu.memory_space<vmem_shared>>
      %dma_start3A_3526 = arith.constant 0 : i32
      %dma_start3A_3527 = tpu.memref_slice %arg5[%add3A_136, %dma_start3A_3526] : memref<53256x32xf32, #tpu.memory_space<vmem_shared>> -> memref<104x32xf32, #tpu.memory_space<vmem_shared>>
      tpu.enqueue_dma source(%arg9 : memref<104x32xf32, #tpu.memory_space<vmem>>) target(%dma_start3A_3527 : memref<104x32xf32, #tpu.memory_space<vmem_shared>>) target_semaphore(%run_scoped3A_3524 : memref<!tpu.dma_semaphore, #tpu.memory_space<semaphore_mem>>)
      %dma_wait3A = arith.constant 0 : i32
      %dma_wait3A_3528 = tpu.memref_slice %arg5[%add3A_136, %dma_wait3A] : memref<53256x32xf32, #tpu.memory_space<vmem_shared>> -> memref<104x32xf32, #tpu.memory_space<vmem_shared>>
      %dma_wait3A_3529 = arith.constant 0 : i32
      %dma_wait3A_3530 = tpu.memref_slice %arg5[%add3A_136, %dma_wait3A_3529] : memref<53256x32xf32, #tpu.memory_space<vmem_shared>> -> memref<104x32xf32, #tpu.memory_space<vmem_shared>>
      tpu.wait_dma2 semaphore(%run_scoped3A_3524 : memref<!tpu.dma_semaphore, #tpu.memory_space<semaphore_mem>>) src(%arg9 : memref<104x32xf32, #tpu.memory_space<vmem>>) dst(%dma_wait3A_3530 : memref<104x32xf32, #tpu.memory_space<vmem_shared>>)
      tpu.yield
    }) : () -> ()
    %shift_right_arithmetic3A = arith.constant 3 : i32
    %shift_right_arithmetic3A_137 = arith.shrsi %arg1, %shift_right_arithmetic3A : i32
    %mul3A_138 = arith.constant 8192 : i32
    %mul3A_139 = arith.muli %shift_right_arithmetic3A_137, %mul3A_138 : i32
    %and3A = arith.constant 7 : i32
    %and3A_140 = arith.andi %arg1, %and3A : i32
    %mul3A_141 = arith.constant 256 : i32
    %mul3A_142 = arith.muli %and3A_140, %mul3A_141 : i32
    %add3A_143 = arith.addi %mul3A_139, %mul3A_142 : i32
    %add3A_144 = arith.constant 0 : i32
    %add3A_145 = arith.addi %add3A_143, %add3A_144 : i32
    %add3A_146 = arith.constant 0 : i32
    %add3A_147 = arith.addi %add3A_145, %add3A_146 : i32
    %run_scoped3A = arith.constant 0 : i32
    "tpu.region"() ({
      %run_scoped3A_3524 = tpu.sem_alloc : memref<!tpu.dma_semaphore, #tpu.memory_space<semaphore_mem>>
      %dma_start3A = arith.constant 0 : i32
      %dma_start3A_3525 = tpu.memref_slice %arg7[%run_scoped3A, %dma_start3A] : memref<8x128xi32, #tpu.memory_space<vmem>> -> memref<1x128xi32, #tpu.memory_space<vmem>>
      %dma_start3A_3526 = tpu.memref_squeeze %dma_start3A_3525 : memref<1x128xi32, #tpu.memory_space<vmem>> -> memref<128xi32, #tpu.memory_space<vmem>>
      %dma_start3A_3527 = tpu.memref_slice %arg3[%add3A_147] : memref<16384xi32, #tpu.memory_space<hbm>> -> memref<128xi32, #tpu.memory_space<hbm>>
      %dma_start3A_3528 = arith.constant 0 : i32
      %dma_start3A_3529 = tpu.memref_slice %arg7[%run_scoped3A, %dma_start3A_3528] : memref<8x128xi32, #tpu.memory_space<vmem>> -> memref<1x128xi32, #tpu.memory_space<vmem>>
      %dma_start3A_3530 = tpu.memref_squeeze %dma_start3A_3529 : memref<1x128xi32, #tpu.memory_space<vmem>> -> memref<128xi32, #tpu.memory_space<vmem>>
      %dma_start3A_3531 = tpu.memref_slice %arg3[%add3A_147] : memref<16384xi32, #tpu.memory_space<hbm>> -> memref<128xi32, #tpu.memory_space<hbm>>
      tpu.enqueue_dma source(%dma_start3A_3531 : memref<128xi32, #tpu.memory_space<hbm>>) target(%dma_start3A_3530 : memref<128xi32, #tpu.memory_space<vmem>>) target_semaphore(%run_scoped3A_3524 : memref<!tpu.dma_semaphore, #tpu.memory_space<semaphore_mem>>)
      %dma_wait3A = arith.constant 0 : i32
      %dma_wait3A_3532 = tpu.memref_slice %arg7[%run_scoped3A, %dma_wait3A] : memref<8x128xi32, #tpu.memory_space<vmem>> -> memref<1x128xi32, #tpu.memory_space<vmem>>
      %dma_wait3A_3533 = tpu.memref_squeeze %dma_wait3A_3532 : memref<1x128xi32, #tpu.memory_space<vmem>> -> memref<128xi32, #tpu.memory_space<vmem>>
      %dma_wait3A_3534 = tpu.memref_slice %arg3[%add3A_147] : memref<16384xi32, #tpu.memory_space<hbm>> -> memref<128xi32, #tpu.memory_space<hbm>>
      %dma_wait3A_3535 = arith.constant 0 : i32
      %dma_wait3A_3536 = tpu.memref_slice %arg7[%run_scoped3A, %dma_wait3A_3535] : memref<8x128xi32, #tpu.memory_space<vmem>> -> memref<1x128xi32, #tpu.memory_space<vmem>>
      %dma_wait3A_3537 = tpu.memref_squeeze %dma_wait3A_3536 : memref<1x128xi32, #tpu.memory_space<vmem>> -> memref<128xi32, #tpu.memory_space<vmem>>
      %dma_wait3A_3538 = tpu.memref_slice %arg3[%add3A_147] : memref<16384xi32, #tpu.memory_space<hbm>> -> memref<128xi32, #tpu.memory_space<hbm>>
      tpu.wait_dma2 semaphore(%run_scoped3A_3524 : memref<!tpu.dma_semaphore, #tpu.memory_space<semaphore_mem>>) src(%dma_wait3A_3538 : memref<128xi32, #tpu.memory_space<hbm>>) dst(%dma_wait3A_3537 : memref<128xi32, #tpu.memory_space<vmem>>)
      tpu.yield
    }) : () -> ()
    %add3A_148 = arith.constant 0 : i32
    %add3A_149 = arith.addi %add3A_143, %add3A_148 : i32
    %add3A_150 = arith.constant 128 : i32
    %add3A_151 = arith.addi %add3A_149, %add3A_150 : i32
    %run_scoped3A_152 = arith.constant 1 : i32
    "tpu.region"() ({
      %run_scoped3A_3524 = tpu.sem_alloc : memref<!tpu.dma_semaphore, #tpu.memory_space<semaphore_mem>>
      %dma_start3A = arith.constant 0 : i32
      %dma_start3A_3525 = tpu.memref_slice %arg7[%run_scoped3A_152, %dma_start3A] : memref<8x128xi32, #tpu.memory_space<vmem>> -> memref<1x128xi32, #tpu.memory_space<vmem>>
      %dma_start3A_3526 = tpu.memref_squeeze %dma_start3A_3525 : memref<1x128xi32, #tpu.memory_space<vmem>> -> memref<128xi32, #tpu.memory_space<vmem>>
      %dma_start3A_3527 = tpu.memref_slice %arg3[%add3A_151] : memref<16384xi32, #tpu.memory_space<hbm>> -> memref<128xi32, #tpu.memory_space<hbm>>
      %dma_start3A_3528 = arith.constant 0 : i32
      %dma_start3A_3529 = tpu.memref_slice %arg7[%run_scoped3A_152, %dma_start3A_3528] : memref<8x128xi32, #tpu.memory_space<vmem>> -> memref<1x128xi32, #tpu.memory_space<vmem>>
      %dma_start3A_3530 = tpu.memref_squeeze %dma_start3A_3529 : memref<1x128xi32, #tpu.memory_space<vmem>> -> memref<128xi32, #tpu.memory_space<vmem>>
      %dma_start3A_3531 = tpu.memref_slice %arg3[%add3A_151] : memref<16384xi32, #tpu.memory_space<hbm>> -> memref<128xi32, #tpu.memory_space<hbm>>
      tpu.enqueue_dma source(%dma_start3A_3531 : memref<128xi32, #tpu.memory_space<hbm>>) target(%dma_start3A_3530 : memref<128xi32, #tpu.memory_space<vmem>>) target_semaphore(%run_scoped3A_3524 : memref<!tpu.dma_semaphore, #tpu.memory_space<semaphore_mem>>)
      %dma_wait3A = arith.constant 0 : i32
      %dma_wait3A_3532 = tpu.memref_slice %arg7[%run_scoped3A_152, %dma_wait3A] : memref<8x128xi32, #tpu.memory_space<vmem>> -> memref<1x128xi32, #tpu.memory_space<vmem>>
      %dma_wait3A_3533 = tpu.memref_squeeze %dma_wait3A_3532 : memref<1x128xi32, #tpu.memory_space<vmem>> -> memref<128xi32, #tpu.memory_space<vmem>>
      %dma_wait3A_3534 = tpu.memref_slice %arg3[%add3A_151] : memref<16384xi32, #tpu.memory_space<hbm>> -> memref<128xi32, #tpu.memory_space<hbm>>
      %dma_wait3A_3535 = arith.constant 0 : i32
      %dma_wait3A_3536 = tpu.memref_slice %arg7[%run_scoped3A_152, %dma_wait3A_3535] : memref<8x128xi32, #tpu.memory_space<vmem>> -> memref<1x128xi32, #tpu.memory_space<vmem>>
      %dma_wait3A_3537 = tpu.memref_squeeze %dma_wait3A_3536 : memref<1x128xi32, #tpu.memory_space<vmem>> -> memref<128xi32, #tpu.memory_space<vmem>>
      %dma_wait3A_3538 = tpu.memref_slice %arg3[%add3A_151] : memref<16384xi32, #tpu.memory_space<hbm>> -> memref<128xi32, #tpu.memory_space<hbm>>
      tpu.wait_dma2 semaphore(%run_scoped3A_3524 : memref<!tpu.dma_semaphore, #tpu.memory_space<semaphore_mem>>) src(%dma_wait3A_3538 : memref<128xi32, #tpu.memory_space<hbm>>) dst(%dma_wait3A_3537 : memref<128xi32, #tpu.memory_space<vmem>>)
      tpu.yield
    }) : () -> ()
    %add3A_153 = arith.constant 2048 : i32
    %add3A_154 = arith.addi %add3A_143, %add3A_153 : i32
    %add3A_155 = arith.constant 0 : i32
    %add3A_156 = arith.addi %add3A_154, %add3A_155 : i32
    %run_scoped3A_157 = arith.constant 2 : i32
    "tpu.region"() ({
      %run_scoped3A_3524 = tpu.sem_alloc : memref<!tpu.dma_semaphore, #tpu.memory_space<semaphore_mem>>
      %dma_start3A = arith.constant 0 : i32
      %dma_start3A_3525 = tpu.memref_slice %arg7[%run_scoped3A_157, %dma_start3A] : memref<8x128xi32, #tpu.memory_space<vmem>> -> memref<1x128xi32, #tpu.memory_space<vmem>>
      %dma_start3A_3526 = tpu.memref_squeeze %dma_start3A_3525 : memref<1x128xi32, #tpu.memory_space<vmem>> -> memref<128xi32, #tpu.memory_space<vmem>>
      %dma_start3A_3527 = tpu.memref_slice %arg3[%add3A_156] : memref<16384xi32, #tpu.memory_space<hbm>> -> memref<128xi32, #tpu.memory_space<hbm>>
      %dma_start3A_3528 = arith.constant 0 : i32
      %dma_start3A_3529 = tpu.memref_slice %arg7[%run_scoped3A_157, %dma_start3A_3528] : memref<8x128xi32, #tpu.memory_space<vmem>> -> memref<1x128xi32, #tpu.memory_space<vmem>>
      %dma_start3A_3530 = tpu.memref_squeeze %dma_start3A_3529 : memref<1x128xi32, #tpu.memory_space<vmem>> -> memref<128xi32, #tpu.memory_space<vmem>>
      %dma_start3A_3531 = tpu.memref_slice %arg3[%add3A_156] : memref<16384xi32, #tpu.memory_space<hbm>> -> memref<128xi32, #tpu.memory_space<hbm>>
      tpu.enqueue_dma source(%dma_start3A_3531 : memref<128xi32, #tpu.memory_space<hbm>>) target(%dma_start3A_3530 : memref<128xi32, #tpu.memory_space<vmem>>) target_semaphore(%run_scoped3A_3524 : memref<!tpu.dma_semaphore, #tpu.memory_space<semaphore_mem>>)
      %dma_wait3A = arith.constant 0 : i32
      %dma_wait3A_3532 = tpu.memref_slice %arg7[%run_scoped3A_157, %dma_wait3A] : memref<8x128xi32, #tpu.memory_space<vmem>> -> memref<1x128xi32, #tpu.memory_space<vmem>>
      %dma_wait3A_3533 = tpu.memref_squeeze %dma_wait3A_3532 : memref<1x128xi32, #tpu.memory_space<vmem>> -> memref<128xi32, #tpu.memory_space<vmem>>
      %dma_wait3A_3534 = tpu.memref_slice %arg3[%add3A_156] : memref<16384xi32, #tpu.memory_space<hbm>> -> memref<128xi32, #tpu.memory_space<hbm>>
      %dma_wait3A_3535 = arith.constant 0 : i32
      %dma_wait3A_3536 = tpu.memref_slice %arg7[%run_scoped3A_157, %dma_wait3A_3535] : memref<8x128xi32, #tpu.memory_space<vmem>> -> memref<1x128xi32, #tpu.memory_space<vmem>>
      %dma_wait3A_3537 = tpu.memref_squeeze %dma_wait3A_3536 : memref<1x128xi32, #tpu.memory_space<vmem>> -> memref<128xi32, #tpu.memory_space<vmem>>
      %dma_wait3A_3538 = tpu.memref_slice %arg3[%add3A_156] : memref<16384xi32, #tpu.memory_space<hbm>> -> memref<128xi32, #tpu.memory_space<hbm>>
      tpu.wait_dma2 semaphore(%run_scoped3A_3524 : memref<!tpu.dma_semaphore, #tpu.memory_space<semaphore_mem>>) src(%dma_wait3A_3538 : memref<128xi32, #tpu.memory_space<hbm>>) dst(%dma_wait3A_3537 : memref<128xi32, #tpu.memory_space<vmem>>)
      tpu.yield
    }) : () -> ()
    %add3A_158 = arith.constant 2048 : i32
    %add3A_159 = arith.addi %add3A_143, %add3A_158 : i32
    %add3A_160 = arith.constant 128 : i32
    %add3A_161 = arith.addi %add3A_159, %add3A_160 : i32
    %run_scoped3A_162 = arith.constant 3 : i32
    "tpu.region"() ({
      %run_scoped3A_3524 = tpu.sem_alloc : memref<!tpu.dma_semaphore, #tpu.memory_space<semaphore_mem>>
      %dma_start3A = arith.constant 0 : i32
      %dma_start3A_3525 = tpu.memref_slice %arg7[%run_scoped3A_162, %dma_start3A] : memref<8x128xi32, #tpu.memory_space<vmem>> -> memref<1x128xi32, #tpu.memory_space<vmem>>
      %dma_start3A_3526 = tpu.memref_squeeze %dma_start3A_3525 : memref<1x128xi32, #tpu.memory_space<vmem>> -> memref<128xi32, #tpu.memory_space<vmem>>
      %dma_start3A_3527 = tpu.memref_slice %arg3[%add3A_161] : memref<16384xi32, #tpu.memory_space<hbm>> -> memref<128xi32, #tpu.memory_space<hbm>>
      %dma_start3A_3528 = arith.constant 0 : i32
      %dma_start3A_3529 = tpu.memref_slice %arg7[%run_scoped3A_162, %dma_start3A_3528] : memref<8x128xi32, #tpu.memory_space<vmem>> -> memref<1x128xi32, #tpu.memory_space<vmem>>
      %dma_start3A_3530 = tpu.memref_squeeze %dma_start3A_3529 : memref<1x128xi32, #tpu.memory_space<vmem>> -> memref<128xi32, #tpu.memory_space<vmem>>
      %dma_start3A_3531 = tpu.memref_slice %arg3[%add3A_161] : memref<16384xi32, #tpu.memory_space<hbm>> -> memref<128xi32, #tpu.memory_space<hbm>>
      tpu.enqueue_dma source(%dma_start3A_3531 : memref<128xi32, #tpu.memory_space<hbm>>) target(%dma_start3A_3530 : memref<128xi32, #tpu.memory_space<vmem>>) target_semaphore(%run_scoped3A_3524 : memref<!tpu.dma_semaphore, #tpu.memory_space<semaphore_mem>>)
      %dma_wait3A = arith.constant 0 : i32
      %dma_wait3A_3532 = tpu.memref_slice %arg7[%run_scoped3A_162, %dma_wait3A] : memref<8x128xi32, #tpu.memory_space<vmem>> -> memref<1x128xi32, #tpu.memory_space<vmem>>
      %dma_wait3A_3533 = tpu.memref_squeeze %dma_wait3A_3532 : memref<1x128xi32, #tpu.memory_space<vmem>> -> memref<128xi32, #tpu.memory_space<vmem>>
      %dma_wait3A_3534 = tpu.memref_slice %arg3[%add3A_161] : memref<16384xi32, #tpu.memory_space<hbm>> -> memref<128xi32, #tpu.memory_space<hbm>>
      %dma_wait3A_3535 = arith.constant 0 : i32
      %dma_wait3A_3536 = tpu.memref_slice %arg7[%run_scoped3A_162, %dma_wait3A_3535] : memref<8x128xi32, #tpu.memory_space<vmem>> -> memref<1x128xi32, #tpu.memory_space<vmem>>
      %dma_wait3A_3537 = tpu.memref_squeeze %dma_wait3A_3536 : memref<1x128xi32, #tpu.memory_space<vmem>> -> memref<128xi32, #tpu.memory_space<vmem>>
      %dma_wait3A_3538 = tpu.memref_slice %arg3[%add3A_161] : memref<16384xi32, #tpu.memory_space<hbm>> -> memref<128xi32, #tpu.memory_space<hbm>>
      tpu.wait_dma2 semaphore(%run_scoped3A_3524 : memref<!tpu.dma_semaphore, #tpu.memory_space<semaphore_mem>>) src(%dma_wait3A_3538 : memref<128xi32, #tpu.memory_space<hbm>>) dst(%dma_wait3A_3537 : memref<128xi32, #tpu.memory_space<vmem>>)
      tpu.yield
    }) : () -> ()
    %add3A_163 = arith.constant 4096 : i32
    %add3A_164 = arith.addi %add3A_143, %add3A_163 : i32
    %add3A_165 = arith.constant 0 : i32
    %add3A_166 = arith.addi %add3A_164, %add3A_165 : i32
    %run_scoped3A_167 = arith.constant 4 : i32
    "tpu.region"() ({
      %run_scoped3A_3524 = tpu.sem_alloc : memref<!tpu.dma_semaphore, #tpu.memory_space<semaphore_mem>>
      %dma_start3A = arith.constant 0 : i32
      %dma_start3A_3525 = tpu.memref_slice %arg7[%run_scoped3A_167, %dma_start3A] : memref<8x128xi32, #tpu.memory_space<vmem>> -> memref<1x128xi32, #tpu.memory_space<vmem>>
      %dma_start3A_3526 = tpu.memref_squeeze %dma_start3A_3525 : memref<1x128xi32, #tpu.memory_space<vmem>> -> memref<128xi32, #tpu.memory_space<vmem>>
      %dma_start3A_3527 = tpu.memref_slice %arg3[%add3A_166] : memref<16384xi32, #tpu.memory_space<hbm>> -> memref<128xi32, #tpu.memory_space<hbm>>
      %dma_start3A_3528 = arith.constant 0 : i32
      %dma_start3A_3529 = tpu.memref_slice %arg7[%run_scoped3A_167, %dma_start3A_3528] : memref<8x128xi32, #tpu.memory_space<vmem>> -> memref<1x128xi32, #tpu.memory_space<vmem>>
      %dma_start3A_3530 = tpu.memref_squeeze %dma_start3A_3529 : memref<1x128xi32, #tpu.memory_space<vmem>> -> memref<128xi32, #tpu.memory_space<vmem>>
      %dma_start3A_3531 = tpu.memref_slice %arg3[%add3A_166] : memref<16384xi32, #tpu.memory_space<hbm>> -> memref<128xi32, #tpu.memory_space<hbm>>
      tpu.enqueue_dma source(%dma_start3A_3531 : memref<128xi32, #tpu.memory_space<hbm>>) target(%dma_start3A_3530 : memref<128xi32, #tpu.memory_space<vmem>>) target_semaphore(%run_scoped3A_3524 : memref<!tpu.dma_semaphore, #tpu.memory_space<semaphore_mem>>)
      %dma_wait3A = arith.constant 0 : i32
      %dma_wait3A_3532 = tpu.memref_slice %arg7[%run_scoped3A_167, %dma_wait3A] : memref<8x128xi32, #tpu.memory_space<vmem>> -> memref<1x128xi32, #tpu.memory_space<vmem>>
      %dma_wait3A_3533 = tpu.memref_squeeze %dma_wait3A_3532 : memref<1x128xi32, #tpu.memory_space<vmem>> -> memref<128xi32, #tpu.memory_space<vmem>>
      %dma_wait3A_3534 = tpu.memref_slice %arg3[%add3A_166] : memref<16384xi32, #tpu.memory_space<hbm>> -> memref<128xi32, #tpu.memory_space<hbm>>
      %dma_wait3A_3535 = arith.constant 0 : i32
      %dma_wait3A_3536 = tpu.memref_slice %arg7[%run_scoped3A_167, %dma_wait3A_3535] : memref<8x128xi32, #tpu.memory_space<vmem>> -> memref<1x128xi32, #tpu.memory_space<vmem>>
      %dma_wait3A_3537 = tpu.memref_squeeze %dma_wait3A_3536 : memref<1x128xi32, #tpu.memory_space<vmem>> -> memref<128xi32, #tpu.memory_space<vmem>>
      %dma_wait3A_3538 = tpu.memref_slice %arg3[%add3A_166] : memref<16384xi32, #tpu.memory_space<hbm>> -> memref<128xi32, #tpu.memory_space<hbm>>
      tpu.wait_dma2 semaphore(%run_scoped3A_3524 : memref<!tpu.dma_semaphore, #tpu.memory_space<semaphore_mem>>) src(%dma_wait3A_3538 : memref<128xi32, #tpu.memory_space<hbm>>) dst(%dma_wait3A_3537 : memref<128xi32, #tpu.memory_space<vmem>>)
      tpu.yield
    }) : () -> ()
    %add3A_168 = arith.constant 4096 : i32
    %add3A_169 = arith.addi %add3A_143, %add3A_168 : i32
    %add3A_170 = arith.constant 128 : i32
    %add3A_171 = arith.addi %add3A_169, %add3A_170 : i32
    %run_scoped3A_172 = arith.constant 5 : i32
    "tpu.region"() ({
      %run_scoped3A_3524 = tpu.sem_alloc : memref<!tpu.dma_semaphore, #tpu.memory_space<semaphore_mem>>
      %dma_start3A = arith.constant 0 : i32
      %dma_start3A_3525 = tpu.memref_slice %arg7[%run_scoped3A_172, %dma_start3A] : memref<8x128xi32, #tpu.memory_space<vmem>> -> memref<1x128xi32, #tpu.memory_space<vmem>>
      %dma_start3A_3526 = tpu.memref_squeeze %dma_start3A_3525 : memref<1x128xi32, #tpu.memory_space<vmem>> -> memref<128xi32, #tpu.memory_space<vmem>>
      %dma_start3A_3527 = tpu.memref_slice %arg3[%add3A_171] : memref<16384xi32, #tpu.memory_space<hbm>> -> memref<128xi32, #tpu.memory_space<hbm>>
      %dma_start3A_3528 = arith.constant 0 : i32
      %dma_start3A_3529 = tpu.memref_slice %arg7[%run_scoped3A_172, %dma_start3A_3528] : memref<8x128xi32, #tpu.memory_space<vmem>> -> memref<1x128xi32, #tpu.memory_space<vmem>>
      %dma_start3A_3530 = tpu.memref_squeeze %dma_start3A_3529 : memref<1x128xi32, #tpu.memory_space<vmem>> -> memref<128xi32, #tpu.memory_space<vmem>>
      %dma_start3A_3531 = tpu.memref_slice %arg3[%add3A_171] : memref<16384xi32, #tpu.memory_space<hbm>> -> memref<128xi32, #tpu.memory_space<hbm>>
      tpu.enqueue_dma source(%dma_start3A_3531 : memref<128xi32, #tpu.memory_space<hbm>>) target(%dma_start3A_3530 : memref<128xi32, #tpu.memory_space<vmem>>) target_semaphore(%run_scoped3A_3524 : memref<!tpu.dma_semaphore, #tpu.memory_space<semaphore_mem>>)
      %dma_wait3A = arith.constant 0 : i32
      %dma_wait3A_3532 = tpu.memref_slice %arg7[%run_scoped3A_172, %dma_wait3A] : memref<8x128xi32, #tpu.memory_space<vmem>> -> memref<1x128xi32, #tpu.memory_space<vmem>>
      %dma_wait3A_3533 = tpu.memref_squeeze %dma_wait3A_3532 : memref<1x128xi32, #tpu.memory_space<vmem>> -> memref<128xi32, #tpu.memory_space<vmem>>
      %dma_wait3A_3534 = tpu.memref_slice %arg3[%add3A_171] : memref<16384xi32, #tpu.memory_space<hbm>> -> memref<128xi32, #tpu.memory_space<hbm>>
      %dma_wait3A_3535 = arith.constant 0 : i32
      %dma_wait3A_3536 = tpu.memref_slice %arg7[%run_scoped3A_172, %dma_wait3A_3535] : memref<8x128xi32, #tpu.memory_space<vmem>> -> memref<1x128xi32, #tpu.memory_space<vmem>>
      %dma_wait3A_3537 = tpu.memref_squeeze %dma_wait3A_3536 : memref<1x128xi32, #tpu.memory_space<vmem>> -> memref<128xi32, #tpu.memory_space<vmem>>
      %dma_wait3A_3538 = tpu.memref_slice %arg3[%add3A_171] : memref<16384xi32, #tpu.memory_space<hbm>> -> memref<128xi32, #tpu.memory_space<hbm>>
      tpu.wait_dma2 semaphore(%run_scoped3A_3524 : memref<!tpu.dma_semaphore, #tpu.memory_space<semaphore_mem>>) src(%dma_wait3A_3538 : memref<128xi32, #tpu.memory_space<hbm>>) dst(%dma_wait3A_3537 : memref<128xi32, #tpu.memory_space<vmem>>)
      tpu.yield
    }) : () -> ()
    %add3A_173 = arith.constant 6144 : i32
    %add3A_174 = arith.addi %add3A_143, %add3A_173 : i32
    %add3A_175 = arith.constant 0 : i32
    %add3A_176 = arith.addi %add3A_174, %add3A_175 : i32
    %run_scoped3A_177 = arith.constant 6 : i32
    "tpu.region"() ({
      %run_scoped3A_3524 = tpu.sem_alloc : memref<!tpu.dma_semaphore, #tpu.memory_space<semaphore_mem>>
      %dma_start3A = arith.constant 0 : i32
      %dma_start3A_3525 = tpu.memref_slice %arg7[%run_scoped3A_177, %dma_start3A] : memref<8x128xi32, #tpu.memory_space<vmem>> -> memref<1x128xi32, #tpu.memory_space<vmem>>
      %dma_start3A_3526 = tpu.memref_squeeze %dma_start3A_3525 : memref<1x128xi32, #tpu.memory_space<vmem>> -> memref<128xi32, #tpu.memory_space<vmem>>
      %dma_start3A_3527 = tpu.memref_slice %arg3[%add3A_176] : memref<16384xi32, #tpu.memory_space<hbm>> -> memref<128xi32, #tpu.memory_space<hbm>>
      %dma_start3A_3528 = arith.constant 0 : i32
      %dma_start3A_3529 = tpu.memref_slice %arg7[%run_scoped3A_177, %dma_start3A_3528] : memref<8x128xi32, #tpu.memory_space<vmem>> -> memref<1x128xi32, #tpu.memory_space<vmem>>
      %dma_start3A_3530 = tpu.memref_squeeze %dma_start3A_3529 : memref<1x128xi32, #tpu.memory_space<vmem>> -> memref<128xi32, #tpu.memory_space<vmem>>
      %dma_start3A_3531 = tpu.memref_slice %arg3[%add3A_176] : memref<16384xi32, #tpu.memory_space<hbm>> -> memref<128xi32, #tpu.memory_space<hbm>>
      tpu.enqueue_dma source(%dma_start3A_3531 : memref<128xi32, #tpu.memory_space<hbm>>) target(%dma_start3A_3530 : memref<128xi32, #tpu.memory_space<vmem>>) target_semaphore(%run_scoped3A_3524 : memref<!tpu.dma_semaphore, #tpu.memory_space<semaphore_mem>>)
      %dma_wait3A = arith.constant 0 : i32
      %dma_wait3A_3532 = tpu.memref_slice %arg7[%run_scoped3A_177, %dma_wait3A] : memref<8x128xi32, #tpu.memory_space<vmem>> -> memref<1x128xi32, #tpu.memory_space<vmem>>
      %dma_wait3A_3533 = tpu.memref_squeeze %dma_wait3A_3532 : memref<1x128xi32, #tpu.memory_space<vmem>> -> memref<128xi32, #tpu.memory_space<vmem>>
      %dma_wait3A_3534 = tpu.memref_slice %arg3[%add3A_176] : memref<16384xi32, #tpu.memory_space<hbm>> -> memref<128xi32, #tpu.memory_space<hbm>>
      %dma_wait3A_3535 = arith.constant 0 : i32
      %dma_wait3A_3536 = tpu.memref_slice %arg7[%run_scoped3A_177, %dma_wait3A_3535] : memref<8x128xi32, #tpu.memory_space<vmem>> -> memref<1x128xi32, #tpu.memory_space<vmem>>
      %dma_wait3A_3537 = tpu.memref_squeeze %dma_wait3A_3536 : memref<1x128xi32, #tpu.memory_space<vmem>> -> memref<128xi32, #tpu.memory_space<vmem>>
      %dma_wait3A_3538 = tpu.memref_slice %arg3[%add3A_176] : memref<16384xi32, #tpu.memory_space<hbm>> -> memref<128xi32, #tpu.memory_space<hbm>>
      tpu.wait_dma2 semaphore(%run_scoped3A_3524 : memref<!tpu.dma_semaphore, #tpu.memory_space<semaphore_mem>>) src(%dma_wait3A_3538 : memref<128xi32, #tpu.memory_space<hbm>>) dst(%dma_wait3A_3537 : memref<128xi32, #tpu.memory_space<vmem>>)
      tpu.yield
    }) : () -> ()
    %add3A_178 = arith.constant 6144 : i32
    %add3A_179 = arith.addi %add3A_143, %add3A_178 : i32
    %add3A_180 = arith.constant 128 : i32
    %add3A_181 = arith.addi %add3A_179, %add3A_180 : i32
    %run_scoped3A_182 = arith.constant 7 : i32
    "tpu.region"() ({
      %run_scoped3A_3524 = tpu.sem_alloc : memref<!tpu.dma_semaphore, #tpu.memory_space<semaphore_mem>>
      %dma_start3A = arith.constant 0 : i32
      %dma_start3A_3525 = tpu.memref_slice %arg7[%run_scoped3A_182, %dma_start3A] : memref<8x128xi32, #tpu.memory_space<vmem>> -> memref<1x128xi32, #tpu.memory_space<vmem>>
      %dma_start3A_3526 = tpu.memref_squeeze %dma_start3A_3525 : memref<1x128xi32, #tpu.memory_space<vmem>> -> memref<128xi32, #tpu.memory_space<vmem>>
      %dma_start3A_3527 = tpu.memref_slice %arg3[%add3A_181] : memref<16384xi32, #tpu.memory_space<hbm>> -> memref<128xi32, #tpu.memory_space<hbm>>
      %dma_start3A_3528 = arith.constant 0 : i32
      %dma_start3A_3529 = tpu.memref_slice %arg7[%run_scoped3A_182, %dma_start3A_3528] : memref<8x128xi32, #tpu.memory_space<vmem>> -> memref<1x128xi32, #tpu.memory_space<vmem>>
      %dma_start3A_3530 = tpu.memref_squeeze %dma_start3A_3529 : memref<1x128xi32, #tpu.memory_space<vmem>> -> memref<128xi32, #tpu.memory_space<vmem>>
      %dma_start3A_3531 = tpu.memref_slice %arg3[%add3A_181] : memref<16384xi32, #tpu.memory_space<hbm>> -> memref<128xi32, #tpu.memory_space<hbm>>
      tpu.enqueue_dma source(%dma_start3A_3531 : memref<128xi32, #tpu.memory_space<hbm>>) target(%dma_start3A_3530 : memref<128xi32, #tpu.memory_space<vmem>>) target_semaphore(%run_scoped3A_3524 : memref<!tpu.dma_semaphore, #tpu.memory_space<semaphore_mem>>)
      %dma_wait3A = arith.constant 0 : i32
      %dma_wait3A_3532 = tpu.memref_slice %arg7[%run_scoped3A_182, %dma_wait3A] : memref<8x128xi32, #tpu.memory_space<vmem>> -> memref<1x128xi32, #tpu.memory_space<vmem>>
      %dma_wait3A_3533 = tpu.memref_squeeze %dma_wait3A_3532 : memref<1x128xi32, #tpu.memory_space<vmem>> -> memref<128xi32, #tpu.memory_space<vmem>>
      %dma_wait3A_3534 = tpu.memref_slice %arg3[%add3A_181] : memref<16384xi32, #tpu.memory_space<hbm>> -> memref<128xi32, #tpu.memory_space<hbm>>
      %dma_wait3A_3535 = arith.constant 0 : i32
      %dma_wait3A_3536 = tpu.memref_slice %arg7[%run_scoped3A_182, %dma_wait3A_3535] : memref<8x128xi32, #tpu.memory_space<vmem>> -> memref<1x128xi32, #tpu.memory_space<vmem>>
      %dma_wait3A_3537 = tpu.memref_squeeze %dma_wait3A_3536 : memref<1x128xi32, #tpu.memory_space<vmem>> -> memref<128xi32, #tpu.memory_space<vmem>>
      %dma_wait3A_3538 = tpu.memref_slice %arg3[%add3A_181] : memref<16384xi32, #tpu.memory_space<hbm>> -> memref<128xi32, #tpu.memory_space<hbm>>
      tpu.wait_dma2 semaphore(%run_scoped3A_3524 : memref<!tpu.dma_semaphore, #tpu.memory_space<semaphore_mem>>) src(%dma_wait3A_3538 : memref<128xi32, #tpu.memory_space<hbm>>) dst(%dma_wait3A_3537 : memref<128xi32, #tpu.memory_space<vmem>>)
      tpu.yield
    }) : () -> ()
    %mul3A_183 = arith.constant 53248 : i32
    %mul3A_184 = arith.muli %arg0, %mul3A_183 : i32
    %iota3A = tpu.iota {dimensions = array<i32: 0>} : vector<16xi32>
    %add3A_185 = arith.constant 0 : i32
    %add3A_186 = vector.broadcast %add3A_185 : i32 to vector<16xi32>
    %add3A_187 = arith.addi %add3A_186, %iota3A : vector<16xi32>
    %and3A_188 = arith.constant 3 : i32
    %and3A_189 = vector.broadcast %and3A_188 : i32 to vector<16xi32>
    %and3A_190 = arith.andi %add3A_187, %and3A_189 : vector<16xi32>
    %mul3A_191 = arith.constant 256 : i32
    %mul3A_192 = vector.broadcast %mul3A_191 : i32 to vector<16xi32>
    %mul3A_193 = arith.muli %and3A_190, %mul3A_192 : vector<16xi32>
    %shift_right_arithmetic3A_194 = arith.constant 2 : i32
    %shift_right_arithmetic3A_195 = vector.broadcast %shift_right_arithmetic3A_194 : i32 to vector<16xi32>
    %shift_right_arithmetic3A_196 = arith.shrsi %add3A_187, %shift_right_arithmetic3A_195 : vector<16xi32>
    %add3A_197 = arith.addi %mul3A_193, %shift_right_arithmetic3A_196 : vector<16xi32>
    %shift_right_arithmetic3A_198 = arith.constant 7 : i32
    %shift_right_arithmetic3A_199 = vector.broadcast %shift_right_arithmetic3A_198 : i32 to vector<16xi32>
    %shift_right_arithmetic3A_200 = arith.shrsi %add3A_197, %shift_right_arithmetic3A_199 : vector<16xi32>
    %and3A_201 = arith.constant 127 : i32
    %and3A_202 = vector.broadcast %and3A_201 : i32 to vector<16xi32>
    %and3A_203 = arith.andi %add3A_197, %and3A_202 : vector<16xi32>
    %gather3A = tpu.vector_load_idx %arg7[%shift_right_arithmetic3A_200, %and3A_203] : memref<8x128xi32, #tpu.memory_space<vmem>>[vector<16xi32>, vector<16xi32>], vector<16xi32>,
    %and3A_204 = arith.constant 8191 : i32
    %and3A_205 = vector.broadcast %and3A_204 : i32 to vector<16xi32>
    %and3A_206 = arith.andi %gather3A, %and3A_205 : vector<16xi32>
    %sub3A = arith.subi %gather3A, %and3A_206 : vector<16xi32>
    %and3A_207 = arith.constant 2047 : i32
    %and3A_208 = vector.broadcast %and3A_207 : i32 to vector<16xi32>
    %and3A_209 = arith.andi %and3A_206, %and3A_208 : vector<16xi32>
    %shift_left3A = arith.constant 2 : i32
    %shift_left3A_210 = vector.broadcast %shift_left3A : i32 to vector<16xi32>
    %shift_left3A_211 = arith.shli %and3A_209, %shift_left3A_210 : vector<16xi32>
    %add3A_212 = arith.addi %sub3A, %shift_left3A_211 : vector<16xi32>
    %shift_right_arithmetic3A_213 = arith.constant 11 : i32
    %shift_right_arithmetic3A_214 = vector.broadcast %shift_right_arithmetic3A_213 : i32 to vector<16xi32>
    %shift_right_arithmetic3A_215 = arith.shrsi %and3A_206, %shift_right_arithmetic3A_214 : vector<16xi32>
    %add3A_216 = arith.addi %add3A_212, %shift_right_arithmetic3A_215 : vector<16xi32>
    %sub3A_217 = vector.broadcast %mul3A_184 : i32 to vector<16xi32>
    %sub3A_218 = arith.subi %add3A_216, %sub3A_217 : vector<16xi32>
    %lt3A = arith.constant 0 : i32
    %lt3A_219 = vector.broadcast %lt3A : i32 to vector<16xi32>
    %lt3A_220 = arith.cmpi slt, %sub3A_218, %lt3A_219 : vector<16xi32>
    %ge3A = arith.constant 53248 : i32
    %ge3A_221 = vector.broadcast %ge3A : i32 to vector<16xi32>
    %ge3A_222 = arith.cmpi sge, %sub3A_218, %ge3A_221 : vector<16xi32>
    %or3A = arith.ori %lt3A_220, %ge3A_222 : vector<16xi1>
    %jit3A = arith.constant 53248 : i32
    %broadcast_in_dim3A_223 = vector.broadcast %jit3A : i32 to vector<16xi32>
    %select_n3A = arith.select %or3A, %broadcast_in_dim3A_223, %sub3A_218 : vector<16xi1>, vector<16xi32>
    %swap3A = arith.constant 0 : i32
    %swap3A_224 = arith.index_cast %swap3A : i32 to index
    %swap3A_225 = arith.constant 0 : index
    %swap3A_226 = tpu.vector_load %arg8[%swap3A_224, %swap3A_225] {strides = array<i32>} : memref<8x128xi32, #tpu.memory_space<vmem>>, vector<16xi32>,
    tpu.vector_store %arg8[%swap3A_224, %swap3A_225], %select_n3A {strides = array<i32>} : memref<8x128xi32, #tpu.memory_space<vmem>>, vector<16xi32>,
    %iota3A_227 = tpu.iota {dimensions = array<i32: 0>} : vector<16xi32>
    %add3A_228 = arith.constant 16 : i32
    %add3A_229 = vector.broadcast %add3A_228 : i32 to vector<16xi32>
    %add3A_230 = arith.addi %add3A_229, %iota3A_227 : vector<16xi32>
    %and3A_231 = arith.constant 3 : i32
    %and3A_232 = vector.broadcast %and3A_231 : i32 to vector<16xi32>
    %and3A_233 = arith.andi %add3A_230, %and3A_232 : vector<16xi32>
    %mul3A_234 = arith.constant 256 : i32
    %mul3A_235 = vector.broadcast %mul3A_234 : i32 to vector<16xi32>
    %mul3A_236 = arith.muli %and3A_233, %mul3A_235 : vector<16xi32>
    %shift_right_arithmetic3A_237 = arith.constant 2 : i32
    %shift_right_arithmetic3A_238 = vector.broadcast %shift_right_arithmetic3A_237 : i32 to vector<16xi32>
    %shift_right_arithmetic3A_239 = arith.shrsi %add3A_230, %shift_right_arithmetic3A_238 : vector<16xi32>
    %add3A_240 = arith.addi %mul3A_236, %shift_right_arithmetic3A_239 : vector<16xi32>
    %shift_right_arithmetic3A_241 = arith.constant 7 : i32
    %shift_right_arithmetic3A_242 = vector.broadcast %shift_right_arithmetic3A_241 : i32 to vector<16xi32>
    %shift_right_arithmetic3A_243 = arith.shrsi %add3A_240, %shift_right_arithmetic3A_242 : vector<16xi32>
    %and3A_244 = arith.constant 127 : i32
    %and3A_245 = vector.broadcast %and3A_244 : i32 to vector<16xi32>
    %and3A_246 = arith.andi %add3A_240, %and3A_245 : vector<16xi32>
    %gather3A_247 = tpu.vector_load_idx %arg7[%shift_right_arithmetic3A_243, %and3A_246] : memref<8x128xi32, #tpu.memory_space<vmem>>[vector<16xi32>, vector<16xi32>], vector<16xi32>,
    %and3A_248 = arith.constant 8191 : i32
    %and3A_249 = vector.broadcast %and3A_248 : i32 to vector<16xi32>
    %and3A_250 = arith.andi %gather3A_247, %and3A_249 : vector<16xi32>
    %sub3A_251 = arith.subi %gather3A_247, %and3A_250 : vector<16xi32>
    %and3A_252 = arith.constant 2047 : i32
    %and3A_253 = vector.broadcast %and3A_252 : i32 to vector<16xi32>
    %and3A_254 = arith.andi %and3A_250, %and3A_253 : vector<16xi32>
    %shift_left3A_255 = arith.constant 2 : i32
    %shift_left3A_256 = vector.broadcast %shift_left3A_255 : i32 to vector<16xi32>
    %shift_left3A_257 = arith.shli %and3A_254, %shift_left3A_256 : vector<16xi32>
    %add3A_258 = arith.addi %sub3A_251, %shift_left3A_257 : vector<16xi32>
    %shift_right_arithmetic3A_259 = arith.constant 11 : i32
    %shift_right_arithmetic3A_260 = vector.broadcast %shift_right_arithmetic3A_259 : i32 to vector<16xi32>
    %shift_right_arithmetic3A_261 = arith.shrsi %and3A_250, %shift_right_arithmetic3A_260 : vector<16xi32>
    %add3A_262 = arith.addi %add3A_258, %shift_right_arithmetic3A_261 : vector<16xi32>
    %sub3A_263 = vector.broadcast %mul3A_184 : i32 to vector<16xi32>
    %sub3A_264 = arith.subi %add3A_262, %sub3A_263 : vector<16xi32>
    %lt3A_265 = arith.constant 0 : i32
    %lt3A_266 = vector.broadcast %lt3A_265 : i32 to vector<16xi32>
    %lt3A_267 = arith.cmpi slt, %sub3A_264, %lt3A_266 : vector<16xi32>
    %ge3A_268 = arith.constant 53248 : i32
    %ge3A_269 = vector.broadcast %ge3A_268 : i32 to vector<16xi32>
    %ge3A_270 = arith.cmpi sge, %sub3A_264, %ge3A_269 : vector<16xi32>
    %or3A_271 = arith.ori %lt3A_267, %ge3A_270 : vector<16xi1>
    %jit3A_272 = arith.constant 53248 : i32
    %broadcast_in_dim3A_273 = vector.broadcast %jit3A_272 : i32 to vector<16xi32>
    %select_n3A_274 = arith.select %or3A_271, %broadcast_in_dim3A_273, %sub3A_264 : vector<16xi1>, vector<16xi32>
    %swap3A_275 = arith.constant 0 : i32
    %swap3A_276 = arith.index_cast %swap3A_275 : i32 to index
    %swap3A_277 = arith.constant 16 : index
    %swap3A_278 = tpu.vector_load %arg8[%swap3A_276, %swap3A_277] {strides = array<i32>} : memref<8x128xi32, #tpu.memory_space<vmem>>, vector<16xi32>,
    tpu.vector_store %arg8[%swap3A_276, %swap3A_277], %select_n3A_274 {strides = array<i32>} : memref<8x128xi32, #tpu.memory_space<vmem>>, vector<16xi32>,
    %iota3A_279 = tpu.iota {dimensions = array<i32: 0>} : vector<16xi32>
    %add3A_280 = arith.constant 32 : i32
    %add3A_281 = vector.broadcast %add3A_280 : i32 to vector<16xi32>
    %add3A_282 = arith.addi %add3A_281, %iota3A_279 : vector<16xi32>
    %and3A_283 = arith.constant 3 : i32
    %and3A_284 = vector.broadcast %and3A_283 : i32 to vector<16xi32>
    %and3A_285 = arith.andi %add3A_282, %and3A_284 : vector<16xi32>
    %mul3A_286 = arith.constant 256 : i32
    %mul3A_287 = vector.broadcast %mul3A_286 : i32 to vector<16xi32>
    %mul3A_288 = arith.muli %and3A_285, %mul3A_287 : vector<16xi32>
    %shift_right_arithmetic3A_289 = arith.constant 2 : i32
    %shift_right_arithmetic3A_290 = vector.broadcast %shift_right_arithmetic3A_289 : i32 to vector<16xi32>
    %shift_right_arithmetic3A_291 = arith.shrsi %add3A_282, %shift_right_arithmetic3A_290 : vector<16xi32>
    %add3A_292 = arith.addi %mul3A_288, %shift_right_arithmetic3A_291 : vector<16xi32>
    %shift_right_arithmetic3A_293 = arith.constant 7 : i32
    %shift_right_arithmetic3A_294 = vector.broadcast %shift_right_arithmetic3A_293 : i32 to vector<16xi32>
    %shift_right_arithmetic3A_295 = arith.shrsi %add3A_292, %shift_right_arithmetic3A_294 : vector<16xi32>
    %and3A_296 = arith.constant 127 : i32
    %and3A_297 = vector.broadcast %and3A_296 : i32 to vector<16xi32>
    %and3A_298 = arith.andi %add3A_292, %and3A_297 : vector<16xi32>
    %gather3A_299 = tpu.vector_load_idx %arg7[%shift_right_arithmetic3A_295, %and3A_298] : memref<8x128xi32, #tpu.memory_space<vmem>>[vector<16xi32>, vector<16xi32>], vector<16xi32>,
    %and3A_300 = arith.constant 8191 : i32
    %and3A_301 = vector.broadcast %and3A_300 : i32 to vector<16xi32>
    %and3A_302 = arith.andi %gather3A_299, %and3A_301 : vector<16xi32>
    %sub3A_303 = arith.subi %gather3A_299, %and3A_302 : vector<16xi32>
    %and3A_304 = arith.constant 2047 : i32
    %and3A_305 = vector.broadcast %and3A_304 : i32 to vector<16xi32>
    %and3A_306 = arith.andi %and3A_302, %and3A_305 : vector<16xi32>
    %shift_left3A_307 = arith.constant 2 : i32
    %shift_left3A_308 = vector.broadcast %shift_left3A_307 : i32 to vector<16xi32>
    %shift_left3A_309 = arith.shli %and3A_306, %shift_left3A_308 : vector<16xi32>
    %add3A_310 = arith.addi %sub3A_303, %shift_left3A_309 : vector<16xi32>
    %shift_right_arithmetic3A_311 = arith.constant 11 : i32
    %shift_right_arithmetic3A_312 = vector.broadcast %shift_right_arithmetic3A_311 : i32 to vector<16xi32>
    %shift_right_arithmetic3A_313 = arith.shrsi %and3A_302, %shift_right_arithmetic3A_312 : vector<16xi32>
    %add3A_314 = arith.addi %add3A_310, %shift_right_arithmetic3A_313 : vector<16xi32>
    %sub3A_315 = vector.broadcast %mul3A_184 : i32 to vector<16xi32>
    %sub3A_316 = arith.subi %add3A_314, %sub3A_315 : vector<16xi32>
    %lt3A_317 = arith.constant 0 : i32
    %lt3A_318 = vector.broadcast %lt3A_317 : i32 to vector<16xi32>
    %lt3A_319 = arith.cmpi slt, %sub3A_316, %lt3A_318 : vector<16xi32>
    %ge3A_320 = arith.constant 53248 : i32
    %ge3A_321 = vector.broadcast %ge3A_320 : i32 to vector<16xi32>
    %ge3A_322 = arith.cmpi sge, %sub3A_316, %ge3A_321 : vector<16xi32>
    %or3A_323 = arith.ori %lt3A_319, %ge3A_322 : vector<16xi1>
    %jit3A_324 = arith.constant 53248 : i32
    %broadcast_in_dim3A_325 = vector.broadcast %jit3A_324 : i32 to vector<16xi32>
    %select_n3A_326 = arith.select %or3A_323, %broadcast_in_dim3A_325, %sub3A_316 : vector<16xi1>, vector<16xi32>
    %swap3A_327 = arith.constant 0 : i32
    %swap3A_328 = arith.index_cast %swap3A_327 : i32 to index
    %swap3A_329 = arith.constant 32 : index
    %swap3A_330 = tpu.vector_load %arg8[%swap3A_328, %swap3A_329] {strides = array<i32>} : memref<8x128xi32, #tpu.memory_space<vmem>>, vector<16xi32>,
    tpu.vector_store %arg8[%swap3A_328, %swap3A_329], %select_n3A_326 {strides = array<i32>} : memref<8x128xi32, #tpu.memory_space<vmem>>, vector<16xi32>,
    %iota3A_331 = tpu.iota {dimensions = array<i32: 0>} : vector<16xi32>
    %add3A_332 = arith.constant 48 : i32
    %add3A_333 = vector.broadcast %add3A_332 : i32 to vector<16xi32>
    %add3A_334 = arith.addi %add3A_333, %iota3A_331 : vector<16xi32>
    %and3A_335 = arith.constant 3 : i32
    %and3A_336 = vector.broadcast %and3A_335 : i32 to vector<16xi32>
    %and3A_337 = arith.andi %add3A_334, %and3A_336 : vector<16xi32>
    %mul3A_338 = arith.constant 256 : i32
    %mul3A_339 = vector.broadcast %mul3A_338 : i32 to vector<16xi32>
    %mul3A_340 = arith.muli %and3A_337, %mul3A_339 : vector<16xi32>
    %shift_right_arithmetic3A_341 = arith.constant 2 : i32
    %shift_right_arithmetic3A_342 = vector.broadcast %shift_right_arithmetic3A_341 : i32 to vector<16xi32>
    %shift_right_arithmetic3A_343 = arith.shrsi %add3A_334, %shift_right_arithmetic3A_342 : vector<16xi32>
    %add3A_344 = arith.addi %mul3A_340, %shift_right_arithmetic3A_343 : vector<16xi32>
    %shift_right_arithmetic3A_345 = arith.constant 7 : i32
    %shift_right_arithmetic3A_346 = vector.broadcast %shift_right_arithmetic3A_345 : i32 to vector<16xi32>
    %shift_right_arithmetic3A_347 = arith.shrsi %add3A_344, %shift_right_arithmetic3A_346 : vector<16xi32>
    %and3A_348 = arith.constant 127 : i32
    %and3A_349 = vector.broadcast %and3A_348 : i32 to vector<16xi32>
    %and3A_350 = arith.andi %add3A_344, %and3A_349 : vector<16xi32>
    %gather3A_351 = tpu.vector_load_idx %arg7[%shift_right_arithmetic3A_347, %and3A_350] : memref<8x128xi32, #tpu.memory_space<vmem>>[vector<16xi32>, vector<16xi32>], vector<16xi32>,
    %and3A_352 = arith.constant 8191 : i32
    %and3A_353 = vector.broadcast %and3A_352 : i32 to vector<16xi32>
    %and3A_354 = arith.andi %gather3A_351, %and3A_353 : vector<16xi32>
    %sub3A_355 = arith.subi %gather3A_351, %and3A_354 : vector<16xi32>
    %and3A_356 = arith.constant 2047 : i32
    %and3A_357 = vector.broadcast %and3A_356 : i32 to vector<16xi32>
    %and3A_358 = arith.andi %and3A_354, %and3A_357 : vector<16xi32>
    %shift_left3A_359 = arith.constant 2 : i32
    %shift_left3A_360 = vector.broadcast %shift_left3A_359 : i32 to vector<16xi32>
    %shift_left3A_361 = arith.shli %and3A_358, %shift_left3A_360 : vector<16xi32>
    %add3A_362 = arith.addi %sub3A_355, %shift_left3A_361 : vector<16xi32>
    %shift_right_arithmetic3A_363 = arith.constant 11 : i32
    %shift_right_arithmetic3A_364 = vector.broadcast %shift_right_arithmetic3A_363 : i32 to vector<16xi32>
    %shift_right_arithmetic3A_365 = arith.shrsi %and3A_354, %shift_right_arithmetic3A_364 : vector<16xi32>
    %add3A_366 = arith.addi %add3A_362, %shift_right_arithmetic3A_365 : vector<16xi32>
    %sub3A_367 = vector.broadcast %mul3A_184 : i32 to vector<16xi32>
    %sub3A_368 = arith.subi %add3A_366, %sub3A_367 : vector<16xi32>
    %lt3A_369 = arith.constant 0 : i32
    %lt3A_370 = vector.broadcast %lt3A_369 : i32 to vector<16xi32>
    %lt3A_371 = arith.cmpi slt, %sub3A_368, %lt3A_370 : vector<16xi32>
    %ge3A_372 = arith.constant 53248 : i32
    %ge3A_373 = vector.broadcast %ge3A_372 : i32 to vector<16xi32>
    %ge3A_374 = arith.cmpi sge, %sub3A_368, %ge3A_373 : vector<16xi32>
    %or3A_375 = arith.ori %lt3A_371, %ge3A_374 : vector<16xi1>
    %jit3A_376 = arith.constant 53248 : i32
    %broadcast_in_dim3A_377 = vector.broadcast %jit3A_376 : i32 to vector<16xi32>
    %select_n3A_378 = arith.select %or3A_375, %broadcast_in_dim3A_377, %sub3A_368 : vector<16xi1>, vector<16xi32>
    %swap3A_379 = arith.constant 0 : i32
    %swap3A_380 = arith.index_cast %swap3A_379 : i32 to index
    %swap3A_381 = arith.constant 48 : index
    %swap3A_382 = tpu.vector_load %arg8[%swap3A_380, %swap3A_381] {strides = array<i32>} : memref<8x128xi32, #tpu.memory_space<vmem>>, vector<16xi32>,
    tpu.vector_store %arg8[%swap3A_380, %swap3A_381], %select_n3A_378 {strides = array<i32>} : memref<8x128xi32, #tpu.memory_space<vmem>>, vector<16xi32>,
    %iota3A_383 = tpu.iota {dimensions = array<i32: 0>} : vector<16xi32>
    %add3A_384 = arith.constant 64 : i32
    %add3A_385 = vector.broadcast %add3A_384 : i32 to vector<16xi32>
    %add3A_386 = arith.addi %add3A_385, %iota3A_383 : vector<16xi32>
    %and3A_387 = arith.constant 3 : i32
    %and3A_388 = vector.broadcast %and3A_387 : i32 to vector<16xi32>
    %and3A_389 = arith.andi %add3A_386, %and3A_388 : vector<16xi32>
    %mul3A_390 = arith.constant 256 : i32
    %mul3A_391 = vector.broadcast %mul3A_390 : i32 to vector<16xi32>
    %mul3A_392 = arith.muli %and3A_389, %mul3A_391 : vector<16xi32>
    %shift_right_arithmetic3A_393 = arith.constant 2 : i32
    %shift_right_arithmetic3A_394 = vector.broadcast %shift_right_arithmetic3A_393 : i32 to vector<16xi32>
    %shift_right_arithmetic3A_395 = arith.shrsi %add3A_386, %shift_right_arithmetic3A_394 : vector<16xi32>
    %add3A_396 = arith.addi %mul3A_392, %shift_right_arithmetic3A_395 : vector<16xi32>
    %shift_right_arithmetic3A_397 = arith.constant 7 : i32
    %shift_right_arithmetic3A_398 = vector.broadcast %shift_right_arithmetic3A_397 : i32 to vector<16xi32>
    %shift_right_arithmetic3A_399 = arith.shrsi %add3A_396, %shift_right_arithmetic3A_398 : vector<16xi32>
    %and3A_400 = arith.constant 127 : i32
    %and3A_401 = vector.broadcast %and3A_400 : i32 to vector<16xi32>
    %and3A_402 = arith.andi %add3A_396, %and3A_401 : vector<16xi32>
    %gather3A_403 = tpu.vector_load_idx %arg7[%shift_right_arithmetic3A_399, %and3A_402] : memref<8x128xi32, #tpu.memory_space<vmem>>[vector<16xi32>, vector<16xi32>], vector<16xi32>,
    %and3A_404 = arith.constant 8191 : i32
    %and3A_405 = vector.broadcast %and3A_404 : i32 to vector<16xi32>
    %and3A_406 = arith.andi %gather3A_403, %and3A_405 : vector<16xi32>
    %sub3A_407 = arith.subi %gather3A_403, %and3A_406 : vector<16xi32>
    %and3A_408 = arith.constant 2047 : i32
    %and3A_409 = vector.broadcast %and3A_408 : i32 to vector<16xi32>
    %and3A_410 = arith.andi %and3A_406, %and3A_409 : vector<16xi32>
    %shift_left3A_411 = arith.constant 2 : i32
    %shift_left3A_412 = vector.broadcast %shift_left3A_411 : i32 to vector<16xi32>
    %shift_left3A_413 = arith.shli %and3A_410, %shift_left3A_412 : vector<16xi32>
    %add3A_414 = arith.addi %sub3A_407, %shift_left3A_413 : vector<16xi32>
    %shift_right_arithmetic3A_415 = arith.constant 11 : i32
    %shift_right_arithmetic3A_416 = vector.broadcast %shift_right_arithmetic3A_415 : i32 to vector<16xi32>
    %shift_right_arithmetic3A_417 = arith.shrsi %and3A_406, %shift_right_arithmetic3A_416 : vector<16xi32>
    %add3A_418 = arith.addi %add3A_414, %shift_right_arithmetic3A_417 : vector<16xi32>
    %sub3A_419 = vector.broadcast %mul3A_184 : i32 to vector<16xi32>
    %sub3A_420 = arith.subi %add3A_418, %sub3A_419 : vector<16xi32>
    %lt3A_421 = arith.constant 0 : i32
    %lt3A_422 = vector.broadcast %lt3A_421 : i32 to vector<16xi32>
    %lt3A_423 = arith.cmpi slt, %sub3A_420, %lt3A_422 : vector<16xi32>
    %ge3A_424 = arith.constant 53248 : i32
    %ge3A_425 = vector.broadcast %ge3A_424 : i32 to vector<16xi32>
    %ge3A_426 = arith.cmpi sge, %sub3A_420, %ge3A_425 : vector<16xi32>
    %or3A_427 = arith.ori %lt3A_423, %ge3A_426 : vector<16xi1>
    %jit3A_428 = arith.constant 53248 : i32
    %broadcast_in_dim3A_429 = vector.broadcast %jit3A_428 : i32 to vector<16xi32>
    %select_n3A_430 = arith.select %or3A_427, %broadcast_in_dim3A_429, %sub3A_420 : vector<16xi1>, vector<16xi32>
    %swap3A_431 = arith.constant 0 : i32
    %swap3A_432 = arith.index_cast %swap3A_431 : i32 to index
    %swap3A_433 = arith.constant 64 : index
    %swap3A_434 = tpu.vector_load %arg8[%swap3A_432, %swap3A_433] {strides = array<i32>} : memref<8x128xi32, #tpu.memory_space<vmem>>, vector<16xi32>,
    tpu.vector_store %arg8[%swap3A_432, %swap3A_433], %select_n3A_430 {strides = array<i32>} : memref<8x128xi32, #tpu.memory_space<vmem>>, vector<16xi32>,
    %iota3A_435 = tpu.iota {dimensions = array<i32: 0>} : vector<16xi32>
    %add3A_436 = arith.constant 80 : i32
    %add3A_437 = vector.broadcast %add3A_436 : i32 to vector<16xi32>
    %add3A_438 = arith.addi %add3A_437, %iota3A_435 : vector<16xi32>
    %and3A_439 = arith.constant 3 : i32
    %and3A_440 = vector.broadcast %and3A_439 : i32 to vector<16xi32>
    %and3A_441 = arith.andi %add3A_438, %and3A_440 : vector<16xi32>
    %mul3A_442 = arith.constant 256 : i32
    %mul3A_443 = vector.broadcast %mul3A_442 : i32 to vector<16xi32>
    %mul3A_444 = arith.muli %and3A_441, %mul3A_443 : vector<16xi32>
    %shift_right_arithmetic3A_445 = arith.constant 2 : i32
    %shift_right_arithmetic3A_446 = vector.broadcast %shift_right_arithmetic3A_445 : i32 to vector<16xi32>
    %shift_right_arithmetic3A_447 = arith.shrsi %add3A_438, %shift_right_arithmetic3A_446 : vector<16xi32>
    %add3A_448 = arith.addi %mul3A_444, %shift_right_arithmetic3A_447 : vector<16xi32>
    %shift_right_arithmetic3A_449 = arith.constant 7 : i32
    %shift_right_arithmetic3A_450 = vector.broadcast %shift_right_arithmetic3A_449 : i32 to vector<16xi32>
    %shift_right_arithmetic3A_451 = arith.shrsi %add3A_448, %shift_right_arithmetic3A_450 : vector<16xi32>
    %and3A_452 = arith.constant 127 : i32
    %and3A_453 = vector.broadcast %and3A_452 : i32 to vector<16xi32>
    %and3A_454 = arith.andi %add3A_448, %and3A_453 : vector<16xi32>
    %gather3A_455 = tpu.vector_load_idx %arg7[%shift_right_arithmetic3A_451, %and3A_454] : memref<8x128xi32, #tpu.memory_space<vmem>>[vector<16xi32>, vector<16xi32>], vector<16xi32>,
    %and3A_456 = arith.constant 8191 : i32
    %and3A_457 = vector.broadcast %and3A_456 : i32 to vector<16xi32>
    %and3A_458 = arith.andi %gather3A_455, %and3A_457 : vector<16xi32>
    %sub3A_459 = arith.subi %gather3A_455, %and3A_458 : vector<16xi32>
    %and3A_460 = arith.constant 2047 : i32
    %and3A_461 = vector.broadcast %and3A_460 : i32 to vector<16xi32>
    %and3A_462 = arith.andi %and3A_458, %and3A_461 : vector<16xi32>
    %shift_left3A_463 = arith.constant 2 : i32
    %shift_left3A_464 = vector.broadcast %shift_left3A_463 : i32 to vector<16xi32>
    %shift_left3A_465 = arith.shli %and3A_462, %shift_left3A_464 : vector<16xi32>
    %add3A_466 = arith.addi %sub3A_459, %shift_left3A_465 : vector<16xi32>
    %shift_right_arithmetic3A_467 = arith.constant 11 : i32
    %shift_right_arithmetic3A_468 = vector.broadcast %shift_right_arithmetic3A_467 : i32 to vector<16xi32>
    %shift_right_arithmetic3A_469 = arith.shrsi %and3A_458, %shift_right_arithmetic3A_468 : vector<16xi32>
    %add3A_470 = arith.addi %add3A_466, %shift_right_arithmetic3A_469 : vector<16xi32>
    %sub3A_471 = vector.broadcast %mul3A_184 : i32 to vector<16xi32>
    %sub3A_472 = arith.subi %add3A_470, %sub3A_471 : vector<16xi32>
    %lt3A_473 = arith.constant 0 : i32
    %lt3A_474 = vector.broadcast %lt3A_473 : i32 to vector<16xi32>
    %lt3A_475 = arith.cmpi slt, %sub3A_472, %lt3A_474 : vector<16xi32>
    %ge3A_476 = arith.constant 53248 : i32
    %ge3A_477 = vector.broadcast %ge3A_476 : i32 to vector<16xi32>
    %ge3A_478 = arith.cmpi sge, %sub3A_472, %ge3A_477 : vector<16xi32>
    %or3A_479 = arith.ori %lt3A_475, %ge3A_478 : vector<16xi1>
    %jit3A_480 = arith.constant 53248 : i32
    %broadcast_in_dim3A_481 = vector.broadcast %jit3A_480 : i32 to vector<16xi32>
    %select_n3A_482 = arith.select %or3A_479, %broadcast_in_dim3A_481, %sub3A_472 : vector<16xi1>, vector<16xi32>
    %swap3A_483 = arith.constant 0 : i32
    %swap3A_484 = arith.index_cast %swap3A_483 : i32 to index
    %swap3A_485 = arith.constant 80 : index
    %swap3A_486 = tpu.vector_load %arg8[%swap3A_484, %swap3A_485] {strides = array<i32>} : memref<8x128xi32, #tpu.memory_space<vmem>>, vector<16xi32>,
    tpu.vector_store %arg8[%swap3A_484, %swap3A_485], %select_n3A_482 {strides = array<i32>} : memref<8x128xi32, #tpu.memory_space<vmem>>, vector<16xi32>,
    %iota3A_487 = tpu.iota {dimensions = array<i32: 0>} : vector<16xi32>
    %add3A_488 = arith.constant 96 : i32
    %add3A_489 = vector.broadcast %add3A_488 : i32 to vector<16xi32>
    %add3A_490 = arith.addi %add3A_489, %iota3A_487 : vector<16xi32>
    %and3A_491 = arith.constant 3 : i32
    %and3A_492 = vector.broadcast %and3A_491 : i32 to vector<16xi32>
    %and3A_493 = arith.andi %add3A_490, %and3A_492 : vector<16xi32>
    %mul3A_494 = arith.constant 256 : i32
    %mul3A_495 = vector.broadcast %mul3A_494 : i32 to vector<16xi32>
    %mul3A_496 = arith.muli %and3A_493, %mul3A_495 : vector<16xi32>
    %shift_right_arithmetic3A_497 = arith.constant 2 : i32
    %shift_right_arithmetic3A_498 = vector.broadcast %shift_right_arithmetic3A_497 : i32 to vector<16xi32>
    %shift_right_arithmetic3A_499 = arith.shrsi %add3A_490, %shift_right_arithmetic3A_498 : vector<16xi32>
    %add3A_500 = arith.addi %mul3A_496, %shift_right_arithmetic3A_499 : vector<16xi32>
    %shift_right_arithmetic3A_501 = arith.constant 7 : i32
    %shift_right_arithmetic3A_502 = vector.broadcast %shift_right_arithmetic3A_501 : i32 to vector<16xi32>
    %shift_right_arithmetic3A_503 = arith.shrsi %add3A_500, %shift_right_arithmetic3A_502 : vector<16xi32>
    %and3A_504 = arith.constant 127 : i32
    %and3A_505 = vector.broadcast %and3A_504 : i32 to vector<16xi32>
    %and3A_506 = arith.andi %add3A_500, %and3A_505 : vector<16xi32>
    %gather3A_507 = tpu.vector_load_idx %arg7[%shift_right_arithmetic3A_503, %and3A_506] : memref<8x128xi32, #tpu.memory_space<vmem>>[vector<16xi32>, vector<16xi32>], vector<16xi32>,
    %and3A_508 = arith.constant 8191 : i32
    %and3A_509 = vector.broadcast %and3A_508 : i32 to vector<16xi32>
    %and3A_510 = arith.andi %gather3A_507, %and3A_509 : vector<16xi32>
    %sub3A_511 = arith.subi %gather3A_507, %and3A_510 : vector<16xi32>
    %and3A_512 = arith.constant 2047 : i32
    %and3A_513 = vector.broadcast %and3A_512 : i32 to vector<16xi32>
    %and3A_514 = arith.andi %and3A_510, %and3A_513 : vector<16xi32>
    %shift_left3A_515 = arith.constant 2 : i32
    %shift_left3A_516 = vector.broadcast %shift_left3A_515 : i32 to vector<16xi32>
    %shift_left3A_517 = arith.shli %and3A_514, %shift_left3A_516 : vector<16xi32>
    %add3A_518 = arith.addi %sub3A_511, %shift_left3A_517 : vector<16xi32>
    %shift_right_arithmetic3A_519 = arith.constant 11 : i32
    %shift_right_arithmetic3A_520 = vector.broadcast %shift_right_arithmetic3A_519 : i32 to vector<16xi32>
    %shift_right_arithmetic3A_521 = arith.shrsi %and3A_510, %shift_right_arithmetic3A_520 : vector<16xi32>
    %add3A_522 = arith.addi %add3A_518, %shift_right_arithmetic3A_521 : vector<16xi32>
    %sub3A_523 = vector.broadcast %mul3A_184 : i32 to vector<16xi32>
    %sub3A_524 = arith.subi %add3A_522, %sub3A_523 : vector<16xi32>
    %lt3A_525 = arith.constant 0 : i32
    %lt3A_526 = vector.broadcast %lt3A_525 : i32 to vector<16xi32>
    %lt3A_527 = arith.cmpi slt, %sub3A_524, %lt3A_526 : vector<16xi32>
    %ge3A_528 = arith.constant 53248 : i32
    %ge3A_529 = vector.broadcast %ge3A_528 : i32 to vector<16xi32>
    %ge3A_530 = arith.cmpi sge, %sub3A_524, %ge3A_529 : vector<16xi32>
    %or3A_531 = arith.ori %lt3A_527, %ge3A_530 : vector<16xi1>
    %jit3A_532 = arith.constant 53248 : i32
    %broadcast_in_dim3A_533 = vector.broadcast %jit3A_532 : i32 to vector<16xi32>
    %select_n3A_534 = arith.select %or3A_531, %broadcast_in_dim3A_533, %sub3A_524 : vector<16xi1>, vector<16xi32>
    %swap3A_535 = arith.constant 0 : i32
    %swap3A_536 = arith.index_cast %swap3A_535 : i32 to index
    %swap3A_537 = arith.constant 96 : index
    %swap3A_538 = tpu.vector_load %arg8[%swap3A_536, %swap3A_537] {strides = array<i32>} : memref<8x128xi32, #tpu.memory_space<vmem>>, vector<16xi32>,
    tpu.vector_store %arg8[%swap3A_536, %swap3A_537], %select_n3A_534 {strides = array<i32>} : memref<8x128xi32, #tpu.memory_space<vmem>>, vector<16xi32>,
    %iota3A_539 = tpu.iota {dimensions = array<i32: 0>} : vector<16xi32>
    %add3A_540 = arith.constant 112 : i32
    %add3A_541 = vector.broadcast %add3A_540 : i32 to vector<16xi32>
    %add3A_542 = arith.addi %add3A_541, %iota3A_539 : vector<16xi32>
    %and3A_543 = arith.constant 3 : i32
    %and3A_544 = vector.broadcast %and3A_543 : i32 to vector<16xi32>
    %and3A_545 = arith.andi %add3A_542, %and3A_544 : vector<16xi32>
    %mul3A_546 = arith.constant 256 : i32
    %mul3A_547 = vector.broadcast %mul3A_546 : i32 to vector<16xi32>
    %mul3A_548 = arith.muli %and3A_545, %mul3A_547 : vector<16xi32>
    %shift_right_arithmetic3A_549 = arith.constant 2 : i32
    %shift_right_arithmetic3A_550 = vector.broadcast %shift_right_arithmetic3A_549 : i32 to vector<16xi32>
    %shift_right_arithmetic3A_551 = arith.shrsi %add3A_542, %shift_right_arithmetic3A_550 : vector<16xi32>
    %add3A_552 = arith.addi %mul3A_548, %shift_right_arithmetic3A_551 : vector<16xi32>
    %shift_right_arithmetic3A_553 = arith.constant 7 : i32
    %shift_right_arithmetic3A_554 = vector.broadcast %shift_right_arithmetic3A_553 : i32 to vector<16xi32>
    %shift_right_arithmetic3A_555 = arith.shrsi %add3A_552, %shift_right_arithmetic3A_554 : vector<16xi32>
    %and3A_556 = arith.constant 127 : i32
    %and3A_557 = vector.broadcast %and3A_556 : i32 to vector<16xi32>
    %and3A_558 = arith.andi %add3A_552, %and3A_557 : vector<16xi32>
    %gather3A_559 = tpu.vector_load_idx %arg7[%shift_right_arithmetic3A_555, %and3A_558] : memref<8x128xi32, #tpu.memory_space<vmem>>[vector<16xi32>, vector<16xi32>], vector<16xi32>,
    %and3A_560 = arith.constant 8191 : i32
    %and3A_561 = vector.broadcast %and3A_560 : i32 to vector<16xi32>
    %and3A_562 = arith.andi %gather3A_559, %and3A_561 : vector<16xi32>
    %sub3A_563 = arith.subi %gather3A_559, %and3A_562 : vector<16xi32>
    %and3A_564 = arith.constant 2047 : i32
    %and3A_565 = vector.broadcast %and3A_564 : i32 to vector<16xi32>
    %and3A_566 = arith.andi %and3A_562, %and3A_565 : vector<16xi32>
    %shift_left3A_567 = arith.constant 2 : i32
    %shift_left3A_568 = vector.broadcast %shift_left3A_567 : i32 to vector<16xi32>
    %shift_left3A_569 = arith.shli %and3A_566, %shift_left3A_568 : vector<16xi32>
    %add3A_570 = arith.addi %sub3A_563, %shift_left3A_569 : vector<16xi32>
    %shift_right_arithmetic3A_571 = arith.constant 11 : i32
    %shift_right_arithmetic3A_572 = vector.broadcast %shift_right_arithmetic3A_571 : i32 to vector<16xi32>
    %shift_right_arithmetic3A_573 = arith.shrsi %and3A_562, %shift_right_arithmetic3A_572 : vector<16xi32>
    %add3A_574 = arith.addi %add3A_570, %shift_right_arithmetic3A_573 : vector<16xi32>
    %sub3A_575 = vector.broadcast %mul3A_184 : i32 to vector<16xi32>
    %sub3A_576 = arith.subi %add3A_574, %sub3A_575 : vector<16xi32>
    %lt3A_577 = arith.constant 0 : i32
    %lt3A_578 = vector.broadcast %lt3A_577 : i32 to vector<16xi32>
    %lt3A_579 = arith.cmpi slt, %sub3A_576, %lt3A_578 : vector<16xi32>
    %ge3A_580 = arith.constant 53248 : i32
    %ge3A_581 = vector.broadcast %ge3A_580 : i32 to vector<16xi32>
    %ge3A_582 = arith.cmpi sge, %sub3A_576, %ge3A_581 : vector<16xi32>
    %or3A_583 = arith.ori %lt3A_579, %ge3A_582 : vector<16xi1>
    %jit3A_584 = arith.constant 53248 : i32
    %broadcast_in_dim3A_585 = vector.broadcast %jit3A_584 : i32 to vector<16xi32>
    %select_n3A_586 = arith.select %or3A_583, %broadcast_in_dim3A_585, %sub3A_576 : vector<16xi1>, vector<16xi32>
    %swap3A_587 = arith.constant 0 : i32
    %swap3A_588 = arith.index_cast %swap3A_587 : i32 to index
    %swap3A_589 = arith.constant 112 : index
    %swap3A_590 = tpu.vector_load %arg8[%swap3A_588, %swap3A_589] {strides = array<i32>} : memref<8x128xi32, #tpu.memory_space<vmem>>, vector<16xi32>,
    tpu.vector_store %arg8[%swap3A_588, %swap3A_589], %select_n3A_586 {strides = array<i32>} : memref<8x128xi32, #tpu.memory_space<vmem>>, vector<16xi32>,
    %iota3A_591 = tpu.iota {dimensions = array<i32: 0>} : vector<16xi32>
    %add3A_592 = arith.constant 128 : i32
    %add3A_593 = vector.broadcast %add3A_592 : i32 to vector<16xi32>
    %add3A_594 = arith.addi %add3A_593, %iota3A_591 : vector<16xi32>
    %and3A_595 = arith.constant 3 : i32
    %and3A_596 = vector.broadcast %and3A_595 : i32 to vector<16xi32>
    %and3A_597 = arith.andi %add3A_594, %and3A_596 : vector<16xi32>
    %mul3A_598 = arith.constant 256 : i32
    %mul3A_599 = vector.broadcast %mul3A_598 : i32 to vector<16xi32>
    %mul3A_600 = arith.muli %and3A_597, %mul3A_599 : vector<16xi32>
    %shift_right_arithmetic3A_601 = arith.constant 2 : i32
    %shift_right_arithmetic3A_602 = vector.broadcast %shift_right_arithmetic3A_601 : i32 to vector<16xi32>
    %shift_right_arithmetic3A_603 = arith.shrsi %add3A_594, %shift_right_arithmetic3A_602 : vector<16xi32>
    %add3A_604 = arith.addi %mul3A_600, %shift_right_arithmetic3A_603 : vector<16xi32>
    %shift_right_arithmetic3A_605 = arith.constant 7 : i32
    %shift_right_arithmetic3A_606 = vector.broadcast %shift_right_arithmetic3A_605 : i32 to vector<16xi32>
    %shift_right_arithmetic3A_607 = arith.shrsi %add3A_604, %shift_right_arithmetic3A_606 : vector<16xi32>
    %and3A_608 = arith.constant 127 : i32
    %and3A_609 = vector.broadcast %and3A_608 : i32 to vector<16xi32>
    %and3A_610 = arith.andi %add3A_604, %and3A_609 : vector<16xi32>
    %gather3A_611 = tpu.vector_load_idx %arg7[%shift_right_arithmetic3A_607, %and3A_610] : memref<8x128xi32, #tpu.memory_space<vmem>>[vector<16xi32>, vector<16xi32>], vector<16xi32>,
    %and3A_612 = arith.constant 8191 : i32
    %and3A_613 = vector.broadcast %and3A_612 : i32 to vector<16xi32>
    %and3A_614 = arith.andi %gather3A_611, %and3A_613 : vector<16xi32>
    %sub3A_615 = arith.subi %gather3A_611, %and3A_614 : vector<16xi32>
    %and3A_616 = arith.constant 2047 : i32
    %and3A_617 = vector.broadcast %and3A_616 : i32 to vector<16xi32>
    %and3A_618 = arith.andi %and3A_614, %and3A_617 : vector<16xi32>
    %shift_left3A_619 = arith.constant 2 : i32
    %shift_left3A_620 = vector.broadcast %shift_left3A_619 : i32 to vector<16xi32>
    %shift_left3A_621 = arith.shli %and3A_618, %shift_left3A_620 : vector<16xi32>
    %add3A_622 = arith.addi %sub3A_615, %shift_left3A_621 : vector<16xi32>
    %shift_right_arithmetic3A_623 = arith.constant 11 : i32
    %shift_right_arithmetic3A_624 = vector.broadcast %shift_right_arithmetic3A_623 : i32 to vector<16xi32>
    %shift_right_arithmetic3A_625 = arith.shrsi %and3A_614, %shift_right_arithmetic3A_624 : vector<16xi32>
    %add3A_626 = arith.addi %add3A_622, %shift_right_arithmetic3A_625 : vector<16xi32>
    %sub3A_627 = vector.broadcast %mul3A_184 : i32 to vector<16xi32>
    %sub3A_628 = arith.subi %add3A_626, %sub3A_627 : vector<16xi32>
    %lt3A_629 = arith.constant 0 : i32
    %lt3A_630 = vector.broadcast %lt3A_629 : i32 to vector<16xi32>
    %lt3A_631 = arith.cmpi slt, %sub3A_628, %lt3A_630 : vector<16xi32>
    %ge3A_632 = arith.constant 53248 : i32
    %ge3A_633 = vector.broadcast %ge3A_632 : i32 to vector<16xi32>
    %ge3A_634 = arith.cmpi sge, %sub3A_628, %ge3A_633 : vector<16xi32>
    %or3A_635 = arith.ori %lt3A_631, %ge3A_634 : vector<16xi1>
    %jit3A_636 = arith.constant 53248 : i32
    %broadcast_in_dim3A_637 = vector.broadcast %jit3A_636 : i32 to vector<16xi32>
    %select_n3A_638 = arith.select %or3A_635, %broadcast_in_dim3A_637, %sub3A_628 : vector<16xi1>, vector<16xi32>
    %swap3A_639 = arith.constant 1 : i32
    %swap3A_640 = arith.index_cast %swap3A_639 : i32 to index
    %swap3A_641 = arith.constant 0 : index
    %swap3A_642 = tpu.vector_load %arg8[%swap3A_640, %swap3A_641] {strides = array<i32>} : memref<8x128xi32, #tpu.memory_space<vmem>>, vector<16xi32>,
    tpu.vector_store %arg8[%swap3A_640, %swap3A_641], %select_n3A_638 {strides = array<i32>} : memref<8x128xi32, #tpu.memory_space<vmem>>, vector<16xi32>,
    %iota3A_643 = tpu.iota {dimensions = array<i32: 0>} : vector<16xi32>
    %add3A_644 = arith.constant 144 : i32
    %add3A_645 = vector.broadcast %add3A_644 : i32 to vector<16xi32>
    %add3A_646 = arith.addi %add3A_645, %iota3A_643 : vector<16xi32>
    %and3A_647 = arith.constant 3 : i32
    %and3A_648 = vector.broadcast %and3A_647 : i32 to vector<16xi32>
    %and3A_649 = arith.andi %add3A_646, %and3A_648 : vector<16xi32>
    %mul3A_650 = arith.constant 256 : i32
    %mul3A_651 = vector.broadcast %mul3A_650 : i32 to vector<16xi32>
    %mul3A_652 = arith.muli %and3A_649, %mul3A_651 : vector<16xi32>
    %shift_right_arithmetic3A_653 = arith.constant 2 : i32
    %shift_right_arithmetic3A_654 = vector.broadcast %shift_right_arithmetic3A_653 : i32 to vector<16xi32>
    %shift_right_arithmetic3A_655 = arith.shrsi %add3A_646, %shift_right_arithmetic3A_654 : vector<16xi32>
    %add3A_656 = arith.addi %mul3A_652, %shift_right_arithmetic3A_655 : vector<16xi32>
    %shift_right_arithmetic3A_657 = arith.constant 7 : i32
    %shift_right_arithmetic3A_658 = vector.broadcast %shift_right_arithmetic3A_657 : i32 to vector<16xi32>
    %shift_right_arithmetic3A_659 = arith.shrsi %add3A_656, %shift_right_arithmetic3A_658 : vector<16xi32>
    %and3A_660 = arith.constant 127 : i32
    %and3A_661 = vector.broadcast %and3A_660 : i32 to vector<16xi32>
    %and3A_662 = arith.andi %add3A_656, %and3A_661 : vector<16xi32>
    %gather3A_663 = tpu.vector_load_idx %arg7[%shift_right_arithmetic3A_659, %and3A_662] : memref<8x128xi32, #tpu.memory_space<vmem>>[vector<16xi32>, vector<16xi32>], vector<16xi32>,
    %and3A_664 = arith.constant 8191 : i32
    %and3A_665 = vector.broadcast %and3A_664 : i32 to vector<16xi32>
    %and3A_666 = arith.andi %gather3A_663, %and3A_665 : vector<16xi32>
    %sub3A_667 = arith.subi %gather3A_663, %and3A_666 : vector<16xi32>
    %and3A_668 = arith.constant 2047 : i32
    %and3A_669 = vector.broadcast %and3A_668 : i32 to vector<16xi32>
    %and3A_670 = arith.andi %and3A_666, %and3A_669 : vector<16xi32>
    %shift_left3A_671 = arith.constant 2 : i32
    %shift_left3A_672 = vector.broadcast %shift_left3A_671 : i32 to vector<16xi32>
    %shift_left3A_673 = arith.shli %and3A_670, %shift_left3A_672 : vector<16xi32>
    %add3A_674 = arith.addi %sub3A_667, %shift_left3A_673 : vector<16xi32>
    %shift_right_arithmetic3A_675 = arith.constant 11 : i32
    %shift_right_arithmetic3A_676 = vector.broadcast %shift_right_arithmetic3A_675 : i32 to vector<16xi32>
    %shift_right_arithmetic3A_677 = arith.shrsi %and3A_666, %shift_right_arithmetic3A_676 : vector<16xi32>
    %add3A_678 = arith.addi %add3A_674, %shift_right_arithmetic3A_677 : vector<16xi32>
    %sub3A_679 = vector.broadcast %mul3A_184 : i32 to vector<16xi32>
    %sub3A_680 = arith.subi %add3A_678, %sub3A_679 : vector<16xi32>
    %lt3A_681 = arith.constant 0 : i32
    %lt3A_682 = vector.broadcast %lt3A_681 : i32 to vector<16xi32>
    %lt3A_683 = arith.cmpi slt, %sub3A_680, %lt3A_682 : vector<16xi32>
    %ge3A_684 = arith.constant 53248 : i32
    %ge3A_685 = vector.broadcast %ge3A_684 : i32 to vector<16xi32>
    %ge3A_686 = arith.cmpi sge, %sub3A_680, %ge3A_685 : vector<16xi32>
    %or3A_687 = arith.ori %lt3A_683, %ge3A_686 : vector<16xi1>
    %jit3A_688 = arith.constant 53248 : i32
    %broadcast_in_dim3A_689 = vector.broadcast %jit3A_688 : i32 to vector<16xi32>
    %select_n3A_690 = arith.select %or3A_687, %broadcast_in_dim3A_689, %sub3A_680 : vector<16xi1>, vector<16xi32>
    %swap3A_691 = arith.constant 1 : i32
    %swap3A_692 = arith.index_cast %swap3A_691 : i32 to index
    %swap3A_693 = arith.constant 16 : index
    %swap3A_694 = tpu.vector_load %arg8[%swap3A_692, %swap3A_693] {strides = array<i32>} : memref<8x128xi32, #tpu.memory_space<vmem>>, vector<16xi32>,
    tpu.vector_store %arg8[%swap3A_692, %swap3A_693], %select_n3A_690 {strides = array<i32>} : memref<8x128xi32, #tpu.memory_space<vmem>>, vector<16xi32>,
    %iota3A_695 = tpu.iota {dimensions = array<i32: 0>} : vector<16xi32>
    %add3A_696 = arith.constant 160 : i32
    %add3A_697 = vector.broadcast %add3A_696 : i32 to vector<16xi32>
    %add3A_698 = arith.addi %add3A_697, %iota3A_695 : vector<16xi32>
    %and3A_699 = arith.constant 3 : i32
    %and3A_700 = vector.broadcast %and3A_699 : i32 to vector<16xi32>
    %and3A_701 = arith.andi %add3A_698, %and3A_700 : vector<16xi32>
    %mul3A_702 = arith.constant 256 : i32
    %mul3A_703 = vector.broadcast %mul3A_702 : i32 to vector<16xi32>
    %mul3A_704 = arith.muli %and3A_701, %mul3A_703 : vector<16xi32>
    %shift_right_arithmetic3A_705 = arith.constant 2 : i32
    %shift_right_arithmetic3A_706 = vector.broadcast %shift_right_arithmetic3A_705 : i32 to vector<16xi32>
    %shift_right_arithmetic3A_707 = arith.shrsi %add3A_698, %shift_right_arithmetic3A_706 : vector<16xi32>
    %add3A_708 = arith.addi %mul3A_704, %shift_right_arithmetic3A_707 : vector<16xi32>
    %shift_right_arithmetic3A_709 = arith.constant 7 : i32
    %shift_right_arithmetic3A_710 = vector.broadcast %shift_right_arithmetic3A_709 : i32 to vector<16xi32>
    %shift_right_arithmetic3A_711 = arith.shrsi %add3A_708, %shift_right_arithmetic3A_710 : vector<16xi32>
    %and3A_712 = arith.constant 127 : i32
    %and3A_713 = vector.broadcast %and3A_712 : i32 to vector<16xi32>
    %and3A_714 = arith.andi %add3A_708, %and3A_713 : vector<16xi32>
    %gather3A_715 = tpu.vector_load_idx %arg7[%shift_right_arithmetic3A_711, %and3A_714] : memref<8x128xi32, #tpu.memory_space<vmem>>[vector<16xi32>, vector<16xi32>], vector<16xi32>,
    %and3A_716 = arith.constant 8191 : i32
    %and3A_717 = vector.broadcast %and3A_716 : i32 to vector<16xi32>
    %and3A_718 = arith.andi %gather3A_715, %and3A_717 : vector<16xi32>
    %sub3A_719 = arith.subi %gather3A_715, %and3A_718 : vector<16xi32>
    %and3A_720 = arith.constant 2047 : i32
    %and3A_721 = vector.broadcast %and3A_720 : i32 to vector<16xi32>
    %and3A_722 = arith.andi %and3A_718, %and3A_721 : vector<16xi32>
    %shift_left3A_723 = arith.constant 2 : i32
    %shift_left3A_724 = vector.broadcast %shift_left3A_723 : i32 to vector<16xi32>
    %shift_left3A_725 = arith.shli %and3A_722, %shift_left3A_724 : vector<16xi32>
    %add3A_726 = arith.addi %sub3A_719, %shift_left3A_725 : vector<16xi32>
    %shift_right_arithmetic3A_727 = arith.constant 11 : i32
    %shift_right_arithmetic3A_728 = vector.broadcast %shift_right_arithmetic3A_727 : i32 to vector<16xi32>
    %shift_right_arithmetic3A_729 = arith.shrsi %and3A_718, %shift_right_arithmetic3A_728 : vector<16xi32>
    %add3A_730 = arith.addi %add3A_726, %shift_right_arithmetic3A_729 : vector<16xi32>
    %sub3A_731 = vector.broadcast %mul3A_184 : i32 to vector<16xi32>
    %sub3A_732 = arith.subi %add3A_730, %sub3A_731 : vector<16xi32>
    %lt3A_733 = arith.constant 0 : i32
    %lt3A_734 = vector.broadcast %lt3A_733 : i32 to vector<16xi32>
    %lt3A_735 = arith.cmpi slt, %sub3A_732, %lt3A_734 : vector<16xi32>
    %ge3A_736 = arith.constant 53248 : i32
    %ge3A_737 = vector.broadcast %ge3A_736 : i32 to vector<16xi32>
    %ge3A_738 = arith.cmpi sge, %sub3A_732, %ge3A_737 : vector<16xi32>
    %or3A_739 = arith.ori %lt3A_735, %ge3A_738 : vector<16xi1>
    %jit3A_740 = arith.constant 53248 : i32
    %broadcast_in_dim3A_741 = vector.broadcast %jit3A_740 : i32 to vector<16xi32>
    %select_n3A_742 = arith.select %or3A_739, %broadcast_in_dim3A_741, %sub3A_732 : vector<16xi1>, vector<16xi32>
    %swap3A_743 = arith.constant 1 : i32
    %swap3A_744 = arith.index_cast %swap3A_743 : i32 to index
    %swap3A_745 = arith.constant 32 : index
    %swap3A_746 = tpu.vector_load %arg8[%swap3A_744, %swap3A_745] {strides = array<i32>} : memref<8x128xi32, #tpu.memory_space<vmem>>, vector<16xi32>,
    tpu.vector_store %arg8[%swap3A_744, %swap3A_745], %select_n3A_742 {strides = array<i32>} : memref<8x128xi32, #tpu.memory_space<vmem>>, vector<16xi32>,
    %iota3A_747 = tpu.iota {dimensions = array<i32: 0>} : vector<16xi32>
    %add3A_748 = arith.constant 176 : i32
    %add3A_749 = vector.broadcast %add3A_748 : i32 to vector<16xi32>
    %add3A_750 = arith.addi %add3A_749, %iota3A_747 : vector<16xi32>
    %and3A_751 = arith.constant 3 : i32
    %and3A_752 = vector.broadcast %and3A_751 : i32 to vector<16xi32>
    %and3A_753 = arith.andi %add3A_750, %and3A_752 : vector<16xi32>
    %mul3A_754 = arith.constant 256 : i32
    %mul3A_755 = vector.broadcast %mul3A_754 : i32 to vector<16xi32>
    %mul3A_756 = arith.muli %and3A_753, %mul3A_755 : vector<16xi32>
    %shift_right_arithmetic3A_757 = arith.constant 2 : i32
    %shift_right_arithmetic3A_758 = vector.broadcast %shift_right_arithmetic3A_757 : i32 to vector<16xi32>
    %shift_right_arithmetic3A_759 = arith.shrsi %add3A_750, %shift_right_arithmetic3A_758 : vector<16xi32>
    %add3A_760 = arith.addi %mul3A_756, %shift_right_arithmetic3A_759 : vector<16xi32>
    %shift_right_arithmetic3A_761 = arith.constant 7 : i32
    %shift_right_arithmetic3A_762 = vector.broadcast %shift_right_arithmetic3A_761 : i32 to vector<16xi32>
    %shift_right_arithmetic3A_763 = arith.shrsi %add3A_760, %shift_right_arithmetic3A_762 : vector<16xi32>
    %and3A_764 = arith.constant 127 : i32
    %and3A_765 = vector.broadcast %and3A_764 : i32 to vector<16xi32>
    %and3A_766 = arith.andi %add3A_760, %and3A_765 : vector<16xi32>
    %gather3A_767 = tpu.vector_load_idx %arg7[%shift_right_arithmetic3A_763, %and3A_766] : memref<8x128xi32, #tpu.memory_space<vmem>>[vector<16xi32>, vector<16xi32>], vector<16xi32>,
    %and3A_768 = arith.constant 8191 : i32
    %and3A_769 = vector.broadcast %and3A_768 : i32 to vector<16xi32>
    %and3A_770 = arith.andi %gather3A_767, %and3A_769 : vector<16xi32>
    %sub3A_771 = arith.subi %gather3A_767, %and3A_770 : vector<16xi32>
    %and3A_772 = arith.constant 2047 : i32
    %and3A_773 = vector.broadcast %and3A_772 : i32 to vector<16xi32>
    %and3A_774 = arith.andi %and3A_770, %and3A_773 : vector<16xi32>
    %shift_left3A_775 = arith.constant 2 : i32
    %shift_left3A_776 = vector.broadcast %shift_left3A_775 : i32 to vector<16xi32>
    %shift_left3A_777 = arith.shli %and3A_774, %shift_left3A_776 : vector<16xi32>
    %add3A_778 = arith.addi %sub3A_771, %shift_left3A_777 : vector<16xi32>
    %shift_right_arithmetic3A_779 = arith.constant 11 : i32
    %shift_right_arithmetic3A_780 = vector.broadcast %shift_right_arithmetic3A_779 : i32 to vector<16xi32>
    %shift_right_arithmetic3A_781 = arith.shrsi %and3A_770, %shift_right_arithmetic3A_780 : vector<16xi32>
    %add3A_782 = arith.addi %add3A_778, %shift_right_arithmetic3A_781 : vector<16xi32>
    %sub3A_783 = vector.broadcast %mul3A_184 : i32 to vector<16xi32>
    %sub3A_784 = arith.subi %add3A_782, %sub3A_783 : vector<16xi32>
    %lt3A_785 = arith.constant 0 : i32
    %lt3A_786 = vector.broadcast %lt3A_785 : i32 to vector<16xi32>
    %lt3A_787 = arith.cmpi slt, %sub3A_784, %lt3A_786 : vector<16xi32>
    %ge3A_788 = arith.constant 53248 : i32
    %ge3A_789 = vector.broadcast %ge3A_788 : i32 to vector<16xi32>
    %ge3A_790 = arith.cmpi sge, %sub3A_784, %ge3A_789 : vector<16xi32>
    %or3A_791 = arith.ori %lt3A_787, %ge3A_790 : vector<16xi1>
    %jit3A_792 = arith.constant 53248 : i32
    %broadcast_in_dim3A_793 = vector.broadcast %jit3A_792 : i32 to vector<16xi32>
    %select_n3A_794 = arith.select %or3A_791, %broadcast_in_dim3A_793, %sub3A_784 : vector<16xi1>, vector<16xi32>
    %swap3A_795 = arith.constant 1 : i32
    %swap3A_796 = arith.index_cast %swap3A_795 : i32 to index
    %swap3A_797 = arith.constant 48 : index
    %swap3A_798 = tpu.vector_load %arg8[%swap3A_796, %swap3A_797] {strides = array<i32>} : memref<8x128xi32, #tpu.memory_space<vmem>>, vector<16xi32>,
    tpu.vector_store %arg8[%swap3A_796, %swap3A_797], %select_n3A_794 {strides = array<i32>} : memref<8x128xi32, #tpu.memory_space<vmem>>, vector<16xi32>,
    %iota3A_799 = tpu.iota {dimensions = array<i32: 0>} : vector<16xi32>
    %add3A_800 = arith.constant 192 : i32
    %add3A_801 = vector.broadcast %add3A_800 : i32 to vector<16xi32>
    %add3A_802 = arith.addi %add3A_801, %iota3A_799 : vector<16xi32>
    %and3A_803 = arith.constant 3 : i32
    %and3A_804 = vector.broadcast %and3A_803 : i32 to vector<16xi32>
    %and3A_805 = arith.andi %add3A_802, %and3A_804 : vector<16xi32>
    %mul3A_806 = arith.constant 256 : i32
    %mul3A_807 = vector.broadcast %mul3A_806 : i32 to vector<16xi32>
    %mul3A_808 = arith.muli %and3A_805, %mul3A_807 : vector<16xi32>
    %shift_right_arithmetic3A_809 = arith.constant 2 : i32
    %shift_right_arithmetic3A_810 = vector.broadcast %shift_right_arithmetic3A_809 : i32 to vector<16xi32>
    %shift_right_arithmetic3A_811 = arith.shrsi %add3A_802, %shift_right_arithmetic3A_810 : vector<16xi32>
    %add3A_812 = arith.addi %mul3A_808, %shift_right_arithmetic3A_811 : vector<16xi32>
    %shift_right_arithmetic3A_813 = arith.constant 7 : i32
    %shift_right_arithmetic3A_814 = vector.broadcast %shift_right_arithmetic3A_813 : i32 to vector<16xi32>
    %shift_right_arithmetic3A_815 = arith.shrsi %add3A_812, %shift_right_arithmetic3A_814 : vector<16xi32>
    %and3A_816 = arith.constant 127 : i32
    %and3A_817 = vector.broadcast %and3A_816 : i32 to vector<16xi32>
    %and3A_818 = arith.andi %add3A_812, %and3A_817 : vector<16xi32>
    %gather3A_819 = tpu.vector_load_idx %arg7[%shift_right_arithmetic3A_815, %and3A_818] : memref<8x128xi32, #tpu.memory_space<vmem>>[vector<16xi32>, vector<16xi32>], vector<16xi32>,
    %and3A_820 = arith.constant 8191 : i32
    %and3A_821 = vector.broadcast %and3A_820 : i32 to vector<16xi32>
    %and3A_822 = arith.andi %gather3A_819, %and3A_821 : vector<16xi32>
    %sub3A_823 = arith.subi %gather3A_819, %and3A_822 : vector<16xi32>
    %and3A_824 = arith.constant 2047 : i32
    %and3A_825 = vector.broadcast %and3A_824 : i32 to vector<16xi32>
    %and3A_826 = arith.andi %and3A_822, %and3A_825 : vector<16xi32>
    %shift_left3A_827 = arith.constant 2 : i32
    %shift_left3A_828 = vector.broadcast %shift_left3A_827 : i32 to vector<16xi32>
    %shift_left3A_829 = arith.shli %and3A_826, %shift_left3A_828 : vector<16xi32>
    %add3A_830 = arith.addi %sub3A_823, %shift_left3A_829 : vector<16xi32>
    %shift_right_arithmetic3A_831 = arith.constant 11 : i32
    %shift_right_arithmetic3A_832 = vector.broadcast %shift_right_arithmetic3A_831 : i32 to vector<16xi32>
    %shift_right_arithmetic3A_833 = arith.shrsi %and3A_822, %shift_right_arithmetic3A_832 : vector<16xi32>
    %add3A_834 = arith.addi %add3A_830, %shift_right_arithmetic3A_833 : vector<16xi32>
    %sub3A_835 = vector.broadcast %mul3A_184 : i32 to vector<16xi32>
    %sub3A_836 = arith.subi %add3A_834, %sub3A_835 : vector<16xi32>
    %lt3A_837 = arith.constant 0 : i32
    %lt3A_838 = vector.broadcast %lt3A_837 : i32 to vector<16xi32>
    %lt3A_839 = arith.cmpi slt, %sub3A_836, %lt3A_838 : vector<16xi32>
    %ge3A_840 = arith.constant 53248 : i32
    %ge3A_841 = vector.broadcast %ge3A_840 : i32 to vector<16xi32>
    %ge3A_842 = arith.cmpi sge, %sub3A_836, %ge3A_841 : vector<16xi32>
    %or3A_843 = arith.ori %lt3A_839, %ge3A_842 : vector<16xi1>
    %jit3A_844 = arith.constant 53248 : i32
    %broadcast_in_dim3A_845 = vector.broadcast %jit3A_844 : i32 to vector<16xi32>
    %select_n3A_846 = arith.select %or3A_843, %broadcast_in_dim3A_845, %sub3A_836 : vector<16xi1>, vector<16xi32>
    %swap3A_847 = arith.constant 1 : i32
    %swap3A_848 = arith.index_cast %swap3A_847 : i32 to index
    %swap3A_849 = arith.constant 64 : index
    %swap3A_850 = tpu.vector_load %arg8[%swap3A_848, %swap3A_849] {strides = array<i32>} : memref<8x128xi32, #tpu.memory_space<vmem>>, vector<16xi32>,
    tpu.vector_store %arg8[%swap3A_848, %swap3A_849], %select_n3A_846 {strides = array<i32>} : memref<8x128xi32, #tpu.memory_space<vmem>>, vector<16xi32>,
    %iota3A_851 = tpu.iota {dimensions = array<i32: 0>} : vector<16xi32>
    %add3A_852 = arith.constant 208 : i32
    %add3A_853 = vector.broadcast %add3A_852 : i32 to vector<16xi32>
    %add3A_854 = arith.addi %add3A_853, %iota3A_851 : vector<16xi32>
    %and3A_855 = arith.constant 3 : i32
    %and3A_856 = vector.broadcast %and3A_855 : i32 to vector<16xi32>
    %and3A_857 = arith.andi %add3A_854, %and3A_856 : vector<16xi32>
    %mul3A_858 = arith.constant 256 : i32
    %mul3A_859 = vector.broadcast %mul3A_858 : i32 to vector<16xi32>
    %mul3A_860 = arith.muli %and3A_857, %mul3A_859 : vector<16xi32>
    %shift_right_arithmetic3A_861 = arith.constant 2 : i32
    %shift_right_arithmetic3A_862 = vector.broadcast %shift_right_arithmetic3A_861 : i32 to vector<16xi32>
    %shift_right_arithmetic3A_863 = arith.shrsi %add3A_854, %shift_right_arithmetic3A_862 : vector<16xi32>
    %add3A_864 = arith.addi %mul3A_860, %shift_right_arithmetic3A_863 : vector<16xi32>
    %shift_right_arithmetic3A_865 = arith.constant 7 : i32
    %shift_right_arithmetic3A_866 = vector.broadcast %shift_right_arithmetic3A_865 : i32 to vector<16xi32>
    %shift_right_arithmetic3A_867 = arith.shrsi %add3A_864, %shift_right_arithmetic3A_866 : vector<16xi32>
    %and3A_868 = arith.constant 127 : i32
    %and3A_869 = vector.broadcast %and3A_868 : i32 to vector<16xi32>
    %and3A_870 = arith.andi %add3A_864, %and3A_869 : vector<16xi32>
    %gather3A_871 = tpu.vector_load_idx %arg7[%shift_right_arithmetic3A_867, %and3A_870] : memref<8x128xi32, #tpu.memory_space<vmem>>[vector<16xi32>, vector<16xi32>], vector<16xi32>,
    %and3A_872 = arith.constant 8191 : i32
    %and3A_873 = vector.broadcast %and3A_872 : i32 to vector<16xi32>
    %and3A_874 = arith.andi %gather3A_871, %and3A_873 : vector<16xi32>
    %sub3A_875 = arith.subi %gather3A_871, %and3A_874 : vector<16xi32>
    %and3A_876 = arith.constant 2047 : i32
    %and3A_877 = vector.broadcast %and3A_876 : i32 to vector<16xi32>
    %and3A_878 = arith.andi %and3A_874, %and3A_877 : vector<16xi32>
    %shift_left3A_879 = arith.constant 2 : i32
    %shift_left3A_880 = vector.broadcast %shift_left3A_879 : i32 to vector<16xi32>
    %shift_left3A_881 = arith.shli %and3A_878, %shift_left3A_880 : vector<16xi32>
    %add3A_882 = arith.addi %sub3A_875, %shift_left3A_881 : vector<16xi32>
    %shift_right_arithmetic3A_883 = arith.constant 11 : i32
    %shift_right_arithmetic3A_884 = vector.broadcast %shift_right_arithmetic3A_883 : i32 to vector<16xi32>
    %shift_right_arithmetic3A_885 = arith.shrsi %and3A_874, %shift_right_arithmetic3A_884 : vector<16xi32>
    %add3A_886 = arith.addi %add3A_882, %shift_right_arithmetic3A_885 : vector<16xi32>
    %sub3A_887 = vector.broadcast %mul3A_184 : i32 to vector<16xi32>
    %sub3A_888 = arith.subi %add3A_886, %sub3A_887 : vector<16xi32>
    %lt3A_889 = arith.constant 0 : i32
    %lt3A_890 = vector.broadcast %lt3A_889 : i32 to vector<16xi32>
    %lt3A_891 = arith.cmpi slt, %sub3A_888, %lt3A_890 : vector<16xi32>
    %ge3A_892 = arith.constant 53248 : i32
    %ge3A_893 = vector.broadcast %ge3A_892 : i32 to vector<16xi32>
    %ge3A_894 = arith.cmpi sge, %sub3A_888, %ge3A_893 : vector<16xi32>
    %or3A_895 = arith.ori %lt3A_891, %ge3A_894 : vector<16xi1>
    %jit3A_896 = arith.constant 53248 : i32
    %broadcast_in_dim3A_897 = vector.broadcast %jit3A_896 : i32 to vector<16xi32>
    %select_n3A_898 = arith.select %or3A_895, %broadcast_in_dim3A_897, %sub3A_888 : vector<16xi1>, vector<16xi32>
    %swap3A_899 = arith.constant 1 : i32
    %swap3A_900 = arith.index_cast %swap3A_899 : i32 to index
    %swap3A_901 = arith.constant 80 : index
    %swap3A_902 = tpu.vector_load %arg8[%swap3A_900, %swap3A_901] {strides = array<i32>} : memref<8x128xi32, #tpu.memory_space<vmem>>, vector<16xi32>,
    tpu.vector_store %arg8[%swap3A_900, %swap3A_901], %select_n3A_898 {strides = array<i32>} : memref<8x128xi32, #tpu.memory_space<vmem>>, vector<16xi32>,
    %iota3A_903 = tpu.iota {dimensions = array<i32: 0>} : vector<16xi32>
    %add3A_904 = arith.constant 224 : i32
    %add3A_905 = vector.broadcast %add3A_904 : i32 to vector<16xi32>
    %add3A_906 = arith.addi %add3A_905, %iota3A_903 : vector<16xi32>
    %and3A_907 = arith.constant 3 : i32
    %and3A_908 = vector.broadcast %and3A_907 : i32 to vector<16xi32>
    %and3A_909 = arith.andi %add3A_906, %and3A_908 : vector<16xi32>
    %mul3A_910 = arith.constant 256 : i32
    %mul3A_911 = vector.broadcast %mul3A_910 : i32 to vector<16xi32>
    %mul3A_912 = arith.muli %and3A_909, %mul3A_911 : vector<16xi32>
    %shift_right_arithmetic3A_913 = arith.constant 2 : i32
    %shift_right_arithmetic3A_914 = vector.broadcast %shift_right_arithmetic3A_913 : i32 to vector<16xi32>
    %shift_right_arithmetic3A_915 = arith.shrsi %add3A_906, %shift_right_arithmetic3A_914 : vector<16xi32>
    %add3A_916 = arith.addi %mul3A_912, %shift_right_arithmetic3A_915 : vector<16xi32>
    %shift_right_arithmetic3A_917 = arith.constant 7 : i32
    %shift_right_arithmetic3A_918 = vector.broadcast %shift_right_arithmetic3A_917 : i32 to vector<16xi32>
    %shift_right_arithmetic3A_919 = arith.shrsi %add3A_916, %shift_right_arithmetic3A_918 : vector<16xi32>
    %and3A_920 = arith.constant 127 : i32
    %and3A_921 = vector.broadcast %and3A_920 : i32 to vector<16xi32>
    %and3A_922 = arith.andi %add3A_916, %and3A_921 : vector<16xi32>
    %gather3A_923 = tpu.vector_load_idx %arg7[%shift_right_arithmetic3A_919, %and3A_922] : memref<8x128xi32, #tpu.memory_space<vmem>>[vector<16xi32>, vector<16xi32>], vector<16xi32>,
    %and3A_924 = arith.constant 8191 : i32
    %and3A_925 = vector.broadcast %and3A_924 : i32 to vector<16xi32>
    %and3A_926 = arith.andi %gather3A_923, %and3A_925 : vector<16xi32>
    %sub3A_927 = arith.subi %gather3A_923, %and3A_926 : vector<16xi32>
    %and3A_928 = arith.constant 2047 : i32
    %and3A_929 = vector.broadcast %and3A_928 : i32 to vector<16xi32>
    %and3A_930 = arith.andi %and3A_926, %and3A_929 : vector<16xi32>
    %shift_left3A_931 = arith.constant 2 : i32
    %shift_left3A_932 = vector.broadcast %shift_left3A_931 : i32 to vector<16xi32>
    %shift_left3A_933 = arith.shli %and3A_930, %shift_left3A_932 : vector<16xi32>
    %add3A_934 = arith.addi %sub3A_927, %shift_left3A_933 : vector<16xi32>
    %shift_right_arithmetic3A_935 = arith.constant 11 : i32
    %shift_right_arithmetic3A_936 = vector.broadcast %shift_right_arithmetic3A_935 : i32 to vector<16xi32>
    %shift_right_arithmetic3A_937 = arith.shrsi %and3A_926, %shift_right_arithmetic3A_936 : vector<16xi32>
    %add3A_938 = arith.addi %add3A_934, %shift_right_arithmetic3A_937 : vector<16xi32>
    %sub3A_939 = vector.broadcast %mul3A_184 : i32 to vector<16xi32>
    %sub3A_940 = arith.subi %add3A_938, %sub3A_939 : vector<16xi32>
    %lt3A_941 = arith.constant 0 : i32
    %lt3A_942 = vector.broadcast %lt3A_941 : i32 to vector<16xi32>
    %lt3A_943 = arith.cmpi slt, %sub3A_940, %lt3A_942 : vector<16xi32>
    %ge3A_944 = arith.constant 53248 : i32
    %ge3A_945 = vector.broadcast %ge3A_944 : i32 to vector<16xi32>
    %ge3A_946 = arith.cmpi sge, %sub3A_940, %ge3A_945 : vector<16xi32>
    %or3A_947 = arith.ori %lt3A_943, %ge3A_946 : vector<16xi1>
    %jit3A_948 = arith.constant 53248 : i32
    %broadcast_in_dim3A_949 = vector.broadcast %jit3A_948 : i32 to vector<16xi32>
    %select_n3A_950 = arith.select %or3A_947, %broadcast_in_dim3A_949, %sub3A_940 : vector<16xi1>, vector<16xi32>
    %swap3A_951 = arith.constant 1 : i32
    %swap3A_952 = arith.index_cast %swap3A_951 : i32 to index
    %swap3A_953 = arith.constant 96 : index
    %swap3A_954 = tpu.vector_load %arg8[%swap3A_952, %swap3A_953] {strides = array<i32>} : memref<8x128xi32, #tpu.memory_space<vmem>>, vector<16xi32>,
    tpu.vector_store %arg8[%swap3A_952, %swap3A_953], %select_n3A_950 {strides = array<i32>} : memref<8x128xi32, #tpu.memory_space<vmem>>, vector<16xi32>,
    %iota3A_955 = tpu.iota {dimensions = array<i32: 0>} : vector<16xi32>
    %add3A_956 = arith.constant 240 : i32
    %add3A_957 = vector.broadcast %add3A_956 : i32 to vector<16xi32>
    %add3A_958 = arith.addi %add3A_957, %iota3A_955 : vector<16xi32>
    %and3A_959 = arith.constant 3 : i32
    %and3A_960 = vector.broadcast %and3A_959 : i32 to vector<16xi32>
    %and3A_961 = arith.andi %add3A_958, %and3A_960 : vector<16xi32>
    %mul3A_962 = arith.constant 256 : i32
    %mul3A_963 = vector.broadcast %mul3A_962 : i32 to vector<16xi32>
    %mul3A_964 = arith.muli %and3A_961, %mul3A_963 : vector<16xi32>
    %shift_right_arithmetic3A_965 = arith.constant 2 : i32
    %shift_right_arithmetic3A_966 = vector.broadcast %shift_right_arithmetic3A_965 : i32 to vector<16xi32>
    %shift_right_arithmetic3A_967 = arith.shrsi %add3A_958, %shift_right_arithmetic3A_966 : vector<16xi32>
    %add3A_968 = arith.addi %mul3A_964, %shift_right_arithmetic3A_967 : vector<16xi32>
    %shift_right_arithmetic3A_969 = arith.constant 7 : i32
    %shift_right_arithmetic3A_970 = vector.broadcast %shift_right_arithmetic3A_969 : i32 to vector<16xi32>
    %shift_right_arithmetic3A_971 = arith.shrsi %add3A_968, %shift_right_arithmetic3A_970 : vector<16xi32>
    %and3A_972 = arith.constant 127 : i32
    %and3A_973 = vector.broadcast %and3A_972 : i32 to vector<16xi32>
    %and3A_974 = arith.andi %add3A_968, %and3A_973 : vector<16xi32>
    %gather3A_975 = tpu.vector_load_idx %arg7[%shift_right_arithmetic3A_971, %and3A_974] : memref<8x128xi32, #tpu.memory_space<vmem>>[vector<16xi32>, vector<16xi32>], vector<16xi32>,
    %and3A_976 = arith.constant 8191 : i32
    %and3A_977 = vector.broadcast %and3A_976 : i32 to vector<16xi32>
    %and3A_978 = arith.andi %gather3A_975, %and3A_977 : vector<16xi32>
    %sub3A_979 = arith.subi %gather3A_975, %and3A_978 : vector<16xi32>
    %and3A_980 = arith.constant 2047 : i32
    %and3A_981 = vector.broadcast %and3A_980 : i32 to vector<16xi32>
    %and3A_982 = arith.andi %and3A_978, %and3A_981 : vector<16xi32>
    %shift_left3A_983 = arith.constant 2 : i32
    %shift_left3A_984 = vector.broadcast %shift_left3A_983 : i32 to vector<16xi32>
    %shift_left3A_985 = arith.shli %and3A_982, %shift_left3A_984 : vector<16xi32>
    %add3A_986 = arith.addi %sub3A_979, %shift_left3A_985 : vector<16xi32>
    %shift_right_arithmetic3A_987 = arith.constant 11 : i32
    %shift_right_arithmetic3A_988 = vector.broadcast %shift_right_arithmetic3A_987 : i32 to vector<16xi32>
    %shift_right_arithmetic3A_989 = arith.shrsi %and3A_978, %shift_right_arithmetic3A_988 : vector<16xi32>
    %add3A_990 = arith.addi %add3A_986, %shift_right_arithmetic3A_989 : vector<16xi32>
    %sub3A_991 = vector.broadcast %mul3A_184 : i32 to vector<16xi32>
    %sub3A_992 = arith.subi %add3A_990, %sub3A_991 : vector<16xi32>
    %lt3A_993 = arith.constant 0 : i32
    %lt3A_994 = vector.broadcast %lt3A_993 : i32 to vector<16xi32>
    %lt3A_995 = arith.cmpi slt, %sub3A_992, %lt3A_994 : vector<16xi32>
    %ge3A_996 = arith.constant 53248 : i32
    %ge3A_997 = vector.broadcast %ge3A_996 : i32 to vector<16xi32>
    %ge3A_998 = arith.cmpi sge, %sub3A_992, %ge3A_997 : vector<16xi32>
    %or3A_999 = arith.ori %lt3A_995, %ge3A_998 : vector<16xi1>
    %jit3A_1000 = arith.constant 53248 : i32
    %broadcast_in_dim3A_1001 = vector.broadcast %jit3A_1000 : i32 to vector<16xi32>
    %select_n3A_1002 = arith.select %or3A_999, %broadcast_in_dim3A_1001, %sub3A_992 : vector<16xi1>, vector<16xi32>
    %swap3A_1003 = arith.constant 1 : i32
    %swap3A_1004 = arith.index_cast %swap3A_1003 : i32 to index
    %swap3A_1005 = arith.constant 112 : index
    %swap3A_1006 = tpu.vector_load %arg8[%swap3A_1004, %swap3A_1005] {strides = array<i32>} : memref<8x128xi32, #tpu.memory_space<vmem>>, vector<16xi32>,
    tpu.vector_store %arg8[%swap3A_1004, %swap3A_1005], %select_n3A_1002 {strides = array<i32>} : memref<8x128xi32, #tpu.memory_space<vmem>>, vector<16xi32>,
    %iota3A_1007 = tpu.iota {dimensions = array<i32: 0>} : vector<16xi32>
    %add3A_1008 = arith.constant 256 : i32
    %add3A_1009 = vector.broadcast %add3A_1008 : i32 to vector<16xi32>
    %add3A_1010 = arith.addi %add3A_1009, %iota3A_1007 : vector<16xi32>
    %and3A_1011 = arith.constant 3 : i32
    %and3A_1012 = vector.broadcast %and3A_1011 : i32 to vector<16xi32>
    %and3A_1013 = arith.andi %add3A_1010, %and3A_1012 : vector<16xi32>
    %mul3A_1014 = arith.constant 256 : i32
    %mul3A_1015 = vector.broadcast %mul3A_1014 : i32 to vector<16xi32>
    %mul3A_1016 = arith.muli %and3A_1013, %mul3A_1015 : vector<16xi32>
    %shift_right_arithmetic3A_1017 = arith.constant 2 : i32
    %shift_right_arithmetic3A_1018 = vector.broadcast %shift_right_arithmetic3A_1017 : i32 to vector<16xi32>
    %shift_right_arithmetic3A_1019 = arith.shrsi %add3A_1010, %shift_right_arithmetic3A_1018 : vector<16xi32>
    %add3A_1020 = arith.addi %mul3A_1016, %shift_right_arithmetic3A_1019 : vector<16xi32>
    %shift_right_arithmetic3A_1021 = arith.constant 7 : i32
    %shift_right_arithmetic3A_1022 = vector.broadcast %shift_right_arithmetic3A_1021 : i32 to vector<16xi32>
    %shift_right_arithmetic3A_1023 = arith.shrsi %add3A_1020, %shift_right_arithmetic3A_1022 : vector<16xi32>
    %and3A_1024 = arith.constant 127 : i32
    %and3A_1025 = vector.broadcast %and3A_1024 : i32 to vector<16xi32>
    %and3A_1026 = arith.andi %add3A_1020, %and3A_1025 : vector<16xi32>
    %gather3A_1027 = tpu.vector_load_idx %arg7[%shift_right_arithmetic3A_1023, %and3A_1026] : memref<8x128xi32, #tpu.memory_space<vmem>>[vector<16xi32>, vector<16xi32>], vector<16xi32>,
    %and3A_1028 = arith.constant 8191 : i32
    %and3A_1029 = vector.broadcast %and3A_1028 : i32 to vector<16xi32>
    %and3A_1030 = arith.andi %gather3A_1027, %and3A_1029 : vector<16xi32>
    %sub3A_1031 = arith.subi %gather3A_1027, %and3A_1030 : vector<16xi32>
    %and3A_1032 = arith.constant 2047 : i32
    %and3A_1033 = vector.broadcast %and3A_1032 : i32 to vector<16xi32>
    %and3A_1034 = arith.andi %and3A_1030, %and3A_1033 : vector<16xi32>
    %shift_left3A_1035 = arith.constant 2 : i32
    %shift_left3A_1036 = vector.broadcast %shift_left3A_1035 : i32 to vector<16xi32>
    %shift_left3A_1037 = arith.shli %and3A_1034, %shift_left3A_1036 : vector<16xi32>
    %add3A_1038 = arith.addi %sub3A_1031, %shift_left3A_1037 : vector<16xi32>
    %shift_right_arithmetic3A_1039 = arith.constant 11 : i32
    %shift_right_arithmetic3A_1040 = vector.broadcast %shift_right_arithmetic3A_1039 : i32 to vector<16xi32>
    %shift_right_arithmetic3A_1041 = arith.shrsi %and3A_1030, %shift_right_arithmetic3A_1040 : vector<16xi32>
    %add3A_1042 = arith.addi %add3A_1038, %shift_right_arithmetic3A_1041 : vector<16xi32>
    %sub3A_1043 = vector.broadcast %mul3A_184 : i32 to vector<16xi32>
    %sub3A_1044 = arith.subi %add3A_1042, %sub3A_1043 : vector<16xi32>
    %lt3A_1045 = arith.constant 0 : i32
    %lt3A_1046 = vector.broadcast %lt3A_1045 : i32 to vector<16xi32>
    %lt3A_1047 = arith.cmpi slt, %sub3A_1044, %lt3A_1046 : vector<16xi32>
    %ge3A_1048 = arith.constant 53248 : i32
    %ge3A_1049 = vector.broadcast %ge3A_1048 : i32 to vector<16xi32>
    %ge3A_1050 = arith.cmpi sge, %sub3A_1044, %ge3A_1049 : vector<16xi32>
    %or3A_1051 = arith.ori %lt3A_1047, %ge3A_1050 : vector<16xi1>
    %jit3A_1052 = arith.constant 53248 : i32
    %broadcast_in_dim3A_1053 = vector.broadcast %jit3A_1052 : i32 to vector<16xi32>
    %select_n3A_1054 = arith.select %or3A_1051, %broadcast_in_dim3A_1053, %sub3A_1044 : vector<16xi1>, vector<16xi32>
    %swap3A_1055 = arith.constant 2 : i32
    %swap3A_1056 = arith.index_cast %swap3A_1055 : i32 to index
    %swap3A_1057 = arith.constant 0 : index
    %swap3A_1058 = tpu.vector_load %arg8[%swap3A_1056, %swap3A_1057] {strides = array<i32>} : memref<8x128xi32, #tpu.memory_space<vmem>>, vector<16xi32>,
    tpu.vector_store %arg8[%swap3A_1056, %swap3A_1057], %select_n3A_1054 {strides = array<i32>} : memref<8x128xi32, #tpu.memory_space<vmem>>, vector<16xi32>,
    %iota3A_1059 = tpu.iota {dimensions = array<i32: 0>} : vector<16xi32>
    %add3A_1060 = arith.constant 272 : i32
    %add3A_1061 = vector.broadcast %add3A_1060 : i32 to vector<16xi32>
    %add3A_1062 = arith.addi %add3A_1061, %iota3A_1059 : vector<16xi32>
    %and3A_1063 = arith.constant 3 : i32
    %and3A_1064 = vector.broadcast %and3A_1063 : i32 to vector<16xi32>
    %and3A_1065 = arith.andi %add3A_1062, %and3A_1064 : vector<16xi32>
    %mul3A_1066 = arith.constant 256 : i32
    %mul3A_1067 = vector.broadcast %mul3A_1066 : i32 to vector<16xi32>
    %mul3A_1068 = arith.muli %and3A_1065, %mul3A_1067 : vector<16xi32>
    %shift_right_arithmetic3A_1069 = arith.constant 2 : i32
    %shift_right_arithmetic3A_1070 = vector.broadcast %shift_right_arithmetic3A_1069 : i32 to vector<16xi32>
    %shift_right_arithmetic3A_1071 = arith.shrsi %add3A_1062, %shift_right_arithmetic3A_1070 : vector<16xi32>
    %add3A_1072 = arith.addi %mul3A_1068, %shift_right_arithmetic3A_1071 : vector<16xi32>
    %shift_right_arithmetic3A_1073 = arith.constant 7 : i32
    %shift_right_arithmetic3A_1074 = vector.broadcast %shift_right_arithmetic3A_1073 : i32 to vector<16xi32>
    %shift_right_arithmetic3A_1075 = arith.shrsi %add3A_1072, %shift_right_arithmetic3A_1074 : vector<16xi32>
    %and3A_1076 = arith.constant 127 : i32
    %and3A_1077 = vector.broadcast %and3A_1076 : i32 to vector<16xi32>
    %and3A_1078 = arith.andi %add3A_1072, %and3A_1077 : vector<16xi32>
    %gather3A_1079 = tpu.vector_load_idx %arg7[%shift_right_arithmetic3A_1075, %and3A_1078] : memref<8x128xi32, #tpu.memory_space<vmem>>[vector<16xi32>, vector<16xi32>], vector<16xi32>,
    %and3A_1080 = arith.constant 8191 : i32
    %and3A_1081 = vector.broadcast %and3A_1080 : i32 to vector<16xi32>
    %and3A_1082 = arith.andi %gather3A_1079, %and3A_1081 : vector<16xi32>
    %sub3A_1083 = arith.subi %gather3A_1079, %and3A_1082 : vector<16xi32>
    %and3A_1084 = arith.constant 2047 : i32
    %and3A_1085 = vector.broadcast %and3A_1084 : i32 to vector<16xi32>
    %and3A_1086 = arith.andi %and3A_1082, %and3A_1085 : vector<16xi32>
    %shift_left3A_1087 = arith.constant 2 : i32
    %shift_left3A_1088 = vector.broadcast %shift_left3A_1087 : i32 to vector<16xi32>
    %shift_left3A_1089 = arith.shli %and3A_1086, %shift_left3A_1088 : vector<16xi32>
    %add3A_1090 = arith.addi %sub3A_1083, %shift_left3A_1089 : vector<16xi32>
    %shift_right_arithmetic3A_1091 = arith.constant 11 : i32
    %shift_right_arithmetic3A_1092 = vector.broadcast %shift_right_arithmetic3A_1091 : i32 to vector<16xi32>
    %shift_right_arithmetic3A_1093 = arith.shrsi %and3A_1082, %shift_right_arithmetic3A_1092 : vector<16xi32>
    %add3A_1094 = arith.addi %add3A_1090, %shift_right_arithmetic3A_1093 : vector<16xi32>
    %sub3A_1095 = vector.broadcast %mul3A_184 : i32 to vector<16xi32>
    %sub3A_1096 = arith.subi %add3A_1094, %sub3A_1095 : vector<16xi32>
    %lt3A_1097 = arith.constant 0 : i32
    %lt3A_1098 = vector.broadcast %lt3A_1097 : i32 to vector<16xi32>
    %lt3A_1099 = arith.cmpi slt, %sub3A_1096, %lt3A_1098 : vector<16xi32>
    %ge3A_1100 = arith.constant 53248 : i32
    %ge3A_1101 = vector.broadcast %ge3A_1100 : i32 to vector<16xi32>
    %ge3A_1102 = arith.cmpi sge, %sub3A_1096, %ge3A_1101 : vector<16xi32>
    %or3A_1103 = arith.ori %lt3A_1099, %ge3A_1102 : vector<16xi1>
    %jit3A_1104 = arith.constant 53248 : i32
    %broadcast_in_dim3A_1105 = vector.broadcast %jit3A_1104 : i32 to vector<16xi32>
    %select_n3A_1106 = arith.select %or3A_1103, %broadcast_in_dim3A_1105, %sub3A_1096 : vector<16xi1>, vector<16xi32>
    %swap3A_1107 = arith.constant 2 : i32
    %swap3A_1108 = arith.index_cast %swap3A_1107 : i32 to index
    %swap3A_1109 = arith.constant 16 : index
    %swap3A_1110 = tpu.vector_load %arg8[%swap3A_1108, %swap3A_1109] {strides = array<i32>} : memref<8x128xi32, #tpu.memory_space<vmem>>, vector<16xi32>,
    tpu.vector_store %arg8[%swap3A_1108, %swap3A_1109], %select_n3A_1106 {strides = array<i32>} : memref<8x128xi32, #tpu.memory_space<vmem>>, vector<16xi32>,
    %iota3A_1111 = tpu.iota {dimensions = array<i32: 0>} : vector<16xi32>
    %add3A_1112 = arith.constant 288 : i32
    %add3A_1113 = vector.broadcast %add3A_1112 : i32 to vector<16xi32>
    %add3A_1114 = arith.addi %add3A_1113, %iota3A_1111 : vector<16xi32>
    %and3A_1115 = arith.constant 3 : i32
    %and3A_1116 = vector.broadcast %and3A_1115 : i32 to vector<16xi32>
    %and3A_1117 = arith.andi %add3A_1114, %and3A_1116 : vector<16xi32>
    %mul3A_1118 = arith.constant 256 : i32
    %mul3A_1119 = vector.broadcast %mul3A_1118 : i32 to vector<16xi32>
    %mul3A_1120 = arith.muli %and3A_1117, %mul3A_1119 : vector<16xi32>
    %shift_right_arithmetic3A_1121 = arith.constant 2 : i32
    %shift_right_arithmetic3A_1122 = vector.broadcast %shift_right_arithmetic3A_1121 : i32 to vector<16xi32>
    %shift_right_arithmetic3A_1123 = arith.shrsi %add3A_1114, %shift_right_arithmetic3A_1122 : vector<16xi32>
    %add3A_1124 = arith.addi %mul3A_1120, %shift_right_arithmetic3A_1123 : vector<16xi32>
    %shift_right_arithmetic3A_1125 = arith.constant 7 : i32
    %shift_right_arithmetic3A_1126 = vector.broadcast %shift_right_arithmetic3A_1125 : i32 to vector<16xi32>
    %shift_right_arithmetic3A_1127 = arith.shrsi %add3A_1124, %shift_right_arithmetic3A_1126 : vector<16xi32>
    %and3A_1128 = arith.constant 127 : i32
    %and3A_1129 = vector.broadcast %and3A_1128 : i32 to vector<16xi32>
    %and3A_1130 = arith.andi %add3A_1124, %and3A_1129 : vector<16xi32>
    %gather3A_1131 = tpu.vector_load_idx %arg7[%shift_right_arithmetic3A_1127, %and3A_1130] : memref<8x128xi32, #tpu.memory_space<vmem>>[vector<16xi32>, vector<16xi32>], vector<16xi32>,
    %and3A_1132 = arith.constant 8191 : i32
    %and3A_1133 = vector.broadcast %and3A_1132 : i32 to vector<16xi32>
    %and3A_1134 = arith.andi %gather3A_1131, %and3A_1133 : vector<16xi32>
    %sub3A_1135 = arith.subi %gather3A_1131, %and3A_1134 : vector<16xi32>
    %and3A_1136 = arith.constant 2047 : i32
    %and3A_1137 = vector.broadcast %and3A_1136 : i32 to vector<16xi32>
    %and3A_1138 = arith.andi %and3A_1134, %and3A_1137 : vector<16xi32>
    %shift_left3A_1139 = arith.constant 2 : i32
    %shift_left3A_1140 = vector.broadcast %shift_left3A_1139 : i32 to vector<16xi32>
    %shift_left3A_1141 = arith.shli %and3A_1138, %shift_left3A_1140 : vector<16xi32>
    %add3A_1142 = arith.addi %sub3A_1135, %shift_left3A_1141 : vector<16xi32>
    %shift_right_arithmetic3A_1143 = arith.constant 11 : i32
    %shift_right_arithmetic3A_1144 = vector.broadcast %shift_right_arithmetic3A_1143 : i32 to vector<16xi32>
    %shift_right_arithmetic3A_1145 = arith.shrsi %and3A_1134, %shift_right_arithmetic3A_1144 : vector<16xi32>
    %add3A_1146 = arith.addi %add3A_1142, %shift_right_arithmetic3A_1145 : vector<16xi32>
    %sub3A_1147 = vector.broadcast %mul3A_184 : i32 to vector<16xi32>
    %sub3A_1148 = arith.subi %add3A_1146, %sub3A_1147 : vector<16xi32>
    %lt3A_1149 = arith.constant 0 : i32
    %lt3A_1150 = vector.broadcast %lt3A_1149 : i32 to vector<16xi32>
    %lt3A_1151 = arith.cmpi slt, %sub3A_1148, %lt3A_1150 : vector<16xi32>
    %ge3A_1152 = arith.constant 53248 : i32
    %ge3A_1153 = vector.broadcast %ge3A_1152 : i32 to vector<16xi32>
    %ge3A_1154 = arith.cmpi sge, %sub3A_1148, %ge3A_1153 : vector<16xi32>
    %or3A_1155 = arith.ori %lt3A_1151, %ge3A_1154 : vector<16xi1>
    %jit3A_1156 = arith.constant 53248 : i32
    %broadcast_in_dim3A_1157 = vector.broadcast %jit3A_1156 : i32 to vector<16xi32>
    %select_n3A_1158 = arith.select %or3A_1155, %broadcast_in_dim3A_1157, %sub3A_1148 : vector<16xi1>, vector<16xi32>
    %swap3A_1159 = arith.constant 2 : i32
    %swap3A_1160 = arith.index_cast %swap3A_1159 : i32 to index
    %swap3A_1161 = arith.constant 32 : index
    %swap3A_1162 = tpu.vector_load %arg8[%swap3A_1160, %swap3A_1161] {strides = array<i32>} : memref<8x128xi32, #tpu.memory_space<vmem>>, vector<16xi32>,
    tpu.vector_store %arg8[%swap3A_1160, %swap3A_1161], %select_n3A_1158 {strides = array<i32>} : memref<8x128xi32, #tpu.memory_space<vmem>>, vector<16xi32>,
    %iota3A_1163 = tpu.iota {dimensions = array<i32: 0>} : vector<16xi32>
    %add3A_1164 = arith.constant 304 : i32
    %add3A_1165 = vector.broadcast %add3A_1164 : i32 to vector<16xi32>
    %add3A_1166 = arith.addi %add3A_1165, %iota3A_1163 : vector<16xi32>
    %and3A_1167 = arith.constant 3 : i32
    %and3A_1168 = vector.broadcast %and3A_1167 : i32 to vector<16xi32>
    %and3A_1169 = arith.andi %add3A_1166, %and3A_1168 : vector<16xi32>
    %mul3A_1170 = arith.constant 256 : i32
    %mul3A_1171 = vector.broadcast %mul3A_1170 : i32 to vector<16xi32>
    %mul3A_1172 = arith.muli %and3A_1169, %mul3A_1171 : vector<16xi32>
    %shift_right_arithmetic3A_1173 = arith.constant 2 : i32
    %shift_right_arithmetic3A_1174 = vector.broadcast %shift_right_arithmetic3A_1173 : i32 to vector<16xi32>
    %shift_right_arithmetic3A_1175 = arith.shrsi %add3A_1166, %shift_right_arithmetic3A_1174 : vector<16xi32>
    %add3A_1176 = arith.addi %mul3A_1172, %shift_right_arithmetic3A_1175 : vector<16xi32>
    %shift_right_arithmetic3A_1177 = arith.constant 7 : i32
    %shift_right_arithmetic3A_1178 = vector.broadcast %shift_right_arithmetic3A_1177 : i32 to vector<16xi32>
    %shift_right_arithmetic3A_1179 = arith.shrsi %add3A_1176, %shift_right_arithmetic3A_1178 : vector<16xi32>
    %and3A_1180 = arith.constant 127 : i32
    %and3A_1181 = vector.broadcast %and3A_1180 : i32 to vector<16xi32>
    %and3A_1182 = arith.andi %add3A_1176, %and3A_1181 : vector<16xi32>
    %gather3A_1183 = tpu.vector_load_idx %arg7[%shift_right_arithmetic3A_1179, %and3A_1182] : memref<8x128xi32, #tpu.memory_space<vmem>>[vector<16xi32>, vector<16xi32>], vector<16xi32>,
    %and3A_1184 = arith.constant 8191 : i32
    %and3A_1185 = vector.broadcast %and3A_1184 : i32 to vector<16xi32>
    %and3A_1186 = arith.andi %gather3A_1183, %and3A_1185 : vector<16xi32>
    %sub3A_1187 = arith.subi %gather3A_1183, %and3A_1186 : vector<16xi32>
    %and3A_1188 = arith.constant 2047 : i32
    %and3A_1189 = vector.broadcast %and3A_1188 : i32 to vector<16xi32>
    %and3A_1190 = arith.andi %and3A_1186, %and3A_1189 : vector<16xi32>
    %shift_left3A_1191 = arith.constant 2 : i32
    %shift_left3A_1192 = vector.broadcast %shift_left3A_1191 : i32 to vector<16xi32>
    %shift_left3A_1193 = arith.shli %and3A_1190, %shift_left3A_1192 : vector<16xi32>
    %add3A_1194 = arith.addi %sub3A_1187, %shift_left3A_1193 : vector<16xi32>
    %shift_right_arithmetic3A_1195 = arith.constant 11 : i32
    %shift_right_arithmetic3A_1196 = vector.broadcast %shift_right_arithmetic3A_1195 : i32 to vector<16xi32>
    %shift_right_arithmetic3A_1197 = arith.shrsi %and3A_1186, %shift_right_arithmetic3A_1196 : vector<16xi32>
    %add3A_1198 = arith.addi %add3A_1194, %shift_right_arithmetic3A_1197 : vector<16xi32>
    %sub3A_1199 = vector.broadcast %mul3A_184 : i32 to vector<16xi32>
    %sub3A_1200 = arith.subi %add3A_1198, %sub3A_1199 : vector<16xi32>
    %lt3A_1201 = arith.constant 0 : i32
    %lt3A_1202 = vector.broadcast %lt3A_1201 : i32 to vector<16xi32>
    %lt3A_1203 = arith.cmpi slt, %sub3A_1200, %lt3A_1202 : vector<16xi32>
    %ge3A_1204 = arith.constant 53248 : i32
    %ge3A_1205 = vector.broadcast %ge3A_1204 : i32 to vector<16xi32>
    %ge3A_1206 = arith.cmpi sge, %sub3A_1200, %ge3A_1205 : vector<16xi32>
    %or3A_1207 = arith.ori %lt3A_1203, %ge3A_1206 : vector<16xi1>
    %jit3A_1208 = arith.constant 53248 : i32
    %broadcast_in_dim3A_1209 = vector.broadcast %jit3A_1208 : i32 to vector<16xi32>
    %select_n3A_1210 = arith.select %or3A_1207, %broadcast_in_dim3A_1209, %sub3A_1200 : vector<16xi1>, vector<16xi32>
    %swap3A_1211 = arith.constant 2 : i32
    %swap3A_1212 = arith.index_cast %swap3A_1211 : i32 to index
    %swap3A_1213 = arith.constant 48 : index
    %swap3A_1214 = tpu.vector_load %arg8[%swap3A_1212, %swap3A_1213] {strides = array<i32>} : memref<8x128xi32, #tpu.memory_space<vmem>>, vector<16xi32>,
    tpu.vector_store %arg8[%swap3A_1212, %swap3A_1213], %select_n3A_1210 {strides = array<i32>} : memref<8x128xi32, #tpu.memory_space<vmem>>, vector<16xi32>,
    %iota3A_1215 = tpu.iota {dimensions = array<i32: 0>} : vector<16xi32>
    %add3A_1216 = arith.constant 320 : i32
    %add3A_1217 = vector.broadcast %add3A_1216 : i32 to vector<16xi32>
    %add3A_1218 = arith.addi %add3A_1217, %iota3A_1215 : vector<16xi32>
    %and3A_1219 = arith.constant 3 : i32
    %and3A_1220 = vector.broadcast %and3A_1219 : i32 to vector<16xi32>
    %and3A_1221 = arith.andi %add3A_1218, %and3A_1220 : vector<16xi32>
    %mul3A_1222 = arith.constant 256 : i32
    %mul3A_1223 = vector.broadcast %mul3A_1222 : i32 to vector<16xi32>
    %mul3A_1224 = arith.muli %and3A_1221, %mul3A_1223 : vector<16xi32>
    %shift_right_arithmetic3A_1225 = arith.constant 2 : i32
    %shift_right_arithmetic3A_1226 = vector.broadcast %shift_right_arithmetic3A_1225 : i32 to vector<16xi32>
    %shift_right_arithmetic3A_1227 = arith.shrsi %add3A_1218, %shift_right_arithmetic3A_1226 : vector<16xi32>
    %add3A_1228 = arith.addi %mul3A_1224, %shift_right_arithmetic3A_1227 : vector<16xi32>
    %shift_right_arithmetic3A_1229 = arith.constant 7 : i32
    %shift_right_arithmetic3A_1230 = vector.broadcast %shift_right_arithmetic3A_1229 : i32 to vector<16xi32>
    %shift_right_arithmetic3A_1231 = arith.shrsi %add3A_1228, %shift_right_arithmetic3A_1230 : vector<16xi32>
    %and3A_1232 = arith.constant 127 : i32
    %and3A_1233 = vector.broadcast %and3A_1232 : i32 to vector<16xi32>
    %and3A_1234 = arith.andi %add3A_1228, %and3A_1233 : vector<16xi32>
    %gather3A_1235 = tpu.vector_load_idx %arg7[%shift_right_arithmetic3A_1231, %and3A_1234] : memref<8x128xi32, #tpu.memory_space<vmem>>[vector<16xi32>, vector<16xi32>], vector<16xi32>,
    %and3A_1236 = arith.constant 8191 : i32
    %and3A_1237 = vector.broadcast %and3A_1236 : i32 to vector<16xi32>
    %and3A_1238 = arith.andi %gather3A_1235, %and3A_1237 : vector<16xi32>
    %sub3A_1239 = arith.subi %gather3A_1235, %and3A_1238 : vector<16xi32>
    %and3A_1240 = arith.constant 2047 : i32
    %and3A_1241 = vector.broadcast %and3A_1240 : i32 to vector<16xi32>
    %and3A_1242 = arith.andi %and3A_1238, %and3A_1241 : vector<16xi32>
    %shift_left3A_1243 = arith.constant 2 : i32
    %shift_left3A_1244 = vector.broadcast %shift_left3A_1243 : i32 to vector<16xi32>
    %shift_left3A_1245 = arith.shli %and3A_1242, %shift_left3A_1244 : vector<16xi32>
    %add3A_1246 = arith.addi %sub3A_1239, %shift_left3A_1245 : vector<16xi32>
    %shift_right_arithmetic3A_1247 = arith.constant 11 : i32
    %shift_right_arithmetic3A_1248 = vector.broadcast %shift_right_arithmetic3A_1247 : i32 to vector<16xi32>
    %shift_right_arithmetic3A_1249 = arith.shrsi %and3A_1238, %shift_right_arithmetic3A_1248 : vector<16xi32>
    %add3A_1250 = arith.addi %add3A_1246, %shift_right_arithmetic3A_1249 : vector<16xi32>
    %sub3A_1251 = vector.broadcast %mul3A_184 : i32 to vector<16xi32>
    %sub3A_1252 = arith.subi %add3A_1250, %sub3A_1251 : vector<16xi32>
    %lt3A_1253 = arith.constant 0 : i32
    %lt3A_1254 = vector.broadcast %lt3A_1253 : i32 to vector<16xi32>
    %lt3A_1255 = arith.cmpi slt, %sub3A_1252, %lt3A_1254 : vector<16xi32>
    %ge3A_1256 = arith.constant 53248 : i32
    %ge3A_1257 = vector.broadcast %ge3A_1256 : i32 to vector<16xi32>
    %ge3A_1258 = arith.cmpi sge, %sub3A_1252, %ge3A_1257 : vector<16xi32>
    %or3A_1259 = arith.ori %lt3A_1255, %ge3A_1258 : vector<16xi1>
    %jit3A_1260 = arith.constant 53248 : i32
    %broadcast_in_dim3A_1261 = vector.broadcast %jit3A_1260 : i32 to vector<16xi32>
    %select_n3A_1262 = arith.select %or3A_1259, %broadcast_in_dim3A_1261, %sub3A_1252 : vector<16xi1>, vector<16xi32>
    %swap3A_1263 = arith.constant 2 : i32
    %swap3A_1264 = arith.index_cast %swap3A_1263 : i32 to index
    %swap3A_1265 = arith.constant 64 : index
    %swap3A_1266 = tpu.vector_load %arg8[%swap3A_1264, %swap3A_1265] {strides = array<i32>} : memref<8x128xi32, #tpu.memory_space<vmem>>, vector<16xi32>,
    tpu.vector_store %arg8[%swap3A_1264, %swap3A_1265], %select_n3A_1262 {strides = array<i32>} : memref<8x128xi32, #tpu.memory_space<vmem>>, vector<16xi32>,
    %iota3A_1267 = tpu.iota {dimensions = array<i32: 0>} : vector<16xi32>
    %add3A_1268 = arith.constant 336 : i32
    %add3A_1269 = vector.broadcast %add3A_1268 : i32 to vector<16xi32>
    %add3A_1270 = arith.addi %add3A_1269, %iota3A_1267 : vector<16xi32>
    %and3A_1271 = arith.constant 3 : i32
    %and3A_1272 = vector.broadcast %and3A_1271 : i32 to vector<16xi32>
    %and3A_1273 = arith.andi %add3A_1270, %and3A_1272 : vector<16xi32>
    %mul3A_1274 = arith.constant 256 : i32
    %mul3A_1275 = vector.broadcast %mul3A_1274 : i32 to vector<16xi32>
    %mul3A_1276 = arith.muli %and3A_1273, %mul3A_1275 : vector<16xi32>
    %shift_right_arithmetic3A_1277 = arith.constant 2 : i32
    %shift_right_arithmetic3A_1278 = vector.broadcast %shift_right_arithmetic3A_1277 : i32 to vector<16xi32>
    %shift_right_arithmetic3A_1279 = arith.shrsi %add3A_1270, %shift_right_arithmetic3A_1278 : vector<16xi32>
    %add3A_1280 = arith.addi %mul3A_1276, %shift_right_arithmetic3A_1279 : vector<16xi32>
    %shift_right_arithmetic3A_1281 = arith.constant 7 : i32
    %shift_right_arithmetic3A_1282 = vector.broadcast %shift_right_arithmetic3A_1281 : i32 to vector<16xi32>
    %shift_right_arithmetic3A_1283 = arith.shrsi %add3A_1280, %shift_right_arithmetic3A_1282 : vector<16xi32>
    %and3A_1284 = arith.constant 127 : i32
    %and3A_1285 = vector.broadcast %and3A_1284 : i32 to vector<16xi32>
    %and3A_1286 = arith.andi %add3A_1280, %and3A_1285 : vector<16xi32>
    %gather3A_1287 = tpu.vector_load_idx %arg7[%shift_right_arithmetic3A_1283, %and3A_1286] : memref<8x128xi32, #tpu.memory_space<vmem>>[vector<16xi32>, vector<16xi32>], vector<16xi32>,
    %and3A_1288 = arith.constant 8191 : i32
    %and3A_1289 = vector.broadcast %and3A_1288 : i32 to vector<16xi32>
    %and3A_1290 = arith.andi %gather3A_1287, %and3A_1289 : vector<16xi32>
    %sub3A_1291 = arith.subi %gather3A_1287, %and3A_1290 : vector<16xi32>
    %and3A_1292 = arith.constant 2047 : i32
    %and3A_1293 = vector.broadcast %and3A_1292 : i32 to vector<16xi32>
    %and3A_1294 = arith.andi %and3A_1290, %and3A_1293 : vector<16xi32>
    %shift_left3A_1295 = arith.constant 2 : i32
    %shift_left3A_1296 = vector.broadcast %shift_left3A_1295 : i32 to vector<16xi32>
    %shift_left3A_1297 = arith.shli %and3A_1294, %shift_left3A_1296 : vector<16xi32>
    %add3A_1298 = arith.addi %sub3A_1291, %shift_left3A_1297 : vector<16xi32>
    %shift_right_arithmetic3A_1299 = arith.constant 11 : i32
    %shift_right_arithmetic3A_1300 = vector.broadcast %shift_right_arithmetic3A_1299 : i32 to vector<16xi32>
    %shift_right_arithmetic3A_1301 = arith.shrsi %and3A_1290, %shift_right_arithmetic3A_1300 : vector<16xi32>
    %add3A_1302 = arith.addi %add3A_1298, %shift_right_arithmetic3A_1301 : vector<16xi32>
    %sub3A_1303 = vector.broadcast %mul3A_184 : i32 to vector<16xi32>
    %sub3A_1304 = arith.subi %add3A_1302, %sub3A_1303 : vector<16xi32>
    %lt3A_1305 = arith.constant 0 : i32
    %lt3A_1306 = vector.broadcast %lt3A_1305 : i32 to vector<16xi32>
    %lt3A_1307 = arith.cmpi slt, %sub3A_1304, %lt3A_1306 : vector<16xi32>
    %ge3A_1308 = arith.constant 53248 : i32
    %ge3A_1309 = vector.broadcast %ge3A_1308 : i32 to vector<16xi32>
    %ge3A_1310 = arith.cmpi sge, %sub3A_1304, %ge3A_1309 : vector<16xi32>
    %or3A_1311 = arith.ori %lt3A_1307, %ge3A_1310 : vector<16xi1>
    %jit3A_1312 = arith.constant 53248 : i32
    %broadcast_in_dim3A_1313 = vector.broadcast %jit3A_1312 : i32 to vector<16xi32>
    %select_n3A_1314 = arith.select %or3A_1311, %broadcast_in_dim3A_1313, %sub3A_1304 : vector<16xi1>, vector<16xi32>
    %swap3A_1315 = arith.constant 2 : i32
    %swap3A_1316 = arith.index_cast %swap3A_1315 : i32 to index
    %swap3A_1317 = arith.constant 80 : index
    %swap3A_1318 = tpu.vector_load %arg8[%swap3A_1316, %swap3A_1317] {strides = array<i32>} : memref<8x128xi32, #tpu.memory_space<vmem>>, vector<16xi32>,
    tpu.vector_store %arg8[%swap3A_1316, %swap3A_1317], %select_n3A_1314 {strides = array<i32>} : memref<8x128xi32, #tpu.memory_space<vmem>>, vector<16xi32>,
    %iota3A_1319 = tpu.iota {dimensions = array<i32: 0>} : vector<16xi32>
    %add3A_1320 = arith.constant 352 : i32
    %add3A_1321 = vector.broadcast %add3A_1320 : i32 to vector<16xi32>
    %add3A_1322 = arith.addi %add3A_1321, %iota3A_1319 : vector<16xi32>
    %and3A_1323 = arith.constant 3 : i32
    %and3A_1324 = vector.broadcast %and3A_1323 : i32 to vector<16xi32>
    %and3A_1325 = arith.andi %add3A_1322, %and3A_1324 : vector<16xi32>
    %mul3A_1326 = arith.constant 256 : i32
    %mul3A_1327 = vector.broadcast %mul3A_1326 : i32 to vector<16xi32>
    %mul3A_1328 = arith.muli %and3A_1325, %mul3A_1327 : vector<16xi32>
    %shift_right_arithmetic3A_1329 = arith.constant 2 : i32
    %shift_right_arithmetic3A_1330 = vector.broadcast %shift_right_arithmetic3A_1329 : i32 to vector<16xi32>
    %shift_right_arithmetic3A_1331 = arith.shrsi %add3A_1322, %shift_right_arithmetic3A_1330 : vector<16xi32>
    %add3A_1332 = arith.addi %mul3A_1328, %shift_right_arithmetic3A_1331 : vector<16xi32>
    %shift_right_arithmetic3A_1333 = arith.constant 7 : i32
    %shift_right_arithmetic3A_1334 = vector.broadcast %shift_right_arithmetic3A_1333 : i32 to vector<16xi32>
    %shift_right_arithmetic3A_1335 = arith.shrsi %add3A_1332, %shift_right_arithmetic3A_1334 : vector<16xi32>
    %and3A_1336 = arith.constant 127 : i32
    %and3A_1337 = vector.broadcast %and3A_1336 : i32 to vector<16xi32>
    %and3A_1338 = arith.andi %add3A_1332, %and3A_1337 : vector<16xi32>
    %gather3A_1339 = tpu.vector_load_idx %arg7[%shift_right_arithmetic3A_1335, %and3A_1338] : memref<8x128xi32, #tpu.memory_space<vmem>>[vector<16xi32>, vector<16xi32>], vector<16xi32>,
    %and3A_1340 = arith.constant 8191 : i32
    %and3A_1341 = vector.broadcast %and3A_1340 : i32 to vector<16xi32>
    %and3A_1342 = arith.andi %gather3A_1339, %and3A_1341 : vector<16xi32>
    %sub3A_1343 = arith.subi %gather3A_1339, %and3A_1342 : vector<16xi32>
    %and3A_1344 = arith.constant 2047 : i32
    %and3A_1345 = vector.broadcast %and3A_1344 : i32 to vector<16xi32>
    %and3A_1346 = arith.andi %and3A_1342, %and3A_1345 : vector<16xi32>
    %shift_left3A_1347 = arith.constant 2 : i32
    %shift_left3A_1348 = vector.broadcast %shift_left3A_1347 : i32 to vector<16xi32>
    %shift_left3A_1349 = arith.shli %and3A_1346, %shift_left3A_1348 : vector<16xi32>
    %add3A_1350 = arith.addi %sub3A_1343, %shift_left3A_1349 : vector<16xi32>
    %shift_right_arithmetic3A_1351 = arith.constant 11 : i32
    %shift_right_arithmetic3A_1352 = vector.broadcast %shift_right_arithmetic3A_1351 : i32 to vector<16xi32>
    %shift_right_arithmetic3A_1353 = arith.shrsi %and3A_1342, %shift_right_arithmetic3A_1352 : vector<16xi32>
    %add3A_1354 = arith.addi %add3A_1350, %shift_right_arithmetic3A_1353 : vector<16xi32>
    %sub3A_1355 = vector.broadcast %mul3A_184 : i32 to vector<16xi32>
    %sub3A_1356 = arith.subi %add3A_1354, %sub3A_1355 : vector<16xi32>
    %lt3A_1357 = arith.constant 0 : i32
    %lt3A_1358 = vector.broadcast %lt3A_1357 : i32 to vector<16xi32>
    %lt3A_1359 = arith.cmpi slt, %sub3A_1356, %lt3A_1358 : vector<16xi32>
    %ge3A_1360 = arith.constant 53248 : i32
    %ge3A_1361 = vector.broadcast %ge3A_1360 : i32 to vector<16xi32>
    %ge3A_1362 = arith.cmpi sge, %sub3A_1356, %ge3A_1361 : vector<16xi32>
    %or3A_1363 = arith.ori %lt3A_1359, %ge3A_1362 : vector<16xi1>
    %jit3A_1364 = arith.constant 53248 : i32
    %broadcast_in_dim3A_1365 = vector.broadcast %jit3A_1364 : i32 to vector<16xi32>
    %select_n3A_1366 = arith.select %or3A_1363, %broadcast_in_dim3A_1365, %sub3A_1356 : vector<16xi1>, vector<16xi32>
    %swap3A_1367 = arith.constant 2 : i32
    %swap3A_1368 = arith.index_cast %swap3A_1367 : i32 to index
    %swap3A_1369 = arith.constant 96 : index
    %swap3A_1370 = tpu.vector_load %arg8[%swap3A_1368, %swap3A_1369] {strides = array<i32>} : memref<8x128xi32, #tpu.memory_space<vmem>>, vector<16xi32>,
    tpu.vector_store %arg8[%swap3A_1368, %swap3A_1369], %select_n3A_1366 {strides = array<i32>} : memref<8x128xi32, #tpu.memory_space<vmem>>, vector<16xi32>,
    %iota3A_1371 = tpu.iota {dimensions = array<i32: 0>} : vector<16xi32>
    %add3A_1372 = arith.constant 368 : i32
    %add3A_1373 = vector.broadcast %add3A_1372 : i32 to vector<16xi32>
    %add3A_1374 = arith.addi %add3A_1373, %iota3A_1371 : vector<16xi32>
    %and3A_1375 = arith.constant 3 : i32
    %and3A_1376 = vector.broadcast %and3A_1375 : i32 to vector<16xi32>
    %and3A_1377 = arith.andi %add3A_1374, %and3A_1376 : vector<16xi32>
    %mul3A_1378 = arith.constant 256 : i32
    %mul3A_1379 = vector.broadcast %mul3A_1378 : i32 to vector<16xi32>
    %mul3A_1380 = arith.muli %and3A_1377, %mul3A_1379 : vector<16xi32>
    %shift_right_arithmetic3A_1381 = arith.constant 2 : i32
    %shift_right_arithmetic3A_1382 = vector.broadcast %shift_right_arithmetic3A_1381 : i32 to vector<16xi32>
    %shift_right_arithmetic3A_1383 = arith.shrsi %add3A_1374, %shift_right_arithmetic3A_1382 : vector<16xi32>
    %add3A_1384 = arith.addi %mul3A_1380, %shift_right_arithmetic3A_1383 : vector<16xi32>
    %shift_right_arithmetic3A_1385 = arith.constant 7 : i32
    %shift_right_arithmetic3A_1386 = vector.broadcast %shift_right_arithmetic3A_1385 : i32 to vector<16xi32>
    %shift_right_arithmetic3A_1387 = arith.shrsi %add3A_1384, %shift_right_arithmetic3A_1386 : vector<16xi32>
    %and3A_1388 = arith.constant 127 : i32
    %and3A_1389 = vector.broadcast %and3A_1388 : i32 to vector<16xi32>
    %and3A_1390 = arith.andi %add3A_1384, %and3A_1389 : vector<16xi32>
    %gather3A_1391 = tpu.vector_load_idx %arg7[%shift_right_arithmetic3A_1387, %and3A_1390] : memref<8x128xi32, #tpu.memory_space<vmem>>[vector<16xi32>, vector<16xi32>], vector<16xi32>,
    %and3A_1392 = arith.constant 8191 : i32
    %and3A_1393 = vector.broadcast %and3A_1392 : i32 to vector<16xi32>
    %and3A_1394 = arith.andi %gather3A_1391, %and3A_1393 : vector<16xi32>
    %sub3A_1395 = arith.subi %gather3A_1391, %and3A_1394 : vector<16xi32>
    %and3A_1396 = arith.constant 2047 : i32
    %and3A_1397 = vector.broadcast %and3A_1396 : i32 to vector<16xi32>
    %and3A_1398 = arith.andi %and3A_1394, %and3A_1397 : vector<16xi32>
    %shift_left3A_1399 = arith.constant 2 : i32
    %shift_left3A_1400 = vector.broadcast %shift_left3A_1399 : i32 to vector<16xi32>
    %shift_left3A_1401 = arith.shli %and3A_1398, %shift_left3A_1400 : vector<16xi32>
    %add3A_1402 = arith.addi %sub3A_1395, %shift_left3A_1401 : vector<16xi32>
    %shift_right_arithmetic3A_1403 = arith.constant 11 : i32
    %shift_right_arithmetic3A_1404 = vector.broadcast %shift_right_arithmetic3A_1403 : i32 to vector<16xi32>
    %shift_right_arithmetic3A_1405 = arith.shrsi %and3A_1394, %shift_right_arithmetic3A_1404 : vector<16xi32>
    %add3A_1406 = arith.addi %add3A_1402, %shift_right_arithmetic3A_1405 : vector<16xi32>
    %sub3A_1407 = vector.broadcast %mul3A_184 : i32 to vector<16xi32>
    %sub3A_1408 = arith.subi %add3A_1406, %sub3A_1407 : vector<16xi32>
    %lt3A_1409 = arith.constant 0 : i32
    %lt3A_1410 = vector.broadcast %lt3A_1409 : i32 to vector<16xi32>
    %lt3A_1411 = arith.cmpi slt, %sub3A_1408, %lt3A_1410 : vector<16xi32>
    %ge3A_1412 = arith.constant 53248 : i32
    %ge3A_1413 = vector.broadcast %ge3A_1412 : i32 to vector<16xi32>
    %ge3A_1414 = arith.cmpi sge, %sub3A_1408, %ge3A_1413 : vector<16xi32>
    %or3A_1415 = arith.ori %lt3A_1411, %ge3A_1414 : vector<16xi1>
    %jit3A_1416 = arith.constant 53248 : i32
    %broadcast_in_dim3A_1417 = vector.broadcast %jit3A_1416 : i32 to vector<16xi32>
    %select_n3A_1418 = arith.select %or3A_1415, %broadcast_in_dim3A_1417, %sub3A_1408 : vector<16xi1>, vector<16xi32>
    %swap3A_1419 = arith.constant 2 : i32
    %swap3A_1420 = arith.index_cast %swap3A_1419 : i32 to index
    %swap3A_1421 = arith.constant 112 : index
    %swap3A_1422 = tpu.vector_load %arg8[%swap3A_1420, %swap3A_1421] {strides = array<i32>} : memref<8x128xi32, #tpu.memory_space<vmem>>, vector<16xi32>,
    tpu.vector_store %arg8[%swap3A_1420, %swap3A_1421], %select_n3A_1418 {strides = array<i32>} : memref<8x128xi32, #tpu.memory_space<vmem>>, vector<16xi32>,
    %iota3A_1423 = tpu.iota {dimensions = array<i32: 0>} : vector<16xi32>
    %add3A_1424 = arith.constant 384 : i32
    %add3A_1425 = vector.broadcast %add3A_1424 : i32 to vector<16xi32>
    %add3A_1426 = arith.addi %add3A_1425, %iota3A_1423 : vector<16xi32>
    %and3A_1427 = arith.constant 3 : i32
    %and3A_1428 = vector.broadcast %and3A_1427 : i32 to vector<16xi32>
    %and3A_1429 = arith.andi %add3A_1426, %and3A_1428 : vector<16xi32>
    %mul3A_1430 = arith.constant 256 : i32
    %mul3A_1431 = vector.broadcast %mul3A_1430 : i32 to vector<16xi32>
    %mul3A_1432 = arith.muli %and3A_1429, %mul3A_1431 : vector<16xi32>
    %shift_right_arithmetic3A_1433 = arith.constant 2 : i32
    %shift_right_arithmetic3A_1434 = vector.broadcast %shift_right_arithmetic3A_1433 : i32 to vector<16xi32>
    %shift_right_arithmetic3A_1435 = arith.shrsi %add3A_1426, %shift_right_arithmetic3A_1434 : vector<16xi32>
    %add3A_1436 = arith.addi %mul3A_1432, %shift_right_arithmetic3A_1435 : vector<16xi32>
    %shift_right_arithmetic3A_1437 = arith.constant 7 : i32
    %shift_right_arithmetic3A_1438 = vector.broadcast %shift_right_arithmetic3A_1437 : i32 to vector<16xi32>
    %shift_right_arithmetic3A_1439 = arith.shrsi %add3A_1436, %shift_right_arithmetic3A_1438 : vector<16xi32>
    %and3A_1440 = arith.constant 127 : i32
    %and3A_1441 = vector.broadcast %and3A_1440 : i32 to vector<16xi32>
    %and3A_1442 = arith.andi %add3A_1436, %and3A_1441 : vector<16xi32>
    %gather3A_1443 = tpu.vector_load_idx %arg7[%shift_right_arithmetic3A_1439, %and3A_1442] : memref<8x128xi32, #tpu.memory_space<vmem>>[vector<16xi32>, vector<16xi32>], vector<16xi32>,
    %and3A_1444 = arith.constant 8191 : i32
    %and3A_1445 = vector.broadcast %and3A_1444 : i32 to vector<16xi32>
    %and3A_1446 = arith.andi %gather3A_1443, %and3A_1445 : vector<16xi32>
    %sub3A_1447 = arith.subi %gather3A_1443, %and3A_1446 : vector<16xi32>
    %and3A_1448 = arith.constant 2047 : i32
    %and3A_1449 = vector.broadcast %and3A_1448 : i32 to vector<16xi32>
    %and3A_1450 = arith.andi %and3A_1446, %and3A_1449 : vector<16xi32>
    %shift_left3A_1451 = arith.constant 2 : i32
    %shift_left3A_1452 = vector.broadcast %shift_left3A_1451 : i32 to vector<16xi32>
    %shift_left3A_1453 = arith.shli %and3A_1450, %shift_left3A_1452 : vector<16xi32>
    %add3A_1454 = arith.addi %sub3A_1447, %shift_left3A_1453 : vector<16xi32>
    %shift_right_arithmetic3A_1455 = arith.constant 11 : i32
    %shift_right_arithmetic3A_1456 = vector.broadcast %shift_right_arithmetic3A_1455 : i32 to vector<16xi32>
    %shift_right_arithmetic3A_1457 = arith.shrsi %and3A_1446, %shift_right_arithmetic3A_1456 : vector<16xi32>
    %add3A_1458 = arith.addi %add3A_1454, %shift_right_arithmetic3A_1457 : vector<16xi32>
    %sub3A_1459 = vector.broadcast %mul3A_184 : i32 to vector<16xi32>
    %sub3A_1460 = arith.subi %add3A_1458, %sub3A_1459 : vector<16xi32>
    %lt3A_1461 = arith.constant 0 : i32
    %lt3A_1462 = vector.broadcast %lt3A_1461 : i32 to vector<16xi32>
    %lt3A_1463 = arith.cmpi slt, %sub3A_1460, %lt3A_1462 : vector<16xi32>
    %ge3A_1464 = arith.constant 53248 : i32
    %ge3A_1465 = vector.broadcast %ge3A_1464 : i32 to vector<16xi32>
    %ge3A_1466 = arith.cmpi sge, %sub3A_1460, %ge3A_1465 : vector<16xi32>
    %or3A_1467 = arith.ori %lt3A_1463, %ge3A_1466 : vector<16xi1>
    %jit3A_1468 = arith.constant 53248 : i32
    %broadcast_in_dim3A_1469 = vector.broadcast %jit3A_1468 : i32 to vector<16xi32>
    %select_n3A_1470 = arith.select %or3A_1467, %broadcast_in_dim3A_1469, %sub3A_1460 : vector<16xi1>, vector<16xi32>
    %swap3A_1471 = arith.constant 3 : i32
    %swap3A_1472 = arith.index_cast %swap3A_1471 : i32 to index
    %swap3A_1473 = arith.constant 0 : index
    %swap3A_1474 = tpu.vector_load %arg8[%swap3A_1472, %swap3A_1473] {strides = array<i32>} : memref<8x128xi32, #tpu.memory_space<vmem>>, vector<16xi32>,
    tpu.vector_store %arg8[%swap3A_1472, %swap3A_1473], %select_n3A_1470 {strides = array<i32>} : memref<8x128xi32, #tpu.memory_space<vmem>>, vector<16xi32>,
    %iota3A_1475 = tpu.iota {dimensions = array<i32: 0>} : vector<16xi32>
    %add3A_1476 = arith.constant 400 : i32
    %add3A_1477 = vector.broadcast %add3A_1476 : i32 to vector<16xi32>
    %add3A_1478 = arith.addi %add3A_1477, %iota3A_1475 : vector<16xi32>
    %and3A_1479 = arith.constant 3 : i32
    %and3A_1480 = vector.broadcast %and3A_1479 : i32 to vector<16xi32>
    %and3A_1481 = arith.andi %add3A_1478, %and3A_1480 : vector<16xi32>
    %mul3A_1482 = arith.constant 256 : i32
    %mul3A_1483 = vector.broadcast %mul3A_1482 : i32 to vector<16xi32>
    %mul3A_1484 = arith.muli %and3A_1481, %mul3A_1483 : vector<16xi32>
    %shift_right_arithmetic3A_1485 = arith.constant 2 : i32
    %shift_right_arithmetic3A_1486 = vector.broadcast %shift_right_arithmetic3A_1485 : i32 to vector<16xi32>
    %shift_right_arithmetic3A_1487 = arith.shrsi %add3A_1478, %shift_right_arithmetic3A_1486 : vector<16xi32>
    %add3A_1488 = arith.addi %mul3A_1484, %shift_right_arithmetic3A_1487 : vector<16xi32>
    %shift_right_arithmetic3A_1489 = arith.constant 7 : i32
    %shift_right_arithmetic3A_1490 = vector.broadcast %shift_right_arithmetic3A_1489 : i32 to vector<16xi32>
    %shift_right_arithmetic3A_1491 = arith.shrsi %add3A_1488, %shift_right_arithmetic3A_1490 : vector<16xi32>
    %and3A_1492 = arith.constant 127 : i32
    %and3A_1493 = vector.broadcast %and3A_1492 : i32 to vector<16xi32>
    %and3A_1494 = arith.andi %add3A_1488, %and3A_1493 : vector<16xi32>
    %gather3A_1495 = tpu.vector_load_idx %arg7[%shift_right_arithmetic3A_1491, %and3A_1494] : memref<8x128xi32, #tpu.memory_space<vmem>>[vector<16xi32>, vector<16xi32>], vector<16xi32>,
    %and3A_1496 = arith.constant 8191 : i32
    %and3A_1497 = vector.broadcast %and3A_1496 : i32 to vector<16xi32>
    %and3A_1498 = arith.andi %gather3A_1495, %and3A_1497 : vector<16xi32>
    %sub3A_1499 = arith.subi %gather3A_1495, %and3A_1498 : vector<16xi32>
    %and3A_1500 = arith.constant 2047 : i32
    %and3A_1501 = vector.broadcast %and3A_1500 : i32 to vector<16xi32>
    %and3A_1502 = arith.andi %and3A_1498, %and3A_1501 : vector<16xi32>
    %shift_left3A_1503 = arith.constant 2 : i32
    %shift_left3A_1504 = vector.broadcast %shift_left3A_1503 : i32 to vector<16xi32>
    %shift_left3A_1505 = arith.shli %and3A_1502, %shift_left3A_1504 : vector<16xi32>
    %add3A_1506 = arith.addi %sub3A_1499, %shift_left3A_1505 : vector<16xi32>
    %shift_right_arithmetic3A_1507 = arith.constant 11 : i32
    %shift_right_arithmetic3A_1508 = vector.broadcast %shift_right_arithmetic3A_1507 : i32 to vector<16xi32>
    %shift_right_arithmetic3A_1509 = arith.shrsi %and3A_1498, %shift_right_arithmetic3A_1508 : vector<16xi32>
    %add3A_1510 = arith.addi %add3A_1506, %shift_right_arithmetic3A_1509 : vector<16xi32>
    %sub3A_1511 = vector.broadcast %mul3A_184 : i32 to vector<16xi32>
    %sub3A_1512 = arith.subi %add3A_1510, %sub3A_1511 : vector<16xi32>
    %lt3A_1513 = arith.constant 0 : i32
    %lt3A_1514 = vector.broadcast %lt3A_1513 : i32 to vector<16xi32>
    %lt3A_1515 = arith.cmpi slt, %sub3A_1512, %lt3A_1514 : vector<16xi32>
    %ge3A_1516 = arith.constant 53248 : i32
    %ge3A_1517 = vector.broadcast %ge3A_1516 : i32 to vector<16xi32>
    %ge3A_1518 = arith.cmpi sge, %sub3A_1512, %ge3A_1517 : vector<16xi32>
    %or3A_1519 = arith.ori %lt3A_1515, %ge3A_1518 : vector<16xi1>
    %jit3A_1520 = arith.constant 53248 : i32
    %broadcast_in_dim3A_1521 = vector.broadcast %jit3A_1520 : i32 to vector<16xi32>
    %select_n3A_1522 = arith.select %or3A_1519, %broadcast_in_dim3A_1521, %sub3A_1512 : vector<16xi1>, vector<16xi32>
    %swap3A_1523 = arith.constant 3 : i32
    %swap3A_1524 = arith.index_cast %swap3A_1523 : i32 to index
    %swap3A_1525 = arith.constant 16 : index
    %swap3A_1526 = tpu.vector_load %arg8[%swap3A_1524, %swap3A_1525] {strides = array<i32>} : memref<8x128xi32, #tpu.memory_space<vmem>>, vector<16xi32>,
    tpu.vector_store %arg8[%swap3A_1524, %swap3A_1525], %select_n3A_1522 {strides = array<i32>} : memref<8x128xi32, #tpu.memory_space<vmem>>, vector<16xi32>,
    %iota3A_1527 = tpu.iota {dimensions = array<i32: 0>} : vector<16xi32>
    %add3A_1528 = arith.constant 416 : i32
    %add3A_1529 = vector.broadcast %add3A_1528 : i32 to vector<16xi32>
    %add3A_1530 = arith.addi %add3A_1529, %iota3A_1527 : vector<16xi32>
    %and3A_1531 = arith.constant 3 : i32
    %and3A_1532 = vector.broadcast %and3A_1531 : i32 to vector<16xi32>
    %and3A_1533 = arith.andi %add3A_1530, %and3A_1532 : vector<16xi32>
    %mul3A_1534 = arith.constant 256 : i32
    %mul3A_1535 = vector.broadcast %mul3A_1534 : i32 to vector<16xi32>
    %mul3A_1536 = arith.muli %and3A_1533, %mul3A_1535 : vector<16xi32>
    %shift_right_arithmetic3A_1537 = arith.constant 2 : i32
    %shift_right_arithmetic3A_1538 = vector.broadcast %shift_right_arithmetic3A_1537 : i32 to vector<16xi32>
    %shift_right_arithmetic3A_1539 = arith.shrsi %add3A_1530, %shift_right_arithmetic3A_1538 : vector<16xi32>
    %add3A_1540 = arith.addi %mul3A_1536, %shift_right_arithmetic3A_1539 : vector<16xi32>
    %shift_right_arithmetic3A_1541 = arith.constant 7 : i32
    %shift_right_arithmetic3A_1542 = vector.broadcast %shift_right_arithmetic3A_1541 : i32 to vector<16xi32>
    %shift_right_arithmetic3A_1543 = arith.shrsi %add3A_1540, %shift_right_arithmetic3A_1542 : vector<16xi32>
    %and3A_1544 = arith.constant 127 : i32
    %and3A_1545 = vector.broadcast %and3A_1544 : i32 to vector<16xi32>
    %and3A_1546 = arith.andi %add3A_1540, %and3A_1545 : vector<16xi32>
    %gather3A_1547 = tpu.vector_load_idx %arg7[%shift_right_arithmetic3A_1543, %and3A_1546] : memref<8x128xi32, #tpu.memory_space<vmem>>[vector<16xi32>, vector<16xi32>], vector<16xi32>,
    %and3A_1548 = arith.constant 8191 : i32
    %and3A_1549 = vector.broadcast %and3A_1548 : i32 to vector<16xi32>
    %and3A_1550 = arith.andi %gather3A_1547, %and3A_1549 : vector<16xi32>
    %sub3A_1551 = arith.subi %gather3A_1547, %and3A_1550 : vector<16xi32>
    %and3A_1552 = arith.constant 2047 : i32
    %and3A_1553 = vector.broadcast %and3A_1552 : i32 to vector<16xi32>
    %and3A_1554 = arith.andi %and3A_1550, %and3A_1553 : vector<16xi32>
    %shift_left3A_1555 = arith.constant 2 : i32
    %shift_left3A_1556 = vector.broadcast %shift_left3A_1555 : i32 to vector<16xi32>
    %shift_left3A_1557 = arith.shli %and3A_1554, %shift_left3A_1556 : vector<16xi32>
    %add3A_1558 = arith.addi %sub3A_1551, %shift_left3A_1557 : vector<16xi32>
    %shift_right_arithmetic3A_1559 = arith.constant 11 : i32
    %shift_right_arithmetic3A_1560 = vector.broadcast %shift_right_arithmetic3A_1559 : i32 to vector<16xi32>
    %shift_right_arithmetic3A_1561 = arith.shrsi %and3A_1550, %shift_right_arithmetic3A_1560 : vector<16xi32>
    %add3A_1562 = arith.addi %add3A_1558, %shift_right_arithmetic3A_1561 : vector<16xi32>
    %sub3A_1563 = vector.broadcast %mul3A_184 : i32 to vector<16xi32>
    %sub3A_1564 = arith.subi %add3A_1562, %sub3A_1563 : vector<16xi32>
    %lt3A_1565 = arith.constant 0 : i32
    %lt3A_1566 = vector.broadcast %lt3A_1565 : i32 to vector<16xi32>
    %lt3A_1567 = arith.cmpi slt, %sub3A_1564, %lt3A_1566 : vector<16xi32>
    %ge3A_1568 = arith.constant 53248 : i32
    %ge3A_1569 = vector.broadcast %ge3A_1568 : i32 to vector<16xi32>
    %ge3A_1570 = arith.cmpi sge, %sub3A_1564, %ge3A_1569 : vector<16xi32>
    %or3A_1571 = arith.ori %lt3A_1567, %ge3A_1570 : vector<16xi1>
    %jit3A_1572 = arith.constant 53248 : i32
    %broadcast_in_dim3A_1573 = vector.broadcast %jit3A_1572 : i32 to vector<16xi32>
    %select_n3A_1574 = arith.select %or3A_1571, %broadcast_in_dim3A_1573, %sub3A_1564 : vector<16xi1>, vector<16xi32>
    %swap3A_1575 = arith.constant 3 : i32
    %swap3A_1576 = arith.index_cast %swap3A_1575 : i32 to index
    %swap3A_1577 = arith.constant 32 : index
    %swap3A_1578 = tpu.vector_load %arg8[%swap3A_1576, %swap3A_1577] {strides = array<i32>} : memref<8x128xi32, #tpu.memory_space<vmem>>, vector<16xi32>,
    tpu.vector_store %arg8[%swap3A_1576, %swap3A_1577], %select_n3A_1574 {strides = array<i32>} : memref<8x128xi32, #tpu.memory_space<vmem>>, vector<16xi32>,
    %iota3A_1579 = tpu.iota {dimensions = array<i32: 0>} : vector<16xi32>
    %add3A_1580 = arith.constant 432 : i32
    %add3A_1581 = vector.broadcast %add3A_1580 : i32 to vector<16xi32>
    %add3A_1582 = arith.addi %add3A_1581, %iota3A_1579 : vector<16xi32>
    %and3A_1583 = arith.constant 3 : i32
    %and3A_1584 = vector.broadcast %and3A_1583 : i32 to vector<16xi32>
    %and3A_1585 = arith.andi %add3A_1582, %and3A_1584 : vector<16xi32>
    %mul3A_1586 = arith.constant 256 : i32
    %mul3A_1587 = vector.broadcast %mul3A_1586 : i32 to vector<16xi32>
    %mul3A_1588 = arith.muli %and3A_1585, %mul3A_1587 : vector<16xi32>
    %shift_right_arithmetic3A_1589 = arith.constant 2 : i32
    %shift_right_arithmetic3A_1590 = vector.broadcast %shift_right_arithmetic3A_1589 : i32 to vector<16xi32>
    %shift_right_arithmetic3A_1591 = arith.shrsi %add3A_1582, %shift_right_arithmetic3A_1590 : vector<16xi32>
    %add3A_1592 = arith.addi %mul3A_1588, %shift_right_arithmetic3A_1591 : vector<16xi32>
    %shift_right_arithmetic3A_1593 = arith.constant 7 : i32
    %shift_right_arithmetic3A_1594 = vector.broadcast %shift_right_arithmetic3A_1593 : i32 to vector<16xi32>
    %shift_right_arithmetic3A_1595 = arith.shrsi %add3A_1592, %shift_right_arithmetic3A_1594 : vector<16xi32>
    %and3A_1596 = arith.constant 127 : i32
    %and3A_1597 = vector.broadcast %and3A_1596 : i32 to vector<16xi32>
    %and3A_1598 = arith.andi %add3A_1592, %and3A_1597 : vector<16xi32>
    %gather3A_1599 = tpu.vector_load_idx %arg7[%shift_right_arithmetic3A_1595, %and3A_1598] : memref<8x128xi32, #tpu.memory_space<vmem>>[vector<16xi32>, vector<16xi32>], vector<16xi32>,
    %and3A_1600 = arith.constant 8191 : i32
    %and3A_1601 = vector.broadcast %and3A_1600 : i32 to vector<16xi32>
    %and3A_1602 = arith.andi %gather3A_1599, %and3A_1601 : vector<16xi32>
    %sub3A_1603 = arith.subi %gather3A_1599, %and3A_1602 : vector<16xi32>
    %and3A_1604 = arith.constant 2047 : i32
    %and3A_1605 = vector.broadcast %and3A_1604 : i32 to vector<16xi32>
    %and3A_1606 = arith.andi %and3A_1602, %and3A_1605 : vector<16xi32>
    %shift_left3A_1607 = arith.constant 2 : i32
    %shift_left3A_1608 = vector.broadcast %shift_left3A_1607 : i32 to vector<16xi32>
    %shift_left3A_1609 = arith.shli %and3A_1606, %shift_left3A_1608 : vector<16xi32>
    %add3A_1610 = arith.addi %sub3A_1603, %shift_left3A_1609 : vector<16xi32>
    %shift_right_arithmetic3A_1611 = arith.constant 11 : i32
    %shift_right_arithmetic3A_1612 = vector.broadcast %shift_right_arithmetic3A_1611 : i32 to vector<16xi32>
    %shift_right_arithmetic3A_1613 = arith.shrsi %and3A_1602, %shift_right_arithmetic3A_1612 : vector<16xi32>
    %add3A_1614 = arith.addi %add3A_1610, %shift_right_arithmetic3A_1613 : vector<16xi32>
    %sub3A_1615 = vector.broadcast %mul3A_184 : i32 to vector<16xi32>
    %sub3A_1616 = arith.subi %add3A_1614, %sub3A_1615 : vector<16xi32>
    %lt3A_1617 = arith.constant 0 : i32
    %lt3A_1618 = vector.broadcast %lt3A_1617 : i32 to vector<16xi32>
    %lt3A_1619 = arith.cmpi slt, %sub3A_1616, %lt3A_1618 : vector<16xi32>
    %ge3A_1620 = arith.constant 53248 : i32
    %ge3A_1621 = vector.broadcast %ge3A_1620 : i32 to vector<16xi32>
    %ge3A_1622 = arith.cmpi sge, %sub3A_1616, %ge3A_1621 : vector<16xi32>
    %or3A_1623 = arith.ori %lt3A_1619, %ge3A_1622 : vector<16xi1>
    %jit3A_1624 = arith.constant 53248 : i32
    %broadcast_in_dim3A_1625 = vector.broadcast %jit3A_1624 : i32 to vector<16xi32>
    %select_n3A_1626 = arith.select %or3A_1623, %broadcast_in_dim3A_1625, %sub3A_1616 : vector<16xi1>, vector<16xi32>
    %swap3A_1627 = arith.constant 3 : i32
    %swap3A_1628 = arith.index_cast %swap3A_1627 : i32 to index
    %swap3A_1629 = arith.constant 48 : index
    %swap3A_1630 = tpu.vector_load %arg8[%swap3A_1628, %swap3A_1629] {strides = array<i32>} : memref<8x128xi32, #tpu.memory_space<vmem>>, vector<16xi32>,
    tpu.vector_store %arg8[%swap3A_1628, %swap3A_1629], %select_n3A_1626 {strides = array<i32>} : memref<8x128xi32, #tpu.memory_space<vmem>>, vector<16xi32>,
    %iota3A_1631 = tpu.iota {dimensions = array<i32: 0>} : vector<16xi32>
    %add3A_1632 = arith.constant 448 : i32
    %add3A_1633 = vector.broadcast %add3A_1632 : i32 to vector<16xi32>
    %add3A_1634 = arith.addi %add3A_1633, %iota3A_1631 : vector<16xi32>
    %and3A_1635 = arith.constant 3 : i32
    %and3A_1636 = vector.broadcast %and3A_1635 : i32 to vector<16xi32>
    %and3A_1637 = arith.andi %add3A_1634, %and3A_1636 : vector<16xi32>
    %mul3A_1638 = arith.constant 256 : i32
    %mul3A_1639 = vector.broadcast %mul3A_1638 : i32 to vector<16xi32>
    %mul3A_1640 = arith.muli %and3A_1637, %mul3A_1639 : vector<16xi32>
    %shift_right_arithmetic3A_1641 = arith.constant 2 : i32
    %shift_right_arithmetic3A_1642 = vector.broadcast %shift_right_arithmetic3A_1641 : i32 to vector<16xi32>
    %shift_right_arithmetic3A_1643 = arith.shrsi %add3A_1634, %shift_right_arithmetic3A_1642 : vector<16xi32>
    %add3A_1644 = arith.addi %mul3A_1640, %shift_right_arithmetic3A_1643 : vector<16xi32>
    %shift_right_arithmetic3A_1645 = arith.constant 7 : i32
    %shift_right_arithmetic3A_1646 = vector.broadcast %shift_right_arithmetic3A_1645 : i32 to vector<16xi32>
    %shift_right_arithmetic3A_1647 = arith.shrsi %add3A_1644, %shift_right_arithmetic3A_1646 : vector<16xi32>
    %and3A_1648 = arith.constant 127 : i32
    %and3A_1649 = vector.broadcast %and3A_1648 : i32 to vector<16xi32>
    %and3A_1650 = arith.andi %add3A_1644, %and3A_1649 : vector<16xi32>
    %gather3A_1651 = tpu.vector_load_idx %arg7[%shift_right_arithmetic3A_1647, %and3A_1650] : memref<8x128xi32, #tpu.memory_space<vmem>>[vector<16xi32>, vector<16xi32>], vector<16xi32>,
    %and3A_1652 = arith.constant 8191 : i32
    %and3A_1653 = vector.broadcast %and3A_1652 : i32 to vector<16xi32>
    %and3A_1654 = arith.andi %gather3A_1651, %and3A_1653 : vector<16xi32>
    %sub3A_1655 = arith.subi %gather3A_1651, %and3A_1654 : vector<16xi32>
    %and3A_1656 = arith.constant 2047 : i32
    %and3A_1657 = vector.broadcast %and3A_1656 : i32 to vector<16xi32>
    %and3A_1658 = arith.andi %and3A_1654, %and3A_1657 : vector<16xi32>
    %shift_left3A_1659 = arith.constant 2 : i32
    %shift_left3A_1660 = vector.broadcast %shift_left3A_1659 : i32 to vector<16xi32>
    %shift_left3A_1661 = arith.shli %and3A_1658, %shift_left3A_1660 : vector<16xi32>
    %add3A_1662 = arith.addi %sub3A_1655, %shift_left3A_1661 : vector<16xi32>
    %shift_right_arithmetic3A_1663 = arith.constant 11 : i32
    %shift_right_arithmetic3A_1664 = vector.broadcast %shift_right_arithmetic3A_1663 : i32 to vector<16xi32>
    %shift_right_arithmetic3A_1665 = arith.shrsi %and3A_1654, %shift_right_arithmetic3A_1664 : vector<16xi32>
    %add3A_1666 = arith.addi %add3A_1662, %shift_right_arithmetic3A_1665 : vector<16xi32>
    %sub3A_1667 = vector.broadcast %mul3A_184 : i32 to vector<16xi32>
    %sub3A_1668 = arith.subi %add3A_1666, %sub3A_1667 : vector<16xi32>
    %lt3A_1669 = arith.constant 0 : i32
    %lt3A_1670 = vector.broadcast %lt3A_1669 : i32 to vector<16xi32>
    %lt3A_1671 = arith.cmpi slt, %sub3A_1668, %lt3A_1670 : vector<16xi32>
    %ge3A_1672 = arith.constant 53248 : i32
    %ge3A_1673 = vector.broadcast %ge3A_1672 : i32 to vector<16xi32>
    %ge3A_1674 = arith.cmpi sge, %sub3A_1668, %ge3A_1673 : vector<16xi32>
    %or3A_1675 = arith.ori %lt3A_1671, %ge3A_1674 : vector<16xi1>
    %jit3A_1676 = arith.constant 53248 : i32
    %broadcast_in_dim3A_1677 = vector.broadcast %jit3A_1676 : i32 to vector<16xi32>
    %select_n3A_1678 = arith.select %or3A_1675, %broadcast_in_dim3A_1677, %sub3A_1668 : vector<16xi1>, vector<16xi32>
    %swap3A_1679 = arith.constant 3 : i32
    %swap3A_1680 = arith.index_cast %swap3A_1679 : i32 to index
    %swap3A_1681 = arith.constant 64 : index
    %swap3A_1682 = tpu.vector_load %arg8[%swap3A_1680, %swap3A_1681] {strides = array<i32>} : memref<8x128xi32, #tpu.memory_space<vmem>>, vector<16xi32>,
    tpu.vector_store %arg8[%swap3A_1680, %swap3A_1681], %select_n3A_1678 {strides = array<i32>} : memref<8x128xi32, #tpu.memory_space<vmem>>, vector<16xi32>,
    %iota3A_1683 = tpu.iota {dimensions = array<i32: 0>} : vector<16xi32>
    %add3A_1684 = arith.constant 464 : i32
    %add3A_1685 = vector.broadcast %add3A_1684 : i32 to vector<16xi32>
    %add3A_1686 = arith.addi %add3A_1685, %iota3A_1683 : vector<16xi32>
    %and3A_1687 = arith.constant 3 : i32
    %and3A_1688 = vector.broadcast %and3A_1687 : i32 to vector<16xi32>
    %and3A_1689 = arith.andi %add3A_1686, %and3A_1688 : vector<16xi32>
    %mul3A_1690 = arith.constant 256 : i32
    %mul3A_1691 = vector.broadcast %mul3A_1690 : i32 to vector<16xi32>
    %mul3A_1692 = arith.muli %and3A_1689, %mul3A_1691 : vector<16xi32>
    %shift_right_arithmetic3A_1693 = arith.constant 2 : i32
    %shift_right_arithmetic3A_1694 = vector.broadcast %shift_right_arithmetic3A_1693 : i32 to vector<16xi32>
    %shift_right_arithmetic3A_1695 = arith.shrsi %add3A_1686, %shift_right_arithmetic3A_1694 : vector<16xi32>
    %add3A_1696 = arith.addi %mul3A_1692, %shift_right_arithmetic3A_1695 : vector<16xi32>
    %shift_right_arithmetic3A_1697 = arith.constant 7 : i32
    %shift_right_arithmetic3A_1698 = vector.broadcast %shift_right_arithmetic3A_1697 : i32 to vector<16xi32>
    %shift_right_arithmetic3A_1699 = arith.shrsi %add3A_1696, %shift_right_arithmetic3A_1698 : vector<16xi32>
    %and3A_1700 = arith.constant 127 : i32
    %and3A_1701 = vector.broadcast %and3A_1700 : i32 to vector<16xi32>
    %and3A_1702 = arith.andi %add3A_1696, %and3A_1701 : vector<16xi32>
    %gather3A_1703 = tpu.vector_load_idx %arg7[%shift_right_arithmetic3A_1699, %and3A_1702] : memref<8x128xi32, #tpu.memory_space<vmem>>[vector<16xi32>, vector<16xi32>], vector<16xi32>,
    %and3A_1704 = arith.constant 8191 : i32
    %and3A_1705 = vector.broadcast %and3A_1704 : i32 to vector<16xi32>
    %and3A_1706 = arith.andi %gather3A_1703, %and3A_1705 : vector<16xi32>
    %sub3A_1707 = arith.subi %gather3A_1703, %and3A_1706 : vector<16xi32>
    %and3A_1708 = arith.constant 2047 : i32
    %and3A_1709 = vector.broadcast %and3A_1708 : i32 to vector<16xi32>
    %and3A_1710 = arith.andi %and3A_1706, %and3A_1709 : vector<16xi32>
    %shift_left3A_1711 = arith.constant 2 : i32
    %shift_left3A_1712 = vector.broadcast %shift_left3A_1711 : i32 to vector<16xi32>
    %shift_left3A_1713 = arith.shli %and3A_1710, %shift_left3A_1712 : vector<16xi32>
    %add3A_1714 = arith.addi %sub3A_1707, %shift_left3A_1713 : vector<16xi32>
    %shift_right_arithmetic3A_1715 = arith.constant 11 : i32
    %shift_right_arithmetic3A_1716 = vector.broadcast %shift_right_arithmetic3A_1715 : i32 to vector<16xi32>
    %shift_right_arithmetic3A_1717 = arith.shrsi %and3A_1706, %shift_right_arithmetic3A_1716 : vector<16xi32>
    %add3A_1718 = arith.addi %add3A_1714, %shift_right_arithmetic3A_1717 : vector<16xi32>
    %sub3A_1719 = vector.broadcast %mul3A_184 : i32 to vector<16xi32>
    %sub3A_1720 = arith.subi %add3A_1718, %sub3A_1719 : vector<16xi32>
    %lt3A_1721 = arith.constant 0 : i32
    %lt3A_1722 = vector.broadcast %lt3A_1721 : i32 to vector<16xi32>
    %lt3A_1723 = arith.cmpi slt, %sub3A_1720, %lt3A_1722 : vector<16xi32>
    %ge3A_1724 = arith.constant 53248 : i32
    %ge3A_1725 = vector.broadcast %ge3A_1724 : i32 to vector<16xi32>
    %ge3A_1726 = arith.cmpi sge, %sub3A_1720, %ge3A_1725 : vector<16xi32>
    %or3A_1727 = arith.ori %lt3A_1723, %ge3A_1726 : vector<16xi1>
    %jit3A_1728 = arith.constant 53248 : i32
    %broadcast_in_dim3A_1729 = vector.broadcast %jit3A_1728 : i32 to vector<16xi32>
    %select_n3A_1730 = arith.select %or3A_1727, %broadcast_in_dim3A_1729, %sub3A_1720 : vector<16xi1>, vector<16xi32>
    %swap3A_1731 = arith.constant 3 : i32
    %swap3A_1732 = arith.index_cast %swap3A_1731 : i32 to index
    %swap3A_1733 = arith.constant 80 : index
    %swap3A_1734 = tpu.vector_load %arg8[%swap3A_1732, %swap3A_1733] {strides = array<i32>} : memref<8x128xi32, #tpu.memory_space<vmem>>, vector<16xi32>,
    tpu.vector_store %arg8[%swap3A_1732, %swap3A_1733], %select_n3A_1730 {strides = array<i32>} : memref<8x128xi32, #tpu.memory_space<vmem>>, vector<16xi32>,
    %iota3A_1735 = tpu.iota {dimensions = array<i32: 0>} : vector<16xi32>
    %add3A_1736 = arith.constant 480 : i32
    %add3A_1737 = vector.broadcast %add3A_1736 : i32 to vector<16xi32>
    %add3A_1738 = arith.addi %add3A_1737, %iota3A_1735 : vector<16xi32>
    %and3A_1739 = arith.constant 3 : i32
    %and3A_1740 = vector.broadcast %and3A_1739 : i32 to vector<16xi32>
    %and3A_1741 = arith.andi %add3A_1738, %and3A_1740 : vector<16xi32>
    %mul3A_1742 = arith.constant 256 : i32
    %mul3A_1743 = vector.broadcast %mul3A_1742 : i32 to vector<16xi32>
    %mul3A_1744 = arith.muli %and3A_1741, %mul3A_1743 : vector<16xi32>
    %shift_right_arithmetic3A_1745 = arith.constant 2 : i32
    %shift_right_arithmetic3A_1746 = vector.broadcast %shift_right_arithmetic3A_1745 : i32 to vector<16xi32>
    %shift_right_arithmetic3A_1747 = arith.shrsi %add3A_1738, %shift_right_arithmetic3A_1746 : vector<16xi32>
    %add3A_1748 = arith.addi %mul3A_1744, %shift_right_arithmetic3A_1747 : vector<16xi32>
    %shift_right_arithmetic3A_1749 = arith.constant 7 : i32
    %shift_right_arithmetic3A_1750 = vector.broadcast %shift_right_arithmetic3A_1749 : i32 to vector<16xi32>
    %shift_right_arithmetic3A_1751 = arith.shrsi %add3A_1748, %shift_right_arithmetic3A_1750 : vector<16xi32>
    %and3A_1752 = arith.constant 127 : i32
    %and3A_1753 = vector.broadcast %and3A_1752 : i32 to vector<16xi32>
    %and3A_1754 = arith.andi %add3A_1748, %and3A_1753 : vector<16xi32>
    %gather3A_1755 = tpu.vector_load_idx %arg7[%shift_right_arithmetic3A_1751, %and3A_1754] : memref<8x128xi32, #tpu.memory_space<vmem>>[vector<16xi32>, vector<16xi32>], vector<16xi32>,
    %and3A_1756 = arith.constant 8191 : i32
    %and3A_1757 = vector.broadcast %and3A_1756 : i32 to vector<16xi32>
    %and3A_1758 = arith.andi %gather3A_1755, %and3A_1757 : vector<16xi32>
    %sub3A_1759 = arith.subi %gather3A_1755, %and3A_1758 : vector<16xi32>
    %and3A_1760 = arith.constant 2047 : i32
    %and3A_1761 = vector.broadcast %and3A_1760 : i32 to vector<16xi32>
    %and3A_1762 = arith.andi %and3A_1758, %and3A_1761 : vector<16xi32>
    %shift_left3A_1763 = arith.constant 2 : i32
    %shift_left3A_1764 = vector.broadcast %shift_left3A_1763 : i32 to vector<16xi32>
    %shift_left3A_1765 = arith.shli %and3A_1762, %shift_left3A_1764 : vector<16xi32>
    %add3A_1766 = arith.addi %sub3A_1759, %shift_left3A_1765 : vector<16xi32>
    %shift_right_arithmetic3A_1767 = arith.constant 11 : i32
    %shift_right_arithmetic3A_1768 = vector.broadcast %shift_right_arithmetic3A_1767 : i32 to vector<16xi32>
    %shift_right_arithmetic3A_1769 = arith.shrsi %and3A_1758, %shift_right_arithmetic3A_1768 : vector<16xi32>
    %add3A_1770 = arith.addi %add3A_1766, %shift_right_arithmetic3A_1769 : vector<16xi32>
    %sub3A_1771 = vector.broadcast %mul3A_184 : i32 to vector<16xi32>
    %sub3A_1772 = arith.subi %add3A_1770, %sub3A_1771 : vector<16xi32>
    %lt3A_1773 = arith.constant 0 : i32
    %lt3A_1774 = vector.broadcast %lt3A_1773 : i32 to vector<16xi32>
    %lt3A_1775 = arith.cmpi slt, %sub3A_1772, %lt3A_1774 : vector<16xi32>
    %ge3A_1776 = arith.constant 53248 : i32
    %ge3A_1777 = vector.broadcast %ge3A_1776 : i32 to vector<16xi32>
    %ge3A_1778 = arith.cmpi sge, %sub3A_1772, %ge3A_1777 : vector<16xi32>
    %or3A_1779 = arith.ori %lt3A_1775, %ge3A_1778 : vector<16xi1>
    %jit3A_1780 = arith.constant 53248 : i32
    %broadcast_in_dim3A_1781 = vector.broadcast %jit3A_1780 : i32 to vector<16xi32>
    %select_n3A_1782 = arith.select %or3A_1779, %broadcast_in_dim3A_1781, %sub3A_1772 : vector<16xi1>, vector<16xi32>
    %swap3A_1783 = arith.constant 3 : i32
    %swap3A_1784 = arith.index_cast %swap3A_1783 : i32 to index
    %swap3A_1785 = arith.constant 96 : index
    %swap3A_1786 = tpu.vector_load %arg8[%swap3A_1784, %swap3A_1785] {strides = array<i32>} : memref<8x128xi32, #tpu.memory_space<vmem>>, vector<16xi32>,
    tpu.vector_store %arg8[%swap3A_1784, %swap3A_1785], %select_n3A_1782 {strides = array<i32>} : memref<8x128xi32, #tpu.memory_space<vmem>>, vector<16xi32>,
    %iota3A_1787 = tpu.iota {dimensions = array<i32: 0>} : vector<16xi32>
    %add3A_1788 = arith.constant 496 : i32
    %add3A_1789 = vector.broadcast %add3A_1788 : i32 to vector<16xi32>
    %add3A_1790 = arith.addi %add3A_1789, %iota3A_1787 : vector<16xi32>
    %and3A_1791 = arith.constant 3 : i32
    %and3A_1792 = vector.broadcast %and3A_1791 : i32 to vector<16xi32>
    %and3A_1793 = arith.andi %add3A_1790, %and3A_1792 : vector<16xi32>
    %mul3A_1794 = arith.constant 256 : i32
    %mul3A_1795 = vector.broadcast %mul3A_1794 : i32 to vector<16xi32>
    %mul3A_1796 = arith.muli %and3A_1793, %mul3A_1795 : vector<16xi32>
    %shift_right_arithmetic3A_1797 = arith.constant 2 : i32
    %shift_right_arithmetic3A_1798 = vector.broadcast %shift_right_arithmetic3A_1797 : i32 to vector<16xi32>
    %shift_right_arithmetic3A_1799 = arith.shrsi %add3A_1790, %shift_right_arithmetic3A_1798 : vector<16xi32>
    %add3A_1800 = arith.addi %mul3A_1796, %shift_right_arithmetic3A_1799 : vector<16xi32>
    %shift_right_arithmetic3A_1801 = arith.constant 7 : i32
    %shift_right_arithmetic3A_1802 = vector.broadcast %shift_right_arithmetic3A_1801 : i32 to vector<16xi32>
    %shift_right_arithmetic3A_1803 = arith.shrsi %add3A_1800, %shift_right_arithmetic3A_1802 : vector<16xi32>
    %and3A_1804 = arith.constant 127 : i32
    %and3A_1805 = vector.broadcast %and3A_1804 : i32 to vector<16xi32>
    %and3A_1806 = arith.andi %add3A_1800, %and3A_1805 : vector<16xi32>
    %gather3A_1807 = tpu.vector_load_idx %arg7[%shift_right_arithmetic3A_1803, %and3A_1806] : memref<8x128xi32, #tpu.memory_space<vmem>>[vector<16xi32>, vector<16xi32>], vector<16xi32>,
    %and3A_1808 = arith.constant 8191 : i32
    %and3A_1809 = vector.broadcast %and3A_1808 : i32 to vector<16xi32>
    %and3A_1810 = arith.andi %gather3A_1807, %and3A_1809 : vector<16xi32>
    %sub3A_1811 = arith.subi %gather3A_1807, %and3A_1810 : vector<16xi32>
    %and3A_1812 = arith.constant 2047 : i32
    %and3A_1813 = vector.broadcast %and3A_1812 : i32 to vector<16xi32>
    %and3A_1814 = arith.andi %and3A_1810, %and3A_1813 : vector<16xi32>
    %shift_left3A_1815 = arith.constant 2 : i32
    %shift_left3A_1816 = vector.broadcast %shift_left3A_1815 : i32 to vector<16xi32>
    %shift_left3A_1817 = arith.shli %and3A_1814, %shift_left3A_1816 : vector<16xi32>
    %add3A_1818 = arith.addi %sub3A_1811, %shift_left3A_1817 : vector<16xi32>
    %shift_right_arithmetic3A_1819 = arith.constant 11 : i32
    %shift_right_arithmetic3A_1820 = vector.broadcast %shift_right_arithmetic3A_1819 : i32 to vector<16xi32>
    %shift_right_arithmetic3A_1821 = arith.shrsi %and3A_1810, %shift_right_arithmetic3A_1820 : vector<16xi32>
    %add3A_1822 = arith.addi %add3A_1818, %shift_right_arithmetic3A_1821 : vector<16xi32>
    %sub3A_1823 = vector.broadcast %mul3A_184 : i32 to vector<16xi32>
    %sub3A_1824 = arith.subi %add3A_1822, %sub3A_1823 : vector<16xi32>
    %lt3A_1825 = arith.constant 0 : i32
    %lt3A_1826 = vector.broadcast %lt3A_1825 : i32 to vector<16xi32>
    %lt3A_1827 = arith.cmpi slt, %sub3A_1824, %lt3A_1826 : vector<16xi32>
    %ge3A_1828 = arith.constant 53248 : i32
    %ge3A_1829 = vector.broadcast %ge3A_1828 : i32 to vector<16xi32>
    %ge3A_1830 = arith.cmpi sge, %sub3A_1824, %ge3A_1829 : vector<16xi32>
    %or3A_1831 = arith.ori %lt3A_1827, %ge3A_1830 : vector<16xi1>
    %jit3A_1832 = arith.constant 53248 : i32
    %broadcast_in_dim3A_1833 = vector.broadcast %jit3A_1832 : i32 to vector<16xi32>
    %select_n3A_1834 = arith.select %or3A_1831, %broadcast_in_dim3A_1833, %sub3A_1824 : vector<16xi1>, vector<16xi32>
    %swap3A_1835 = arith.constant 3 : i32
    %swap3A_1836 = arith.index_cast %swap3A_1835 : i32 to index
    %swap3A_1837 = arith.constant 112 : index
    %swap3A_1838 = tpu.vector_load %arg8[%swap3A_1836, %swap3A_1837] {strides = array<i32>} : memref<8x128xi32, #tpu.memory_space<vmem>>, vector<16xi32>,
    tpu.vector_store %arg8[%swap3A_1836, %swap3A_1837], %select_n3A_1834 {strides = array<i32>} : memref<8x128xi32, #tpu.memory_space<vmem>>, vector<16xi32>,
    %iota3A_1839 = tpu.iota {dimensions = array<i32: 0>} : vector<16xi32>
    %add3A_1840 = arith.constant 512 : i32
    %add3A_1841 = vector.broadcast %add3A_1840 : i32 to vector<16xi32>
    %add3A_1842 = arith.addi %add3A_1841, %iota3A_1839 : vector<16xi32>
    %and3A_1843 = arith.constant 3 : i32
    %and3A_1844 = vector.broadcast %and3A_1843 : i32 to vector<16xi32>
    %and3A_1845 = arith.andi %add3A_1842, %and3A_1844 : vector<16xi32>
    %mul3A_1846 = arith.constant 256 : i32
    %mul3A_1847 = vector.broadcast %mul3A_1846 : i32 to vector<16xi32>
    %mul3A_1848 = arith.muli %and3A_1845, %mul3A_1847 : vector<16xi32>
    %shift_right_arithmetic3A_1849 = arith.constant 2 : i32
    %shift_right_arithmetic3A_1850 = vector.broadcast %shift_right_arithmetic3A_1849 : i32 to vector<16xi32>
    %shift_right_arithmetic3A_1851 = arith.shrsi %add3A_1842, %shift_right_arithmetic3A_1850 : vector<16xi32>
    %add3A_1852 = arith.addi %mul3A_1848, %shift_right_arithmetic3A_1851 : vector<16xi32>
    %shift_right_arithmetic3A_1853 = arith.constant 7 : i32
    %shift_right_arithmetic3A_1854 = vector.broadcast %shift_right_arithmetic3A_1853 : i32 to vector<16xi32>
    %shift_right_arithmetic3A_1855 = arith.shrsi %add3A_1852, %shift_right_arithmetic3A_1854 : vector<16xi32>
    %and3A_1856 = arith.constant 127 : i32
    %and3A_1857 = vector.broadcast %and3A_1856 : i32 to vector<16xi32>
    %and3A_1858 = arith.andi %add3A_1852, %and3A_1857 : vector<16xi32>
    %gather3A_1859 = tpu.vector_load_idx %arg7[%shift_right_arithmetic3A_1855, %and3A_1858] : memref<8x128xi32, #tpu.memory_space<vmem>>[vector<16xi32>, vector<16xi32>], vector<16xi32>,
    %and3A_1860 = arith.constant 8191 : i32
    %and3A_1861 = vector.broadcast %and3A_1860 : i32 to vector<16xi32>
    %and3A_1862 = arith.andi %gather3A_1859, %and3A_1861 : vector<16xi32>
    %sub3A_1863 = arith.subi %gather3A_1859, %and3A_1862 : vector<16xi32>
    %and3A_1864 = arith.constant 2047 : i32
    %and3A_1865 = vector.broadcast %and3A_1864 : i32 to vector<16xi32>
    %and3A_1866 = arith.andi %and3A_1862, %and3A_1865 : vector<16xi32>
    %shift_left3A_1867 = arith.constant 2 : i32
    %shift_left3A_1868 = vector.broadcast %shift_left3A_1867 : i32 to vector<16xi32>
    %shift_left3A_1869 = arith.shli %and3A_1866, %shift_left3A_1868 : vector<16xi32>
    %add3A_1870 = arith.addi %sub3A_1863, %shift_left3A_1869 : vector<16xi32>
    %shift_right_arithmetic3A_1871 = arith.constant 11 : i32
    %shift_right_arithmetic3A_1872 = vector.broadcast %shift_right_arithmetic3A_1871 : i32 to vector<16xi32>
    %shift_right_arithmetic3A_1873 = arith.shrsi %and3A_1862, %shift_right_arithmetic3A_1872 : vector<16xi32>
    %add3A_1874 = arith.addi %add3A_1870, %shift_right_arithmetic3A_1873 : vector<16xi32>
    %sub3A_1875 = vector.broadcast %mul3A_184 : i32 to vector<16xi32>
    %sub3A_1876 = arith.subi %add3A_1874, %sub3A_1875 : vector<16xi32>
    %lt3A_1877 = arith.constant 0 : i32
    %lt3A_1878 = vector.broadcast %lt3A_1877 : i32 to vector<16xi32>
    %lt3A_1879 = arith.cmpi slt, %sub3A_1876, %lt3A_1878 : vector<16xi32>
    %ge3A_1880 = arith.constant 53248 : i32
    %ge3A_1881 = vector.broadcast %ge3A_1880 : i32 to vector<16xi32>
    %ge3A_1882 = arith.cmpi sge, %sub3A_1876, %ge3A_1881 : vector<16xi32>
    %or3A_1883 = arith.ori %lt3A_1879, %ge3A_1882 : vector<16xi1>
    %jit3A_1884 = arith.constant 53248 : i32
    %broadcast_in_dim3A_1885 = vector.broadcast %jit3A_1884 : i32 to vector<16xi32>
    %select_n3A_1886 = arith.select %or3A_1883, %broadcast_in_dim3A_1885, %sub3A_1876 : vector<16xi1>, vector<16xi32>
    %swap3A_1887 = arith.constant 4 : i32
    %swap3A_1888 = arith.index_cast %swap3A_1887 : i32 to index
    %swap3A_1889 = arith.constant 0 : index
    %swap3A_1890 = tpu.vector_load %arg8[%swap3A_1888, %swap3A_1889] {strides = array<i32>} : memref<8x128xi32, #tpu.memory_space<vmem>>, vector<16xi32>,
    tpu.vector_store %arg8[%swap3A_1888, %swap3A_1889], %select_n3A_1886 {strides = array<i32>} : memref<8x128xi32, #tpu.memory_space<vmem>>, vector<16xi32>,
    %iota3A_1891 = tpu.iota {dimensions = array<i32: 0>} : vector<16xi32>
    %add3A_1892 = arith.constant 528 : i32
    %add3A_1893 = vector.broadcast %add3A_1892 : i32 to vector<16xi32>
    %add3A_1894 = arith.addi %add3A_1893, %iota3A_1891 : vector<16xi32>
    %and3A_1895 = arith.constant 3 : i32
    %and3A_1896 = vector.broadcast %and3A_1895 : i32 to vector<16xi32>
    %and3A_1897 = arith.andi %add3A_1894, %and3A_1896 : vector<16xi32>
    %mul3A_1898 = arith.constant 256 : i32
    %mul3A_1899 = vector.broadcast %mul3A_1898 : i32 to vector<16xi32>
    %mul3A_1900 = arith.muli %and3A_1897, %mul3A_1899 : vector<16xi32>
    %shift_right_arithmetic3A_1901 = arith.constant 2 : i32
    %shift_right_arithmetic3A_1902 = vector.broadcast %shift_right_arithmetic3A_1901 : i32 to vector<16xi32>
    %shift_right_arithmetic3A_1903 = arith.shrsi %add3A_1894, %shift_right_arithmetic3A_1902 : vector<16xi32>
    %add3A_1904 = arith.addi %mul3A_1900, %shift_right_arithmetic3A_1903 : vector<16xi32>
    %shift_right_arithmetic3A_1905 = arith.constant 7 : i32
    %shift_right_arithmetic3A_1906 = vector.broadcast %shift_right_arithmetic3A_1905 : i32 to vector<16xi32>
    %shift_right_arithmetic3A_1907 = arith.shrsi %add3A_1904, %shift_right_arithmetic3A_1906 : vector<16xi32>
    %and3A_1908 = arith.constant 127 : i32
    %and3A_1909 = vector.broadcast %and3A_1908 : i32 to vector<16xi32>
    %and3A_1910 = arith.andi %add3A_1904, %and3A_1909 : vector<16xi32>
    %gather3A_1911 = tpu.vector_load_idx %arg7[%shift_right_arithmetic3A_1907, %and3A_1910] : memref<8x128xi32, #tpu.memory_space<vmem>>[vector<16xi32>, vector<16xi32>], vector<16xi32>,
    %and3A_1912 = arith.constant 8191 : i32
    %and3A_1913 = vector.broadcast %and3A_1912 : i32 to vector<16xi32>
    %and3A_1914 = arith.andi %gather3A_1911, %and3A_1913 : vector<16xi32>
    %sub3A_1915 = arith.subi %gather3A_1911, %and3A_1914 : vector<16xi32>
    %and3A_1916 = arith.constant 2047 : i32
    %and3A_1917 = vector.broadcast %and3A_1916 : i32 to vector<16xi32>
    %and3A_1918 = arith.andi %and3A_1914, %and3A_1917 : vector<16xi32>
    %shift_left3A_1919 = arith.constant 2 : i32
    %shift_left3A_1920 = vector.broadcast %shift_left3A_1919 : i32 to vector<16xi32>
    %shift_left3A_1921 = arith.shli %and3A_1918, %shift_left3A_1920 : vector<16xi32>
    %add3A_1922 = arith.addi %sub3A_1915, %shift_left3A_1921 : vector<16xi32>
    %shift_right_arithmetic3A_1923 = arith.constant 11 : i32
    %shift_right_arithmetic3A_1924 = vector.broadcast %shift_right_arithmetic3A_1923 : i32 to vector<16xi32>
    %shift_right_arithmetic3A_1925 = arith.shrsi %and3A_1914, %shift_right_arithmetic3A_1924 : vector<16xi32>
    %add3A_1926 = arith.addi %add3A_1922, %shift_right_arithmetic3A_1925 : vector<16xi32>
    %sub3A_1927 = vector.broadcast %mul3A_184 : i32 to vector<16xi32>
    %sub3A_1928 = arith.subi %add3A_1926, %sub3A_1927 : vector<16xi32>
    %lt3A_1929 = arith.constant 0 : i32
    %lt3A_1930 = vector.broadcast %lt3A_1929 : i32 to vector<16xi32>
    %lt3A_1931 = arith.cmpi slt, %sub3A_1928, %lt3A_1930 : vector<16xi32>
    %ge3A_1932 = arith.constant 53248 : i32
    %ge3A_1933 = vector.broadcast %ge3A_1932 : i32 to vector<16xi32>
    %ge3A_1934 = arith.cmpi sge, %sub3A_1928, %ge3A_1933 : vector<16xi32>
    %or3A_1935 = arith.ori %lt3A_1931, %ge3A_1934 : vector<16xi1>
    %jit3A_1936 = arith.constant 53248 : i32
    %broadcast_in_dim3A_1937 = vector.broadcast %jit3A_1936 : i32 to vector<16xi32>
    %select_n3A_1938 = arith.select %or3A_1935, %broadcast_in_dim3A_1937, %sub3A_1928 : vector<16xi1>, vector<16xi32>
    %swap3A_1939 = arith.constant 4 : i32
    %swap3A_1940 = arith.index_cast %swap3A_1939 : i32 to index
    %swap3A_1941 = arith.constant 16 : index
    %swap3A_1942 = tpu.vector_load %arg8[%swap3A_1940, %swap3A_1941] {strides = array<i32>} : memref<8x128xi32, #tpu.memory_space<vmem>>, vector<16xi32>,
    tpu.vector_store %arg8[%swap3A_1940, %swap3A_1941], %select_n3A_1938 {strides = array<i32>} : memref<8x128xi32, #tpu.memory_space<vmem>>, vector<16xi32>,
    %iota3A_1943 = tpu.iota {dimensions = array<i32: 0>} : vector<16xi32>
    %add3A_1944 = arith.constant 544 : i32
    %add3A_1945 = vector.broadcast %add3A_1944 : i32 to vector<16xi32>
    %add3A_1946 = arith.addi %add3A_1945, %iota3A_1943 : vector<16xi32>
    %and3A_1947 = arith.constant 3 : i32
    %and3A_1948 = vector.broadcast %and3A_1947 : i32 to vector<16xi32>
    %and3A_1949 = arith.andi %add3A_1946, %and3A_1948 : vector<16xi32>
    %mul3A_1950 = arith.constant 256 : i32
    %mul3A_1951 = vector.broadcast %mul3A_1950 : i32 to vector<16xi32>
    %mul3A_1952 = arith.muli %and3A_1949, %mul3A_1951 : vector<16xi32>
    %shift_right_arithmetic3A_1953 = arith.constant 2 : i32
    %shift_right_arithmetic3A_1954 = vector.broadcast %shift_right_arithmetic3A_1953 : i32 to vector<16xi32>
    %shift_right_arithmetic3A_1955 = arith.shrsi %add3A_1946, %shift_right_arithmetic3A_1954 : vector<16xi32>
    %add3A_1956 = arith.addi %mul3A_1952, %shift_right_arithmetic3A_1955 : vector<16xi32>
    %shift_right_arithmetic3A_1957 = arith.constant 7 : i32
    %shift_right_arithmetic3A_1958 = vector.broadcast %shift_right_arithmetic3A_1957 : i32 to vector<16xi32>
    %shift_right_arithmetic3A_1959 = arith.shrsi %add3A_1956, %shift_right_arithmetic3A_1958 : vector<16xi32>
    %and3A_1960 = arith.constant 127 : i32
    %and3A_1961 = vector.broadcast %and3A_1960 : i32 to vector<16xi32>
    %and3A_1962 = arith.andi %add3A_1956, %and3A_1961 : vector<16xi32>
    %gather3A_1963 = tpu.vector_load_idx %arg7[%shift_right_arithmetic3A_1959, %and3A_1962] : memref<8x128xi32, #tpu.memory_space<vmem>>[vector<16xi32>, vector<16xi32>], vector<16xi32>,
    %and3A_1964 = arith.constant 8191 : i32
    %and3A_1965 = vector.broadcast %and3A_1964 : i32 to vector<16xi32>
    %and3A_1966 = arith.andi %gather3A_1963, %and3A_1965 : vector<16xi32>
    %sub3A_1967 = arith.subi %gather3A_1963, %and3A_1966 : vector<16xi32>
    %and3A_1968 = arith.constant 2047 : i32
    %and3A_1969 = vector.broadcast %and3A_1968 : i32 to vector<16xi32>
    %and3A_1970 = arith.andi %and3A_1966, %and3A_1969 : vector<16xi32>
    %shift_left3A_1971 = arith.constant 2 : i32
    %shift_left3A_1972 = vector.broadcast %shift_left3A_1971 : i32 to vector<16xi32>
    %shift_left3A_1973 = arith.shli %and3A_1970, %shift_left3A_1972 : vector<16xi32>
    %add3A_1974 = arith.addi %sub3A_1967, %shift_left3A_1973 : vector<16xi32>
    %shift_right_arithmetic3A_1975 = arith.constant 11 : i32
    %shift_right_arithmetic3A_1976 = vector.broadcast %shift_right_arithmetic3A_1975 : i32 to vector<16xi32>
    %shift_right_arithmetic3A_1977 = arith.shrsi %and3A_1966, %shift_right_arithmetic3A_1976 : vector<16xi32>
    %add3A_1978 = arith.addi %add3A_1974, %shift_right_arithmetic3A_1977 : vector<16xi32>
    %sub3A_1979 = vector.broadcast %mul3A_184 : i32 to vector<16xi32>
    %sub3A_1980 = arith.subi %add3A_1978, %sub3A_1979 : vector<16xi32>
    %lt3A_1981 = arith.constant 0 : i32
    %lt3A_1982 = vector.broadcast %lt3A_1981 : i32 to vector<16xi32>
    %lt3A_1983 = arith.cmpi slt, %sub3A_1980, %lt3A_1982 : vector<16xi32>
    %ge3A_1984 = arith.constant 53248 : i32
    %ge3A_1985 = vector.broadcast %ge3A_1984 : i32 to vector<16xi32>
    %ge3A_1986 = arith.cmpi sge, %sub3A_1980, %ge3A_1985 : vector<16xi32>
    %or3A_1987 = arith.ori %lt3A_1983, %ge3A_1986 : vector<16xi1>
    %jit3A_1988 = arith.constant 53248 : i32
    %broadcast_in_dim3A_1989 = vector.broadcast %jit3A_1988 : i32 to vector<16xi32>
    %select_n3A_1990 = arith.select %or3A_1987, %broadcast_in_dim3A_1989, %sub3A_1980 : vector<16xi1>, vector<16xi32>
    %swap3A_1991 = arith.constant 4 : i32
    %swap3A_1992 = arith.index_cast %swap3A_1991 : i32 to index
    %swap3A_1993 = arith.constant 32 : index
    %swap3A_1994 = tpu.vector_load %arg8[%swap3A_1992, %swap3A_1993] {strides = array<i32>} : memref<8x128xi32, #tpu.memory_space<vmem>>, vector<16xi32>,
    tpu.vector_store %arg8[%swap3A_1992, %swap3A_1993], %select_n3A_1990 {strides = array<i32>} : memref<8x128xi32, #tpu.memory_space<vmem>>, vector<16xi32>,
    %iota3A_1995 = tpu.iota {dimensions = array<i32: 0>} : vector<16xi32>
    %add3A_1996 = arith.constant 560 : i32
    %add3A_1997 = vector.broadcast %add3A_1996 : i32 to vector<16xi32>
    %add3A_1998 = arith.addi %add3A_1997, %iota3A_1995 : vector<16xi32>
    %and3A_1999 = arith.constant 3 : i32
    %and3A_2000 = vector.broadcast %and3A_1999 : i32 to vector<16xi32>
    %and3A_2001 = arith.andi %add3A_1998, %and3A_2000 : vector<16xi32>
    %mul3A_2002 = arith.constant 256 : i32
    %mul3A_2003 = vector.broadcast %mul3A_2002 : i32 to vector<16xi32>
    %mul3A_2004 = arith.muli %and3A_2001, %mul3A_2003 : vector<16xi32>
    %shift_right_arithmetic3A_2005 = arith.constant 2 : i32
    %shift_right_arithmetic3A_2006 = vector.broadcast %shift_right_arithmetic3A_2005 : i32 to vector<16xi32>
    %shift_right_arithmetic3A_2007 = arith.shrsi %add3A_1998, %shift_right_arithmetic3A_2006 : vector<16xi32>
    %add3A_2008 = arith.addi %mul3A_2004, %shift_right_arithmetic3A_2007 : vector<16xi32>
    %shift_right_arithmetic3A_2009 = arith.constant 7 : i32
    %shift_right_arithmetic3A_2010 = vector.broadcast %shift_right_arithmetic3A_2009 : i32 to vector<16xi32>
    %shift_right_arithmetic3A_2011 = arith.shrsi %add3A_2008, %shift_right_arithmetic3A_2010 : vector<16xi32>
    %and3A_2012 = arith.constant 127 : i32
    %and3A_2013 = vector.broadcast %and3A_2012 : i32 to vector<16xi32>
    %and3A_2014 = arith.andi %add3A_2008, %and3A_2013 : vector<16xi32>
    %gather3A_2015 = tpu.vector_load_idx %arg7[%shift_right_arithmetic3A_2011, %and3A_2014] : memref<8x128xi32, #tpu.memory_space<vmem>>[vector<16xi32>, vector<16xi32>], vector<16xi32>,
    %and3A_2016 = arith.constant 8191 : i32
    %and3A_2017 = vector.broadcast %and3A_2016 : i32 to vector<16xi32>
    %and3A_2018 = arith.andi %gather3A_2015, %and3A_2017 : vector<16xi32>
    %sub3A_2019 = arith.subi %gather3A_2015, %and3A_2018 : vector<16xi32>
    %and3A_2020 = arith.constant 2047 : i32
    %and3A_2021 = vector.broadcast %and3A_2020 : i32 to vector<16xi32>
    %and3A_2022 = arith.andi %and3A_2018, %and3A_2021 : vector<16xi32>
    %shift_left3A_2023 = arith.constant 2 : i32
    %shift_left3A_2024 = vector.broadcast %shift_left3A_2023 : i32 to vector<16xi32>
    %shift_left3A_2025 = arith.shli %and3A_2022, %shift_left3A_2024 : vector<16xi32>
    %add3A_2026 = arith.addi %sub3A_2019, %shift_left3A_2025 : vector<16xi32>
    %shift_right_arithmetic3A_2027 = arith.constant 11 : i32
    %shift_right_arithmetic3A_2028 = vector.broadcast %shift_right_arithmetic3A_2027 : i32 to vector<16xi32>
    %shift_right_arithmetic3A_2029 = arith.shrsi %and3A_2018, %shift_right_arithmetic3A_2028 : vector<16xi32>
    %add3A_2030 = arith.addi %add3A_2026, %shift_right_arithmetic3A_2029 : vector<16xi32>
    %sub3A_2031 = vector.broadcast %mul3A_184 : i32 to vector<16xi32>
    %sub3A_2032 = arith.subi %add3A_2030, %sub3A_2031 : vector<16xi32>
    %lt3A_2033 = arith.constant 0 : i32
    %lt3A_2034 = vector.broadcast %lt3A_2033 : i32 to vector<16xi32>
    %lt3A_2035 = arith.cmpi slt, %sub3A_2032, %lt3A_2034 : vector<16xi32>
    %ge3A_2036 = arith.constant 53248 : i32
    %ge3A_2037 = vector.broadcast %ge3A_2036 : i32 to vector<16xi32>
    %ge3A_2038 = arith.cmpi sge, %sub3A_2032, %ge3A_2037 : vector<16xi32>
    %or3A_2039 = arith.ori %lt3A_2035, %ge3A_2038 : vector<16xi1>
    %jit3A_2040 = arith.constant 53248 : i32
    %broadcast_in_dim3A_2041 = vector.broadcast %jit3A_2040 : i32 to vector<16xi32>
    %select_n3A_2042 = arith.select %or3A_2039, %broadcast_in_dim3A_2041, %sub3A_2032 : vector<16xi1>, vector<16xi32>
    %swap3A_2043 = arith.constant 4 : i32
    %swap3A_2044 = arith.index_cast %swap3A_2043 : i32 to index
    %swap3A_2045 = arith.constant 48 : index
    %swap3A_2046 = tpu.vector_load %arg8[%swap3A_2044, %swap3A_2045] {strides = array<i32>} : memref<8x128xi32, #tpu.memory_space<vmem>>, vector<16xi32>,
    tpu.vector_store %arg8[%swap3A_2044, %swap3A_2045], %select_n3A_2042 {strides = array<i32>} : memref<8x128xi32, #tpu.memory_space<vmem>>, vector<16xi32>,
    %iota3A_2047 = tpu.iota {dimensions = array<i32: 0>} : vector<16xi32>
    %add3A_2048 = arith.constant 576 : i32
    %add3A_2049 = vector.broadcast %add3A_2048 : i32 to vector<16xi32>
    %add3A_2050 = arith.addi %add3A_2049, %iota3A_2047 : vector<16xi32>
    %and3A_2051 = arith.constant 3 : i32
    %and3A_2052 = vector.broadcast %and3A_2051 : i32 to vector<16xi32>
    %and3A_2053 = arith.andi %add3A_2050, %and3A_2052 : vector<16xi32>
    %mul3A_2054 = arith.constant 256 : i32
    %mul3A_2055 = vector.broadcast %mul3A_2054 : i32 to vector<16xi32>
    %mul3A_2056 = arith.muli %and3A_2053, %mul3A_2055 : vector<16xi32>
    %shift_right_arithmetic3A_2057 = arith.constant 2 : i32
    %shift_right_arithmetic3A_2058 = vector.broadcast %shift_right_arithmetic3A_2057 : i32 to vector<16xi32>
    %shift_right_arithmetic3A_2059 = arith.shrsi %add3A_2050, %shift_right_arithmetic3A_2058 : vector<16xi32>
    %add3A_2060 = arith.addi %mul3A_2056, %shift_right_arithmetic3A_2059 : vector<16xi32>
    %shift_right_arithmetic3A_2061 = arith.constant 7 : i32
    %shift_right_arithmetic3A_2062 = vector.broadcast %shift_right_arithmetic3A_2061 : i32 to vector<16xi32>
    %shift_right_arithmetic3A_2063 = arith.shrsi %add3A_2060, %shift_right_arithmetic3A_2062 : vector<16xi32>
    %and3A_2064 = arith.constant 127 : i32
    %and3A_2065 = vector.broadcast %and3A_2064 : i32 to vector<16xi32>
    %and3A_2066 = arith.andi %add3A_2060, %and3A_2065 : vector<16xi32>
    %gather3A_2067 = tpu.vector_load_idx %arg7[%shift_right_arithmetic3A_2063, %and3A_2066] : memref<8x128xi32, #tpu.memory_space<vmem>>[vector<16xi32>, vector<16xi32>], vector<16xi32>,
    %and3A_2068 = arith.constant 8191 : i32
    %and3A_2069 = vector.broadcast %and3A_2068 : i32 to vector<16xi32>
    %and3A_2070 = arith.andi %gather3A_2067, %and3A_2069 : vector<16xi32>
    %sub3A_2071 = arith.subi %gather3A_2067, %and3A_2070 : vector<16xi32>
    %and3A_2072 = arith.constant 2047 : i32
    %and3A_2073 = vector.broadcast %and3A_2072 : i32 to vector<16xi32>
    %and3A_2074 = arith.andi %and3A_2070, %and3A_2073 : vector<16xi32>
    %shift_left3A_2075 = arith.constant 2 : i32
    %shift_left3A_2076 = vector.broadcast %shift_left3A_2075 : i32 to vector<16xi32>
    %shift_left3A_2077 = arith.shli %and3A_2074, %shift_left3A_2076 : vector<16xi32>
    %add3A_2078 = arith.addi %sub3A_2071, %shift_left3A_2077 : vector<16xi32>
    %shift_right_arithmetic3A_2079 = arith.constant 11 : i32
    %shift_right_arithmetic3A_2080 = vector.broadcast %shift_right_arithmetic3A_2079 : i32 to vector<16xi32>
    %shift_right_arithmetic3A_2081 = arith.shrsi %and3A_2070, %shift_right_arithmetic3A_2080 : vector<16xi32>
    %add3A_2082 = arith.addi %add3A_2078, %shift_right_arithmetic3A_2081 : vector<16xi32>
    %sub3A_2083 = vector.broadcast %mul3A_184 : i32 to vector<16xi32>
    %sub3A_2084 = arith.subi %add3A_2082, %sub3A_2083 : vector<16xi32>
    %lt3A_2085 = arith.constant 0 : i32
    %lt3A_2086 = vector.broadcast %lt3A_2085 : i32 to vector<16xi32>
    %lt3A_2087 = arith.cmpi slt, %sub3A_2084, %lt3A_2086 : vector<16xi32>
    %ge3A_2088 = arith.constant 53248 : i32
    %ge3A_2089 = vector.broadcast %ge3A_2088 : i32 to vector<16xi32>
    %ge3A_2090 = arith.cmpi sge, %sub3A_2084, %ge3A_2089 : vector<16xi32>
    %or3A_2091 = arith.ori %lt3A_2087, %ge3A_2090 : vector<16xi1>
    %jit3A_2092 = arith.constant 53248 : i32
    %broadcast_in_dim3A_2093 = vector.broadcast %jit3A_2092 : i32 to vector<16xi32>
    %select_n3A_2094 = arith.select %or3A_2091, %broadcast_in_dim3A_2093, %sub3A_2084 : vector<16xi1>, vector<16xi32>
    %swap3A_2095 = arith.constant 4 : i32
    %swap3A_2096 = arith.index_cast %swap3A_2095 : i32 to index
    %swap3A_2097 = arith.constant 64 : index
    %swap3A_2098 = tpu.vector_load %arg8[%swap3A_2096, %swap3A_2097] {strides = array<i32>} : memref<8x128xi32, #tpu.memory_space<vmem>>, vector<16xi32>,
    tpu.vector_store %arg8[%swap3A_2096, %swap3A_2097], %select_n3A_2094 {strides = array<i32>} : memref<8x128xi32, #tpu.memory_space<vmem>>, vector<16xi32>,
    %iota3A_2099 = tpu.iota {dimensions = array<i32: 0>} : vector<16xi32>
    %add3A_2100 = arith.constant 592 : i32
    %add3A_2101 = vector.broadcast %add3A_2100 : i32 to vector<16xi32>
    %add3A_2102 = arith.addi %add3A_2101, %iota3A_2099 : vector<16xi32>
    %and3A_2103 = arith.constant 3 : i32
    %and3A_2104 = vector.broadcast %and3A_2103 : i32 to vector<16xi32>
    %and3A_2105 = arith.andi %add3A_2102, %and3A_2104 : vector<16xi32>
    %mul3A_2106 = arith.constant 256 : i32
    %mul3A_2107 = vector.broadcast %mul3A_2106 : i32 to vector<16xi32>
    %mul3A_2108 = arith.muli %and3A_2105, %mul3A_2107 : vector<16xi32>
    %shift_right_arithmetic3A_2109 = arith.constant 2 : i32
    %shift_right_arithmetic3A_2110 = vector.broadcast %shift_right_arithmetic3A_2109 : i32 to vector<16xi32>
    %shift_right_arithmetic3A_2111 = arith.shrsi %add3A_2102, %shift_right_arithmetic3A_2110 : vector<16xi32>
    %add3A_2112 = arith.addi %mul3A_2108, %shift_right_arithmetic3A_2111 : vector<16xi32>
    %shift_right_arithmetic3A_2113 = arith.constant 7 : i32
    %shift_right_arithmetic3A_2114 = vector.broadcast %shift_right_arithmetic3A_2113 : i32 to vector<16xi32>
    %shift_right_arithmetic3A_2115 = arith.shrsi %add3A_2112, %shift_right_arithmetic3A_2114 : vector<16xi32>
    %and3A_2116 = arith.constant 127 : i32
    %and3A_2117 = vector.broadcast %and3A_2116 : i32 to vector<16xi32>
    %and3A_2118 = arith.andi %add3A_2112, %and3A_2117 : vector<16xi32>
    %gather3A_2119 = tpu.vector_load_idx %arg7[%shift_right_arithmetic3A_2115, %and3A_2118] : memref<8x128xi32, #tpu.memory_space<vmem>>[vector<16xi32>, vector<16xi32>], vector<16xi32>,
    %and3A_2120 = arith.constant 8191 : i32
    %and3A_2121 = vector.broadcast %and3A_2120 : i32 to vector<16xi32>
    %and3A_2122 = arith.andi %gather3A_2119, %and3A_2121 : vector<16xi32>
    %sub3A_2123 = arith.subi %gather3A_2119, %and3A_2122 : vector<16xi32>
    %and3A_2124 = arith.constant 2047 : i32
    %and3A_2125 = vector.broadcast %and3A_2124 : i32 to vector<16xi32>
    %and3A_2126 = arith.andi %and3A_2122, %and3A_2125 : vector<16xi32>
    %shift_left3A_2127 = arith.constant 2 : i32
    %shift_left3A_2128 = vector.broadcast %shift_left3A_2127 : i32 to vector<16xi32>
    %shift_left3A_2129 = arith.shli %and3A_2126, %shift_left3A_2128 : vector<16xi32>
    %add3A_2130 = arith.addi %sub3A_2123, %shift_left3A_2129 : vector<16xi32>
    %shift_right_arithmetic3A_2131 = arith.constant 11 : i32
    %shift_right_arithmetic3A_2132 = vector.broadcast %shift_right_arithmetic3A_2131 : i32 to vector<16xi32>
    %shift_right_arithmetic3A_2133 = arith.shrsi %and3A_2122, %shift_right_arithmetic3A_2132 : vector<16xi32>
    %add3A_2134 = arith.addi %add3A_2130, %shift_right_arithmetic3A_2133 : vector<16xi32>
    %sub3A_2135 = vector.broadcast %mul3A_184 : i32 to vector<16xi32>
    %sub3A_2136 = arith.subi %add3A_2134, %sub3A_2135 : vector<16xi32>
    %lt3A_2137 = arith.constant 0 : i32
    %lt3A_2138 = vector.broadcast %lt3A_2137 : i32 to vector<16xi32>
    %lt3A_2139 = arith.cmpi slt, %sub3A_2136, %lt3A_2138 : vector<16xi32>
    %ge3A_2140 = arith.constant 53248 : i32
    %ge3A_2141 = vector.broadcast %ge3A_2140 : i32 to vector<16xi32>
    %ge3A_2142 = arith.cmpi sge, %sub3A_2136, %ge3A_2141 : vector<16xi32>
    %or3A_2143 = arith.ori %lt3A_2139, %ge3A_2142 : vector<16xi1>
    %jit3A_2144 = arith.constant 53248 : i32
    %broadcast_in_dim3A_2145 = vector.broadcast %jit3A_2144 : i32 to vector<16xi32>
    %select_n3A_2146 = arith.select %or3A_2143, %broadcast_in_dim3A_2145, %sub3A_2136 : vector<16xi1>, vector<16xi32>
    %swap3A_2147 = arith.constant 4 : i32
    %swap3A_2148 = arith.index_cast %swap3A_2147 : i32 to index
    %swap3A_2149 = arith.constant 80 : index
    %swap3A_2150 = tpu.vector_load %arg8[%swap3A_2148, %swap3A_2149] {strides = array<i32>} : memref<8x128xi32, #tpu.memory_space<vmem>>, vector<16xi32>,
    tpu.vector_store %arg8[%swap3A_2148, %swap3A_2149], %select_n3A_2146 {strides = array<i32>} : memref<8x128xi32, #tpu.memory_space<vmem>>, vector<16xi32>,
    %iota3A_2151 = tpu.iota {dimensions = array<i32: 0>} : vector<16xi32>
    %add3A_2152 = arith.constant 608 : i32
    %add3A_2153 = vector.broadcast %add3A_2152 : i32 to vector<16xi32>
    %add3A_2154 = arith.addi %add3A_2153, %iota3A_2151 : vector<16xi32>
    %and3A_2155 = arith.constant 3 : i32
    %and3A_2156 = vector.broadcast %and3A_2155 : i32 to vector<16xi32>
    %and3A_2157 = arith.andi %add3A_2154, %and3A_2156 : vector<16xi32>
    %mul3A_2158 = arith.constant 256 : i32
    %mul3A_2159 = vector.broadcast %mul3A_2158 : i32 to vector<16xi32>
    %mul3A_2160 = arith.muli %and3A_2157, %mul3A_2159 : vector<16xi32>
    %shift_right_arithmetic3A_2161 = arith.constant 2 : i32
    %shift_right_arithmetic3A_2162 = vector.broadcast %shift_right_arithmetic3A_2161 : i32 to vector<16xi32>
    %shift_right_arithmetic3A_2163 = arith.shrsi %add3A_2154, %shift_right_arithmetic3A_2162 : vector<16xi32>
    %add3A_2164 = arith.addi %mul3A_2160, %shift_right_arithmetic3A_2163 : vector<16xi32>
    %shift_right_arithmetic3A_2165 = arith.constant 7 : i32
    %shift_right_arithmetic3A_2166 = vector.broadcast %shift_right_arithmetic3A_2165 : i32 to vector<16xi32>
    %shift_right_arithmetic3A_2167 = arith.shrsi %add3A_2164, %shift_right_arithmetic3A_2166 : vector<16xi32>
    %and3A_2168 = arith.constant 127 : i32
    %and3A_2169 = vector.broadcast %and3A_2168 : i32 to vector<16xi32>
    %and3A_2170 = arith.andi %add3A_2164, %and3A_2169 : vector<16xi32>
    %gather3A_2171 = tpu.vector_load_idx %arg7[%shift_right_arithmetic3A_2167, %and3A_2170] : memref<8x128xi32, #tpu.memory_space<vmem>>[vector<16xi32>, vector<16xi32>], vector<16xi32>,
    %and3A_2172 = arith.constant 8191 : i32
    %and3A_2173 = vector.broadcast %and3A_2172 : i32 to vector<16xi32>
    %and3A_2174 = arith.andi %gather3A_2171, %and3A_2173 : vector<16xi32>
    %sub3A_2175 = arith.subi %gather3A_2171, %and3A_2174 : vector<16xi32>
    %and3A_2176 = arith.constant 2047 : i32
    %and3A_2177 = vector.broadcast %and3A_2176 : i32 to vector<16xi32>
    %and3A_2178 = arith.andi %and3A_2174, %and3A_2177 : vector<16xi32>
    %shift_left3A_2179 = arith.constant 2 : i32
    %shift_left3A_2180 = vector.broadcast %shift_left3A_2179 : i32 to vector<16xi32>
    %shift_left3A_2181 = arith.shli %and3A_2178, %shift_left3A_2180 : vector<16xi32>
    %add3A_2182 = arith.addi %sub3A_2175, %shift_left3A_2181 : vector<16xi32>
    %shift_right_arithmetic3A_2183 = arith.constant 11 : i32
    %shift_right_arithmetic3A_2184 = vector.broadcast %shift_right_arithmetic3A_2183 : i32 to vector<16xi32>
    %shift_right_arithmetic3A_2185 = arith.shrsi %and3A_2174, %shift_right_arithmetic3A_2184 : vector<16xi32>
    %add3A_2186 = arith.addi %add3A_2182, %shift_right_arithmetic3A_2185 : vector<16xi32>
    %sub3A_2187 = vector.broadcast %mul3A_184 : i32 to vector<16xi32>
    %sub3A_2188 = arith.subi %add3A_2186, %sub3A_2187 : vector<16xi32>
    %lt3A_2189 = arith.constant 0 : i32
    %lt3A_2190 = vector.broadcast %lt3A_2189 : i32 to vector<16xi32>
    %lt3A_2191 = arith.cmpi slt, %sub3A_2188, %lt3A_2190 : vector<16xi32>
    %ge3A_2192 = arith.constant 53248 : i32
    %ge3A_2193 = vector.broadcast %ge3A_2192 : i32 to vector<16xi32>
    %ge3A_2194 = arith.cmpi sge, %sub3A_2188, %ge3A_2193 : vector<16xi32>
    %or3A_2195 = arith.ori %lt3A_2191, %ge3A_2194 : vector<16xi1>
    %jit3A_2196 = arith.constant 53248 : i32
    %broadcast_in_dim3A_2197 = vector.broadcast %jit3A_2196 : i32 to vector<16xi32>
    %select_n3A_2198 = arith.select %or3A_2195, %broadcast_in_dim3A_2197, %sub3A_2188 : vector<16xi1>, vector<16xi32>
    %swap3A_2199 = arith.constant 4 : i32
    %swap3A_2200 = arith.index_cast %swap3A_2199 : i32 to index
    %swap3A_2201 = arith.constant 96 : index
    %swap3A_2202 = tpu.vector_load %arg8[%swap3A_2200, %swap3A_2201] {strides = array<i32>} : memref<8x128xi32, #tpu.memory_space<vmem>>, vector<16xi32>,
    tpu.vector_store %arg8[%swap3A_2200, %swap3A_2201], %select_n3A_2198 {strides = array<i32>} : memref<8x128xi32, #tpu.memory_space<vmem>>, vector<16xi32>,
    %iota3A_2203 = tpu.iota {dimensions = array<i32: 0>} : vector<16xi32>
    %add3A_2204 = arith.constant 624 : i32
    %add3A_2205 = vector.broadcast %add3A_2204 : i32 to vector<16xi32>
    %add3A_2206 = arith.addi %add3A_2205, %iota3A_2203 : vector<16xi32>
    %and3A_2207 = arith.constant 3 : i32
    %and3A_2208 = vector.broadcast %and3A_2207 : i32 to vector<16xi32>
    %and3A_2209 = arith.andi %add3A_2206, %and3A_2208 : vector<16xi32>
    %mul3A_2210 = arith.constant 256 : i32
    %mul3A_2211 = vector.broadcast %mul3A_2210 : i32 to vector<16xi32>
    %mul3A_2212 = arith.muli %and3A_2209, %mul3A_2211 : vector<16xi32>
    %shift_right_arithmetic3A_2213 = arith.constant 2 : i32
    %shift_right_arithmetic3A_2214 = vector.broadcast %shift_right_arithmetic3A_2213 : i32 to vector<16xi32>
    %shift_right_arithmetic3A_2215 = arith.shrsi %add3A_2206, %shift_right_arithmetic3A_2214 : vector<16xi32>
    %add3A_2216 = arith.addi %mul3A_2212, %shift_right_arithmetic3A_2215 : vector<16xi32>
    %shift_right_arithmetic3A_2217 = arith.constant 7 : i32
    %shift_right_arithmetic3A_2218 = vector.broadcast %shift_right_arithmetic3A_2217 : i32 to vector<16xi32>
    %shift_right_arithmetic3A_2219 = arith.shrsi %add3A_2216, %shift_right_arithmetic3A_2218 : vector<16xi32>
    %and3A_2220 = arith.constant 127 : i32
    %and3A_2221 = vector.broadcast %and3A_2220 : i32 to vector<16xi32>
    %and3A_2222 = arith.andi %add3A_2216, %and3A_2221 : vector<16xi32>
    %gather3A_2223 = tpu.vector_load_idx %arg7[%shift_right_arithmetic3A_2219, %and3A_2222] : memref<8x128xi32, #tpu.memory_space<vmem>>[vector<16xi32>, vector<16xi32>], vector<16xi32>,
    %and3A_2224 = arith.constant 8191 : i32
    %and3A_2225 = vector.broadcast %and3A_2224 : i32 to vector<16xi32>
    %and3A_2226 = arith.andi %gather3A_2223, %and3A_2225 : vector<16xi32>
    %sub3A_2227 = arith.subi %gather3A_2223, %and3A_2226 : vector<16xi32>
    %and3A_2228 = arith.constant 2047 : i32
    %and3A_2229 = vector.broadcast %and3A_2228 : i32 to vector<16xi32>
    %and3A_2230 = arith.andi %and3A_2226, %and3A_2229 : vector<16xi32>
    %shift_left3A_2231 = arith.constant 2 : i32
    %shift_left3A_2232 = vector.broadcast %shift_left3A_2231 : i32 to vector<16xi32>
    %shift_left3A_2233 = arith.shli %and3A_2230, %shift_left3A_2232 : vector<16xi32>
    %add3A_2234 = arith.addi %sub3A_2227, %shift_left3A_2233 : vector<16xi32>
    %shift_right_arithmetic3A_2235 = arith.constant 11 : i32
    %shift_right_arithmetic3A_2236 = vector.broadcast %shift_right_arithmetic3A_2235 : i32 to vector<16xi32>
    %shift_right_arithmetic3A_2237 = arith.shrsi %and3A_2226, %shift_right_arithmetic3A_2236 : vector<16xi32>
    %add3A_2238 = arith.addi %add3A_2234, %shift_right_arithmetic3A_2237 : vector<16xi32>
    %sub3A_2239 = vector.broadcast %mul3A_184 : i32 to vector<16xi32>
    %sub3A_2240 = arith.subi %add3A_2238, %sub3A_2239 : vector<16xi32>
    %lt3A_2241 = arith.constant 0 : i32
    %lt3A_2242 = vector.broadcast %lt3A_2241 : i32 to vector<16xi32>
    %lt3A_2243 = arith.cmpi slt, %sub3A_2240, %lt3A_2242 : vector<16xi32>
    %ge3A_2244 = arith.constant 53248 : i32
    %ge3A_2245 = vector.broadcast %ge3A_2244 : i32 to vector<16xi32>
    %ge3A_2246 = arith.cmpi sge, %sub3A_2240, %ge3A_2245 : vector<16xi32>
    %or3A_2247 = arith.ori %lt3A_2243, %ge3A_2246 : vector<16xi1>
    %jit3A_2248 = arith.constant 53248 : i32
    %broadcast_in_dim3A_2249 = vector.broadcast %jit3A_2248 : i32 to vector<16xi32>
    %select_n3A_2250 = arith.select %or3A_2247, %broadcast_in_dim3A_2249, %sub3A_2240 : vector<16xi1>, vector<16xi32>
    %swap3A_2251 = arith.constant 4 : i32
    %swap3A_2252 = arith.index_cast %swap3A_2251 : i32 to index
    %swap3A_2253 = arith.constant 112 : index
    %swap3A_2254 = tpu.vector_load %arg8[%swap3A_2252, %swap3A_2253] {strides = array<i32>} : memref<8x128xi32, #tpu.memory_space<vmem>>, vector<16xi32>,
    tpu.vector_store %arg8[%swap3A_2252, %swap3A_2253], %select_n3A_2250 {strides = array<i32>} : memref<8x128xi32, #tpu.memory_space<vmem>>, vector<16xi32>,
    %iota3A_2255 = tpu.iota {dimensions = array<i32: 0>} : vector<16xi32>
    %add3A_2256 = arith.constant 640 : i32
    %add3A_2257 = vector.broadcast %add3A_2256 : i32 to vector<16xi32>
    %add3A_2258 = arith.addi %add3A_2257, %iota3A_2255 : vector<16xi32>
    %and3A_2259 = arith.constant 3 : i32
    %and3A_2260 = vector.broadcast %and3A_2259 : i32 to vector<16xi32>
    %and3A_2261 = arith.andi %add3A_2258, %and3A_2260 : vector<16xi32>
    %mul3A_2262 = arith.constant 256 : i32
    %mul3A_2263 = vector.broadcast %mul3A_2262 : i32 to vector<16xi32>
    %mul3A_2264 = arith.muli %and3A_2261, %mul3A_2263 : vector<16xi32>
    %shift_right_arithmetic3A_2265 = arith.constant 2 : i32
    %shift_right_arithmetic3A_2266 = vector.broadcast %shift_right_arithmetic3A_2265 : i32 to vector<16xi32>
    %shift_right_arithmetic3A_2267 = arith.shrsi %add3A_2258, %shift_right_arithmetic3A_2266 : vector<16xi32>
    %add3A_2268 = arith.addi %mul3A_2264, %shift_right_arithmetic3A_2267 : vector<16xi32>
    %shift_right_arithmetic3A_2269 = arith.constant 7 : i32
    %shift_right_arithmetic3A_2270 = vector.broadcast %shift_right_arithmetic3A_2269 : i32 to vector<16xi32>
    %shift_right_arithmetic3A_2271 = arith.shrsi %add3A_2268, %shift_right_arithmetic3A_2270 : vector<16xi32>
    %and3A_2272 = arith.constant 127 : i32
    %and3A_2273 = vector.broadcast %and3A_2272 : i32 to vector<16xi32>
    %and3A_2274 = arith.andi %add3A_2268, %and3A_2273 : vector<16xi32>
    %gather3A_2275 = tpu.vector_load_idx %arg7[%shift_right_arithmetic3A_2271, %and3A_2274] : memref<8x128xi32, #tpu.memory_space<vmem>>[vector<16xi32>, vector<16xi32>], vector<16xi32>,
    %and3A_2276 = arith.constant 8191 : i32
    %and3A_2277 = vector.broadcast %and3A_2276 : i32 to vector<16xi32>
    %and3A_2278 = arith.andi %gather3A_2275, %and3A_2277 : vector<16xi32>
    %sub3A_2279 = arith.subi %gather3A_2275, %and3A_2278 : vector<16xi32>
    %and3A_2280 = arith.constant 2047 : i32
    %and3A_2281 = vector.broadcast %and3A_2280 : i32 to vector<16xi32>
    %and3A_2282 = arith.andi %and3A_2278, %and3A_2281 : vector<16xi32>
    %shift_left3A_2283 = arith.constant 2 : i32
    %shift_left3A_2284 = vector.broadcast %shift_left3A_2283 : i32 to vector<16xi32>
    %shift_left3A_2285 = arith.shli %and3A_2282, %shift_left3A_2284 : vector<16xi32>
    %add3A_2286 = arith.addi %sub3A_2279, %shift_left3A_2285 : vector<16xi32>
    %shift_right_arithmetic3A_2287 = arith.constant 11 : i32
    %shift_right_arithmetic3A_2288 = vector.broadcast %shift_right_arithmetic3A_2287 : i32 to vector<16xi32>
    %shift_right_arithmetic3A_2289 = arith.shrsi %and3A_2278, %shift_right_arithmetic3A_2288 : vector<16xi32>
    %add3A_2290 = arith.addi %add3A_2286, %shift_right_arithmetic3A_2289 : vector<16xi32>
    %sub3A_2291 = vector.broadcast %mul3A_184 : i32 to vector<16xi32>
    %sub3A_2292 = arith.subi %add3A_2290, %sub3A_2291 : vector<16xi32>
    %lt3A_2293 = arith.constant 0 : i32
    %lt3A_2294 = vector.broadcast %lt3A_2293 : i32 to vector<16xi32>
    %lt3A_2295 = arith.cmpi slt, %sub3A_2292, %lt3A_2294 : vector<16xi32>
    %ge3A_2296 = arith.constant 53248 : i32
    %ge3A_2297 = vector.broadcast %ge3A_2296 : i32 to vector<16xi32>
    %ge3A_2298 = arith.cmpi sge, %sub3A_2292, %ge3A_2297 : vector<16xi32>
    %or3A_2299 = arith.ori %lt3A_2295, %ge3A_2298 : vector<16xi1>
    %jit3A_2300 = arith.constant 53248 : i32
    %broadcast_in_dim3A_2301 = vector.broadcast %jit3A_2300 : i32 to vector<16xi32>
    %select_n3A_2302 = arith.select %or3A_2299, %broadcast_in_dim3A_2301, %sub3A_2292 : vector<16xi1>, vector<16xi32>
    %swap3A_2303 = arith.constant 5 : i32
    %swap3A_2304 = arith.index_cast %swap3A_2303 : i32 to index
    %swap3A_2305 = arith.constant 0 : index
    %swap3A_2306 = tpu.vector_load %arg8[%swap3A_2304, %swap3A_2305] {strides = array<i32>} : memref<8x128xi32, #tpu.memory_space<vmem>>, vector<16xi32>,
    tpu.vector_store %arg8[%swap3A_2304, %swap3A_2305], %select_n3A_2302 {strides = array<i32>} : memref<8x128xi32, #tpu.memory_space<vmem>>, vector<16xi32>,
    %iota3A_2307 = tpu.iota {dimensions = array<i32: 0>} : vector<16xi32>
    %add3A_2308 = arith.constant 656 : i32
    %add3A_2309 = vector.broadcast %add3A_2308 : i32 to vector<16xi32>
    %add3A_2310 = arith.addi %add3A_2309, %iota3A_2307 : vector<16xi32>
    %and3A_2311 = arith.constant 3 : i32
    %and3A_2312 = vector.broadcast %and3A_2311 : i32 to vector<16xi32>
    %and3A_2313 = arith.andi %add3A_2310, %and3A_2312 : vector<16xi32>
    %mul3A_2314 = arith.constant 256 : i32
    %mul3A_2315 = vector.broadcast %mul3A_2314 : i32 to vector<16xi32>
    %mul3A_2316 = arith.muli %and3A_2313, %mul3A_2315 : vector<16xi32>
    %shift_right_arithmetic3A_2317 = arith.constant 2 : i32
    %shift_right_arithmetic3A_2318 = vector.broadcast %shift_right_arithmetic3A_2317 : i32 to vector<16xi32>
    %shift_right_arithmetic3A_2319 = arith.shrsi %add3A_2310, %shift_right_arithmetic3A_2318 : vector<16xi32>
    %add3A_2320 = arith.addi %mul3A_2316, %shift_right_arithmetic3A_2319 : vector<16xi32>
    %shift_right_arithmetic3A_2321 = arith.constant 7 : i32
    %shift_right_arithmetic3A_2322 = vector.broadcast %shift_right_arithmetic3A_2321 : i32 to vector<16xi32>
    %shift_right_arithmetic3A_2323 = arith.shrsi %add3A_2320, %shift_right_arithmetic3A_2322 : vector<16xi32>
    %and3A_2324 = arith.constant 127 : i32
    %and3A_2325 = vector.broadcast %and3A_2324 : i32 to vector<16xi32>
    %and3A_2326 = arith.andi %add3A_2320, %and3A_2325 : vector<16xi32>
    %gather3A_2327 = tpu.vector_load_idx %arg7[%shift_right_arithmetic3A_2323, %and3A_2326] : memref<8x128xi32, #tpu.memory_space<vmem>>[vector<16xi32>, vector<16xi32>], vector<16xi32>,
    %and3A_2328 = arith.constant 8191 : i32
    %and3A_2329 = vector.broadcast %and3A_2328 : i32 to vector<16xi32>
    %and3A_2330 = arith.andi %gather3A_2327, %and3A_2329 : vector<16xi32>
    %sub3A_2331 = arith.subi %gather3A_2327, %and3A_2330 : vector<16xi32>
    %and3A_2332 = arith.constant 2047 : i32
    %and3A_2333 = vector.broadcast %and3A_2332 : i32 to vector<16xi32>
    %and3A_2334 = arith.andi %and3A_2330, %and3A_2333 : vector<16xi32>
    %shift_left3A_2335 = arith.constant 2 : i32
    %shift_left3A_2336 = vector.broadcast %shift_left3A_2335 : i32 to vector<16xi32>
    %shift_left3A_2337 = arith.shli %and3A_2334, %shift_left3A_2336 : vector<16xi32>
    %add3A_2338 = arith.addi %sub3A_2331, %shift_left3A_2337 : vector<16xi32>
    %shift_right_arithmetic3A_2339 = arith.constant 11 : i32
    %shift_right_arithmetic3A_2340 = vector.broadcast %shift_right_arithmetic3A_2339 : i32 to vector<16xi32>
    %shift_right_arithmetic3A_2341 = arith.shrsi %and3A_2330, %shift_right_arithmetic3A_2340 : vector<16xi32>
    %add3A_2342 = arith.addi %add3A_2338, %shift_right_arithmetic3A_2341 : vector<16xi32>
    %sub3A_2343 = vector.broadcast %mul3A_184 : i32 to vector<16xi32>
    %sub3A_2344 = arith.subi %add3A_2342, %sub3A_2343 : vector<16xi32>
    %lt3A_2345 = arith.constant 0 : i32
    %lt3A_2346 = vector.broadcast %lt3A_2345 : i32 to vector<16xi32>
    %lt3A_2347 = arith.cmpi slt, %sub3A_2344, %lt3A_2346 : vector<16xi32>
    %ge3A_2348 = arith.constant 53248 : i32
    %ge3A_2349 = vector.broadcast %ge3A_2348 : i32 to vector<16xi32>
    %ge3A_2350 = arith.cmpi sge, %sub3A_2344, %ge3A_2349 : vector<16xi32>
    %or3A_2351 = arith.ori %lt3A_2347, %ge3A_2350 : vector<16xi1>
    %jit3A_2352 = arith.constant 53248 : i32
    %broadcast_in_dim3A_2353 = vector.broadcast %jit3A_2352 : i32 to vector<16xi32>
    %select_n3A_2354 = arith.select %or3A_2351, %broadcast_in_dim3A_2353, %sub3A_2344 : vector<16xi1>, vector<16xi32>
    %swap3A_2355 = arith.constant 5 : i32
    %swap3A_2356 = arith.index_cast %swap3A_2355 : i32 to index
    %swap3A_2357 = arith.constant 16 : index
    %swap3A_2358 = tpu.vector_load %arg8[%swap3A_2356, %swap3A_2357] {strides = array<i32>} : memref<8x128xi32, #tpu.memory_space<vmem>>, vector<16xi32>,
    tpu.vector_store %arg8[%swap3A_2356, %swap3A_2357], %select_n3A_2354 {strides = array<i32>} : memref<8x128xi32, #tpu.memory_space<vmem>>, vector<16xi32>,
    %iota3A_2359 = tpu.iota {dimensions = array<i32: 0>} : vector<16xi32>
    %add3A_2360 = arith.constant 672 : i32
    %add3A_2361 = vector.broadcast %add3A_2360 : i32 to vector<16xi32>
    %add3A_2362 = arith.addi %add3A_2361, %iota3A_2359 : vector<16xi32>
    %and3A_2363 = arith.constant 3 : i32
    %and3A_2364 = vector.broadcast %and3A_2363 : i32 to vector<16xi32>
    %and3A_2365 = arith.andi %add3A_2362, %and3A_2364 : vector<16xi32>
    %mul3A_2366 = arith.constant 256 : i32
    %mul3A_2367 = vector.broadcast %mul3A_2366 : i32 to vector<16xi32>
    %mul3A_2368 = arith.muli %and3A_2365, %mul3A_2367 : vector<16xi32>
    %shift_right_arithmetic3A_2369 = arith.constant 2 : i32
    %shift_right_arithmetic3A_2370 = vector.broadcast %shift_right_arithmetic3A_2369 : i32 to vector<16xi32>
    %shift_right_arithmetic3A_2371 = arith.shrsi %add3A_2362, %shift_right_arithmetic3A_2370 : vector<16xi32>
    %add3A_2372 = arith.addi %mul3A_2368, %shift_right_arithmetic3A_2371 : vector<16xi32>
    %shift_right_arithmetic3A_2373 = arith.constant 7 : i32
    %shift_right_arithmetic3A_2374 = vector.broadcast %shift_right_arithmetic3A_2373 : i32 to vector<16xi32>
    %shift_right_arithmetic3A_2375 = arith.shrsi %add3A_2372, %shift_right_arithmetic3A_2374 : vector<16xi32>
    %and3A_2376 = arith.constant 127 : i32
    %and3A_2377 = vector.broadcast %and3A_2376 : i32 to vector<16xi32>
    %and3A_2378 = arith.andi %add3A_2372, %and3A_2377 : vector<16xi32>
    %gather3A_2379 = tpu.vector_load_idx %arg7[%shift_right_arithmetic3A_2375, %and3A_2378] : memref<8x128xi32, #tpu.memory_space<vmem>>[vector<16xi32>, vector<16xi32>], vector<16xi32>,
    %and3A_2380 = arith.constant 8191 : i32
    %and3A_2381 = vector.broadcast %and3A_2380 : i32 to vector<16xi32>
    %and3A_2382 = arith.andi %gather3A_2379, %and3A_2381 : vector<16xi32>
    %sub3A_2383 = arith.subi %gather3A_2379, %and3A_2382 : vector<16xi32>
    %and3A_2384 = arith.constant 2047 : i32
    %and3A_2385 = vector.broadcast %and3A_2384 : i32 to vector<16xi32>
    %and3A_2386 = arith.andi %and3A_2382, %and3A_2385 : vector<16xi32>
    %shift_left3A_2387 = arith.constant 2 : i32
    %shift_left3A_2388 = vector.broadcast %shift_left3A_2387 : i32 to vector<16xi32>
    %shift_left3A_2389 = arith.shli %and3A_2386, %shift_left3A_2388 : vector<16xi32>
    %add3A_2390 = arith.addi %sub3A_2383, %shift_left3A_2389 : vector<16xi32>
    %shift_right_arithmetic3A_2391 = arith.constant 11 : i32
    %shift_right_arithmetic3A_2392 = vector.broadcast %shift_right_arithmetic3A_2391 : i32 to vector<16xi32>
    %shift_right_arithmetic3A_2393 = arith.shrsi %and3A_2382, %shift_right_arithmetic3A_2392 : vector<16xi32>
    %add3A_2394 = arith.addi %add3A_2390, %shift_right_arithmetic3A_2393 : vector<16xi32>
    %sub3A_2395 = vector.broadcast %mul3A_184 : i32 to vector<16xi32>
    %sub3A_2396 = arith.subi %add3A_2394, %sub3A_2395 : vector<16xi32>
    %lt3A_2397 = arith.constant 0 : i32
    %lt3A_2398 = vector.broadcast %lt3A_2397 : i32 to vector<16xi32>
    %lt3A_2399 = arith.cmpi slt, %sub3A_2396, %lt3A_2398 : vector<16xi32>
    %ge3A_2400 = arith.constant 53248 : i32
    %ge3A_2401 = vector.broadcast %ge3A_2400 : i32 to vector<16xi32>
    %ge3A_2402 = arith.cmpi sge, %sub3A_2396, %ge3A_2401 : vector<16xi32>
    %or3A_2403 = arith.ori %lt3A_2399, %ge3A_2402 : vector<16xi1>
    %jit3A_2404 = arith.constant 53248 : i32
    %broadcast_in_dim3A_2405 = vector.broadcast %jit3A_2404 : i32 to vector<16xi32>
    %select_n3A_2406 = arith.select %or3A_2403, %broadcast_in_dim3A_2405, %sub3A_2396 : vector<16xi1>, vector<16xi32>
    %swap3A_2407 = arith.constant 5 : i32
    %swap3A_2408 = arith.index_cast %swap3A_2407 : i32 to index
    %swap3A_2409 = arith.constant 32 : index
    %swap3A_2410 = tpu.vector_load %arg8[%swap3A_2408, %swap3A_2409] {strides = array<i32>} : memref<8x128xi32, #tpu.memory_space<vmem>>, vector<16xi32>,
    tpu.vector_store %arg8[%swap3A_2408, %swap3A_2409], %select_n3A_2406 {strides = array<i32>} : memref<8x128xi32, #tpu.memory_space<vmem>>, vector<16xi32>,
    %iota3A_2411 = tpu.iota {dimensions = array<i32: 0>} : vector<16xi32>
    %add3A_2412 = arith.constant 688 : i32
    %add3A_2413 = vector.broadcast %add3A_2412 : i32 to vector<16xi32>
    %add3A_2414 = arith.addi %add3A_2413, %iota3A_2411 : vector<16xi32>
    %and3A_2415 = arith.constant 3 : i32
    %and3A_2416 = vector.broadcast %and3A_2415 : i32 to vector<16xi32>
    %and3A_2417 = arith.andi %add3A_2414, %and3A_2416 : vector<16xi32>
    %mul3A_2418 = arith.constant 256 : i32
    %mul3A_2419 = vector.broadcast %mul3A_2418 : i32 to vector<16xi32>
    %mul3A_2420 = arith.muli %and3A_2417, %mul3A_2419 : vector<16xi32>
    %shift_right_arithmetic3A_2421 = arith.constant 2 : i32
    %shift_right_arithmetic3A_2422 = vector.broadcast %shift_right_arithmetic3A_2421 : i32 to vector<16xi32>
    %shift_right_arithmetic3A_2423 = arith.shrsi %add3A_2414, %shift_right_arithmetic3A_2422 : vector<16xi32>
    %add3A_2424 = arith.addi %mul3A_2420, %shift_right_arithmetic3A_2423 : vector<16xi32>
    %shift_right_arithmetic3A_2425 = arith.constant 7 : i32
    %shift_right_arithmetic3A_2426 = vector.broadcast %shift_right_arithmetic3A_2425 : i32 to vector<16xi32>
    %shift_right_arithmetic3A_2427 = arith.shrsi %add3A_2424, %shift_right_arithmetic3A_2426 : vector<16xi32>
    %and3A_2428 = arith.constant 127 : i32
    %and3A_2429 = vector.broadcast %and3A_2428 : i32 to vector<16xi32>
    %and3A_2430 = arith.andi %add3A_2424, %and3A_2429 : vector<16xi32>
    %gather3A_2431 = tpu.vector_load_idx %arg7[%shift_right_arithmetic3A_2427, %and3A_2430] : memref<8x128xi32, #tpu.memory_space<vmem>>[vector<16xi32>, vector<16xi32>], vector<16xi32>,
    %and3A_2432 = arith.constant 8191 : i32
    %and3A_2433 = vector.broadcast %and3A_2432 : i32 to vector<16xi32>
    %and3A_2434 = arith.andi %gather3A_2431, %and3A_2433 : vector<16xi32>
    %sub3A_2435 = arith.subi %gather3A_2431, %and3A_2434 : vector<16xi32>
    %and3A_2436 = arith.constant 2047 : i32
    %and3A_2437 = vector.broadcast %and3A_2436 : i32 to vector<16xi32>
    %and3A_2438 = arith.andi %and3A_2434, %and3A_2437 : vector<16xi32>
    %shift_left3A_2439 = arith.constant 2 : i32
    %shift_left3A_2440 = vector.broadcast %shift_left3A_2439 : i32 to vector<16xi32>
    %shift_left3A_2441 = arith.shli %and3A_2438, %shift_left3A_2440 : vector<16xi32>
    %add3A_2442 = arith.addi %sub3A_2435, %shift_left3A_2441 : vector<16xi32>
    %shift_right_arithmetic3A_2443 = arith.constant 11 : i32
    %shift_right_arithmetic3A_2444 = vector.broadcast %shift_right_arithmetic3A_2443 : i32 to vector<16xi32>
    %shift_right_arithmetic3A_2445 = arith.shrsi %and3A_2434, %shift_right_arithmetic3A_2444 : vector<16xi32>
    %add3A_2446 = arith.addi %add3A_2442, %shift_right_arithmetic3A_2445 : vector<16xi32>
    %sub3A_2447 = vector.broadcast %mul3A_184 : i32 to vector<16xi32>
    %sub3A_2448 = arith.subi %add3A_2446, %sub3A_2447 : vector<16xi32>
    %lt3A_2449 = arith.constant 0 : i32
    %lt3A_2450 = vector.broadcast %lt3A_2449 : i32 to vector<16xi32>
    %lt3A_2451 = arith.cmpi slt, %sub3A_2448, %lt3A_2450 : vector<16xi32>
    %ge3A_2452 = arith.constant 53248 : i32
    %ge3A_2453 = vector.broadcast %ge3A_2452 : i32 to vector<16xi32>
    %ge3A_2454 = arith.cmpi sge, %sub3A_2448, %ge3A_2453 : vector<16xi32>
    %or3A_2455 = arith.ori %lt3A_2451, %ge3A_2454 : vector<16xi1>
    %jit3A_2456 = arith.constant 53248 : i32
    %broadcast_in_dim3A_2457 = vector.broadcast %jit3A_2456 : i32 to vector<16xi32>
    %select_n3A_2458 = arith.select %or3A_2455, %broadcast_in_dim3A_2457, %sub3A_2448 : vector<16xi1>, vector<16xi32>
    %swap3A_2459 = arith.constant 5 : i32
    %swap3A_2460 = arith.index_cast %swap3A_2459 : i32 to index
    %swap3A_2461 = arith.constant 48 : index
    %swap3A_2462 = tpu.vector_load %arg8[%swap3A_2460, %swap3A_2461] {strides = array<i32>} : memref<8x128xi32, #tpu.memory_space<vmem>>, vector<16xi32>,
    tpu.vector_store %arg8[%swap3A_2460, %swap3A_2461], %select_n3A_2458 {strides = array<i32>} : memref<8x128xi32, #tpu.memory_space<vmem>>, vector<16xi32>,
    %iota3A_2463 = tpu.iota {dimensions = array<i32: 0>} : vector<16xi32>
    %add3A_2464 = arith.constant 704 : i32
    %add3A_2465 = vector.broadcast %add3A_2464 : i32 to vector<16xi32>
    %add3A_2466 = arith.addi %add3A_2465, %iota3A_2463 : vector<16xi32>
    %and3A_2467 = arith.constant 3 : i32
    %and3A_2468 = vector.broadcast %and3A_2467 : i32 to vector<16xi32>
    %and3A_2469 = arith.andi %add3A_2466, %and3A_2468 : vector<16xi32>
    %mul3A_2470 = arith.constant 256 : i32
    %mul3A_2471 = vector.broadcast %mul3A_2470 : i32 to vector<16xi32>
    %mul3A_2472 = arith.muli %and3A_2469, %mul3A_2471 : vector<16xi32>
    %shift_right_arithmetic3A_2473 = arith.constant 2 : i32
    %shift_right_arithmetic3A_2474 = vector.broadcast %shift_right_arithmetic3A_2473 : i32 to vector<16xi32>
    %shift_right_arithmetic3A_2475 = arith.shrsi %add3A_2466, %shift_right_arithmetic3A_2474 : vector<16xi32>
    %add3A_2476 = arith.addi %mul3A_2472, %shift_right_arithmetic3A_2475 : vector<16xi32>
    %shift_right_arithmetic3A_2477 = arith.constant 7 : i32
    %shift_right_arithmetic3A_2478 = vector.broadcast %shift_right_arithmetic3A_2477 : i32 to vector<16xi32>
    %shift_right_arithmetic3A_2479 = arith.shrsi %add3A_2476, %shift_right_arithmetic3A_2478 : vector<16xi32>
    %and3A_2480 = arith.constant 127 : i32
    %and3A_2481 = vector.broadcast %and3A_2480 : i32 to vector<16xi32>
    %and3A_2482 = arith.andi %add3A_2476, %and3A_2481 : vector<16xi32>
    %gather3A_2483 = tpu.vector_load_idx %arg7[%shift_right_arithmetic3A_2479, %and3A_2482] : memref<8x128xi32, #tpu.memory_space<vmem>>[vector<16xi32>, vector<16xi32>], vector<16xi32>,
    %and3A_2484 = arith.constant 8191 : i32
    %and3A_2485 = vector.broadcast %and3A_2484 : i32 to vector<16xi32>
    %and3A_2486 = arith.andi %gather3A_2483, %and3A_2485 : vector<16xi32>
    %sub3A_2487 = arith.subi %gather3A_2483, %and3A_2486 : vector<16xi32>
    %and3A_2488 = arith.constant 2047 : i32
    %and3A_2489 = vector.broadcast %and3A_2488 : i32 to vector<16xi32>
    %and3A_2490 = arith.andi %and3A_2486, %and3A_2489 : vector<16xi32>
    %shift_left3A_2491 = arith.constant 2 : i32
    %shift_left3A_2492 = vector.broadcast %shift_left3A_2491 : i32 to vector<16xi32>
    %shift_left3A_2493 = arith.shli %and3A_2490, %shift_left3A_2492 : vector<16xi32>
    %add3A_2494 = arith.addi %sub3A_2487, %shift_left3A_2493 : vector<16xi32>
    %shift_right_arithmetic3A_2495 = arith.constant 11 : i32
    %shift_right_arithmetic3A_2496 = vector.broadcast %shift_right_arithmetic3A_2495 : i32 to vector<16xi32>
    %shift_right_arithmetic3A_2497 = arith.shrsi %and3A_2486, %shift_right_arithmetic3A_2496 : vector<16xi32>
    %add3A_2498 = arith.addi %add3A_2494, %shift_right_arithmetic3A_2497 : vector<16xi32>
    %sub3A_2499 = vector.broadcast %mul3A_184 : i32 to vector<16xi32>
    %sub3A_2500 = arith.subi %add3A_2498, %sub3A_2499 : vector<16xi32>
    %lt3A_2501 = arith.constant 0 : i32
    %lt3A_2502 = vector.broadcast %lt3A_2501 : i32 to vector<16xi32>
    %lt3A_2503 = arith.cmpi slt, %sub3A_2500, %lt3A_2502 : vector<16xi32>
    %ge3A_2504 = arith.constant 53248 : i32
    %ge3A_2505 = vector.broadcast %ge3A_2504 : i32 to vector<16xi32>
    %ge3A_2506 = arith.cmpi sge, %sub3A_2500, %ge3A_2505 : vector<16xi32>
    %or3A_2507 = arith.ori %lt3A_2503, %ge3A_2506 : vector<16xi1>
    %jit3A_2508 = arith.constant 53248 : i32
    %broadcast_in_dim3A_2509 = vector.broadcast %jit3A_2508 : i32 to vector<16xi32>
    %select_n3A_2510 = arith.select %or3A_2507, %broadcast_in_dim3A_2509, %sub3A_2500 : vector<16xi1>, vector<16xi32>
    %swap3A_2511 = arith.constant 5 : i32
    %swap3A_2512 = arith.index_cast %swap3A_2511 : i32 to index
    %swap3A_2513 = arith.constant 64 : index
    %swap3A_2514 = tpu.vector_load %arg8[%swap3A_2512, %swap3A_2513] {strides = array<i32>} : memref<8x128xi32, #tpu.memory_space<vmem>>, vector<16xi32>,
    tpu.vector_store %arg8[%swap3A_2512, %swap3A_2513], %select_n3A_2510 {strides = array<i32>} : memref<8x128xi32, #tpu.memory_space<vmem>>, vector<16xi32>,
    %iota3A_2515 = tpu.iota {dimensions = array<i32: 0>} : vector<16xi32>
    %add3A_2516 = arith.constant 720 : i32
    %add3A_2517 = vector.broadcast %add3A_2516 : i32 to vector<16xi32>
    %add3A_2518 = arith.addi %add3A_2517, %iota3A_2515 : vector<16xi32>
    %and3A_2519 = arith.constant 3 : i32
    %and3A_2520 = vector.broadcast %and3A_2519 : i32 to vector<16xi32>
    %and3A_2521 = arith.andi %add3A_2518, %and3A_2520 : vector<16xi32>
    %mul3A_2522 = arith.constant 256 : i32
    %mul3A_2523 = vector.broadcast %mul3A_2522 : i32 to vector<16xi32>
    %mul3A_2524 = arith.muli %and3A_2521, %mul3A_2523 : vector<16xi32>
    %shift_right_arithmetic3A_2525 = arith.constant 2 : i32
    %shift_right_arithmetic3A_2526 = vector.broadcast %shift_right_arithmetic3A_2525 : i32 to vector<16xi32>
    %shift_right_arithmetic3A_2527 = arith.shrsi %add3A_2518, %shift_right_arithmetic3A_2526 : vector<16xi32>
    %add3A_2528 = arith.addi %mul3A_2524, %shift_right_arithmetic3A_2527 : vector<16xi32>
    %shift_right_arithmetic3A_2529 = arith.constant 7 : i32
    %shift_right_arithmetic3A_2530 = vector.broadcast %shift_right_arithmetic3A_2529 : i32 to vector<16xi32>
    %shift_right_arithmetic3A_2531 = arith.shrsi %add3A_2528, %shift_right_arithmetic3A_2530 : vector<16xi32>
    %and3A_2532 = arith.constant 127 : i32
    %and3A_2533 = vector.broadcast %and3A_2532 : i32 to vector<16xi32>
    %and3A_2534 = arith.andi %add3A_2528, %and3A_2533 : vector<16xi32>
    %gather3A_2535 = tpu.vector_load_idx %arg7[%shift_right_arithmetic3A_2531, %and3A_2534] : memref<8x128xi32, #tpu.memory_space<vmem>>[vector<16xi32>, vector<16xi32>], vector<16xi32>,
    %and3A_2536 = arith.constant 8191 : i32
    %and3A_2537 = vector.broadcast %and3A_2536 : i32 to vector<16xi32>
    %and3A_2538 = arith.andi %gather3A_2535, %and3A_2537 : vector<16xi32>
    %sub3A_2539 = arith.subi %gather3A_2535, %and3A_2538 : vector<16xi32>
    %and3A_2540 = arith.constant 2047 : i32
    %and3A_2541 = vector.broadcast %and3A_2540 : i32 to vector<16xi32>
    %and3A_2542 = arith.andi %and3A_2538, %and3A_2541 : vector<16xi32>
    %shift_left3A_2543 = arith.constant 2 : i32
    %shift_left3A_2544 = vector.broadcast %shift_left3A_2543 : i32 to vector<16xi32>
    %shift_left3A_2545 = arith.shli %and3A_2542, %shift_left3A_2544 : vector<16xi32>
    %add3A_2546 = arith.addi %sub3A_2539, %shift_left3A_2545 : vector<16xi32>
    %shift_right_arithmetic3A_2547 = arith.constant 11 : i32
    %shift_right_arithmetic3A_2548 = vector.broadcast %shift_right_arithmetic3A_2547 : i32 to vector<16xi32>
    %shift_right_arithmetic3A_2549 = arith.shrsi %and3A_2538, %shift_right_arithmetic3A_2548 : vector<16xi32>
    %add3A_2550 = arith.addi %add3A_2546, %shift_right_arithmetic3A_2549 : vector<16xi32>
    %sub3A_2551 = vector.broadcast %mul3A_184 : i32 to vector<16xi32>
    %sub3A_2552 = arith.subi %add3A_2550, %sub3A_2551 : vector<16xi32>
    %lt3A_2553 = arith.constant 0 : i32
    %lt3A_2554 = vector.broadcast %lt3A_2553 : i32 to vector<16xi32>
    %lt3A_2555 = arith.cmpi slt, %sub3A_2552, %lt3A_2554 : vector<16xi32>
    %ge3A_2556 = arith.constant 53248 : i32
    %ge3A_2557 = vector.broadcast %ge3A_2556 : i32 to vector<16xi32>
    %ge3A_2558 = arith.cmpi sge, %sub3A_2552, %ge3A_2557 : vector<16xi32>
    %or3A_2559 = arith.ori %lt3A_2555, %ge3A_2558 : vector<16xi1>
    %jit3A_2560 = arith.constant 53248 : i32
    %broadcast_in_dim3A_2561 = vector.broadcast %jit3A_2560 : i32 to vector<16xi32>
    %select_n3A_2562 = arith.select %or3A_2559, %broadcast_in_dim3A_2561, %sub3A_2552 : vector<16xi1>, vector<16xi32>
    %swap3A_2563 = arith.constant 5 : i32
    %swap3A_2564 = arith.index_cast %swap3A_2563 : i32 to index
    %swap3A_2565 = arith.constant 80 : index
    %swap3A_2566 = tpu.vector_load %arg8[%swap3A_2564, %swap3A_2565] {strides = array<i32>} : memref<8x128xi32, #tpu.memory_space<vmem>>, vector<16xi32>,
    tpu.vector_store %arg8[%swap3A_2564, %swap3A_2565], %select_n3A_2562 {strides = array<i32>} : memref<8x128xi32, #tpu.memory_space<vmem>>, vector<16xi32>,
    %iota3A_2567 = tpu.iota {dimensions = array<i32: 0>} : vector<16xi32>
    %add3A_2568 = arith.constant 736 : i32
    %add3A_2569 = vector.broadcast %add3A_2568 : i32 to vector<16xi32>
    %add3A_2570 = arith.addi %add3A_2569, %iota3A_2567 : vector<16xi32>
    %and3A_2571 = arith.constant 3 : i32
    %and3A_2572 = vector.broadcast %and3A_2571 : i32 to vector<16xi32>
    %and3A_2573 = arith.andi %add3A_2570, %and3A_2572 : vector<16xi32>
    %mul3A_2574 = arith.constant 256 : i32
    %mul3A_2575 = vector.broadcast %mul3A_2574 : i32 to vector<16xi32>
    %mul3A_2576 = arith.muli %and3A_2573, %mul3A_2575 : vector<16xi32>
    %shift_right_arithmetic3A_2577 = arith.constant 2 : i32
    %shift_right_arithmetic3A_2578 = vector.broadcast %shift_right_arithmetic3A_2577 : i32 to vector<16xi32>
    %shift_right_arithmetic3A_2579 = arith.shrsi %add3A_2570, %shift_right_arithmetic3A_2578 : vector<16xi32>
    %add3A_2580 = arith.addi %mul3A_2576, %shift_right_arithmetic3A_2579 : vector<16xi32>
    %shift_right_arithmetic3A_2581 = arith.constant 7 : i32
    %shift_right_arithmetic3A_2582 = vector.broadcast %shift_right_arithmetic3A_2581 : i32 to vector<16xi32>
    %shift_right_arithmetic3A_2583 = arith.shrsi %add3A_2580, %shift_right_arithmetic3A_2582 : vector<16xi32>
    %and3A_2584 = arith.constant 127 : i32
    %and3A_2585 = vector.broadcast %and3A_2584 : i32 to vector<16xi32>
    %and3A_2586 = arith.andi %add3A_2580, %and3A_2585 : vector<16xi32>
    %gather3A_2587 = tpu.vector_load_idx %arg7[%shift_right_arithmetic3A_2583, %and3A_2586] : memref<8x128xi32, #tpu.memory_space<vmem>>[vector<16xi32>, vector<16xi32>], vector<16xi32>,
    %and3A_2588 = arith.constant 8191 : i32
    %and3A_2589 = vector.broadcast %and3A_2588 : i32 to vector<16xi32>
    %and3A_2590 = arith.andi %gather3A_2587, %and3A_2589 : vector<16xi32>
    %sub3A_2591 = arith.subi %gather3A_2587, %and3A_2590 : vector<16xi32>
    %and3A_2592 = arith.constant 2047 : i32
    %and3A_2593 = vector.broadcast %and3A_2592 : i32 to vector<16xi32>
    %and3A_2594 = arith.andi %and3A_2590, %and3A_2593 : vector<16xi32>
    %shift_left3A_2595 = arith.constant 2 : i32
    %shift_left3A_2596 = vector.broadcast %shift_left3A_2595 : i32 to vector<16xi32>
    %shift_left3A_2597 = arith.shli %and3A_2594, %shift_left3A_2596 : vector<16xi32>
    %add3A_2598 = arith.addi %sub3A_2591, %shift_left3A_2597 : vector<16xi32>
    %shift_right_arithmetic3A_2599 = arith.constant 11 : i32
    %shift_right_arithmetic3A_2600 = vector.broadcast %shift_right_arithmetic3A_2599 : i32 to vector<16xi32>
    %shift_right_arithmetic3A_2601 = arith.shrsi %and3A_2590, %shift_right_arithmetic3A_2600 : vector<16xi32>
    %add3A_2602 = arith.addi %add3A_2598, %shift_right_arithmetic3A_2601 : vector<16xi32>
    %sub3A_2603 = vector.broadcast %mul3A_184 : i32 to vector<16xi32>
    %sub3A_2604 = arith.subi %add3A_2602, %sub3A_2603 : vector<16xi32>
    %lt3A_2605 = arith.constant 0 : i32
    %lt3A_2606 = vector.broadcast %lt3A_2605 : i32 to vector<16xi32>
    %lt3A_2607 = arith.cmpi slt, %sub3A_2604, %lt3A_2606 : vector<16xi32>
    %ge3A_2608 = arith.constant 53248 : i32
    %ge3A_2609 = vector.broadcast %ge3A_2608 : i32 to vector<16xi32>
    %ge3A_2610 = arith.cmpi sge, %sub3A_2604, %ge3A_2609 : vector<16xi32>
    %or3A_2611 = arith.ori %lt3A_2607, %ge3A_2610 : vector<16xi1>
    %jit3A_2612 = arith.constant 53248 : i32
    %broadcast_in_dim3A_2613 = vector.broadcast %jit3A_2612 : i32 to vector<16xi32>
    %select_n3A_2614 = arith.select %or3A_2611, %broadcast_in_dim3A_2613, %sub3A_2604 : vector<16xi1>, vector<16xi32>
    %swap3A_2615 = arith.constant 5 : i32
    %swap3A_2616 = arith.index_cast %swap3A_2615 : i32 to index
    %swap3A_2617 = arith.constant 96 : index
    %swap3A_2618 = tpu.vector_load %arg8[%swap3A_2616, %swap3A_2617] {strides = array<i32>} : memref<8x128xi32, #tpu.memory_space<vmem>>, vector<16xi32>,
    tpu.vector_store %arg8[%swap3A_2616, %swap3A_2617], %select_n3A_2614 {strides = array<i32>} : memref<8x128xi32, #tpu.memory_space<vmem>>, vector<16xi32>,
    %iota3A_2619 = tpu.iota {dimensions = array<i32: 0>} : vector<16xi32>
    %add3A_2620 = arith.constant 752 : i32
    %add3A_2621 = vector.broadcast %add3A_2620 : i32 to vector<16xi32>
    %add3A_2622 = arith.addi %add3A_2621, %iota3A_2619 : vector<16xi32>
    %and3A_2623 = arith.constant 3 : i32
    %and3A_2624 = vector.broadcast %and3A_2623 : i32 to vector<16xi32>
    %and3A_2625 = arith.andi %add3A_2622, %and3A_2624 : vector<16xi32>
    %mul3A_2626 = arith.constant 256 : i32
    %mul3A_2627 = vector.broadcast %mul3A_2626 : i32 to vector<16xi32>
    %mul3A_2628 = arith.muli %and3A_2625, %mul3A_2627 : vector<16xi32>
    %shift_right_arithmetic3A_2629 = arith.constant 2 : i32
    %shift_right_arithmetic3A_2630 = vector.broadcast %shift_right_arithmetic3A_2629 : i32 to vector<16xi32>
    %shift_right_arithmetic3A_2631 = arith.shrsi %add3A_2622, %shift_right_arithmetic3A_2630 : vector<16xi32>
    %add3A_2632 = arith.addi %mul3A_2628, %shift_right_arithmetic3A_2631 : vector<16xi32>
    %shift_right_arithmetic3A_2633 = arith.constant 7 : i32
    %shift_right_arithmetic3A_2634 = vector.broadcast %shift_right_arithmetic3A_2633 : i32 to vector<16xi32>
    %shift_right_arithmetic3A_2635 = arith.shrsi %add3A_2632, %shift_right_arithmetic3A_2634 : vector<16xi32>
    %and3A_2636 = arith.constant 127 : i32
    %and3A_2637 = vector.broadcast %and3A_2636 : i32 to vector<16xi32>
    %and3A_2638 = arith.andi %add3A_2632, %and3A_2637 : vector<16xi32>
    %gather3A_2639 = tpu.vector_load_idx %arg7[%shift_right_arithmetic3A_2635, %and3A_2638] : memref<8x128xi32, #tpu.memory_space<vmem>>[vector<16xi32>, vector<16xi32>], vector<16xi32>,
    %and3A_2640 = arith.constant 8191 : i32
    %and3A_2641 = vector.broadcast %and3A_2640 : i32 to vector<16xi32>
    %and3A_2642 = arith.andi %gather3A_2639, %and3A_2641 : vector<16xi32>
    %sub3A_2643 = arith.subi %gather3A_2639, %and3A_2642 : vector<16xi32>
    %and3A_2644 = arith.constant 2047 : i32
    %and3A_2645 = vector.broadcast %and3A_2644 : i32 to vector<16xi32>
    %and3A_2646 = arith.andi %and3A_2642, %and3A_2645 : vector<16xi32>
    %shift_left3A_2647 = arith.constant 2 : i32
    %shift_left3A_2648 = vector.broadcast %shift_left3A_2647 : i32 to vector<16xi32>
    %shift_left3A_2649 = arith.shli %and3A_2646, %shift_left3A_2648 : vector<16xi32>
    %add3A_2650 = arith.addi %sub3A_2643, %shift_left3A_2649 : vector<16xi32>
    %shift_right_arithmetic3A_2651 = arith.constant 11 : i32
    %shift_right_arithmetic3A_2652 = vector.broadcast %shift_right_arithmetic3A_2651 : i32 to vector<16xi32>
    %shift_right_arithmetic3A_2653 = arith.shrsi %and3A_2642, %shift_right_arithmetic3A_2652 : vector<16xi32>
    %add3A_2654 = arith.addi %add3A_2650, %shift_right_arithmetic3A_2653 : vector<16xi32>
    %sub3A_2655 = vector.broadcast %mul3A_184 : i32 to vector<16xi32>
    %sub3A_2656 = arith.subi %add3A_2654, %sub3A_2655 : vector<16xi32>
    %lt3A_2657 = arith.constant 0 : i32
    %lt3A_2658 = vector.broadcast %lt3A_2657 : i32 to vector<16xi32>
    %lt3A_2659 = arith.cmpi slt, %sub3A_2656, %lt3A_2658 : vector<16xi32>
    %ge3A_2660 = arith.constant 53248 : i32
    %ge3A_2661 = vector.broadcast %ge3A_2660 : i32 to vector<16xi32>
    %ge3A_2662 = arith.cmpi sge, %sub3A_2656, %ge3A_2661 : vector<16xi32>
    %or3A_2663 = arith.ori %lt3A_2659, %ge3A_2662 : vector<16xi1>
    %jit3A_2664 = arith.constant 53248 : i32
    %broadcast_in_dim3A_2665 = vector.broadcast %jit3A_2664 : i32 to vector<16xi32>
    %select_n3A_2666 = arith.select %or3A_2663, %broadcast_in_dim3A_2665, %sub3A_2656 : vector<16xi1>, vector<16xi32>
    %swap3A_2667 = arith.constant 5 : i32
    %swap3A_2668 = arith.index_cast %swap3A_2667 : i32 to index
    %swap3A_2669 = arith.constant 112 : index
    %swap3A_2670 = tpu.vector_load %arg8[%swap3A_2668, %swap3A_2669] {strides = array<i32>} : memref<8x128xi32, #tpu.memory_space<vmem>>, vector<16xi32>,
    tpu.vector_store %arg8[%swap3A_2668, %swap3A_2669], %select_n3A_2666 {strides = array<i32>} : memref<8x128xi32, #tpu.memory_space<vmem>>, vector<16xi32>,
    %iota3A_2671 = tpu.iota {dimensions = array<i32: 0>} : vector<16xi32>
    %add3A_2672 = arith.constant 768 : i32
    %add3A_2673 = vector.broadcast %add3A_2672 : i32 to vector<16xi32>
    %add3A_2674 = arith.addi %add3A_2673, %iota3A_2671 : vector<16xi32>
    %and3A_2675 = arith.constant 3 : i32
    %and3A_2676 = vector.broadcast %and3A_2675 : i32 to vector<16xi32>
    %and3A_2677 = arith.andi %add3A_2674, %and3A_2676 : vector<16xi32>
    %mul3A_2678 = arith.constant 256 : i32
    %mul3A_2679 = vector.broadcast %mul3A_2678 : i32 to vector<16xi32>
    %mul3A_2680 = arith.muli %and3A_2677, %mul3A_2679 : vector<16xi32>
    %shift_right_arithmetic3A_2681 = arith.constant 2 : i32
    %shift_right_arithmetic3A_2682 = vector.broadcast %shift_right_arithmetic3A_2681 : i32 to vector<16xi32>
    %shift_right_arithmetic3A_2683 = arith.shrsi %add3A_2674, %shift_right_arithmetic3A_2682 : vector<16xi32>
    %add3A_2684 = arith.addi %mul3A_2680, %shift_right_arithmetic3A_2683 : vector<16xi32>
    %shift_right_arithmetic3A_2685 = arith.constant 7 : i32
    %shift_right_arithmetic3A_2686 = vector.broadcast %shift_right_arithmetic3A_2685 : i32 to vector<16xi32>
    %shift_right_arithmetic3A_2687 = arith.shrsi %add3A_2684, %shift_right_arithmetic3A_2686 : vector<16xi32>
    %and3A_2688 = arith.constant 127 : i32
    %and3A_2689 = vector.broadcast %and3A_2688 : i32 to vector<16xi32>
    %and3A_2690 = arith.andi %add3A_2684, %and3A_2689 : vector<16xi32>
    %gather3A_2691 = tpu.vector_load_idx %arg7[%shift_right_arithmetic3A_2687, %and3A_2690] : memref<8x128xi32, #tpu.memory_space<vmem>>[vector<16xi32>, vector<16xi32>], vector<16xi32>,
    %and3A_2692 = arith.constant 8191 : i32
    %and3A_2693 = vector.broadcast %and3A_2692 : i32 to vector<16xi32>
    %and3A_2694 = arith.andi %gather3A_2691, %and3A_2693 : vector<16xi32>
    %sub3A_2695 = arith.subi %gather3A_2691, %and3A_2694 : vector<16xi32>
    %and3A_2696 = arith.constant 2047 : i32
    %and3A_2697 = vector.broadcast %and3A_2696 : i32 to vector<16xi32>
    %and3A_2698 = arith.andi %and3A_2694, %and3A_2697 : vector<16xi32>
    %shift_left3A_2699 = arith.constant 2 : i32
    %shift_left3A_2700 = vector.broadcast %shift_left3A_2699 : i32 to vector<16xi32>
    %shift_left3A_2701 = arith.shli %and3A_2698, %shift_left3A_2700 : vector<16xi32>
    %add3A_2702 = arith.addi %sub3A_2695, %shift_left3A_2701 : vector<16xi32>
    %shift_right_arithmetic3A_2703 = arith.constant 11 : i32
    %shift_right_arithmetic3A_2704 = vector.broadcast %shift_right_arithmetic3A_2703 : i32 to vector<16xi32>
    %shift_right_arithmetic3A_2705 = arith.shrsi %and3A_2694, %shift_right_arithmetic3A_2704 : vector<16xi32>
    %add3A_2706 = arith.addi %add3A_2702, %shift_right_arithmetic3A_2705 : vector<16xi32>
    %sub3A_2707 = vector.broadcast %mul3A_184 : i32 to vector<16xi32>
    %sub3A_2708 = arith.subi %add3A_2706, %sub3A_2707 : vector<16xi32>
    %lt3A_2709 = arith.constant 0 : i32
    %lt3A_2710 = vector.broadcast %lt3A_2709 : i32 to vector<16xi32>
    %lt3A_2711 = arith.cmpi slt, %sub3A_2708, %lt3A_2710 : vector<16xi32>
    %ge3A_2712 = arith.constant 53248 : i32
    %ge3A_2713 = vector.broadcast %ge3A_2712 : i32 to vector<16xi32>
    %ge3A_2714 = arith.cmpi sge, %sub3A_2708, %ge3A_2713 : vector<16xi32>
    %or3A_2715 = arith.ori %lt3A_2711, %ge3A_2714 : vector<16xi1>
    %jit3A_2716 = arith.constant 53248 : i32
    %broadcast_in_dim3A_2717 = vector.broadcast %jit3A_2716 : i32 to vector<16xi32>
    %select_n3A_2718 = arith.select %or3A_2715, %broadcast_in_dim3A_2717, %sub3A_2708 : vector<16xi1>, vector<16xi32>
    %swap3A_2719 = arith.constant 6 : i32
    %swap3A_2720 = arith.index_cast %swap3A_2719 : i32 to index
    %swap3A_2721 = arith.constant 0 : index
    %swap3A_2722 = tpu.vector_load %arg8[%swap3A_2720, %swap3A_2721] {strides = array<i32>} : memref<8x128xi32, #tpu.memory_space<vmem>>, vector<16xi32>,
    tpu.vector_store %arg8[%swap3A_2720, %swap3A_2721], %select_n3A_2718 {strides = array<i32>} : memref<8x128xi32, #tpu.memory_space<vmem>>, vector<16xi32>,
    %iota3A_2723 = tpu.iota {dimensions = array<i32: 0>} : vector<16xi32>
    %add3A_2724 = arith.constant 784 : i32
    %add3A_2725 = vector.broadcast %add3A_2724 : i32 to vector<16xi32>
    %add3A_2726 = arith.addi %add3A_2725, %iota3A_2723 : vector<16xi32>
    %and3A_2727 = arith.constant 3 : i32
    %and3A_2728 = vector.broadcast %and3A_2727 : i32 to vector<16xi32>
    %and3A_2729 = arith.andi %add3A_2726, %and3A_2728 : vector<16xi32>
    %mul3A_2730 = arith.constant 256 : i32
    %mul3A_2731 = vector.broadcast %mul3A_2730 : i32 to vector<16xi32>
    %mul3A_2732 = arith.muli %and3A_2729, %mul3A_2731 : vector<16xi32>
    %shift_right_arithmetic3A_2733 = arith.constant 2 : i32
    %shift_right_arithmetic3A_2734 = vector.broadcast %shift_right_arithmetic3A_2733 : i32 to vector<16xi32>
    %shift_right_arithmetic3A_2735 = arith.shrsi %add3A_2726, %shift_right_arithmetic3A_2734 : vector<16xi32>
    %add3A_2736 = arith.addi %mul3A_2732, %shift_right_arithmetic3A_2735 : vector<16xi32>
    %shift_right_arithmetic3A_2737 = arith.constant 7 : i32
    %shift_right_arithmetic3A_2738 = vector.broadcast %shift_right_arithmetic3A_2737 : i32 to vector<16xi32>
    %shift_right_arithmetic3A_2739 = arith.shrsi %add3A_2736, %shift_right_arithmetic3A_2738 : vector<16xi32>
    %and3A_2740 = arith.constant 127 : i32
    %and3A_2741 = vector.broadcast %and3A_2740 : i32 to vector<16xi32>
    %and3A_2742 = arith.andi %add3A_2736, %and3A_2741 : vector<16xi32>
    %gather3A_2743 = tpu.vector_load_idx %arg7[%shift_right_arithmetic3A_2739, %and3A_2742] : memref<8x128xi32, #tpu.memory_space<vmem>>[vector<16xi32>, vector<16xi32>], vector<16xi32>,
    %and3A_2744 = arith.constant 8191 : i32
    %and3A_2745 = vector.broadcast %and3A_2744 : i32 to vector<16xi32>
    %and3A_2746 = arith.andi %gather3A_2743, %and3A_2745 : vector<16xi32>
    %sub3A_2747 = arith.subi %gather3A_2743, %and3A_2746 : vector<16xi32>
    %and3A_2748 = arith.constant 2047 : i32
    %and3A_2749 = vector.broadcast %and3A_2748 : i32 to vector<16xi32>
    %and3A_2750 = arith.andi %and3A_2746, %and3A_2749 : vector<16xi32>
    %shift_left3A_2751 = arith.constant 2 : i32
    %shift_left3A_2752 = vector.broadcast %shift_left3A_2751 : i32 to vector<16xi32>
    %shift_left3A_2753 = arith.shli %and3A_2750, %shift_left3A_2752 : vector<16xi32>
    %add3A_2754 = arith.addi %sub3A_2747, %shift_left3A_2753 : vector<16xi32>
    %shift_right_arithmetic3A_2755 = arith.constant 11 : i32
    %shift_right_arithmetic3A_2756 = vector.broadcast %shift_right_arithmetic3A_2755 : i32 to vector<16xi32>
    %shift_right_arithmetic3A_2757 = arith.shrsi %and3A_2746, %shift_right_arithmetic3A_2756 : vector<16xi32>
    %add3A_2758 = arith.addi %add3A_2754, %shift_right_arithmetic3A_2757 : vector<16xi32>
    %sub3A_2759 = vector.broadcast %mul3A_184 : i32 to vector<16xi32>
    %sub3A_2760 = arith.subi %add3A_2758, %sub3A_2759 : vector<16xi32>
    %lt3A_2761 = arith.constant 0 : i32
    %lt3A_2762 = vector.broadcast %lt3A_2761 : i32 to vector<16xi32>
    %lt3A_2763 = arith.cmpi slt, %sub3A_2760, %lt3A_2762 : vector<16xi32>
    %ge3A_2764 = arith.constant 53248 : i32
    %ge3A_2765 = vector.broadcast %ge3A_2764 : i32 to vector<16xi32>
    %ge3A_2766 = arith.cmpi sge, %sub3A_2760, %ge3A_2765 : vector<16xi32>
    %or3A_2767 = arith.ori %lt3A_2763, %ge3A_2766 : vector<16xi1>
    %jit3A_2768 = arith.constant 53248 : i32
    %broadcast_in_dim3A_2769 = vector.broadcast %jit3A_2768 : i32 to vector<16xi32>
    %select_n3A_2770 = arith.select %or3A_2767, %broadcast_in_dim3A_2769, %sub3A_2760 : vector<16xi1>, vector<16xi32>
    %swap3A_2771 = arith.constant 6 : i32
    %swap3A_2772 = arith.index_cast %swap3A_2771 : i32 to index
    %swap3A_2773 = arith.constant 16 : index
    %swap3A_2774 = tpu.vector_load %arg8[%swap3A_2772, %swap3A_2773] {strides = array<i32>} : memref<8x128xi32, #tpu.memory_space<vmem>>, vector<16xi32>,
    tpu.vector_store %arg8[%swap3A_2772, %swap3A_2773], %select_n3A_2770 {strides = array<i32>} : memref<8x128xi32, #tpu.memory_space<vmem>>, vector<16xi32>,
    %iota3A_2775 = tpu.iota {dimensions = array<i32: 0>} : vector<16xi32>
    %add3A_2776 = arith.constant 800 : i32
    %add3A_2777 = vector.broadcast %add3A_2776 : i32 to vector<16xi32>
    %add3A_2778 = arith.addi %add3A_2777, %iota3A_2775 : vector<16xi32>
    %and3A_2779 = arith.constant 3 : i32
    %and3A_2780 = vector.broadcast %and3A_2779 : i32 to vector<16xi32>
    %and3A_2781 = arith.andi %add3A_2778, %and3A_2780 : vector<16xi32>
    %mul3A_2782 = arith.constant 256 : i32
    %mul3A_2783 = vector.broadcast %mul3A_2782 : i32 to vector<16xi32>
    %mul3A_2784 = arith.muli %and3A_2781, %mul3A_2783 : vector<16xi32>
    %shift_right_arithmetic3A_2785 = arith.constant 2 : i32
    %shift_right_arithmetic3A_2786 = vector.broadcast %shift_right_arithmetic3A_2785 : i32 to vector<16xi32>
    %shift_right_arithmetic3A_2787 = arith.shrsi %add3A_2778, %shift_right_arithmetic3A_2786 : vector<16xi32>
    %add3A_2788 = arith.addi %mul3A_2784, %shift_right_arithmetic3A_2787 : vector<16xi32>
    %shift_right_arithmetic3A_2789 = arith.constant 7 : i32
    %shift_right_arithmetic3A_2790 = vector.broadcast %shift_right_arithmetic3A_2789 : i32 to vector<16xi32>
    %shift_right_arithmetic3A_2791 = arith.shrsi %add3A_2788, %shift_right_arithmetic3A_2790 : vector<16xi32>
    %and3A_2792 = arith.constant 127 : i32
    %and3A_2793 = vector.broadcast %and3A_2792 : i32 to vector<16xi32>
    %and3A_2794 = arith.andi %add3A_2788, %and3A_2793 : vector<16xi32>
    %gather3A_2795 = tpu.vector_load_idx %arg7[%shift_right_arithmetic3A_2791, %and3A_2794] : memref<8x128xi32, #tpu.memory_space<vmem>>[vector<16xi32>, vector<16xi32>], vector<16xi32>,
    %and3A_2796 = arith.constant 8191 : i32
    %and3A_2797 = vector.broadcast %and3A_2796 : i32 to vector<16xi32>
    %and3A_2798 = arith.andi %gather3A_2795, %and3A_2797 : vector<16xi32>
    %sub3A_2799 = arith.subi %gather3A_2795, %and3A_2798 : vector<16xi32>
    %and3A_2800 = arith.constant 2047 : i32
    %and3A_2801 = vector.broadcast %and3A_2800 : i32 to vector<16xi32>
    %and3A_2802 = arith.andi %and3A_2798, %and3A_2801 : vector<16xi32>
    %shift_left3A_2803 = arith.constant 2 : i32
    %shift_left3A_2804 = vector.broadcast %shift_left3A_2803 : i32 to vector<16xi32>
    %shift_left3A_2805 = arith.shli %and3A_2802, %shift_left3A_2804 : vector<16xi32>
    %add3A_2806 = arith.addi %sub3A_2799, %shift_left3A_2805 : vector<16xi32>
    %shift_right_arithmetic3A_2807 = arith.constant 11 : i32
    %shift_right_arithmetic3A_2808 = vector.broadcast %shift_right_arithmetic3A_2807 : i32 to vector<16xi32>
    %shift_right_arithmetic3A_2809 = arith.shrsi %and3A_2798, %shift_right_arithmetic3A_2808 : vector<16xi32>
    %add3A_2810 = arith.addi %add3A_2806, %shift_right_arithmetic3A_2809 : vector<16xi32>
    %sub3A_2811 = vector.broadcast %mul3A_184 : i32 to vector<16xi32>
    %sub3A_2812 = arith.subi %add3A_2810, %sub3A_2811 : vector<16xi32>
    %lt3A_2813 = arith.constant 0 : i32
    %lt3A_2814 = vector.broadcast %lt3A_2813 : i32 to vector<16xi32>
    %lt3A_2815 = arith.cmpi slt, %sub3A_2812, %lt3A_2814 : vector<16xi32>
    %ge3A_2816 = arith.constant 53248 : i32
    %ge3A_2817 = vector.broadcast %ge3A_2816 : i32 to vector<16xi32>
    %ge3A_2818 = arith.cmpi sge, %sub3A_2812, %ge3A_2817 : vector<16xi32>
    %or3A_2819 = arith.ori %lt3A_2815, %ge3A_2818 : vector<16xi1>
    %jit3A_2820 = arith.constant 53248 : i32
    %broadcast_in_dim3A_2821 = vector.broadcast %jit3A_2820 : i32 to vector<16xi32>
    %select_n3A_2822 = arith.select %or3A_2819, %broadcast_in_dim3A_2821, %sub3A_2812 : vector<16xi1>, vector<16xi32>
    %swap3A_2823 = arith.constant 6 : i32
    %swap3A_2824 = arith.index_cast %swap3A_2823 : i32 to index
    %swap3A_2825 = arith.constant 32 : index
    %swap3A_2826 = tpu.vector_load %arg8[%swap3A_2824, %swap3A_2825] {strides = array<i32>} : memref<8x128xi32, #tpu.memory_space<vmem>>, vector<16xi32>,
    tpu.vector_store %arg8[%swap3A_2824, %swap3A_2825], %select_n3A_2822 {strides = array<i32>} : memref<8x128xi32, #tpu.memory_space<vmem>>, vector<16xi32>,
    %iota3A_2827 = tpu.iota {dimensions = array<i32: 0>} : vector<16xi32>
    %add3A_2828 = arith.constant 816 : i32
    %add3A_2829 = vector.broadcast %add3A_2828 : i32 to vector<16xi32>
    %add3A_2830 = arith.addi %add3A_2829, %iota3A_2827 : vector<16xi32>
    %and3A_2831 = arith.constant 3 : i32
    %and3A_2832 = vector.broadcast %and3A_2831 : i32 to vector<16xi32>
    %and3A_2833 = arith.andi %add3A_2830, %and3A_2832 : vector<16xi32>
    %mul3A_2834 = arith.constant 256 : i32
    %mul3A_2835 = vector.broadcast %mul3A_2834 : i32 to vector<16xi32>
    %mul3A_2836 = arith.muli %and3A_2833, %mul3A_2835 : vector<16xi32>
    %shift_right_arithmetic3A_2837 = arith.constant 2 : i32
    %shift_right_arithmetic3A_2838 = vector.broadcast %shift_right_arithmetic3A_2837 : i32 to vector<16xi32>
    %shift_right_arithmetic3A_2839 = arith.shrsi %add3A_2830, %shift_right_arithmetic3A_2838 : vector<16xi32>
    %add3A_2840 = arith.addi %mul3A_2836, %shift_right_arithmetic3A_2839 : vector<16xi32>
    %shift_right_arithmetic3A_2841 = arith.constant 7 : i32
    %shift_right_arithmetic3A_2842 = vector.broadcast %shift_right_arithmetic3A_2841 : i32 to vector<16xi32>
    %shift_right_arithmetic3A_2843 = arith.shrsi %add3A_2840, %shift_right_arithmetic3A_2842 : vector<16xi32>
    %and3A_2844 = arith.constant 127 : i32
    %and3A_2845 = vector.broadcast %and3A_2844 : i32 to vector<16xi32>
    %and3A_2846 = arith.andi %add3A_2840, %and3A_2845 : vector<16xi32>
    %gather3A_2847 = tpu.vector_load_idx %arg7[%shift_right_arithmetic3A_2843, %and3A_2846] : memref<8x128xi32, #tpu.memory_space<vmem>>[vector<16xi32>, vector<16xi32>], vector<16xi32>,
    %and3A_2848 = arith.constant 8191 : i32
    %and3A_2849 = vector.broadcast %and3A_2848 : i32 to vector<16xi32>
    %and3A_2850 = arith.andi %gather3A_2847, %and3A_2849 : vector<16xi32>
    %sub3A_2851 = arith.subi %gather3A_2847, %and3A_2850 : vector<16xi32>
    %and3A_2852 = arith.constant 2047 : i32
    %and3A_2853 = vector.broadcast %and3A_2852 : i32 to vector<16xi32>
    %and3A_2854 = arith.andi %and3A_2850, %and3A_2853 : vector<16xi32>
    %shift_left3A_2855 = arith.constant 2 : i32
    %shift_left3A_2856 = vector.broadcast %shift_left3A_2855 : i32 to vector<16xi32>
    %shift_left3A_2857 = arith.shli %and3A_2854, %shift_left3A_2856 : vector<16xi32>
    %add3A_2858 = arith.addi %sub3A_2851, %shift_left3A_2857 : vector<16xi32>
    %shift_right_arithmetic3A_2859 = arith.constant 11 : i32
    %shift_right_arithmetic3A_2860 = vector.broadcast %shift_right_arithmetic3A_2859 : i32 to vector<16xi32>
    %shift_right_arithmetic3A_2861 = arith.shrsi %and3A_2850, %shift_right_arithmetic3A_2860 : vector<16xi32>
    %add3A_2862 = arith.addi %add3A_2858, %shift_right_arithmetic3A_2861 : vector<16xi32>
    %sub3A_2863 = vector.broadcast %mul3A_184 : i32 to vector<16xi32>
    %sub3A_2864 = arith.subi %add3A_2862, %sub3A_2863 : vector<16xi32>
    %lt3A_2865 = arith.constant 0 : i32
    %lt3A_2866 = vector.broadcast %lt3A_2865 : i32 to vector<16xi32>
    %lt3A_2867 = arith.cmpi slt, %sub3A_2864, %lt3A_2866 : vector<16xi32>
    %ge3A_2868 = arith.constant 53248 : i32
    %ge3A_2869 = vector.broadcast %ge3A_2868 : i32 to vector<16xi32>
    %ge3A_2870 = arith.cmpi sge, %sub3A_2864, %ge3A_2869 : vector<16xi32>
    %or3A_2871 = arith.ori %lt3A_2867, %ge3A_2870 : vector<16xi1>
    %jit3A_2872 = arith.constant 53248 : i32
    %broadcast_in_dim3A_2873 = vector.broadcast %jit3A_2872 : i32 to vector<16xi32>
    %select_n3A_2874 = arith.select %or3A_2871, %broadcast_in_dim3A_2873, %sub3A_2864 : vector<16xi1>, vector<16xi32>
    %swap3A_2875 = arith.constant 6 : i32
    %swap3A_2876 = arith.index_cast %swap3A_2875 : i32 to index
    %swap3A_2877 = arith.constant 48 : index
    %swap3A_2878 = tpu.vector_load %arg8[%swap3A_2876, %swap3A_2877] {strides = array<i32>} : memref<8x128xi32, #tpu.memory_space<vmem>>, vector<16xi32>,
    tpu.vector_store %arg8[%swap3A_2876, %swap3A_2877], %select_n3A_2874 {strides = array<i32>} : memref<8x128xi32, #tpu.memory_space<vmem>>, vector<16xi32>,
    %iota3A_2879 = tpu.iota {dimensions = array<i32: 0>} : vector<16xi32>
    %add3A_2880 = arith.constant 832 : i32
    %add3A_2881 = vector.broadcast %add3A_2880 : i32 to vector<16xi32>
    %add3A_2882 = arith.addi %add3A_2881, %iota3A_2879 : vector<16xi32>
    %and3A_2883 = arith.constant 3 : i32
    %and3A_2884 = vector.broadcast %and3A_2883 : i32 to vector<16xi32>
    %and3A_2885 = arith.andi %add3A_2882, %and3A_2884 : vector<16xi32>
    %mul3A_2886 = arith.constant 256 : i32
    %mul3A_2887 = vector.broadcast %mul3A_2886 : i32 to vector<16xi32>
    %mul3A_2888 = arith.muli %and3A_2885, %mul3A_2887 : vector<16xi32>
    %shift_right_arithmetic3A_2889 = arith.constant 2 : i32
    %shift_right_arithmetic3A_2890 = vector.broadcast %shift_right_arithmetic3A_2889 : i32 to vector<16xi32>
    %shift_right_arithmetic3A_2891 = arith.shrsi %add3A_2882, %shift_right_arithmetic3A_2890 : vector<16xi32>
    %add3A_2892 = arith.addi %mul3A_2888, %shift_right_arithmetic3A_2891 : vector<16xi32>
    %shift_right_arithmetic3A_2893 = arith.constant 7 : i32
    %shift_right_arithmetic3A_2894 = vector.broadcast %shift_right_arithmetic3A_2893 : i32 to vector<16xi32>
    %shift_right_arithmetic3A_2895 = arith.shrsi %add3A_2892, %shift_right_arithmetic3A_2894 : vector<16xi32>
    %and3A_2896 = arith.constant 127 : i32
    %and3A_2897 = vector.broadcast %and3A_2896 : i32 to vector<16xi32>
    %and3A_2898 = arith.andi %add3A_2892, %and3A_2897 : vector<16xi32>
    %gather3A_2899 = tpu.vector_load_idx %arg7[%shift_right_arithmetic3A_2895, %and3A_2898] : memref<8x128xi32, #tpu.memory_space<vmem>>[vector<16xi32>, vector<16xi32>], vector<16xi32>,
    %and3A_2900 = arith.constant 8191 : i32
    %and3A_2901 = vector.broadcast %and3A_2900 : i32 to vector<16xi32>
    %and3A_2902 = arith.andi %gather3A_2899, %and3A_2901 : vector<16xi32>
    %sub3A_2903 = arith.subi %gather3A_2899, %and3A_2902 : vector<16xi32>
    %and3A_2904 = arith.constant 2047 : i32
    %and3A_2905 = vector.broadcast %and3A_2904 : i32 to vector<16xi32>
    %and3A_2906 = arith.andi %and3A_2902, %and3A_2905 : vector<16xi32>
    %shift_left3A_2907 = arith.constant 2 : i32
    %shift_left3A_2908 = vector.broadcast %shift_left3A_2907 : i32 to vector<16xi32>
    %shift_left3A_2909 = arith.shli %and3A_2906, %shift_left3A_2908 : vector<16xi32>
    %add3A_2910 = arith.addi %sub3A_2903, %shift_left3A_2909 : vector<16xi32>
    %shift_right_arithmetic3A_2911 = arith.constant 11 : i32
    %shift_right_arithmetic3A_2912 = vector.broadcast %shift_right_arithmetic3A_2911 : i32 to vector<16xi32>
    %shift_right_arithmetic3A_2913 = arith.shrsi %and3A_2902, %shift_right_arithmetic3A_2912 : vector<16xi32>
    %add3A_2914 = arith.addi %add3A_2910, %shift_right_arithmetic3A_2913 : vector<16xi32>
    %sub3A_2915 = vector.broadcast %mul3A_184 : i32 to vector<16xi32>
    %sub3A_2916 = arith.subi %add3A_2914, %sub3A_2915 : vector<16xi32>
    %lt3A_2917 = arith.constant 0 : i32
    %lt3A_2918 = vector.broadcast %lt3A_2917 : i32 to vector<16xi32>
    %lt3A_2919 = arith.cmpi slt, %sub3A_2916, %lt3A_2918 : vector<16xi32>
    %ge3A_2920 = arith.constant 53248 : i32
    %ge3A_2921 = vector.broadcast %ge3A_2920 : i32 to vector<16xi32>
    %ge3A_2922 = arith.cmpi sge, %sub3A_2916, %ge3A_2921 : vector<16xi32>
    %or3A_2923 = arith.ori %lt3A_2919, %ge3A_2922 : vector<16xi1>
    %jit3A_2924 = arith.constant 53248 : i32
    %broadcast_in_dim3A_2925 = vector.broadcast %jit3A_2924 : i32 to vector<16xi32>
    %select_n3A_2926 = arith.select %or3A_2923, %broadcast_in_dim3A_2925, %sub3A_2916 : vector<16xi1>, vector<16xi32>
    %swap3A_2927 = arith.constant 6 : i32
    %swap3A_2928 = arith.index_cast %swap3A_2927 : i32 to index
    %swap3A_2929 = arith.constant 64 : index
    %swap3A_2930 = tpu.vector_load %arg8[%swap3A_2928, %swap3A_2929] {strides = array<i32>} : memref<8x128xi32, #tpu.memory_space<vmem>>, vector<16xi32>,
    tpu.vector_store %arg8[%swap3A_2928, %swap3A_2929], %select_n3A_2926 {strides = array<i32>} : memref<8x128xi32, #tpu.memory_space<vmem>>, vector<16xi32>,
    %iota3A_2931 = tpu.iota {dimensions = array<i32: 0>} : vector<16xi32>
    %add3A_2932 = arith.constant 848 : i32
    %add3A_2933 = vector.broadcast %add3A_2932 : i32 to vector<16xi32>
    %add3A_2934 = arith.addi %add3A_2933, %iota3A_2931 : vector<16xi32>
    %and3A_2935 = arith.constant 3 : i32
    %and3A_2936 = vector.broadcast %and3A_2935 : i32 to vector<16xi32>
    %and3A_2937 = arith.andi %add3A_2934, %and3A_2936 : vector<16xi32>
    %mul3A_2938 = arith.constant 256 : i32
    %mul3A_2939 = vector.broadcast %mul3A_2938 : i32 to vector<16xi32>
    %mul3A_2940 = arith.muli %and3A_2937, %mul3A_2939 : vector<16xi32>
    %shift_right_arithmetic3A_2941 = arith.constant 2 : i32
    %shift_right_arithmetic3A_2942 = vector.broadcast %shift_right_arithmetic3A_2941 : i32 to vector<16xi32>
    %shift_right_arithmetic3A_2943 = arith.shrsi %add3A_2934, %shift_right_arithmetic3A_2942 : vector<16xi32>
    %add3A_2944 = arith.addi %mul3A_2940, %shift_right_arithmetic3A_2943 : vector<16xi32>
    %shift_right_arithmetic3A_2945 = arith.constant 7 : i32
    %shift_right_arithmetic3A_2946 = vector.broadcast %shift_right_arithmetic3A_2945 : i32 to vector<16xi32>
    %shift_right_arithmetic3A_2947 = arith.shrsi %add3A_2944, %shift_right_arithmetic3A_2946 : vector<16xi32>
    %and3A_2948 = arith.constant 127 : i32
    %and3A_2949 = vector.broadcast %and3A_2948 : i32 to vector<16xi32>
    %and3A_2950 = arith.andi %add3A_2944, %and3A_2949 : vector<16xi32>
    %gather3A_2951 = tpu.vector_load_idx %arg7[%shift_right_arithmetic3A_2947, %and3A_2950] : memref<8x128xi32, #tpu.memory_space<vmem>>[vector<16xi32>, vector<16xi32>], vector<16xi32>,
    %and3A_2952 = arith.constant 8191 : i32
    %and3A_2953 = vector.broadcast %and3A_2952 : i32 to vector<16xi32>
    %and3A_2954 = arith.andi %gather3A_2951, %and3A_2953 : vector<16xi32>
    %sub3A_2955 = arith.subi %gather3A_2951, %and3A_2954 : vector<16xi32>
    %and3A_2956 = arith.constant 2047 : i32
    %and3A_2957 = vector.broadcast %and3A_2956 : i32 to vector<16xi32>
    %and3A_2958 = arith.andi %and3A_2954, %and3A_2957 : vector<16xi32>
    %shift_left3A_2959 = arith.constant 2 : i32
    %shift_left3A_2960 = vector.broadcast %shift_left3A_2959 : i32 to vector<16xi32>
    %shift_left3A_2961 = arith.shli %and3A_2958, %shift_left3A_2960 : vector<16xi32>
    %add3A_2962 = arith.addi %sub3A_2955, %shift_left3A_2961 : vector<16xi32>
    %shift_right_arithmetic3A_2963 = arith.constant 11 : i32
    %shift_right_arithmetic3A_2964 = vector.broadcast %shift_right_arithmetic3A_2963 : i32 to vector<16xi32>
    %shift_right_arithmetic3A_2965 = arith.shrsi %and3A_2954, %shift_right_arithmetic3A_2964 : vector<16xi32>
    %add3A_2966 = arith.addi %add3A_2962, %shift_right_arithmetic3A_2965 : vector<16xi32>
    %sub3A_2967 = vector.broadcast %mul3A_184 : i32 to vector<16xi32>
    %sub3A_2968 = arith.subi %add3A_2966, %sub3A_2967 : vector<16xi32>
    %lt3A_2969 = arith.constant 0 : i32
    %lt3A_2970 = vector.broadcast %lt3A_2969 : i32 to vector<16xi32>
    %lt3A_2971 = arith.cmpi slt, %sub3A_2968, %lt3A_2970 : vector<16xi32>
    %ge3A_2972 = arith.constant 53248 : i32
    %ge3A_2973 = vector.broadcast %ge3A_2972 : i32 to vector<16xi32>
    %ge3A_2974 = arith.cmpi sge, %sub3A_2968, %ge3A_2973 : vector<16xi32>
    %or3A_2975 = arith.ori %lt3A_2971, %ge3A_2974 : vector<16xi1>
    %jit3A_2976 = arith.constant 53248 : i32
    %broadcast_in_dim3A_2977 = vector.broadcast %jit3A_2976 : i32 to vector<16xi32>
    %select_n3A_2978 = arith.select %or3A_2975, %broadcast_in_dim3A_2977, %sub3A_2968 : vector<16xi1>, vector<16xi32>
    %swap3A_2979 = arith.constant 6 : i32
    %swap3A_2980 = arith.index_cast %swap3A_2979 : i32 to index
    %swap3A_2981 = arith.constant 80 : index
    %swap3A_2982 = tpu.vector_load %arg8[%swap3A_2980, %swap3A_2981] {strides = array<i32>} : memref<8x128xi32, #tpu.memory_space<vmem>>, vector<16xi32>,
    tpu.vector_store %arg8[%swap3A_2980, %swap3A_2981], %select_n3A_2978 {strides = array<i32>} : memref<8x128xi32, #tpu.memory_space<vmem>>, vector<16xi32>,
    %iota3A_2983 = tpu.iota {dimensions = array<i32: 0>} : vector<16xi32>
    %add3A_2984 = arith.constant 864 : i32
    %add3A_2985 = vector.broadcast %add3A_2984 : i32 to vector<16xi32>
    %add3A_2986 = arith.addi %add3A_2985, %iota3A_2983 : vector<16xi32>
    %and3A_2987 = arith.constant 3 : i32
    %and3A_2988 = vector.broadcast %and3A_2987 : i32 to vector<16xi32>
    %and3A_2989 = arith.andi %add3A_2986, %and3A_2988 : vector<16xi32>
    %mul3A_2990 = arith.constant 256 : i32
    %mul3A_2991 = vector.broadcast %mul3A_2990 : i32 to vector<16xi32>
    %mul3A_2992 = arith.muli %and3A_2989, %mul3A_2991 : vector<16xi32>
    %shift_right_arithmetic3A_2993 = arith.constant 2 : i32
    %shift_right_arithmetic3A_2994 = vector.broadcast %shift_right_arithmetic3A_2993 : i32 to vector<16xi32>
    %shift_right_arithmetic3A_2995 = arith.shrsi %add3A_2986, %shift_right_arithmetic3A_2994 : vector<16xi32>
    %add3A_2996 = arith.addi %mul3A_2992, %shift_right_arithmetic3A_2995 : vector<16xi32>
    %shift_right_arithmetic3A_2997 = arith.constant 7 : i32
    %shift_right_arithmetic3A_2998 = vector.broadcast %shift_right_arithmetic3A_2997 : i32 to vector<16xi32>
    %shift_right_arithmetic3A_2999 = arith.shrsi %add3A_2996, %shift_right_arithmetic3A_2998 : vector<16xi32>
    %and3A_3000 = arith.constant 127 : i32
    %and3A_3001 = vector.broadcast %and3A_3000 : i32 to vector<16xi32>
    %and3A_3002 = arith.andi %add3A_2996, %and3A_3001 : vector<16xi32>
    %gather3A_3003 = tpu.vector_load_idx %arg7[%shift_right_arithmetic3A_2999, %and3A_3002] : memref<8x128xi32, #tpu.memory_space<vmem>>[vector<16xi32>, vector<16xi32>], vector<16xi32>,
    %and3A_3004 = arith.constant 8191 : i32
    %and3A_3005 = vector.broadcast %and3A_3004 : i32 to vector<16xi32>
    %and3A_3006 = arith.andi %gather3A_3003, %and3A_3005 : vector<16xi32>
    %sub3A_3007 = arith.subi %gather3A_3003, %and3A_3006 : vector<16xi32>
    %and3A_3008 = arith.constant 2047 : i32
    %and3A_3009 = vector.broadcast %and3A_3008 : i32 to vector<16xi32>
    %and3A_3010 = arith.andi %and3A_3006, %and3A_3009 : vector<16xi32>
    %shift_left3A_3011 = arith.constant 2 : i32
    %shift_left3A_3012 = vector.broadcast %shift_left3A_3011 : i32 to vector<16xi32>
    %shift_left3A_3013 = arith.shli %and3A_3010, %shift_left3A_3012 : vector<16xi32>
    %add3A_3014 = arith.addi %sub3A_3007, %shift_left3A_3013 : vector<16xi32>
    %shift_right_arithmetic3A_3015 = arith.constant 11 : i32
    %shift_right_arithmetic3A_3016 = vector.broadcast %shift_right_arithmetic3A_3015 : i32 to vector<16xi32>
    %shift_right_arithmetic3A_3017 = arith.shrsi %and3A_3006, %shift_right_arithmetic3A_3016 : vector<16xi32>
    %add3A_3018 = arith.addi %add3A_3014, %shift_right_arithmetic3A_3017 : vector<16xi32>
    %sub3A_3019 = vector.broadcast %mul3A_184 : i32 to vector<16xi32>
    %sub3A_3020 = arith.subi %add3A_3018, %sub3A_3019 : vector<16xi32>
    %lt3A_3021 = arith.constant 0 : i32
    %lt3A_3022 = vector.broadcast %lt3A_3021 : i32 to vector<16xi32>
    %lt3A_3023 = arith.cmpi slt, %sub3A_3020, %lt3A_3022 : vector<16xi32>
    %ge3A_3024 = arith.constant 53248 : i32
    %ge3A_3025 = vector.broadcast %ge3A_3024 : i32 to vector<16xi32>
    %ge3A_3026 = arith.cmpi sge, %sub3A_3020, %ge3A_3025 : vector<16xi32>
    %or3A_3027 = arith.ori %lt3A_3023, %ge3A_3026 : vector<16xi1>
    %jit3A_3028 = arith.constant 53248 : i32
    %broadcast_in_dim3A_3029 = vector.broadcast %jit3A_3028 : i32 to vector<16xi32>
    %select_n3A_3030 = arith.select %or3A_3027, %broadcast_in_dim3A_3029, %sub3A_3020 : vector<16xi1>, vector<16xi32>
    %swap3A_3031 = arith.constant 6 : i32
    %swap3A_3032 = arith.index_cast %swap3A_3031 : i32 to index
    %swap3A_3033 = arith.constant 96 : index
    %swap3A_3034 = tpu.vector_load %arg8[%swap3A_3032, %swap3A_3033] {strides = array<i32>} : memref<8x128xi32, #tpu.memory_space<vmem>>, vector<16xi32>,
    tpu.vector_store %arg8[%swap3A_3032, %swap3A_3033], %select_n3A_3030 {strides = array<i32>} : memref<8x128xi32, #tpu.memory_space<vmem>>, vector<16xi32>,
    %iota3A_3035 = tpu.iota {dimensions = array<i32: 0>} : vector<16xi32>
    %add3A_3036 = arith.constant 880 : i32
    %add3A_3037 = vector.broadcast %add3A_3036 : i32 to vector<16xi32>
    %add3A_3038 = arith.addi %add3A_3037, %iota3A_3035 : vector<16xi32>
    %and3A_3039 = arith.constant 3 : i32
    %and3A_3040 = vector.broadcast %and3A_3039 : i32 to vector<16xi32>
    %and3A_3041 = arith.andi %add3A_3038, %and3A_3040 : vector<16xi32>
    %mul3A_3042 = arith.constant 256 : i32
    %mul3A_3043 = vector.broadcast %mul3A_3042 : i32 to vector<16xi32>
    %mul3A_3044 = arith.muli %and3A_3041, %mul3A_3043 : vector<16xi32>
    %shift_right_arithmetic3A_3045 = arith.constant 2 : i32
    %shift_right_arithmetic3A_3046 = vector.broadcast %shift_right_arithmetic3A_3045 : i32 to vector<16xi32>
    %shift_right_arithmetic3A_3047 = arith.shrsi %add3A_3038, %shift_right_arithmetic3A_3046 : vector<16xi32>
    %add3A_3048 = arith.addi %mul3A_3044, %shift_right_arithmetic3A_3047 : vector<16xi32>
    %shift_right_arithmetic3A_3049 = arith.constant 7 : i32
    %shift_right_arithmetic3A_3050 = vector.broadcast %shift_right_arithmetic3A_3049 : i32 to vector<16xi32>
    %shift_right_arithmetic3A_3051 = arith.shrsi %add3A_3048, %shift_right_arithmetic3A_3050 : vector<16xi32>
    %and3A_3052 = arith.constant 127 : i32
    %and3A_3053 = vector.broadcast %and3A_3052 : i32 to vector<16xi32>
    %and3A_3054 = arith.andi %add3A_3048, %and3A_3053 : vector<16xi32>
    %gather3A_3055 = tpu.vector_load_idx %arg7[%shift_right_arithmetic3A_3051, %and3A_3054] : memref<8x128xi32, #tpu.memory_space<vmem>>[vector<16xi32>, vector<16xi32>], vector<16xi32>,
    %and3A_3056 = arith.constant 8191 : i32
    %and3A_3057 = vector.broadcast %and3A_3056 : i32 to vector<16xi32>
    %and3A_3058 = arith.andi %gather3A_3055, %and3A_3057 : vector<16xi32>
    %sub3A_3059 = arith.subi %gather3A_3055, %and3A_3058 : vector<16xi32>
    %and3A_3060 = arith.constant 2047 : i32
    %and3A_3061 = vector.broadcast %and3A_3060 : i32 to vector<16xi32>
    %and3A_3062 = arith.andi %and3A_3058, %and3A_3061 : vector<16xi32>
    %shift_left3A_3063 = arith.constant 2 : i32
    %shift_left3A_3064 = vector.broadcast %shift_left3A_3063 : i32 to vector<16xi32>
    %shift_left3A_3065 = arith.shli %and3A_3062, %shift_left3A_3064 : vector<16xi32>
    %add3A_3066 = arith.addi %sub3A_3059, %shift_left3A_3065 : vector<16xi32>
    %shift_right_arithmetic3A_3067 = arith.constant 11 : i32
    %shift_right_arithmetic3A_3068 = vector.broadcast %shift_right_arithmetic3A_3067 : i32 to vector<16xi32>
    %shift_right_arithmetic3A_3069 = arith.shrsi %and3A_3058, %shift_right_arithmetic3A_3068 : vector<16xi32>
    %add3A_3070 = arith.addi %add3A_3066, %shift_right_arithmetic3A_3069 : vector<16xi32>
    %sub3A_3071 = vector.broadcast %mul3A_184 : i32 to vector<16xi32>
    %sub3A_3072 = arith.subi %add3A_3070, %sub3A_3071 : vector<16xi32>
    %lt3A_3073 = arith.constant 0 : i32
    %lt3A_3074 = vector.broadcast %lt3A_3073 : i32 to vector<16xi32>
    %lt3A_3075 = arith.cmpi slt, %sub3A_3072, %lt3A_3074 : vector<16xi32>
    %ge3A_3076 = arith.constant 53248 : i32
    %ge3A_3077 = vector.broadcast %ge3A_3076 : i32 to vector<16xi32>
    %ge3A_3078 = arith.cmpi sge, %sub3A_3072, %ge3A_3077 : vector<16xi32>
    %or3A_3079 = arith.ori %lt3A_3075, %ge3A_3078 : vector<16xi1>
    %jit3A_3080 = arith.constant 53248 : i32
    %broadcast_in_dim3A_3081 = vector.broadcast %jit3A_3080 : i32 to vector<16xi32>
    %select_n3A_3082 = arith.select %or3A_3079, %broadcast_in_dim3A_3081, %sub3A_3072 : vector<16xi1>, vector<16xi32>
    %swap3A_3083 = arith.constant 6 : i32
    %swap3A_3084 = arith.index_cast %swap3A_3083 : i32 to index
    %swap3A_3085 = arith.constant 112 : index
    %swap3A_3086 = tpu.vector_load %arg8[%swap3A_3084, %swap3A_3085] {strides = array<i32>} : memref<8x128xi32, #tpu.memory_space<vmem>>, vector<16xi32>,
    tpu.vector_store %arg8[%swap3A_3084, %swap3A_3085], %select_n3A_3082 {strides = array<i32>} : memref<8x128xi32, #tpu.memory_space<vmem>>, vector<16xi32>,
    %iota3A_3087 = tpu.iota {dimensions = array<i32: 0>} : vector<16xi32>
    %add3A_3088 = arith.constant 896 : i32
    %add3A_3089 = vector.broadcast %add3A_3088 : i32 to vector<16xi32>
    %add3A_3090 = arith.addi %add3A_3089, %iota3A_3087 : vector<16xi32>
    %and3A_3091 = arith.constant 3 : i32
    %and3A_3092 = vector.broadcast %and3A_3091 : i32 to vector<16xi32>
    %and3A_3093 = arith.andi %add3A_3090, %and3A_3092 : vector<16xi32>
    %mul3A_3094 = arith.constant 256 : i32
    %mul3A_3095 = vector.broadcast %mul3A_3094 : i32 to vector<16xi32>
    %mul3A_3096 = arith.muli %and3A_3093, %mul3A_3095 : vector<16xi32>
    %shift_right_arithmetic3A_3097 = arith.constant 2 : i32
    %shift_right_arithmetic3A_3098 = vector.broadcast %shift_right_arithmetic3A_3097 : i32 to vector<16xi32>
    %shift_right_arithmetic3A_3099 = arith.shrsi %add3A_3090, %shift_right_arithmetic3A_3098 : vector<16xi32>
    %add3A_3100 = arith.addi %mul3A_3096, %shift_right_arithmetic3A_3099 : vector<16xi32>
    %shift_right_arithmetic3A_3101 = arith.constant 7 : i32
    %shift_right_arithmetic3A_3102 = vector.broadcast %shift_right_arithmetic3A_3101 : i32 to vector<16xi32>
    %shift_right_arithmetic3A_3103 = arith.shrsi %add3A_3100, %shift_right_arithmetic3A_3102 : vector<16xi32>
    %and3A_3104 = arith.constant 127 : i32
    %and3A_3105 = vector.broadcast %and3A_3104 : i32 to vector<16xi32>
    %and3A_3106 = arith.andi %add3A_3100, %and3A_3105 : vector<16xi32>
    %gather3A_3107 = tpu.vector_load_idx %arg7[%shift_right_arithmetic3A_3103, %and3A_3106] : memref<8x128xi32, #tpu.memory_space<vmem>>[vector<16xi32>, vector<16xi32>], vector<16xi32>,
    %and3A_3108 = arith.constant 8191 : i32
    %and3A_3109 = vector.broadcast %and3A_3108 : i32 to vector<16xi32>
    %and3A_3110 = arith.andi %gather3A_3107, %and3A_3109 : vector<16xi32>
    %sub3A_3111 = arith.subi %gather3A_3107, %and3A_3110 : vector<16xi32>
    %and3A_3112 = arith.constant 2047 : i32
    %and3A_3113 = vector.broadcast %and3A_3112 : i32 to vector<16xi32>
    %and3A_3114 = arith.andi %and3A_3110, %and3A_3113 : vector<16xi32>
    %shift_left3A_3115 = arith.constant 2 : i32
    %shift_left3A_3116 = vector.broadcast %shift_left3A_3115 : i32 to vector<16xi32>
    %shift_left3A_3117 = arith.shli %and3A_3114, %shift_left3A_3116 : vector<16xi32>
    %add3A_3118 = arith.addi %sub3A_3111, %shift_left3A_3117 : vector<16xi32>
    %shift_right_arithmetic3A_3119 = arith.constant 11 : i32
    %shift_right_arithmetic3A_3120 = vector.broadcast %shift_right_arithmetic3A_3119 : i32 to vector<16xi32>
    %shift_right_arithmetic3A_3121 = arith.shrsi %and3A_3110, %shift_right_arithmetic3A_3120 : vector<16xi32>
    %add3A_3122 = arith.addi %add3A_3118, %shift_right_arithmetic3A_3121 : vector<16xi32>
    %sub3A_3123 = vector.broadcast %mul3A_184 : i32 to vector<16xi32>
    %sub3A_3124 = arith.subi %add3A_3122, %sub3A_3123 : vector<16xi32>
    %lt3A_3125 = arith.constant 0 : i32
    %lt3A_3126 = vector.broadcast %lt3A_3125 : i32 to vector<16xi32>
    %lt3A_3127 = arith.cmpi slt, %sub3A_3124, %lt3A_3126 : vector<16xi32>
    %ge3A_3128 = arith.constant 53248 : i32
    %ge3A_3129 = vector.broadcast %ge3A_3128 : i32 to vector<16xi32>
    %ge3A_3130 = arith.cmpi sge, %sub3A_3124, %ge3A_3129 : vector<16xi32>
    %or3A_3131 = arith.ori %lt3A_3127, %ge3A_3130 : vector<16xi1>
    %jit3A_3132 = arith.constant 53248 : i32
    %broadcast_in_dim3A_3133 = vector.broadcast %jit3A_3132 : i32 to vector<16xi32>
    %select_n3A_3134 = arith.select %or3A_3131, %broadcast_in_dim3A_3133, %sub3A_3124 : vector<16xi1>, vector<16xi32>
    %swap3A_3135 = arith.constant 7 : i32
    %swap3A_3136 = arith.index_cast %swap3A_3135 : i32 to index
    %swap3A_3137 = arith.constant 0 : index
    %swap3A_3138 = tpu.vector_load %arg8[%swap3A_3136, %swap3A_3137] {strides = array<i32>} : memref<8x128xi32, #tpu.memory_space<vmem>>, vector<16xi32>,
    tpu.vector_store %arg8[%swap3A_3136, %swap3A_3137], %select_n3A_3134 {strides = array<i32>} : memref<8x128xi32, #tpu.memory_space<vmem>>, vector<16xi32>,
    %iota3A_3139 = tpu.iota {dimensions = array<i32: 0>} : vector<16xi32>
    %add3A_3140 = arith.constant 912 : i32
    %add3A_3141 = vector.broadcast %add3A_3140 : i32 to vector<16xi32>
    %add3A_3142 = arith.addi %add3A_3141, %iota3A_3139 : vector<16xi32>
    %and3A_3143 = arith.constant 3 : i32
    %and3A_3144 = vector.broadcast %and3A_3143 : i32 to vector<16xi32>
    %and3A_3145 = arith.andi %add3A_3142, %and3A_3144 : vector<16xi32>
    %mul3A_3146 = arith.constant 256 : i32
    %mul3A_3147 = vector.broadcast %mul3A_3146 : i32 to vector<16xi32>
    %mul3A_3148 = arith.muli %and3A_3145, %mul3A_3147 : vector<16xi32>
    %shift_right_arithmetic3A_3149 = arith.constant 2 : i32
    %shift_right_arithmetic3A_3150 = vector.broadcast %shift_right_arithmetic3A_3149 : i32 to vector<16xi32>
    %shift_right_arithmetic3A_3151 = arith.shrsi %add3A_3142, %shift_right_arithmetic3A_3150 : vector<16xi32>
    %add3A_3152 = arith.addi %mul3A_3148, %shift_right_arithmetic3A_3151 : vector<16xi32>
    %shift_right_arithmetic3A_3153 = arith.constant 7 : i32
    %shift_right_arithmetic3A_3154 = vector.broadcast %shift_right_arithmetic3A_3153 : i32 to vector<16xi32>
    %shift_right_arithmetic3A_3155 = arith.shrsi %add3A_3152, %shift_right_arithmetic3A_3154 : vector<16xi32>
    %and3A_3156 = arith.constant 127 : i32
    %and3A_3157 = vector.broadcast %and3A_3156 : i32 to vector<16xi32>
    %and3A_3158 = arith.andi %add3A_3152, %and3A_3157 : vector<16xi32>
    %gather3A_3159 = tpu.vector_load_idx %arg7[%shift_right_arithmetic3A_3155, %and3A_3158] : memref<8x128xi32, #tpu.memory_space<vmem>>[vector<16xi32>, vector<16xi32>], vector<16xi32>,
    %and3A_3160 = arith.constant 8191 : i32
    %and3A_3161 = vector.broadcast %and3A_3160 : i32 to vector<16xi32>
    %and3A_3162 = arith.andi %gather3A_3159, %and3A_3161 : vector<16xi32>
    %sub3A_3163 = arith.subi %gather3A_3159, %and3A_3162 : vector<16xi32>
    %and3A_3164 = arith.constant 2047 : i32
    %and3A_3165 = vector.broadcast %and3A_3164 : i32 to vector<16xi32>
    %and3A_3166 = arith.andi %and3A_3162, %and3A_3165 : vector<16xi32>
    %shift_left3A_3167 = arith.constant 2 : i32
    %shift_left3A_3168 = vector.broadcast %shift_left3A_3167 : i32 to vector<16xi32>
    %shift_left3A_3169 = arith.shli %and3A_3166, %shift_left3A_3168 : vector<16xi32>
    %add3A_3170 = arith.addi %sub3A_3163, %shift_left3A_3169 : vector<16xi32>
    %shift_right_arithmetic3A_3171 = arith.constant 11 : i32
    %shift_right_arithmetic3A_3172 = vector.broadcast %shift_right_arithmetic3A_3171 : i32 to vector<16xi32>
    %shift_right_arithmetic3A_3173 = arith.shrsi %and3A_3162, %shift_right_arithmetic3A_3172 : vector<16xi32>
    %add3A_3174 = arith.addi %add3A_3170, %shift_right_arithmetic3A_3173 : vector<16xi32>
    %sub3A_3175 = vector.broadcast %mul3A_184 : i32 to vector<16xi32>
    %sub3A_3176 = arith.subi %add3A_3174, %sub3A_3175 : vector<16xi32>
    %lt3A_3177 = arith.constant 0 : i32
    %lt3A_3178 = vector.broadcast %lt3A_3177 : i32 to vector<16xi32>
    %lt3A_3179 = arith.cmpi slt, %sub3A_3176, %lt3A_3178 : vector<16xi32>
    %ge3A_3180 = arith.constant 53248 : i32
    %ge3A_3181 = vector.broadcast %ge3A_3180 : i32 to vector<16xi32>
    %ge3A_3182 = arith.cmpi sge, %sub3A_3176, %ge3A_3181 : vector<16xi32>
    %or3A_3183 = arith.ori %lt3A_3179, %ge3A_3182 : vector<16xi1>
    %jit3A_3184 = arith.constant 53248 : i32
    %broadcast_in_dim3A_3185 = vector.broadcast %jit3A_3184 : i32 to vector<16xi32>
    %select_n3A_3186 = arith.select %or3A_3183, %broadcast_in_dim3A_3185, %sub3A_3176 : vector<16xi1>, vector<16xi32>
    %swap3A_3187 = arith.constant 7 : i32
    %swap3A_3188 = arith.index_cast %swap3A_3187 : i32 to index
    %swap3A_3189 = arith.constant 16 : index
    %swap3A_3190 = tpu.vector_load %arg8[%swap3A_3188, %swap3A_3189] {strides = array<i32>} : memref<8x128xi32, #tpu.memory_space<vmem>>, vector<16xi32>,
    tpu.vector_store %arg8[%swap3A_3188, %swap3A_3189], %select_n3A_3186 {strides = array<i32>} : memref<8x128xi32, #tpu.memory_space<vmem>>, vector<16xi32>,
    %iota3A_3191 = tpu.iota {dimensions = array<i32: 0>} : vector<16xi32>
    %add3A_3192 = arith.constant 928 : i32
    %add3A_3193 = vector.broadcast %add3A_3192 : i32 to vector<16xi32>
    %add3A_3194 = arith.addi %add3A_3193, %iota3A_3191 : vector<16xi32>
    %and3A_3195 = arith.constant 3 : i32
    %and3A_3196 = vector.broadcast %and3A_3195 : i32 to vector<16xi32>
    %and3A_3197 = arith.andi %add3A_3194, %and3A_3196 : vector<16xi32>
    %mul3A_3198 = arith.constant 256 : i32
    %mul3A_3199 = vector.broadcast %mul3A_3198 : i32 to vector<16xi32>
    %mul3A_3200 = arith.muli %and3A_3197, %mul3A_3199 : vector<16xi32>
    %shift_right_arithmetic3A_3201 = arith.constant 2 : i32
    %shift_right_arithmetic3A_3202 = vector.broadcast %shift_right_arithmetic3A_3201 : i32 to vector<16xi32>
    %shift_right_arithmetic3A_3203 = arith.shrsi %add3A_3194, %shift_right_arithmetic3A_3202 : vector<16xi32>
    %add3A_3204 = arith.addi %mul3A_3200, %shift_right_arithmetic3A_3203 : vector<16xi32>
    %shift_right_arithmetic3A_3205 = arith.constant 7 : i32
    %shift_right_arithmetic3A_3206 = vector.broadcast %shift_right_arithmetic3A_3205 : i32 to vector<16xi32>
    %shift_right_arithmetic3A_3207 = arith.shrsi %add3A_3204, %shift_right_arithmetic3A_3206 : vector<16xi32>
    %and3A_3208 = arith.constant 127 : i32
    %and3A_3209 = vector.broadcast %and3A_3208 : i32 to vector<16xi32>
    %and3A_3210 = arith.andi %add3A_3204, %and3A_3209 : vector<16xi32>
    %gather3A_3211 = tpu.vector_load_idx %arg7[%shift_right_arithmetic3A_3207, %and3A_3210] : memref<8x128xi32, #tpu.memory_space<vmem>>[vector<16xi32>, vector<16xi32>], vector<16xi32>,
    %and3A_3212 = arith.constant 8191 : i32
    %and3A_3213 = vector.broadcast %and3A_3212 : i32 to vector<16xi32>
    %and3A_3214 = arith.andi %gather3A_3211, %and3A_3213 : vector<16xi32>
    %sub3A_3215 = arith.subi %gather3A_3211, %and3A_3214 : vector<16xi32>
    %and3A_3216 = arith.constant 2047 : i32
    %and3A_3217 = vector.broadcast %and3A_3216 : i32 to vector<16xi32>
    %and3A_3218 = arith.andi %and3A_3214, %and3A_3217 : vector<16xi32>
    %shift_left3A_3219 = arith.constant 2 : i32
    %shift_left3A_3220 = vector.broadcast %shift_left3A_3219 : i32 to vector<16xi32>
    %shift_left3A_3221 = arith.shli %and3A_3218, %shift_left3A_3220 : vector<16xi32>
    %add3A_3222 = arith.addi %sub3A_3215, %shift_left3A_3221 : vector<16xi32>
    %shift_right_arithmetic3A_3223 = arith.constant 11 : i32
    %shift_right_arithmetic3A_3224 = vector.broadcast %shift_right_arithmetic3A_3223 : i32 to vector<16xi32>
    %shift_right_arithmetic3A_3225 = arith.shrsi %and3A_3214, %shift_right_arithmetic3A_3224 : vector<16xi32>
    %add3A_3226 = arith.addi %add3A_3222, %shift_right_arithmetic3A_3225 : vector<16xi32>
    %sub3A_3227 = vector.broadcast %mul3A_184 : i32 to vector<16xi32>
    %sub3A_3228 = arith.subi %add3A_3226, %sub3A_3227 : vector<16xi32>
    %lt3A_3229 = arith.constant 0 : i32
    %lt3A_3230 = vector.broadcast %lt3A_3229 : i32 to vector<16xi32>
    %lt3A_3231 = arith.cmpi slt, %sub3A_3228, %lt3A_3230 : vector<16xi32>
    %ge3A_3232 = arith.constant 53248 : i32
    %ge3A_3233 = vector.broadcast %ge3A_3232 : i32 to vector<16xi32>
    %ge3A_3234 = arith.cmpi sge, %sub3A_3228, %ge3A_3233 : vector<16xi32>
    %or3A_3235 = arith.ori %lt3A_3231, %ge3A_3234 : vector<16xi1>
    %jit3A_3236 = arith.constant 53248 : i32
    %broadcast_in_dim3A_3237 = vector.broadcast %jit3A_3236 : i32 to vector<16xi32>
    %select_n3A_3238 = arith.select %or3A_3235, %broadcast_in_dim3A_3237, %sub3A_3228 : vector<16xi1>, vector<16xi32>
    %swap3A_3239 = arith.constant 7 : i32
    %swap3A_3240 = arith.index_cast %swap3A_3239 : i32 to index
    %swap3A_3241 = arith.constant 32 : index
    %swap3A_3242 = tpu.vector_load %arg8[%swap3A_3240, %swap3A_3241] {strides = array<i32>} : memref<8x128xi32, #tpu.memory_space<vmem>>, vector<16xi32>,
    tpu.vector_store %arg8[%swap3A_3240, %swap3A_3241], %select_n3A_3238 {strides = array<i32>} : memref<8x128xi32, #tpu.memory_space<vmem>>, vector<16xi32>,
    %iota3A_3243 = tpu.iota {dimensions = array<i32: 0>} : vector<16xi32>
    %add3A_3244 = arith.constant 944 : i32
    %add3A_3245 = vector.broadcast %add3A_3244 : i32 to vector<16xi32>
    %add3A_3246 = arith.addi %add3A_3245, %iota3A_3243 : vector<16xi32>
    %and3A_3247 = arith.constant 3 : i32
    %and3A_3248 = vector.broadcast %and3A_3247 : i32 to vector<16xi32>
    %and3A_3249 = arith.andi %add3A_3246, %and3A_3248 : vector<16xi32>
    %mul3A_3250 = arith.constant 256 : i32
    %mul3A_3251 = vector.broadcast %mul3A_3250 : i32 to vector<16xi32>
    %mul3A_3252 = arith.muli %and3A_3249, %mul3A_3251 : vector<16xi32>
    %shift_right_arithmetic3A_3253 = arith.constant 2 : i32
    %shift_right_arithmetic3A_3254 = vector.broadcast %shift_right_arithmetic3A_3253 : i32 to vector<16xi32>
    %shift_right_arithmetic3A_3255 = arith.shrsi %add3A_3246, %shift_right_arithmetic3A_3254 : vector<16xi32>
    %add3A_3256 = arith.addi %mul3A_3252, %shift_right_arithmetic3A_3255 : vector<16xi32>
    %shift_right_arithmetic3A_3257 = arith.constant 7 : i32
    %shift_right_arithmetic3A_3258 = vector.broadcast %shift_right_arithmetic3A_3257 : i32 to vector<16xi32>
    %shift_right_arithmetic3A_3259 = arith.shrsi %add3A_3256, %shift_right_arithmetic3A_3258 : vector<16xi32>
    %and3A_3260 = arith.constant 127 : i32
    %and3A_3261 = vector.broadcast %and3A_3260 : i32 to vector<16xi32>
    %and3A_3262 = arith.andi %add3A_3256, %and3A_3261 : vector<16xi32>
    %gather3A_3263 = tpu.vector_load_idx %arg7[%shift_right_arithmetic3A_3259, %and3A_3262] : memref<8x128xi32, #tpu.memory_space<vmem>>[vector<16xi32>, vector<16xi32>], vector<16xi32>,
    %and3A_3264 = arith.constant 8191 : i32
    %and3A_3265 = vector.broadcast %and3A_3264 : i32 to vector<16xi32>
    %and3A_3266 = arith.andi %gather3A_3263, %and3A_3265 : vector<16xi32>
    %sub3A_3267 = arith.subi %gather3A_3263, %and3A_3266 : vector<16xi32>
    %and3A_3268 = arith.constant 2047 : i32
    %and3A_3269 = vector.broadcast %and3A_3268 : i32 to vector<16xi32>
    %and3A_3270 = arith.andi %and3A_3266, %and3A_3269 : vector<16xi32>
    %shift_left3A_3271 = arith.constant 2 : i32
    %shift_left3A_3272 = vector.broadcast %shift_left3A_3271 : i32 to vector<16xi32>
    %shift_left3A_3273 = arith.shli %and3A_3270, %shift_left3A_3272 : vector<16xi32>
    %add3A_3274 = arith.addi %sub3A_3267, %shift_left3A_3273 : vector<16xi32>
    %shift_right_arithmetic3A_3275 = arith.constant 11 : i32
    %shift_right_arithmetic3A_3276 = vector.broadcast %shift_right_arithmetic3A_3275 : i32 to vector<16xi32>
    %shift_right_arithmetic3A_3277 = arith.shrsi %and3A_3266, %shift_right_arithmetic3A_3276 : vector<16xi32>
    %add3A_3278 = arith.addi %add3A_3274, %shift_right_arithmetic3A_3277 : vector<16xi32>
    %sub3A_3279 = vector.broadcast %mul3A_184 : i32 to vector<16xi32>
    %sub3A_3280 = arith.subi %add3A_3278, %sub3A_3279 : vector<16xi32>
    %lt3A_3281 = arith.constant 0 : i32
    %lt3A_3282 = vector.broadcast %lt3A_3281 : i32 to vector<16xi32>
    %lt3A_3283 = arith.cmpi slt, %sub3A_3280, %lt3A_3282 : vector<16xi32>
    %ge3A_3284 = arith.constant 53248 : i32
    %ge3A_3285 = vector.broadcast %ge3A_3284 : i32 to vector<16xi32>
    %ge3A_3286 = arith.cmpi sge, %sub3A_3280, %ge3A_3285 : vector<16xi32>
    %or3A_3287 = arith.ori %lt3A_3283, %ge3A_3286 : vector<16xi1>
    %jit3A_3288 = arith.constant 53248 : i32
    %broadcast_in_dim3A_3289 = vector.broadcast %jit3A_3288 : i32 to vector<16xi32>
    %select_n3A_3290 = arith.select %or3A_3287, %broadcast_in_dim3A_3289, %sub3A_3280 : vector<16xi1>, vector<16xi32>
    %swap3A_3291 = arith.constant 7 : i32
    %swap3A_3292 = arith.index_cast %swap3A_3291 : i32 to index
    %swap3A_3293 = arith.constant 48 : index
    %swap3A_3294 = tpu.vector_load %arg8[%swap3A_3292, %swap3A_3293] {strides = array<i32>} : memref<8x128xi32, #tpu.memory_space<vmem>>, vector<16xi32>,
    tpu.vector_store %arg8[%swap3A_3292, %swap3A_3293], %select_n3A_3290 {strides = array<i32>} : memref<8x128xi32, #tpu.memory_space<vmem>>, vector<16xi32>,
    %iota3A_3295 = tpu.iota {dimensions = array<i32: 0>} : vector<16xi32>
    %add3A_3296 = arith.constant 960 : i32
    %add3A_3297 = vector.broadcast %add3A_3296 : i32 to vector<16xi32>
    %add3A_3298 = arith.addi %add3A_3297, %iota3A_3295 : vector<16xi32>
    %and3A_3299 = arith.constant 3 : i32
    %and3A_3300 = vector.broadcast %and3A_3299 : i32 to vector<16xi32>
    %and3A_3301 = arith.andi %add3A_3298, %and3A_3300 : vector<16xi32>
    %mul3A_3302 = arith.constant 256 : i32
    %mul3A_3303 = vector.broadcast %mul3A_3302 : i32 to vector<16xi32>
    %mul3A_3304 = arith.muli %and3A_3301, %mul3A_3303 : vector<16xi32>
    %shift_right_arithmetic3A_3305 = arith.constant 2 : i32
    %shift_right_arithmetic3A_3306 = vector.broadcast %shift_right_arithmetic3A_3305 : i32 to vector<16xi32>
    %shift_right_arithmetic3A_3307 = arith.shrsi %add3A_3298, %shift_right_arithmetic3A_3306 : vector<16xi32>
    %add3A_3308 = arith.addi %mul3A_3304, %shift_right_arithmetic3A_3307 : vector<16xi32>
    %shift_right_arithmetic3A_3309 = arith.constant 7 : i32
    %shift_right_arithmetic3A_3310 = vector.broadcast %shift_right_arithmetic3A_3309 : i32 to vector<16xi32>
    %shift_right_arithmetic3A_3311 = arith.shrsi %add3A_3308, %shift_right_arithmetic3A_3310 : vector<16xi32>
    %and3A_3312 = arith.constant 127 : i32
    %and3A_3313 = vector.broadcast %and3A_3312 : i32 to vector<16xi32>
    %and3A_3314 = arith.andi %add3A_3308, %and3A_3313 : vector<16xi32>
    %gather3A_3315 = tpu.vector_load_idx %arg7[%shift_right_arithmetic3A_3311, %and3A_3314] : memref<8x128xi32, #tpu.memory_space<vmem>>[vector<16xi32>, vector<16xi32>], vector<16xi32>,
    %and3A_3316 = arith.constant 8191 : i32
    %and3A_3317 = vector.broadcast %and3A_3316 : i32 to vector<16xi32>
    %and3A_3318 = arith.andi %gather3A_3315, %and3A_3317 : vector<16xi32>
    %sub3A_3319 = arith.subi %gather3A_3315, %and3A_3318 : vector<16xi32>
    %and3A_3320 = arith.constant 2047 : i32
    %and3A_3321 = vector.broadcast %and3A_3320 : i32 to vector<16xi32>
    %and3A_3322 = arith.andi %and3A_3318, %and3A_3321 : vector<16xi32>
    %shift_left3A_3323 = arith.constant 2 : i32
    %shift_left3A_3324 = vector.broadcast %shift_left3A_3323 : i32 to vector<16xi32>
    %shift_left3A_3325 = arith.shli %and3A_3322, %shift_left3A_3324 : vector<16xi32>
    %add3A_3326 = arith.addi %sub3A_3319, %shift_left3A_3325 : vector<16xi32>
    %shift_right_arithmetic3A_3327 = arith.constant 11 : i32
    %shift_right_arithmetic3A_3328 = vector.broadcast %shift_right_arithmetic3A_3327 : i32 to vector<16xi32>
    %shift_right_arithmetic3A_3329 = arith.shrsi %and3A_3318, %shift_right_arithmetic3A_3328 : vector<16xi32>
    %add3A_3330 = arith.addi %add3A_3326, %shift_right_arithmetic3A_3329 : vector<16xi32>
    %sub3A_3331 = vector.broadcast %mul3A_184 : i32 to vector<16xi32>
    %sub3A_3332 = arith.subi %add3A_3330, %sub3A_3331 : vector<16xi32>
    %lt3A_3333 = arith.constant 0 : i32
    %lt3A_3334 = vector.broadcast %lt3A_3333 : i32 to vector<16xi32>
    %lt3A_3335 = arith.cmpi slt, %sub3A_3332, %lt3A_3334 : vector<16xi32>
    %ge3A_3336 = arith.constant 53248 : i32
    %ge3A_3337 = vector.broadcast %ge3A_3336 : i32 to vector<16xi32>
    %ge3A_3338 = arith.cmpi sge, %sub3A_3332, %ge3A_3337 : vector<16xi32>
    %or3A_3339 = arith.ori %lt3A_3335, %ge3A_3338 : vector<16xi1>
    %jit3A_3340 = arith.constant 53248 : i32
    %broadcast_in_dim3A_3341 = vector.broadcast %jit3A_3340 : i32 to vector<16xi32>
    %select_n3A_3342 = arith.select %or3A_3339, %broadcast_in_dim3A_3341, %sub3A_3332 : vector<16xi1>, vector<16xi32>
    %swap3A_3343 = arith.constant 7 : i32
    %swap3A_3344 = arith.index_cast %swap3A_3343 : i32 to index
    %swap3A_3345 = arith.constant 64 : index
    %swap3A_3346 = tpu.vector_load %arg8[%swap3A_3344, %swap3A_3345] {strides = array<i32>} : memref<8x128xi32, #tpu.memory_space<vmem>>, vector<16xi32>,
    tpu.vector_store %arg8[%swap3A_3344, %swap3A_3345], %select_n3A_3342 {strides = array<i32>} : memref<8x128xi32, #tpu.memory_space<vmem>>, vector<16xi32>,
    %iota3A_3347 = tpu.iota {dimensions = array<i32: 0>} : vector<16xi32>
    %add3A_3348 = arith.constant 976 : i32
    %add3A_3349 = vector.broadcast %add3A_3348 : i32 to vector<16xi32>
    %add3A_3350 = arith.addi %add3A_3349, %iota3A_3347 : vector<16xi32>
    %and3A_3351 = arith.constant 3 : i32
    %and3A_3352 = vector.broadcast %and3A_3351 : i32 to vector<16xi32>
    %and3A_3353 = arith.andi %add3A_3350, %and3A_3352 : vector<16xi32>
    %mul3A_3354 = arith.constant 256 : i32
    %mul3A_3355 = vector.broadcast %mul3A_3354 : i32 to vector<16xi32>
    %mul3A_3356 = arith.muli %and3A_3353, %mul3A_3355 : vector<16xi32>
    %shift_right_arithmetic3A_3357 = arith.constant 2 : i32
    %shift_right_arithmetic3A_3358 = vector.broadcast %shift_right_arithmetic3A_3357 : i32 to vector<16xi32>
    %shift_right_arithmetic3A_3359 = arith.shrsi %add3A_3350, %shift_right_arithmetic3A_3358 : vector<16xi32>
    %add3A_3360 = arith.addi %mul3A_3356, %shift_right_arithmetic3A_3359 : vector<16xi32>
    %shift_right_arithmetic3A_3361 = arith.constant 7 : i32
    %shift_right_arithmetic3A_3362 = vector.broadcast %shift_right_arithmetic3A_3361 : i32 to vector<16xi32>
    %shift_right_arithmetic3A_3363 = arith.shrsi %add3A_3360, %shift_right_arithmetic3A_3362 : vector<16xi32>
    %and3A_3364 = arith.constant 127 : i32
    %and3A_3365 = vector.broadcast %and3A_3364 : i32 to vector<16xi32>
    %and3A_3366 = arith.andi %add3A_3360, %and3A_3365 : vector<16xi32>
    %gather3A_3367 = tpu.vector_load_idx %arg7[%shift_right_arithmetic3A_3363, %and3A_3366] : memref<8x128xi32, #tpu.memory_space<vmem>>[vector<16xi32>, vector<16xi32>], vector<16xi32>,
    %and3A_3368 = arith.constant 8191 : i32
    %and3A_3369 = vector.broadcast %and3A_3368 : i32 to vector<16xi32>
    %and3A_3370 = arith.andi %gather3A_3367, %and3A_3369 : vector<16xi32>
    %sub3A_3371 = arith.subi %gather3A_3367, %and3A_3370 : vector<16xi32>
    %and3A_3372 = arith.constant 2047 : i32
    %and3A_3373 = vector.broadcast %and3A_3372 : i32 to vector<16xi32>
    %and3A_3374 = arith.andi %and3A_3370, %and3A_3373 : vector<16xi32>
    %shift_left3A_3375 = arith.constant 2 : i32
    %shift_left3A_3376 = vector.broadcast %shift_left3A_3375 : i32 to vector<16xi32>
    %shift_left3A_3377 = arith.shli %and3A_3374, %shift_left3A_3376 : vector<16xi32>
    %add3A_3378 = arith.addi %sub3A_3371, %shift_left3A_3377 : vector<16xi32>
    %shift_right_arithmetic3A_3379 = arith.constant 11 : i32
    %shift_right_arithmetic3A_3380 = vector.broadcast %shift_right_arithmetic3A_3379 : i32 to vector<16xi32>
    %shift_right_arithmetic3A_3381 = arith.shrsi %and3A_3370, %shift_right_arithmetic3A_3380 : vector<16xi32>
    %add3A_3382 = arith.addi %add3A_3378, %shift_right_arithmetic3A_3381 : vector<16xi32>
    %sub3A_3383 = vector.broadcast %mul3A_184 : i32 to vector<16xi32>
    %sub3A_3384 = arith.subi %add3A_3382, %sub3A_3383 : vector<16xi32>
    %lt3A_3385 = arith.constant 0 : i32
    %lt3A_3386 = vector.broadcast %lt3A_3385 : i32 to vector<16xi32>
    %lt3A_3387 = arith.cmpi slt, %sub3A_3384, %lt3A_3386 : vector<16xi32>
    %ge3A_3388 = arith.constant 53248 : i32
    %ge3A_3389 = vector.broadcast %ge3A_3388 : i32 to vector<16xi32>
    %ge3A_3390 = arith.cmpi sge, %sub3A_3384, %ge3A_3389 : vector<16xi32>
    %or3A_3391 = arith.ori %lt3A_3387, %ge3A_3390 : vector<16xi1>
    %jit3A_3392 = arith.constant 53248 : i32
    %broadcast_in_dim3A_3393 = vector.broadcast %jit3A_3392 : i32 to vector<16xi32>
    %select_n3A_3394 = arith.select %or3A_3391, %broadcast_in_dim3A_3393, %sub3A_3384 : vector<16xi1>, vector<16xi32>
    %swap3A_3395 = arith.constant 7 : i32
    %swap3A_3396 = arith.index_cast %swap3A_3395 : i32 to index
    %swap3A_3397 = arith.constant 80 : index
    %swap3A_3398 = tpu.vector_load %arg8[%swap3A_3396, %swap3A_3397] {strides = array<i32>} : memref<8x128xi32, #tpu.memory_space<vmem>>, vector<16xi32>,
    tpu.vector_store %arg8[%swap3A_3396, %swap3A_3397], %select_n3A_3394 {strides = array<i32>} : memref<8x128xi32, #tpu.memory_space<vmem>>, vector<16xi32>,
    %iota3A_3399 = tpu.iota {dimensions = array<i32: 0>} : vector<16xi32>
    %add3A_3400 = arith.constant 992 : i32
    %add3A_3401 = vector.broadcast %add3A_3400 : i32 to vector<16xi32>
    %add3A_3402 = arith.addi %add3A_3401, %iota3A_3399 : vector<16xi32>
    %and3A_3403 = arith.constant 3 : i32
    %and3A_3404 = vector.broadcast %and3A_3403 : i32 to vector<16xi32>
    %and3A_3405 = arith.andi %add3A_3402, %and3A_3404 : vector<16xi32>
    %mul3A_3406 = arith.constant 256 : i32
    %mul3A_3407 = vector.broadcast %mul3A_3406 : i32 to vector<16xi32>
    %mul3A_3408 = arith.muli %and3A_3405, %mul3A_3407 : vector<16xi32>
    %shift_right_arithmetic3A_3409 = arith.constant 2 : i32
    %shift_right_arithmetic3A_3410 = vector.broadcast %shift_right_arithmetic3A_3409 : i32 to vector<16xi32>
    %shift_right_arithmetic3A_3411 = arith.shrsi %add3A_3402, %shift_right_arithmetic3A_3410 : vector<16xi32>
    %add3A_3412 = arith.addi %mul3A_3408, %shift_right_arithmetic3A_3411 : vector<16xi32>
    %shift_right_arithmetic3A_3413 = arith.constant 7 : i32
    %shift_right_arithmetic3A_3414 = vector.broadcast %shift_right_arithmetic3A_3413 : i32 to vector<16xi32>
    %shift_right_arithmetic3A_3415 = arith.shrsi %add3A_3412, %shift_right_arithmetic3A_3414 : vector<16xi32>
    %and3A_3416 = arith.constant 127 : i32
    %and3A_3417 = vector.broadcast %and3A_3416 : i32 to vector<16xi32>
    %and3A_3418 = arith.andi %add3A_3412, %and3A_3417 : vector<16xi32>
    %gather3A_3419 = tpu.vector_load_idx %arg7[%shift_right_arithmetic3A_3415, %and3A_3418] : memref<8x128xi32, #tpu.memory_space<vmem>>[vector<16xi32>, vector<16xi32>], vector<16xi32>,
    %and3A_3420 = arith.constant 8191 : i32
    %and3A_3421 = vector.broadcast %and3A_3420 : i32 to vector<16xi32>
    %and3A_3422 = arith.andi %gather3A_3419, %and3A_3421 : vector<16xi32>
    %sub3A_3423 = arith.subi %gather3A_3419, %and3A_3422 : vector<16xi32>
    %and3A_3424 = arith.constant 2047 : i32
    %and3A_3425 = vector.broadcast %and3A_3424 : i32 to vector<16xi32>
    %and3A_3426 = arith.andi %and3A_3422, %and3A_3425 : vector<16xi32>
    %shift_left3A_3427 = arith.constant 2 : i32
    %shift_left3A_3428 = vector.broadcast %shift_left3A_3427 : i32 to vector<16xi32>
    %shift_left3A_3429 = arith.shli %and3A_3426, %shift_left3A_3428 : vector<16xi32>
    %add3A_3430 = arith.addi %sub3A_3423, %shift_left3A_3429 : vector<16xi32>
    %shift_right_arithmetic3A_3431 = arith.constant 11 : i32
    %shift_right_arithmetic3A_3432 = vector.broadcast %shift_right_arithmetic3A_3431 : i32 to vector<16xi32>
    %shift_right_arithmetic3A_3433 = arith.shrsi %and3A_3422, %shift_right_arithmetic3A_3432 : vector<16xi32>
    %add3A_3434 = arith.addi %add3A_3430, %shift_right_arithmetic3A_3433 : vector<16xi32>
    %sub3A_3435 = vector.broadcast %mul3A_184 : i32 to vector<16xi32>
    %sub3A_3436 = arith.subi %add3A_3434, %sub3A_3435 : vector<16xi32>
    %lt3A_3437 = arith.constant 0 : i32
    %lt3A_3438 = vector.broadcast %lt3A_3437 : i32 to vector<16xi32>
    %lt3A_3439 = arith.cmpi slt, %sub3A_3436, %lt3A_3438 : vector<16xi32>
    %ge3A_3440 = arith.constant 53248 : i32
    %ge3A_3441 = vector.broadcast %ge3A_3440 : i32 to vector<16xi32>
    %ge3A_3442 = arith.cmpi sge, %sub3A_3436, %ge3A_3441 : vector<16xi32>
    %or3A_3443 = arith.ori %lt3A_3439, %ge3A_3442 : vector<16xi1>
    %jit3A_3444 = arith.constant 53248 : i32
    %broadcast_in_dim3A_3445 = vector.broadcast %jit3A_3444 : i32 to vector<16xi32>
    %select_n3A_3446 = arith.select %or3A_3443, %broadcast_in_dim3A_3445, %sub3A_3436 : vector<16xi1>, vector<16xi32>
    %swap3A_3447 = arith.constant 7 : i32
    %swap3A_3448 = arith.index_cast %swap3A_3447 : i32 to index
    %swap3A_3449 = arith.constant 96 : index
    %swap3A_3450 = tpu.vector_load %arg8[%swap3A_3448, %swap3A_3449] {strides = array<i32>} : memref<8x128xi32, #tpu.memory_space<vmem>>, vector<16xi32>,
    tpu.vector_store %arg8[%swap3A_3448, %swap3A_3449], %select_n3A_3446 {strides = array<i32>} : memref<8x128xi32, #tpu.memory_space<vmem>>, vector<16xi32>,
    %iota3A_3451 = tpu.iota {dimensions = array<i32: 0>} : vector<16xi32>
    %add3A_3452 = arith.constant 1008 : i32
    %add3A_3453 = vector.broadcast %add3A_3452 : i32 to vector<16xi32>
    %add3A_3454 = arith.addi %add3A_3453, %iota3A_3451 : vector<16xi32>
    %and3A_3455 = arith.constant 3 : i32
    %and3A_3456 = vector.broadcast %and3A_3455 : i32 to vector<16xi32>
    %and3A_3457 = arith.andi %add3A_3454, %and3A_3456 : vector<16xi32>
    %mul3A_3458 = arith.constant 256 : i32
    %mul3A_3459 = vector.broadcast %mul3A_3458 : i32 to vector<16xi32>
    %mul3A_3460 = arith.muli %and3A_3457, %mul3A_3459 : vector<16xi32>
    %shift_right_arithmetic3A_3461 = arith.constant 2 : i32
    %shift_right_arithmetic3A_3462 = vector.broadcast %shift_right_arithmetic3A_3461 : i32 to vector<16xi32>
    %shift_right_arithmetic3A_3463 = arith.shrsi %add3A_3454, %shift_right_arithmetic3A_3462 : vector<16xi32>
    %add3A_3464 = arith.addi %mul3A_3460, %shift_right_arithmetic3A_3463 : vector<16xi32>
    %shift_right_arithmetic3A_3465 = arith.constant 7 : i32
    %shift_right_arithmetic3A_3466 = vector.broadcast %shift_right_arithmetic3A_3465 : i32 to vector<16xi32>
    %shift_right_arithmetic3A_3467 = arith.shrsi %add3A_3464, %shift_right_arithmetic3A_3466 : vector<16xi32>
    %and3A_3468 = arith.constant 127 : i32
    %and3A_3469 = vector.broadcast %and3A_3468 : i32 to vector<16xi32>
    %and3A_3470 = arith.andi %add3A_3464, %and3A_3469 : vector<16xi32>
    %gather3A_3471 = tpu.vector_load_idx %arg7[%shift_right_arithmetic3A_3467, %and3A_3470] : memref<8x128xi32, #tpu.memory_space<vmem>>[vector<16xi32>, vector<16xi32>], vector<16xi32>,
    %and3A_3472 = arith.constant 8191 : i32
    %and3A_3473 = vector.broadcast %and3A_3472 : i32 to vector<16xi32>
    %and3A_3474 = arith.andi %gather3A_3471, %and3A_3473 : vector<16xi32>
    %sub3A_3475 = arith.subi %gather3A_3471, %and3A_3474 : vector<16xi32>
    %and3A_3476 = arith.constant 2047 : i32
    %and3A_3477 = vector.broadcast %and3A_3476 : i32 to vector<16xi32>
    %and3A_3478 = arith.andi %and3A_3474, %and3A_3477 : vector<16xi32>
    %shift_left3A_3479 = arith.constant 2 : i32
    %shift_left3A_3480 = vector.broadcast %shift_left3A_3479 : i32 to vector<16xi32>
    %shift_left3A_3481 = arith.shli %and3A_3478, %shift_left3A_3480 : vector<16xi32>
    %add3A_3482 = arith.addi %sub3A_3475, %shift_left3A_3481 : vector<16xi32>
    %shift_right_arithmetic3A_3483 = arith.constant 11 : i32
    %shift_right_arithmetic3A_3484 = vector.broadcast %shift_right_arithmetic3A_3483 : i32 to vector<16xi32>
    %shift_right_arithmetic3A_3485 = arith.shrsi %and3A_3474, %shift_right_arithmetic3A_3484 : vector<16xi32>
    %add3A_3486 = arith.addi %add3A_3482, %shift_right_arithmetic3A_3485 : vector<16xi32>
    %sub3A_3487 = vector.broadcast %mul3A_184 : i32 to vector<16xi32>
    %sub3A_3488 = arith.subi %add3A_3486, %sub3A_3487 : vector<16xi32>
    %lt3A_3489 = arith.constant 0 : i32
    %lt3A_3490 = vector.broadcast %lt3A_3489 : i32 to vector<16xi32>
    %lt3A_3491 = arith.cmpi slt, %sub3A_3488, %lt3A_3490 : vector<16xi32>
    %ge3A_3492 = arith.constant 53248 : i32
    %ge3A_3493 = vector.broadcast %ge3A_3492 : i32 to vector<16xi32>
    %ge3A_3494 = arith.cmpi sge, %sub3A_3488, %ge3A_3493 : vector<16xi32>
    %or3A_3495 = arith.ori %lt3A_3491, %ge3A_3494 : vector<16xi1>
    %jit3A_3496 = arith.constant 53248 : i32
    %broadcast_in_dim3A_3497 = vector.broadcast %jit3A_3496 : i32 to vector<16xi32>
    %select_n3A_3498 = arith.select %or3A_3495, %broadcast_in_dim3A_3497, %sub3A_3488 : vector<16xi1>, vector<16xi32>
    %swap3A_3499 = arith.constant 7 : i32
    %swap3A_3500 = arith.index_cast %swap3A_3499 : i32 to index
    %swap3A_3501 = arith.constant 112 : index
    %swap3A_3502 = tpu.vector_load %arg8[%swap3A_3500, %swap3A_3501] {strides = array<i32>} : memref<8x128xi32, #tpu.memory_space<vmem>>, vector<16xi32>,
    tpu.vector_store %arg8[%swap3A_3500, %swap3A_3501], %select_n3A_3498 {strides = array<i32>} : memref<8x128xi32, #tpu.memory_space<vmem>>, vector<16xi32>,
    %barrier3A = arith.constant 0 : index
    tpu.barrier barrier_id(%barrier3A)
    %run_scoped3A_3503 = arith.constant 0 : i32
    "tpu.region"() ({
      %run_scoped3A_3524 = tpu.sem_alloc : memref<!tpu.dma_semaphore, #tpu.memory_space<semaphore_mem>>
      %dma_start3A = arith.constant 0 : i32
      %dma_start3A_3525 = arith.constant 0 : i32
      %dma_start3A_3526 = arith.constant 0 : i32
      %dma_start3A_3527 = tpu.memref_slice %arg2[%arg1, %run_scoped3A_3503, %dma_start3A, %dma_start3A_3525, %dma_start3A_3526] : memref<16x2x4x128x32xf32, #tpu.memory_space<hbm>> -> memref<1x1x4x128x32xf32, #tpu.memory_space<hbm>>
      %dma_start3A_3528 = tpu.memref_squeeze %dma_start3A_3527 : memref<1x1x4x128x32xf32, #tpu.memory_space<hbm>> -> memref<4x128x32xf32, #tpu.memory_space<hbm>>
      %dma_start3A_3529 = arith.constant 0 : i32
      %dma_start3A_3530 = arith.constant 0 : i32
      %dma_start3A_3531 = arith.constant 0 : i32
      %dma_start3A_3532 = tpu.memref_slice %arg2[%arg1, %run_scoped3A_3503, %dma_start3A_3529, %dma_start3A_3530, %dma_start3A_3531] : memref<16x2x4x128x32xf32, #tpu.memory_space<hbm>> -> memref<1x1x4x128x32xf32, #tpu.memory_space<hbm>>
      %dma_start3A_3533 = tpu.memref_squeeze %dma_start3A_3532 : memref<1x1x4x128x32xf32, #tpu.memory_space<hbm>> -> memref<4x128x32xf32, #tpu.memory_space<hbm>>
      tpu.enqueue_dma source(%dma_start3A_3533 : memref<4x128x32xf32, #tpu.memory_space<hbm>>) target(%arg6 : memref<4x128x32xf32, #tpu.memory_space<vmem>>) target_semaphore(%run_scoped3A_3524 : memref<!tpu.dma_semaphore, #tpu.memory_space<semaphore_mem>>)
      %dma_wait3A = arith.constant 0 : i32
      %dma_wait3A_3534 = arith.constant 0 : i32
      %dma_wait3A_3535 = arith.constant 0 : i32
      %dma_wait3A_3536 = tpu.memref_slice %arg2[%arg1, %run_scoped3A_3503, %dma_wait3A, %dma_wait3A_3534, %dma_wait3A_3535] : memref<16x2x4x128x32xf32, #tpu.memory_space<hbm>> -> memref<1x1x4x128x32xf32, #tpu.memory_space<hbm>>
      %dma_wait3A_3537 = tpu.memref_squeeze %dma_wait3A_3536 : memref<1x1x4x128x32xf32, #tpu.memory_space<hbm>> -> memref<4x128x32xf32, #tpu.memory_space<hbm>>
      %dma_wait3A_3538 = arith.constant 0 : i32
      %dma_wait3A_3539 = arith.constant 0 : i32
      %dma_wait3A_3540 = arith.constant 0 : i32
      %dma_wait3A_3541 = tpu.memref_slice %arg2[%arg1, %run_scoped3A_3503, %dma_wait3A_3538, %dma_wait3A_3539, %dma_wait3A_3540] : memref<16x2x4x128x32xf32, #tpu.memory_space<hbm>> -> memref<1x1x4x128x32xf32, #tpu.memory_space<hbm>>
      %dma_wait3A_3542 = tpu.memref_squeeze %dma_wait3A_3541 : memref<1x1x4x128x32xf32, #tpu.memory_space<hbm>> -> memref<4x128x32xf32, #tpu.memory_space<hbm>>
      tpu.wait_dma2 semaphore(%run_scoped3A_3524 : memref<!tpu.dma_semaphore, #tpu.memory_space<semaphore_mem>>) src(%dma_wait3A_3542 : memref<4x128x32xf32, #tpu.memory_space<hbm>>) dst(%arg6 : memref<4x128x32xf32, #tpu.memory_space<vmem>>)
      tpu.yield
    }) : () -> ()
    %run_scoped3A_3504 = arith.constant 0 : i32
    %run_scoped3A_3505 = arith.constant 0 : i32
    "tpu.region"() ({
      %run_scoped3A_3524 = tpu.sem_alloc : memref<!tpu.dma_semaphore, #tpu.memory_space<semaphore_mem>>
      %dma_start3A = arith.constant 0 : i32
      %dma_start3A_3525 = arith.constant 0 : i32
      %dma_start3A_3526 = tpu.memref_slice %arg6[%run_scoped3A_3504, %dma_start3A, %dma_start3A_3525] : memref<4x128x32xf32, #tpu.memory_space<vmem>> -> memref<1x128x32xf32, #tpu.memory_space<vmem>>
      %dma_start3A_3527 = tpu.memref_squeeze %dma_start3A_3526 : memref<1x128x32xf32, #tpu.memory_space<vmem>> -> memref<128x32xf32, #tpu.memory_space<vmem>>
      %dma_start3A_3528 = arith.constant 0 : i32
      %dma_start3A_3529 = tpu.memref_slice %arg8[%run_scoped3A_3505, %dma_start3A_3528] : memref<8x128xi32, #tpu.memory_space<vmem>> -> memref<1x128xi32, #tpu.memory_space<vmem>>
      %dma_start3A_3530 = tpu.memref_squeeze %dma_start3A_3529 : memref<1x128xi32, #tpu.memory_space<vmem>> -> memref<128xi32, #tpu.memory_space<vmem>>
      %dma_start3A_3531 = arith.constant 0 : i32
      %dma_start3A_3532 = arith.constant 0 : i32
      %dma_start3A_3533 = tpu.memref_slice %arg5[%dma_start3A_3531, %dma_start3A_3532] : memref<53256x32xf32, #tpu.memory_space<vmem_shared>> -> memref<53256x32xf32, #tpu.memory_space<vmem_shared>>
      tpu.enqueue_indirect_dma source(%dma_start3A_3527 : memref<128x32xf32, #tpu.memory_space<vmem>>) target(%dma_start3A_3533 : memref<53256x32xf32, #tpu.memory_space<vmem_shared>>) offsets(%dma_start3A_3530 : memref<128xi32, #tpu.memory_space<vmem>>) semaphore(%run_scoped3A_3524 : memref<!tpu.dma_semaphore, #tpu.memory_space<semaphore_mem>>) {add = true}
      %dma_wait3A = arith.constant 0 : i32
      %dma_wait3A_3534 = arith.constant 0 : i32
      %dma_wait3A_3535 = tpu.memref_slice %arg6[%run_scoped3A_3504, %dma_wait3A, %dma_wait3A_3534] : memref<4x128x32xf32, #tpu.memory_space<vmem>> -> memref<1x128x32xf32, #tpu.memory_space<vmem>>
      %dma_wait3A_3536 = tpu.memref_squeeze %dma_wait3A_3535 : memref<1x128x32xf32, #tpu.memory_space<vmem>> -> memref<128x32xf32, #tpu.memory_space<vmem>>
      %dma_wait3A_3537 = arith.constant 0 : i32
      %dma_wait3A_3538 = tpu.memref_slice %arg8[%run_scoped3A_3505, %dma_wait3A_3537] : memref<8x128xi32, #tpu.memory_space<vmem>> -> memref<1x128xi32, #tpu.memory_space<vmem>>
      %dma_wait3A_3539 = tpu.memref_squeeze %dma_wait3A_3538 : memref<1x128xi32, #tpu.memory_space<vmem>> -> memref<128xi32, #tpu.memory_space<vmem>>
      %dma_wait3A_3540 = arith.constant 0 : i32
      %dma_wait3A_3541 = arith.constant 0 : i32
      %dma_wait3A_3542 = tpu.memref_slice %arg5[%dma_wait3A_3540, %dma_wait3A_3541] : memref<53256x32xf32, #tpu.memory_space<vmem_shared>> -> memref<53256x32xf32, #tpu.memory_space<vmem_shared>>
      tpu.wait_indirect_dma semaphore(%run_scoped3A_3524 : memref<!tpu.dma_semaphore, #tpu.memory_space<semaphore_mem>>) src(%dma_wait3A_3536 : memref<128x32xf32, #tpu.memory_space<vmem>>) dst(%dma_wait3A_3542 : memref<53256x32xf32, #tpu.memory_space<vmem_shared>>)
      tpu.yield
    }) : () -> ()
    %run_scoped3A_3506 = arith.constant 1 : i32
    %run_scoped3A_3507 = arith.constant 1 : i32
    "tpu.region"() ({
      %run_scoped3A_3524 = tpu.sem_alloc : memref<!tpu.dma_semaphore, #tpu.memory_space<semaphore_mem>>
      %dma_start3A = arith.constant 0 : i32
      %dma_start3A_3525 = arith.constant 0 : i32
      %dma_start3A_3526 = tpu.memref_slice %arg6[%run_scoped3A_3506, %dma_start3A, %dma_start3A_3525] : memref<4x128x32xf32, #tpu.memory_space<vmem>> -> memref<1x128x32xf32, #tpu.memory_space<vmem>>
      %dma_start3A_3527 = tpu.memref_squeeze %dma_start3A_3526 : memref<1x128x32xf32, #tpu.memory_space<vmem>> -> memref<128x32xf32, #tpu.memory_space<vmem>>
      %dma_start3A_3528 = arith.constant 0 : i32
      %dma_start3A_3529 = tpu.memref_slice %arg8[%run_scoped3A_3507, %dma_start3A_3528] : memref<8x128xi32, #tpu.memory_space<vmem>> -> memref<1x128xi32, #tpu.memory_space<vmem>>
      %dma_start3A_3530 = tpu.memref_squeeze %dma_start3A_3529 : memref<1x128xi32, #tpu.memory_space<vmem>> -> memref<128xi32, #tpu.memory_space<vmem>>
      %dma_start3A_3531 = arith.constant 0 : i32
      %dma_start3A_3532 = arith.constant 0 : i32
      %dma_start3A_3533 = tpu.memref_slice %arg5[%dma_start3A_3531, %dma_start3A_3532] : memref<53256x32xf32, #tpu.memory_space<vmem_shared>> -> memref<53256x32xf32, #tpu.memory_space<vmem_shared>>
      tpu.enqueue_indirect_dma source(%dma_start3A_3527 : memref<128x32xf32, #tpu.memory_space<vmem>>) target(%dma_start3A_3533 : memref<53256x32xf32, #tpu.memory_space<vmem_shared>>) offsets(%dma_start3A_3530 : memref<128xi32, #tpu.memory_space<vmem>>) semaphore(%run_scoped3A_3524 : memref<!tpu.dma_semaphore, #tpu.memory_space<semaphore_mem>>) {add = true}
      %dma_wait3A = arith.constant 0 : i32
      %dma_wait3A_3534 = arith.constant 0 : i32
      %dma_wait3A_3535 = tpu.memref_slice %arg6[%run_scoped3A_3506, %dma_wait3A, %dma_wait3A_3534] : memref<4x128x32xf32, #tpu.memory_space<vmem>> -> memref<1x128x32xf32, #tpu.memory_space<vmem>>
      %dma_wait3A_3536 = tpu.memref_squeeze %dma_wait3A_3535 : memref<1x128x32xf32, #tpu.memory_space<vmem>> -> memref<128x32xf32, #tpu.memory_space<vmem>>
      %dma_wait3A_3537 = arith.constant 0 : i32
      %dma_wait3A_3538 = tpu.memref_slice %arg8[%run_scoped3A_3507, %dma_wait3A_3537] : memref<8x128xi32, #tpu.memory_space<vmem>> -> memref<1x128xi32, #tpu.memory_space<vmem>>
      %dma_wait3A_3539 = tpu.memref_squeeze %dma_wait3A_3538 : memref<1x128xi32, #tpu.memory_space<vmem>> -> memref<128xi32, #tpu.memory_space<vmem>>
      %dma_wait3A_3540 = arith.constant 0 : i32
      %dma_wait3A_3541 = arith.constant 0 : i32
      %dma_wait3A_3542 = tpu.memref_slice %arg5[%dma_wait3A_3540, %dma_wait3A_3541] : memref<53256x32xf32, #tpu.memory_space<vmem_shared>> -> memref<53256x32xf32, #tpu.memory_space<vmem_shared>>
      tpu.wait_indirect_dma semaphore(%run_scoped3A_3524 : memref<!tpu.dma_semaphore, #tpu.memory_space<semaphore_mem>>) src(%dma_wait3A_3536 : memref<128x32xf32, #tpu.memory_space<vmem>>) dst(%dma_wait3A_3542 : memref<53256x32xf32, #tpu.memory_space<vmem_shared>>)
      tpu.yield
    }) : () -> ()
    %run_scoped3A_3508 = arith.constant 2 : i32
    %run_scoped3A_3509 = arith.constant 2 : i32
    "tpu.region"() ({
      %run_scoped3A_3524 = tpu.sem_alloc : memref<!tpu.dma_semaphore, #tpu.memory_space<semaphore_mem>>
      %dma_start3A = arith.constant 0 : i32
      %dma_start3A_3525 = arith.constant 0 : i32
      %dma_start3A_3526 = tpu.memref_slice %arg6[%run_scoped3A_3508, %dma_start3A, %dma_start3A_3525] : memref<4x128x32xf32, #tpu.memory_space<vmem>> -> memref<1x128x32xf32, #tpu.memory_space<vmem>>
      %dma_start3A_3527 = tpu.memref_squeeze %dma_start3A_3526 : memref<1x128x32xf32, #tpu.memory_space<vmem>> -> memref<128x32xf32, #tpu.memory_space<vmem>>
      %dma_start3A_3528 = arith.constant 0 : i32
      %dma_start3A_3529 = tpu.memref_slice %arg8[%run_scoped3A_3509, %dma_start3A_3528] : memref<8x128xi32, #tpu.memory_space<vmem>> -> memref<1x128xi32, #tpu.memory_space<vmem>>
      %dma_start3A_3530 = tpu.memref_squeeze %dma_start3A_3529 : memref<1x128xi32, #tpu.memory_space<vmem>> -> memref<128xi32, #tpu.memory_space<vmem>>
      %dma_start3A_3531 = arith.constant 0 : i32
      %dma_start3A_3532 = arith.constant 0 : i32
      %dma_start3A_3533 = tpu.memref_slice %arg5[%dma_start3A_3531, %dma_start3A_3532] : memref<53256x32xf32, #tpu.memory_space<vmem_shared>> -> memref<53256x32xf32, #tpu.memory_space<vmem_shared>>
      tpu.enqueue_indirect_dma source(%dma_start3A_3527 : memref<128x32xf32, #tpu.memory_space<vmem>>) target(%dma_start3A_3533 : memref<53256x32xf32, #tpu.memory_space<vmem_shared>>) offsets(%dma_start3A_3530 : memref<128xi32, #tpu.memory_space<vmem>>) semaphore(%run_scoped3A_3524 : memref<!tpu.dma_semaphore, #tpu.memory_space<semaphore_mem>>) {add = true}
      %dma_wait3A = arith.constant 0 : i32
      %dma_wait3A_3534 = arith.constant 0 : i32
      %dma_wait3A_3535 = tpu.memref_slice %arg6[%run_scoped3A_3508, %dma_wait3A, %dma_wait3A_3534] : memref<4x128x32xf32, #tpu.memory_space<vmem>> -> memref<1x128x32xf32, #tpu.memory_space<vmem>>
      %dma_wait3A_3536 = tpu.memref_squeeze %dma_wait3A_3535 : memref<1x128x32xf32, #tpu.memory_space<vmem>> -> memref<128x32xf32, #tpu.memory_space<vmem>>
      %dma_wait3A_3537 = arith.constant 0 : i32
      %dma_wait3A_3538 = tpu.memref_slice %arg8[%run_scoped3A_3509, %dma_wait3A_3537] : memref<8x128xi32, #tpu.memory_space<vmem>> -> memref<1x128xi32, #tpu.memory_space<vmem>>
      %dma_wait3A_3539 = tpu.memref_squeeze %dma_wait3A_3538 : memref<1x128xi32, #tpu.memory_space<vmem>> -> memref<128xi32, #tpu.memory_space<vmem>>
      %dma_wait3A_3540 = arith.constant 0 : i32
      %dma_wait3A_3541 = arith.constant 0 : i32
      %dma_wait3A_3542 = tpu.memref_slice %arg5[%dma_wait3A_3540, %dma_wait3A_3541] : memref<53256x32xf32, #tpu.memory_space<vmem_shared>> -> memref<53256x32xf32, #tpu.memory_space<vmem_shared>>
      tpu.wait_indirect_dma semaphore(%run_scoped3A_3524 : memref<!tpu.dma_semaphore, #tpu.memory_space<semaphore_mem>>) src(%dma_wait3A_3536 : memref<128x32xf32, #tpu.memory_space<vmem>>) dst(%dma_wait3A_3542 : memref<53256x32xf32, #tpu.memory_space<vmem_shared>>)
      tpu.yield
    }) : () -> ()
    %run_scoped3A_3510 = arith.constant 3 : i32
    %run_scoped3A_3511 = arith.constant 3 : i32
    "tpu.region"() ({
      %run_scoped3A_3524 = tpu.sem_alloc : memref<!tpu.dma_semaphore, #tpu.memory_space<semaphore_mem>>
      %dma_start3A = arith.constant 0 : i32
      %dma_start3A_3525 = arith.constant 0 : i32
      %dma_start3A_3526 = tpu.memref_slice %arg6[%run_scoped3A_3510, %dma_start3A, %dma_start3A_3525] : memref<4x128x32xf32, #tpu.memory_space<vmem>> -> memref<1x128x32xf32, #tpu.memory_space<vmem>>
      %dma_start3A_3527 = tpu.memref_squeeze %dma_start3A_3526 : memref<1x128x32xf32, #tpu.memory_space<vmem>> -> memref<128x32xf32, #tpu.memory_space<vmem>>
      %dma_start3A_3528 = arith.constant 0 : i32
      %dma_start3A_3529 = tpu.memref_slice %arg8[%run_scoped3A_3511, %dma_start3A_3528] : memref<8x128xi32, #tpu.memory_space<vmem>> -> memref<1x128xi32, #tpu.memory_space<vmem>>
      %dma_start3A_3530 = tpu.memref_squeeze %dma_start3A_3529 : memref<1x128xi32, #tpu.memory_space<vmem>> -> memref<128xi32, #tpu.memory_space<vmem>>
      %dma_start3A_3531 = arith.constant 0 : i32
      %dma_start3A_3532 = arith.constant 0 : i32
      %dma_start3A_3533 = tpu.memref_slice %arg5[%dma_start3A_3531, %dma_start3A_3532] : memref<53256x32xf32, #tpu.memory_space<vmem_shared>> -> memref<53256x32xf32, #tpu.memory_space<vmem_shared>>
      tpu.enqueue_indirect_dma source(%dma_start3A_3527 : memref<128x32xf32, #tpu.memory_space<vmem>>) target(%dma_start3A_3533 : memref<53256x32xf32, #tpu.memory_space<vmem_shared>>) offsets(%dma_start3A_3530 : memref<128xi32, #tpu.memory_space<vmem>>) semaphore(%run_scoped3A_3524 : memref<!tpu.dma_semaphore, #tpu.memory_space<semaphore_mem>>) {add = true}
      %dma_wait3A = arith.constant 0 : i32
      %dma_wait3A_3534 = arith.constant 0 : i32
      %dma_wait3A_3535 = tpu.memref_slice %arg6[%run_scoped3A_3510, %dma_wait3A, %dma_wait3A_3534] : memref<4x128x32xf32, #tpu.memory_space<vmem>> -> memref<1x128x32xf32, #tpu.memory_space<vmem>>
      %dma_wait3A_3536 = tpu.memref_squeeze %dma_wait3A_3535 : memref<1x128x32xf32, #tpu.memory_space<vmem>> -> memref<128x32xf32, #tpu.memory_space<vmem>>
      %dma_wait3A_3537 = arith.constant 0 : i32
      %dma_wait3A_3538 = tpu.memref_slice %arg8[%run_scoped3A_3511, %dma_wait3A_3537] : memref<8x128xi32, #tpu.memory_space<vmem>> -> memref<1x128xi32, #tpu.memory_space<vmem>>
      %dma_wait3A_3539 = tpu.memref_squeeze %dma_wait3A_3538 : memref<1x128xi32, #tpu.memory_space<vmem>> -> memref<128xi32, #tpu.memory_space<vmem>>
      %dma_wait3A_3540 = arith.constant 0 : i32
      %dma_wait3A_3541 = arith.constant 0 : i32
      %dma_wait3A_3542 = tpu.memref_slice %arg5[%dma_wait3A_3540, %dma_wait3A_3541] : memref<53256x32xf32, #tpu.memory_space<vmem_shared>> -> memref<53256x32xf32, #tpu.memory_space<vmem_shared>>
      tpu.wait_indirect_dma semaphore(%run_scoped3A_3524 : memref<!tpu.dma_semaphore, #tpu.memory_space<semaphore_mem>>) src(%dma_wait3A_3536 : memref<128x32xf32, #tpu.memory_space<vmem>>) dst(%dma_wait3A_3542 : memref<53256x32xf32, #tpu.memory_space<vmem_shared>>)
      tpu.yield
    }) : () -> ()
    %run_scoped3A_3512 = arith.constant 1 : i32
    "tpu.region"() ({
      %run_scoped3A_3524 = tpu.sem_alloc : memref<!tpu.dma_semaphore, #tpu.memory_space<semaphore_mem>>
      %dma_start3A = arith.constant 0 : i32
      %dma_start3A_3525 = arith.constant 0 : i32
      %dma_start3A_3526 = arith.constant 0 : i32
      %dma_start3A_3527 = tpu.memref_slice %arg2[%arg1, %run_scoped3A_3512, %dma_start3A, %dma_start3A_3525, %dma_start3A_3526] : memref<16x2x4x128x32xf32, #tpu.memory_space<hbm>> -> memref<1x1x4x128x32xf32, #tpu.memory_space<hbm>>
      %dma_start3A_3528 = tpu.memref_squeeze %dma_start3A_3527 : memref<1x1x4x128x32xf32, #tpu.memory_space<hbm>> -> memref<4x128x32xf32, #tpu.memory_space<hbm>>
      %dma_start3A_3529 = arith.constant 0 : i32
      %dma_start3A_3530 = arith.constant 0 : i32
      %dma_start3A_3531 = arith.constant 0 : i32
      %dma_start3A_3532 = tpu.memref_slice %arg2[%arg1, %run_scoped3A_3512, %dma_start3A_3529, %dma_start3A_3530, %dma_start3A_3531] : memref<16x2x4x128x32xf32, #tpu.memory_space<hbm>> -> memref<1x1x4x128x32xf32, #tpu.memory_space<hbm>>
      %dma_start3A_3533 = tpu.memref_squeeze %dma_start3A_3532 : memref<1x1x4x128x32xf32, #tpu.memory_space<hbm>> -> memref<4x128x32xf32, #tpu.memory_space<hbm>>
      tpu.enqueue_dma source(%dma_start3A_3533 : memref<4x128x32xf32, #tpu.memory_space<hbm>>) target(%arg6 : memref<4x128x32xf32, #tpu.memory_space<vmem>>) target_semaphore(%run_scoped3A_3524 : memref<!tpu.dma_semaphore, #tpu.memory_space<semaphore_mem>>)
      %dma_wait3A = arith.constant 0 : i32
      %dma_wait3A_3534 = arith.constant 0 : i32
      %dma_wait3A_3535 = arith.constant 0 : i32
      %dma_wait3A_3536 = tpu.memref_slice %arg2[%arg1, %run_scoped3A_3512, %dma_wait3A, %dma_wait3A_3534, %dma_wait3A_3535] : memref<16x2x4x128x32xf32, #tpu.memory_space<hbm>> -> memref<1x1x4x128x32xf32, #tpu.memory_space<hbm>>
      %dma_wait3A_3537 = tpu.memref_squeeze %dma_wait3A_3536 : memref<1x1x4x128x32xf32, #tpu.memory_space<hbm>> -> memref<4x128x32xf32, #tpu.memory_space<hbm>>
      %dma_wait3A_3538 = arith.constant 0 : i32
      %dma_wait3A_3539 = arith.constant 0 : i32
      %dma_wait3A_3540 = arith.constant 0 : i32
      %dma_wait3A_3541 = tpu.memref_slice %arg2[%arg1, %run_scoped3A_3512, %dma_wait3A_3538, %dma_wait3A_3539, %dma_wait3A_3540] : memref<16x2x4x128x32xf32, #tpu.memory_space<hbm>> -> memref<1x1x4x128x32xf32, #tpu.memory_space<hbm>>
      %dma_wait3A_3542 = tpu.memref_squeeze %dma_wait3A_3541 : memref<1x1x4x128x32xf32, #tpu.memory_space<hbm>> -> memref<4x128x32xf32, #tpu.memory_space<hbm>>
      tpu.wait_dma2 semaphore(%run_scoped3A_3524 : memref<!tpu.dma_semaphore, #tpu.memory_space<semaphore_mem>>) src(%dma_wait3A_3542 : memref<4x128x32xf32, #tpu.memory_space<hbm>>) dst(%arg6 : memref<4x128x32xf32, #tpu.memory_space<vmem>>)
      tpu.yield
    }) : () -> ()
    %run_scoped3A_3513 = arith.constant 0 : i32
    %run_scoped3A_3514 = arith.constant 4 : i32
    "tpu.region"() ({
      %run_scoped3A_3524 = tpu.sem_alloc : memref<!tpu.dma_semaphore, #tpu.memory_space<semaphore_mem>>
      %dma_start3A = arith.constant 0 : i32
      %dma_start3A_3525 = arith.constant 0 : i32
      %dma_start3A_3526 = tpu.memref_slice %arg6[%run_scoped3A_3513, %dma_start3A, %dma_start3A_3525] : memref<4x128x32xf32, #tpu.memory_space<vmem>> -> memref<1x128x32xf32, #tpu.memory_space<vmem>>
      %dma_start3A_3527 = tpu.memref_squeeze %dma_start3A_3526 : memref<1x128x32xf32, #tpu.memory_space<vmem>> -> memref<128x32xf32, #tpu.memory_space<vmem>>
      %dma_start3A_3528 = arith.constant 0 : i32
      %dma_start3A_3529 = tpu.memref_slice %arg8[%run_scoped3A_3514, %dma_start3A_3528] : memref<8x128xi32, #tpu.memory_space<vmem>> -> memref<1x128xi32, #tpu.memory_space<vmem>>
      %dma_start3A_3530 = tpu.memref_squeeze %dma_start3A_3529 : memref<1x128xi32, #tpu.memory_space<vmem>> -> memref<128xi32, #tpu.memory_space<vmem>>
      %dma_start3A_3531 = arith.constant 0 : i32
      %dma_start3A_3532 = arith.constant 0 : i32
      %dma_start3A_3533 = tpu.memref_slice %arg5[%dma_start3A_3531, %dma_start3A_3532] : memref<53256x32xf32, #tpu.memory_space<vmem_shared>> -> memref<53256x32xf32, #tpu.memory_space<vmem_shared>>
      tpu.enqueue_indirect_dma source(%dma_start3A_3527 : memref<128x32xf32, #tpu.memory_space<vmem>>) target(%dma_start3A_3533 : memref<53256x32xf32, #tpu.memory_space<vmem_shared>>) offsets(%dma_start3A_3530 : memref<128xi32, #tpu.memory_space<vmem>>) semaphore(%run_scoped3A_3524 : memref<!tpu.dma_semaphore, #tpu.memory_space<semaphore_mem>>) {add = true}
      %dma_wait3A = arith.constant 0 : i32
      %dma_wait3A_3534 = arith.constant 0 : i32
      %dma_wait3A_3535 = tpu.memref_slice %arg6[%run_scoped3A_3513, %dma_wait3A, %dma_wait3A_3534] : memref<4x128x32xf32, #tpu.memory_space<vmem>> -> memref<1x128x32xf32, #tpu.memory_space<vmem>>
      %dma_wait3A_3536 = tpu.memref_squeeze %dma_wait3A_3535 : memref<1x128x32xf32, #tpu.memory_space<vmem>> -> memref<128x32xf32, #tpu.memory_space<vmem>>
      %dma_wait3A_3537 = arith.constant 0 : i32
      %dma_wait3A_3538 = tpu.memref_slice %arg8[%run_scoped3A_3514, %dma_wait3A_3537] : memref<8x128xi32, #tpu.memory_space<vmem>> -> memref<1x128xi32, #tpu.memory_space<vmem>>
      %dma_wait3A_3539 = tpu.memref_squeeze %dma_wait3A_3538 : memref<1x128xi32, #tpu.memory_space<vmem>> -> memref<128xi32, #tpu.memory_space<vmem>>
      %dma_wait3A_3540 = arith.constant 0 : i32
      %dma_wait3A_3541 = arith.constant 0 : i32
      %dma_wait3A_3542 = tpu.memref_slice %arg5[%dma_wait3A_3540, %dma_wait3A_3541] : memref<53256x32xf32, #tpu.memory_space<vmem_shared>> -> memref<53256x32xf32, #tpu.memory_space<vmem_shared>>
      tpu.wait_indirect_dma semaphore(%run_scoped3A_3524 : memref<!tpu.dma_semaphore, #tpu.memory_space<semaphore_mem>>) src(%dma_wait3A_3536 : memref<128x32xf32, #tpu.memory_space<vmem>>) dst(%dma_wait3A_3542 : memref<53256x32xf32, #tpu.memory_space<vmem_shared>>)
      tpu.yield
    }) : () -> ()
    %run_scoped3A_3515 = arith.constant 1 : i32
    %run_scoped3A_3516 = arith.constant 5 : i32
    "tpu.region"() ({
      %run_scoped3A_3524 = tpu.sem_alloc : memref<!tpu.dma_semaphore, #tpu.memory_space<semaphore_mem>>
      %dma_start3A = arith.constant 0 : i32
      %dma_start3A_3525 = arith.constant 0 : i32
      %dma_start3A_3526 = tpu.memref_slice %arg6[%run_scoped3A_3515, %dma_start3A, %dma_start3A_3525] : memref<4x128x32xf32, #tpu.memory_space<vmem>> -> memref<1x128x32xf32, #tpu.memory_space<vmem>>
      %dma_start3A_3527 = tpu.memref_squeeze %dma_start3A_3526 : memref<1x128x32xf32, #tpu.memory_space<vmem>> -> memref<128x32xf32, #tpu.memory_space<vmem>>
      %dma_start3A_3528 = arith.constant 0 : i32
      %dma_start3A_3529 = tpu.memref_slice %arg8[%run_scoped3A_3516, %dma_start3A_3528] : memref<8x128xi32, #tpu.memory_space<vmem>> -> memref<1x128xi32, #tpu.memory_space<vmem>>
      %dma_start3A_3530 = tpu.memref_squeeze %dma_start3A_3529 : memref<1x128xi32, #tpu.memory_space<vmem>> -> memref<128xi32, #tpu.memory_space<vmem>>
      %dma_start3A_3531 = arith.constant 0 : i32
      %dma_start3A_3532 = arith.constant 0 : i32
      %dma_start3A_3533 = tpu.memref_slice %arg5[%dma_start3A_3531, %dma_start3A_3532] : memref<53256x32xf32, #tpu.memory_space<vmem_shared>> -> memref<53256x32xf32, #tpu.memory_space<vmem_shared>>
      tpu.enqueue_indirect_dma source(%dma_start3A_3527 : memref<128x32xf32, #tpu.memory_space<vmem>>) target(%dma_start3A_3533 : memref<53256x32xf32, #tpu.memory_space<vmem_shared>>) offsets(%dma_start3A_3530 : memref<128xi32, #tpu.memory_space<vmem>>) semaphore(%run_scoped3A_3524 : memref<!tpu.dma_semaphore, #tpu.memory_space<semaphore_mem>>) {add = true}
      %dma_wait3A = arith.constant 0 : i32
      %dma_wait3A_3534 = arith.constant 0 : i32
      %dma_wait3A_3535 = tpu.memref_slice %arg6[%run_scoped3A_3515, %dma_wait3A, %dma_wait3A_3534] : memref<4x128x32xf32, #tpu.memory_space<vmem>> -> memref<1x128x32xf32, #tpu.memory_space<vmem>>
      %dma_wait3A_3536 = tpu.memref_squeeze %dma_wait3A_3535 : memref<1x128x32xf32, #tpu.memory_space<vmem>> -> memref<128x32xf32, #tpu.memory_space<vmem>>
      %dma_wait3A_3537 = arith.constant 0 : i32
      %dma_wait3A_3538 = tpu.memref_slice %arg8[%run_scoped3A_3516, %dma_wait3A_3537] : memref<8x128xi32, #tpu.memory_space<vmem>> -> memref<1x128xi32, #tpu.memory_space<vmem>>
      %dma_wait3A_3539 = tpu.memref_squeeze %dma_wait3A_3538 : memref<1x128xi32, #tpu.memory_space<vmem>> -> memref<128xi32, #tpu.memory_space<vmem>>
      %dma_wait3A_3540 = arith.constant 0 : i32
      %dma_wait3A_3541 = arith.constant 0 : i32
      %dma_wait3A_3542 = tpu.memref_slice %arg5[%dma_wait3A_3540, %dma_wait3A_3541] : memref<53256x32xf32, #tpu.memory_space<vmem_shared>> -> memref<53256x32xf32, #tpu.memory_space<vmem_shared>>
      tpu.wait_indirect_dma semaphore(%run_scoped3A_3524 : memref<!tpu.dma_semaphore, #tpu.memory_space<semaphore_mem>>) src(%dma_wait3A_3536 : memref<128x32xf32, #tpu.memory_space<vmem>>) dst(%dma_wait3A_3542 : memref<53256x32xf32, #tpu.memory_space<vmem_shared>>)
      tpu.yield
    }) : () -> ()
    %run_scoped3A_3517 = arith.constant 2 : i32
    %run_scoped3A_3518 = arith.constant 6 : i32
    "tpu.region"() ({
      %run_scoped3A_3524 = tpu.sem_alloc : memref<!tpu.dma_semaphore, #tpu.memory_space<semaphore_mem>>
      %dma_start3A = arith.constant 0 : i32
      %dma_start3A_3525 = arith.constant 0 : i32
      %dma_start3A_3526 = tpu.memref_slice %arg6[%run_scoped3A_3517, %dma_start3A, %dma_start3A_3525] : memref<4x128x32xf32, #tpu.memory_space<vmem>> -> memref<1x128x32xf32, #tpu.memory_space<vmem>>
      %dma_start3A_3527 = tpu.memref_squeeze %dma_start3A_3526 : memref<1x128x32xf32, #tpu.memory_space<vmem>> -> memref<128x32xf32, #tpu.memory_space<vmem>>
      %dma_start3A_3528 = arith.constant 0 : i32
      %dma_start3A_3529 = tpu.memref_slice %arg8[%run_scoped3A_3518, %dma_start3A_3528] : memref<8x128xi32, #tpu.memory_space<vmem>> -> memref<1x128xi32, #tpu.memory_space<vmem>>
      %dma_start3A_3530 = tpu.memref_squeeze %dma_start3A_3529 : memref<1x128xi32, #tpu.memory_space<vmem>> -> memref<128xi32, #tpu.memory_space<vmem>>
      %dma_start3A_3531 = arith.constant 0 : i32
      %dma_start3A_3532 = arith.constant 0 : i32
      %dma_start3A_3533 = tpu.memref_slice %arg5[%dma_start3A_3531, %dma_start3A_3532] : memref<53256x32xf32, #tpu.memory_space<vmem_shared>> -> memref<53256x32xf32, #tpu.memory_space<vmem_shared>>
      tpu.enqueue_indirect_dma source(%dma_start3A_3527 : memref<128x32xf32, #tpu.memory_space<vmem>>) target(%dma_start3A_3533 : memref<53256x32xf32, #tpu.memory_space<vmem_shared>>) offsets(%dma_start3A_3530 : memref<128xi32, #tpu.memory_space<vmem>>) semaphore(%run_scoped3A_3524 : memref<!tpu.dma_semaphore, #tpu.memory_space<semaphore_mem>>) {add = true}
      %dma_wait3A = arith.constant 0 : i32
      %dma_wait3A_3534 = arith.constant 0 : i32
      %dma_wait3A_3535 = tpu.memref_slice %arg6[%run_scoped3A_3517, %dma_wait3A, %dma_wait3A_3534] : memref<4x128x32xf32, #tpu.memory_space<vmem>> -> memref<1x128x32xf32, #tpu.memory_space<vmem>>
      %dma_wait3A_3536 = tpu.memref_squeeze %dma_wait3A_3535 : memref<1x128x32xf32, #tpu.memory_space<vmem>> -> memref<128x32xf32, #tpu.memory_space<vmem>>
      %dma_wait3A_3537 = arith.constant 0 : i32
      %dma_wait3A_3538 = tpu.memref_slice %arg8[%run_scoped3A_3518, %dma_wait3A_3537] : memref<8x128xi32, #tpu.memory_space<vmem>> -> memref<1x128xi32, #tpu.memory_space<vmem>>
      %dma_wait3A_3539 = tpu.memref_squeeze %dma_wait3A_3538 : memref<1x128xi32, #tpu.memory_space<vmem>> -> memref<128xi32, #tpu.memory_space<vmem>>
      %dma_wait3A_3540 = arith.constant 0 : i32
      %dma_wait3A_3541 = arith.constant 0 : i32
      %dma_wait3A_3542 = tpu.memref_slice %arg5[%dma_wait3A_3540, %dma_wait3A_3541] : memref<53256x32xf32, #tpu.memory_space<vmem_shared>> -> memref<53256x32xf32, #tpu.memory_space<vmem_shared>>
      tpu.wait_indirect_dma semaphore(%run_scoped3A_3524 : memref<!tpu.dma_semaphore, #tpu.memory_space<semaphore_mem>>) src(%dma_wait3A_3536 : memref<128x32xf32, #tpu.memory_space<vmem>>) dst(%dma_wait3A_3542 : memref<53256x32xf32, #tpu.memory_space<vmem_shared>>)
      tpu.yield
    }) : () -> ()
    %run_scoped3A_3519 = arith.constant 3 : i32
    %run_scoped3A_3520 = arith.constant 7 : i32
    "tpu.region"() ({
      %run_scoped3A_3524 = tpu.sem_alloc : memref<!tpu.dma_semaphore, #tpu.memory_space<semaphore_mem>>
      %dma_start3A = arith.constant 0 : i32
      %dma_start3A_3525 = arith.constant 0 : i32
      %dma_start3A_3526 = tpu.memref_slice %arg6[%run_scoped3A_3519, %dma_start3A, %dma_start3A_3525] : memref<4x128x32xf32, #tpu.memory_space<vmem>> -> memref<1x128x32xf32, #tpu.memory_space<vmem>>
      %dma_start3A_3527 = tpu.memref_squeeze %dma_start3A_3526 : memref<1x128x32xf32, #tpu.memory_space<vmem>> -> memref<128x32xf32, #tpu.memory_space<vmem>>
      %dma_start3A_3528 = arith.constant 0 : i32
      %dma_start3A_3529 = tpu.memref_slice %arg8[%run_scoped3A_3520, %dma_start3A_3528] : memref<8x128xi32, #tpu.memory_space<vmem>> -> memref<1x128xi32, #tpu.memory_space<vmem>>
      %dma_start3A_3530 = tpu.memref_squeeze %dma_start3A_3529 : memref<1x128xi32, #tpu.memory_space<vmem>> -> memref<128xi32, #tpu.memory_space<vmem>>
      %dma_start3A_3531 = arith.constant 0 : i32
      %dma_start3A_3532 = arith.constant 0 : i32
      %dma_start3A_3533 = tpu.memref_slice %arg5[%dma_start3A_3531, %dma_start3A_3532] : memref<53256x32xf32, #tpu.memory_space<vmem_shared>> -> memref<53256x32xf32, #tpu.memory_space<vmem_shared>>
      tpu.enqueue_indirect_dma source(%dma_start3A_3527 : memref<128x32xf32, #tpu.memory_space<vmem>>) target(%dma_start3A_3533 : memref<53256x32xf32, #tpu.memory_space<vmem_shared>>) offsets(%dma_start3A_3530 : memref<128xi32, #tpu.memory_space<vmem>>) semaphore(%run_scoped3A_3524 : memref<!tpu.dma_semaphore, #tpu.memory_space<semaphore_mem>>) {add = true}
      %dma_wait3A = arith.constant 0 : i32
      %dma_wait3A_3534 = arith.constant 0 : i32
      %dma_wait3A_3535 = tpu.memref_slice %arg6[%run_scoped3A_3519, %dma_wait3A, %dma_wait3A_3534] : memref<4x128x32xf32, #tpu.memory_space<vmem>> -> memref<1x128x32xf32, #tpu.memory_space<vmem>>
      %dma_wait3A_3536 = tpu.memref_squeeze %dma_wait3A_3535 : memref<1x128x32xf32, #tpu.memory_space<vmem>> -> memref<128x32xf32, #tpu.memory_space<vmem>>
      %dma_wait3A_3537 = arith.constant 0 : i32
      %dma_wait3A_3538 = tpu.memref_slice %arg8[%run_scoped3A_3520, %dma_wait3A_3537] : memref<8x128xi32, #tpu.memory_space<vmem>> -> memref<1x128xi32, #tpu.memory_space<vmem>>
      %dma_wait3A_3539 = tpu.memref_squeeze %dma_wait3A_3538 : memref<1x128xi32, #tpu.memory_space<vmem>> -> memref<128xi32, #tpu.memory_space<vmem>>
      %dma_wait3A_3540 = arith.constant 0 : i32
      %dma_wait3A_3541 = arith.constant 0 : i32
      %dma_wait3A_3542 = tpu.memref_slice %arg5[%dma_wait3A_3540, %dma_wait3A_3541] : memref<53256x32xf32, #tpu.memory_space<vmem_shared>> -> memref<53256x32xf32, #tpu.memory_space<vmem_shared>>
      tpu.wait_indirect_dma semaphore(%run_scoped3A_3524 : memref<!tpu.dma_semaphore, #tpu.memory_space<semaphore_mem>>) src(%dma_wait3A_3536 : memref<128x32xf32, #tpu.memory_space<vmem>>) dst(%dma_wait3A_3542 : memref<53256x32xf32, #tpu.memory_space<vmem_shared>>)
      tpu.yield
    }) : () -> ()
    %barrier3A_3521 = arith.constant 0 : index
    tpu.barrier barrier_id(%barrier3A_3521)
    %mul3A_3522 = arith.constant 3328 : i32
    %mul3A_3523 = arith.muli %arg1, %mul3A_3522 : i32
    "tpu.region"() ({
      %run_scoped3A_3524 = tpu.sem_alloc : memref<!tpu.dma_semaphore, #tpu.memory_space<semaphore_mem>>
      %dma_start3A = arith.constant 0 : i32
      %dma_start3A_3525 = tpu.memref_slice %arg4[%add3A, %dma_start3A] : memref<106496x32xf32, #tpu.memory_space<hbm>> -> memref<3328x32xf32, #tpu.memory_space<hbm>>
      %dma_start3A_3526 = arith.constant 0 : i32
      %dma_start3A_3527 = tpu.memref_slice %arg5[%mul3A_3523, %dma_start3A_3526] : memref<53256x32xf32, #tpu.memory_space<vmem_shared>> -> memref<3328x32xf32, #tpu.memory_space<vmem_shared>>
      tpu.enqueue_dma source(%dma_start3A_3527 : memref<3328x32xf32, #tpu.memory_space<vmem_shared>>) target(%dma_start3A_3525 : memref<3328x32xf32, #tpu.memory_space<hbm>>) target_semaphore(%run_scoped3A_3524 : memref<!tpu.dma_semaphore, #tpu.memory_space<semaphore_mem>>)
      %dma_wait3A = arith.constant 0 : i32
      %dma_wait3A_3528 = tpu.memref_slice %arg4[%add3A, %dma_wait3A] : memref<106496x32xf32, #tpu.memory_space<hbm>> -> memref<3328x32xf32, #tpu.memory_space<hbm>>
      %dma_wait3A_3529 = arith.constant 0 : i32
      %dma_wait3A_3530 = tpu.memref_slice %arg5[%mul3A_3523, %dma_wait3A_3529] : memref<53256x32xf32, #tpu.memory_space<vmem_shared>> -> memref<3328x32xf32, #tpu.memory_space<vmem_shared>>
      tpu.wait_dma2 semaphore(%run_scoped3A_3524 : memref<!tpu.dma_semaphore, #tpu.memory_space<semaphore_mem>>) src(%dma_wait3A_3530 : memref<3328x32xf32, #tpu.memory_space<vmem_shared>>) dst(%dma_wait3A_3528 : memref<3328x32xf32, #tpu.memory_space<hbm>>)
      tpu.yield
    }) : () -> ()
    return
  }
}

module attributes {stable_mosaic.version = 14 : i64} {
  func.func @_clip_body(%arg0: i32, %arg1: memref<32x8192xf32, #tpu.memory_space<vmem>>, %arg2: memref<2048x128xf32, #tpu.memory_space<vmem>>) attributes {dimension_semantics = [#tpu.dimension_semantics<arbitrary>], iteration_bounds = array<i64: 2>, scalar_prefetch = 0 : i64, scratch_operands = 0 : i64, tpu.core_type = #tpu.core_type<tc>, window_params = [{transform_indices = @transform_0, window_bounds = array<i64: 32, 8192>}, {transform_indices = @transform_1, window_bounds = array<i64: 2048, 128>}]} {
    %get3A = arith.constant 0 : index
    %get3A_0 = arith.constant 0 : index
    %get3A_1 = vector.load %arg1[%get3A, %get3A_0] : memref<32x8192xf32, #tpu.memory_space<vmem>>, vector<32x8192xf32>
    %mul3A = arith.mulf %get3A_1, %get3A_1 : vector<32x8192xf32>
    %reduce_sum3A = arith.constant dense<0.000000e+00> : vector<8192xf32>
    %reduce_sum3A_2 = vector.multi_reduction <add>, %mul3A, %reduce_sum3A [0] : vector<32x8192xf32> to vector<8192xf32>
    %broadcast_in_dim3A = vector.shape_cast %reduce_sum3A_2 : vector<8192xf32> to vector<1x8192xf32>
    %sqrt3A = math.sqrt %broadcast_in_dim3A : vector<1x8192xf32>
    %gt3A = arith.constant 1.000000e+00 : f32
    %gt3A_3 = vector.broadcast %gt3A : f32 to vector<1x8192xf32>
    %gt3A_4 = arith.cmpf ogt, %sqrt3A, %gt3A_3 : vector<1x8192xf32>
    %max3A = arith.constant 9.99999996E-13 : f32
    %max3A_5 = vector.broadcast %max3A : f32 to vector<1x8192xf32>
    %max3A_6 = arith.maximumf %sqrt3A, %max3A_5 : vector<1x8192xf32>
    %div3A = arith.constant 1.000000e+00 : f32
    %div3A_7 = vector.broadcast %div3A : f32 to vector<1x8192xf32>
    %div3A_8 = arith.divf %div3A_7, %max3A_6 : vector<1x8192xf32>
    %jit3A = arith.constant 1.000000e+00 : f32
    %broadcast_in_dim3A_9 = vector.broadcast %jit3A : f32 to vector<1x8192xf32>
    %select_n3A = arith.select %gt3A_4, %div3A_8, %broadcast_in_dim3A_9 : vector<1x8192xi1>, vector<1x8192xf32>
    %mul3A_10 = vector.broadcast %select_n3A : vector<1x8192xf32> to vector<32x8192xf32>
    %mul3A_11 = arith.mulf %get3A_1, %mul3A_10 : vector<32x8192xf32>
    %transpose3A = tpu.transpose %mul3A_11, [1, 0] : vector<32x8192xf32> -> vector<8192x32xf32>
    %slice3A = vector.extract_strided_slice %transpose3A {offsets = [0, 0], sizes = [2048, 32], strides = [1, 1]} : vector<8192x32xf32> to vector<2048x32xf32>
    %slice3A_12 = vector.extract_strided_slice %transpose3A {offsets = [2048, 0], sizes = [2048, 32], strides = [1, 1]} : vector<8192x32xf32> to vector<2048x32xf32>
    %slice3A_13 = vector.extract_strided_slice %transpose3A {offsets = [4096, 0], sizes = [2048, 32], strides = [1, 1]} : vector<8192x32xf32> to vector<2048x32xf32>
    %slice3A_14 = vector.extract_strided_slice %transpose3A {offsets = [6144, 0], sizes = [2048, 32], strides = [1, 1]} : vector<8192x32xf32> to vector<2048x32xf32>
    %concatenate3A = tpu.concatenate %slice3A, %slice3A_12, %slice3A_13, %slice3A_14 in 1 : vector<2048x32xf32>, vector<2048x32xf32>, vector<2048x32xf32>, vector<2048x32xf32> -> vector<2048x128xf32>
    %swap3A = arith.constant 0 : index
    %swap3A_15 = arith.constant 0 : index
    %swap3A_16 = vector.load %arg2[%swap3A, %swap3A_15] : memref<2048x128xf32, #tpu.memory_space<vmem>>, vector<2048x128xf32>
    tpu.vector_store %arg2[%swap3A, %swap3A_15], %concatenate3A {strides = array<i32>} : memref<2048x128xf32, #tpu.memory_space<vmem>>, vector<2048x128xf32>,
    return
  }
  func.func @transform_0(%arg0: i32) -> (i32, i32) {
    %c0_i32 = arith.constant 0 : i32
    %c0_i32_0 = arith.constant 0 : i32
    return %c0_i32, %arg0 : i32, i32
  }
  func.func @transform_1(%arg0: i32) -> (i32, i32) {
    %c0_i32 = arith.constant 0 : i32
    %c0_i32_0 = arith.constant 0 : i32
    return %arg0, %c0_i32 : i32, i32
  }
}

module attributes {stable_mosaic.version = 14 : i64} {
  func.func @_m1_body(%arg0: i32, %arg1: memref<2048x128xf32, #tpu.memory_space<vmem>>, %arg2: memref<32x8192xf32, #tpu.memory_space<vmem>>, %arg3: memref<1x1xf32, #tpu.memory_space<vmem>>, %arg4: memref<1x1xf32, #tpu.memory_space<vmem>>, %arg5: memref<13x8192xf32, #tpu.memory_space<vmem>>) attributes {dimension_semantics = [#tpu.dimension_semantics<arbitrary>], iteration_bounds = array<i64: 14>, scalar_prefetch = 0 : i64, scratch_operands = 1 : i64, tpu.core_type = #tpu.core_type<tc>, window_params = [{transform_indices = @transform_0, window_bounds = array<i64: 2048, 128>}, {transform_indices = @transform_1, window_bounds = array<i64: 32, 8192>}, {pipeline_mode = #tpu.pipeline_mode<synchronous>, transform_indices = @transform_2, window_bounds = array<i64: 1, 1>}, {pipeline_mode = #tpu.pipeline_mode<synchronous>, transform_indices = @transform_3, window_bounds = array<i64: 1, 1>}]} {
    %lt3A = arith.constant 13 : i32
    %lt3A_0 = arith.cmpi slt, %arg0, %lt3A : i32
    %convert_element_type3A = arith.extui %lt3A_0 : i1 to i32
    %cond3A = arith.constant 0 : i32
    %cond3A_1 = arith.cmpi ne, %convert_element_type3A, %cond3A : i32
    scf.if %cond3A_1 {
      %get3A = arith.constant 0 : index
      %get3A_6 = arith.constant 0 : index
      %get3A_7 = vector.load %arg1[%get3A, %get3A_6] : memref<2048x128xf32, #tpu.memory_space<vmem>>, vector<2048x128xf32>
      %slice3A = vector.extract_strided_slice %get3A_7 {offsets = [0, 0], sizes = [2048, 32], strides = [1, 1]} : vector<2048x128xf32> to vector<2048x32xf32>
      %slice3A_8 = vector.extract_strided_slice %get3A_7 {offsets = [0, 32], sizes = [2048, 32], strides = [1, 1]} : vector<2048x128xf32> to vector<2048x32xf32>
      %slice3A_9 = vector.extract_strided_slice %get3A_7 {offsets = [0, 64], sizes = [2048, 32], strides = [1, 1]} : vector<2048x128xf32> to vector<2048x32xf32>
      %slice3A_10 = vector.extract_strided_slice %get3A_7 {offsets = [0, 96], sizes = [2048, 32], strides = [1, 1]} : vector<2048x128xf32> to vector<2048x32xf32>
      %concatenate3A = tpu.concatenate %slice3A, %slice3A_8, %slice3A_9, %slice3A_10 in 0 : vector<2048x32xf32>, vector<2048x32xf32>, vector<2048x32xf32>, vector<2048x32xf32> -> vector<8192x32xf32>
      %transpose3A = tpu.transpose %concatenate3A, [1, 0] : vector<8192x32xf32> -> vector<32x8192xf32>
      %get3A_11 = arith.constant 0 : index
      %get3A_12 = arith.constant 0 : index
      %get3A_13 = vector.load %arg2[%get3A_11, %get3A_12] : memref<32x8192xf32, #tpu.memory_space<vmem>>, vector<32x8192xf32>
      %add3A = arith.addf %transpose3A, %get3A_13 : vector<32x8192xf32>
      %mul3A = arith.mulf %add3A, %add3A : vector<32x8192xf32>
      %reduce_sum3A = arith.constant dense<0.000000e+00> : vector<8192xf32>
      %reduce_sum3A_14 = vector.multi_reduction <add>, %mul3A, %reduce_sum3A [0] : vector<32x8192xf32> to vector<8192xf32>
      %broadcast_in_dim3A = vector.shape_cast %reduce_sum3A_14 : vector<8192xf32> to vector<1x8192xf32>
      %mul3A_15 = arith.constant 8192 : i32
      %mul3A_16 = arith.muli %arg0, %mul3A_15 : i32
      %iota3A = tpu.iota {dimensions = array<i32: 1>} : vector<1x8192xi32>
      %add3A_17 = vector.broadcast %mul3A_16 : i32 to vector<1x8192xi32>
      %add3A_18 = arith.addi %add3A_17, %iota3A : vector<1x8192xi32>
      %lt3A_19 = arith.constant 100000 : i32
      %lt3A_20 = vector.broadcast %lt3A_19 : i32 to vector<1x8192xi32>
      %lt3A_21 = arith.cmpi slt, %add3A_18, %lt3A_20 : vector<1x8192xi32>
      %jit3A = arith.constant 0.000000e+00 : f32
      %broadcast_in_dim3A_22 = vector.broadcast %jit3A : f32 to vector<1x8192xf32>
      %select_n3A = arith.select %lt3A_21, %broadcast_in_dim3A, %broadcast_in_dim3A_22 : vector<1x8192xi1>, vector<1x8192xf32>
      %swap3A = arith.index_cast %arg0 : i32 to index
      %swap3A_23 = arith.constant 0 : index
      %swap3A_24 = vector.load %arg5[%swap3A, %swap3A_23] : memref<13x8192xf32, #tpu.memory_space<vmem>>, vector<1x8192xf32>
      tpu.vector_store %arg5[%swap3A, %swap3A_23], %select_n3A {strides = array<i32>} : memref<13x8192xf32, #tpu.memory_space<vmem>>, vector<1x8192xf32>,
    } else {
    }
    %eq3A = arith.constant 13 : i32
    %eq3A_2 = arith.cmpi eq, %arg0, %eq3A : i32
    %convert_element_type3A_3 = arith.extui %eq3A_2 : i1 to i32
    %cond3A_4 = arith.constant 0 : i32
    %cond3A_5 = arith.cmpi ne, %convert_element_type3A_3, %cond3A_4 : i32
    scf.if %cond3A_5 {
      %get3A = arith.constant 0 : index
      %get3A_6 = arith.constant 0 : index
      %get3A_7 = vector.load %arg5[%get3A, %get3A_6] : memref<13x8192xf32, #tpu.memory_space<vmem>>, vector<13x8192xf32>
      %bitcast_convert_type3A = tpu.bitcast %get3A_7 : vector<13x8192xf32> -> vector<13x8192xi32>
      %scan3A = arith.constant 0 : i32
      %scan3A_8 = arith.constant 0 : i32
      %scan3A_9 = arith.constant 8 : i32
      %scan3A_10 = arith.addi %scan3A_8, %scan3A_9 : i32
      %scan3A_11 = arith.constant 1 : i32
      %scan3A_12 = scf.for %scan3A_28 = %scan3A_8 to %scan3A_10 step %scan3A_11 iter_args(%scan3A_29 = %scan3A) -> (i32)  : i32 {
        %mul3A = arith.constant 4 : i32
        %mul3A_30 = arith.muli %mul3A, %scan3A_28 : i32
        %sub3A = arith.constant 28 : i32
        %sub3A_31 = arith.subi %sub3A, %mul3A_30 : i32
        %shift_left3A = arith.constant 1 : i32
        %shift_left3A_32 = arith.shli %shift_left3A, %sub3A_31 : i32
        %or3A = arith.ori %scan3A_29, %shift_left3A_32 : i32
        %gt3A = arith.constant 0 : i32
        %gt3A_33 = arith.cmpi sgt, %or3A, %gt3A : i32
        %ge3A_34 = vector.broadcast %or3A : i32 to vector<13x8192xi32>
        %ge3A_35 = arith.cmpi sge, %bitcast_convert_type3A, %ge3A_34 : vector<13x8192xi32>
        %convert_element_type3A_36 = arith.extui %ge3A_35 : vector<13x8192xi1> to vector<13x8192xi32>
        %reduce_sum3A_37 = vector.shape_cast %convert_element_type3A_36 : vector<13x8192xi32> to vector<1x13x8192xi32>
        %reduce_sum3A_38 = arith.constant dense<0> : vector<1xi32>
        %reduce_sum3A_39 = vector.multi_reduction <add>, %reduce_sum3A_37, %reduce_sum3A_38 [1, 2] : vector<1x13x8192xi32> to vector<1xi32>
        %reduce_sum3A_40 = vector.shape_cast %reduce_sum3A_39 : vector<1xi32> to vector<1x1x1xi32>
        %reduce_sum3A_41 = vector.extract %reduce_sum3A_40[0, 0, 0] : i32 from vector<1x1x1xi32>
        %ge3A_42 = arith.constant 1000 : i32
        %ge3A_43 = arith.cmpi sge, %reduce_sum3A_41, %ge3A_42 : i32
        %and3A = arith.andi %gt3A_33, %ge3A_43 : i1
        %convert_element_type3A_44 = arith.extui %and3A : i1 to i32
        %add3A = arith.constant 0 : i32
        %add3A_45 = arith.addi %add3A, %convert_element_type3A_44 : i32
        %shift_left3A_46 = arith.constant 2 : i32
        %shift_left3A_47 = arith.shli %shift_left3A_46, %sub3A_31 : i32
        %or3A_48 = arith.ori %scan3A_29, %shift_left3A_47 : i32
        %gt3A_49 = arith.constant 0 : i32
        %gt3A_50 = arith.cmpi sgt, %or3A_48, %gt3A_49 : i32
        %ge3A_51 = vector.broadcast %or3A_48 : i32 to vector<13x8192xi32>
        %ge3A_52 = arith.cmpi sge, %bitcast_convert_type3A, %ge3A_51 : vector<13x8192xi32>
        %convert_element_type3A_53 = arith.extui %ge3A_52 : vector<13x8192xi1> to vector<13x8192xi32>
        %reduce_sum3A_54 = vector.shape_cast %convert_element_type3A_53 : vector<13x8192xi32> to vector<1x13x8192xi32>
        %reduce_sum3A_55 = arith.constant dense<0> : vector<1xi32>
        %reduce_sum3A_56 = vector.multi_reduction <add>, %reduce_sum3A_54, %reduce_sum3A_55 [1, 2] : vector<1x13x8192xi32> to vector<1xi32>
        %reduce_sum3A_57 = vector.shape_cast %reduce_sum3A_56 : vector<1xi32> to vector<1x1x1xi32>
        %reduce_sum3A_58 = vector.extract %reduce_sum3A_57[0, 0, 0] : i32 from vector<1x1x1xi32>
        %ge3A_59 = arith.constant 1000 : i32
        %ge3A_60 = arith.cmpi sge, %reduce_sum3A_58, %ge3A_59 : i32
        %and3A_61 = arith.andi %gt3A_50, %ge3A_60 : i1
        %convert_element_type3A_62 = arith.extui %and3A_61 : i1 to i32
        %add3A_63 = arith.addi %add3A_45, %convert_element_type3A_62 : i32
        %shift_left3A_64 = arith.constant 3 : i32
        %shift_left3A_65 = arith.shli %shift_left3A_64, %sub3A_31 : i32
        %or3A_66 = arith.ori %scan3A_29, %shift_left3A_65 : i32
        %gt3A_67 = arith.constant 0 : i32
        %gt3A_68 = arith.cmpi sgt, %or3A_66, %gt3A_67 : i32
        %ge3A_69 = vector.broadcast %or3A_66 : i32 to vector<13x8192xi32>
        %ge3A_70 = arith.cmpi sge, %bitcast_convert_type3A, %ge3A_69 : vector<13x8192xi32>
        %convert_element_type3A_71 = arith.extui %ge3A_70 : vector<13x8192xi1> to vector<13x8192xi32>
        %reduce_sum3A_72 = vector.shape_cast %convert_element_type3A_71 : vector<13x8192xi32> to vector<1x13x8192xi32>
        %reduce_sum3A_73 = arith.constant dense<0> : vector<1xi32>
        %reduce_sum3A_74 = vector.multi_reduction <add>, %reduce_sum3A_72, %reduce_sum3A_73 [1, 2] : vector<1x13x8192xi32> to vector<1xi32>
        %reduce_sum3A_75 = vector.shape_cast %reduce_sum3A_74 : vector<1xi32> to vector<1x1x1xi32>
        %reduce_sum3A_76 = vector.extract %reduce_sum3A_75[0, 0, 0] : i32 from vector<1x1x1xi32>
        %ge3A_77 = arith.constant 1000 : i32
        %ge3A_78 = arith.cmpi sge, %reduce_sum3A_76, %ge3A_77 : i32
        %and3A_79 = arith.andi %gt3A_68, %ge3A_78 : i1
        %convert_element_type3A_80 = arith.extui %and3A_79 : i1 to i32
        %add3A_81 = arith.addi %add3A_63, %convert_element_type3A_80 : i32
        %shift_left3A_82 = arith.constant 4 : i32
        %shift_left3A_83 = arith.shli %shift_left3A_82, %sub3A_31 : i32
        %or3A_84 = arith.ori %scan3A_29, %shift_left3A_83 : i32
        %gt3A_85 = arith.constant 0 : i32
        %gt3A_86 = arith.cmpi sgt, %or3A_84, %gt3A_85 : i32
        %ge3A_87 = vector.broadcast %or3A_84 : i32 to vector<13x8192xi32>
        %ge3A_88 = arith.cmpi sge, %bitcast_convert_type3A, %ge3A_87 : vector<13x8192xi32>
        %convert_element_type3A_89 = arith.extui %ge3A_88 : vector<13x8192xi1> to vector<13x8192xi32>
        %reduce_sum3A_90 = vector.shape_cast %convert_element_type3A_89 : vector<13x8192xi32> to vector<1x13x8192xi32>
        %reduce_sum3A_91 = arith.constant dense<0> : vector<1xi32>
        %reduce_sum3A_92 = vector.multi_reduction <add>, %reduce_sum3A_90, %reduce_sum3A_91 [1, 2] : vector<1x13x8192xi32> to vector<1xi32>
        %reduce_sum3A_93 = vector.shape_cast %reduce_sum3A_92 : vector<1xi32> to vector<1x1x1xi32>
        %reduce_sum3A_94 = vector.extract %reduce_sum3A_93[0, 0, 0] : i32 from vector<1x1x1xi32>
        %ge3A_95 = arith.constant 1000 : i32
        %ge3A_96 = arith.cmpi sge, %reduce_sum3A_94, %ge3A_95 : i32
        %and3A_97 = arith.andi %gt3A_86, %ge3A_96 : i1
        %convert_element_type3A_98 = arith.extui %and3A_97 : i1 to i32
        %add3A_99 = arith.addi %add3A_81, %convert_element_type3A_98 : i32
        %shift_left3A_100 = arith.constant 5 : i32
        %shift_left3A_101 = arith.shli %shift_left3A_100, %sub3A_31 : i32
        %or3A_102 = arith.ori %scan3A_29, %shift_left3A_101 : i32
        %gt3A_103 = arith.constant 0 : i32
        %gt3A_104 = arith.cmpi sgt, %or3A_102, %gt3A_103 : i32
        %ge3A_105 = vector.broadcast %or3A_102 : i32 to vector<13x8192xi32>
        %ge3A_106 = arith.cmpi sge, %bitcast_convert_type3A, %ge3A_105 : vector<13x8192xi32>
        %convert_element_type3A_107 = arith.extui %ge3A_106 : vector<13x8192xi1> to vector<13x8192xi32>
        %reduce_sum3A_108 = vector.shape_cast %convert_element_type3A_107 : vector<13x8192xi32> to vector<1x13x8192xi32>
        %reduce_sum3A_109 = arith.constant dense<0> : vector<1xi32>
        %reduce_sum3A_110 = vector.multi_reduction <add>, %reduce_sum3A_108, %reduce_sum3A_109 [1, 2] : vector<1x13x8192xi32> to vector<1xi32>
        %reduce_sum3A_111 = vector.shape_cast %reduce_sum3A_110 : vector<1xi32> to vector<1x1x1xi32>
        %reduce_sum3A_112 = vector.extract %reduce_sum3A_111[0, 0, 0] : i32 from vector<1x1x1xi32>
        %ge3A_113 = arith.constant 1000 : i32
        %ge3A_114 = arith.cmpi sge, %reduce_sum3A_112, %ge3A_113 : i32
        %and3A_115 = arith.andi %gt3A_104, %ge3A_114 : i1
        %convert_element_type3A_116 = arith.extui %and3A_115 : i1 to i32
        %add3A_117 = arith.addi %add3A_99, %convert_element_type3A_116 : i32
        %shift_left3A_118 = arith.constant 6 : i32
        %shift_left3A_119 = arith.shli %shift_left3A_118, %sub3A_31 : i32
        %or3A_120 = arith.ori %scan3A_29, %shift_left3A_119 : i32
        %gt3A_121 = arith.constant 0 : i32
        %gt3A_122 = arith.cmpi sgt, %or3A_120, %gt3A_121 : i32
        %ge3A_123 = vector.broadcast %or3A_120 : i32 to vector<13x8192xi32>
        %ge3A_124 = arith.cmpi sge, %bitcast_convert_type3A, %ge3A_123 : vector<13x8192xi32>
        %convert_element_type3A_125 = arith.extui %ge3A_124 : vector<13x8192xi1> to vector<13x8192xi32>
        %reduce_sum3A_126 = vector.shape_cast %convert_element_type3A_125 : vector<13x8192xi32> to vector<1x13x8192xi32>
        %reduce_sum3A_127 = arith.constant dense<0> : vector<1xi32>
        %reduce_sum3A_128 = vector.multi_reduction <add>, %reduce_sum3A_126, %reduce_sum3A_127 [1, 2] : vector<1x13x8192xi32> to vector<1xi32>
        %reduce_sum3A_129 = vector.shape_cast %reduce_sum3A_128 : vector<1xi32> to vector<1x1x1xi32>
        %reduce_sum3A_130 = vector.extract %reduce_sum3A_129[0, 0, 0] : i32 from vector<1x1x1xi32>
        %ge3A_131 = arith.constant 1000 : i32
        %ge3A_132 = arith.cmpi sge, %reduce_sum3A_130, %ge3A_131 : i32
        %and3A_133 = arith.andi %gt3A_122, %ge3A_132 : i1
        %convert_element_type3A_134 = arith.extui %and3A_133 : i1 to i32
        %add3A_135 = arith.addi %add3A_117, %convert_element_type3A_134 : i32
        %shift_left3A_136 = arith.constant 7 : i32
        %shift_left3A_137 = arith.shli %shift_left3A_136, %sub3A_31 : i32
        %or3A_138 = arith.ori %scan3A_29, %shift_left3A_137 : i32
        %gt3A_139 = arith.constant 0 : i32
        %gt3A_140 = arith.cmpi sgt, %or3A_138, %gt3A_139 : i32
        %ge3A_141 = vector.broadcast %or3A_138 : i32 to vector<13x8192xi32>
        %ge3A_142 = arith.cmpi sge, %bitcast_convert_type3A, %ge3A_141 : vector<13x8192xi32>
        %convert_element_type3A_143 = arith.extui %ge3A_142 : vector<13x8192xi1> to vector<13x8192xi32>
        %reduce_sum3A_144 = vector.shape_cast %convert_element_type3A_143 : vector<13x8192xi32> to vector<1x13x8192xi32>
        %reduce_sum3A_145 = arith.constant dense<0> : vector<1xi32>
        %reduce_sum3A_146 = vector.multi_reduction <add>, %reduce_sum3A_144, %reduce_sum3A_145 [1, 2] : vector<1x13x8192xi32> to vector<1xi32>
        %reduce_sum3A_147 = vector.shape_cast %reduce_sum3A_146 : vector<1xi32> to vector<1x1x1xi32>
        %reduce_sum3A_148 = vector.extract %reduce_sum3A_147[0, 0, 0] : i32 from vector<1x1x1xi32>
        %ge3A_149 = arith.constant 1000 : i32
        %ge3A_150 = arith.cmpi sge, %reduce_sum3A_148, %ge3A_149 : i32
        %and3A_151 = arith.andi %gt3A_140, %ge3A_150 : i1
        %convert_element_type3A_152 = arith.extui %and3A_151 : i1 to i32
        %add3A_153 = arith.addi %add3A_135, %convert_element_type3A_152 : i32
        %shift_left3A_154 = arith.constant 8 : i32
        %shift_left3A_155 = arith.shli %shift_left3A_154, %sub3A_31 : i32
        %or3A_156 = arith.ori %scan3A_29, %shift_left3A_155 : i32
        %gt3A_157 = arith.constant 0 : i32
        %gt3A_158 = arith.cmpi sgt, %or3A_156, %gt3A_157 : i32
        %ge3A_159 = vector.broadcast %or3A_156 : i32 to vector<13x8192xi32>
        %ge3A_160 = arith.cmpi sge, %bitcast_convert_type3A, %ge3A_159 : vector<13x8192xi32>
        %convert_element_type3A_161 = arith.extui %ge3A_160 : vector<13x8192xi1> to vector<13x8192xi32>
        %reduce_sum3A_162 = vector.shape_cast %convert_element_type3A_161 : vector<13x8192xi32> to vector<1x13x8192xi32>
        %reduce_sum3A_163 = arith.constant dense<0> : vector<1xi32>
        %reduce_sum3A_164 = vector.multi_reduction <add>, %reduce_sum3A_162, %reduce_sum3A_163 [1, 2] : vector<1x13x8192xi32> to vector<1xi32>
        %reduce_sum3A_165 = vector.shape_cast %reduce_sum3A_164 : vector<1xi32> to vector<1x1x1xi32>
        %reduce_sum3A_166 = vector.extract %reduce_sum3A_165[0, 0, 0] : i32 from vector<1x1x1xi32>
        %ge3A_167 = arith.constant 1000 : i32
        %ge3A_168 = arith.cmpi sge, %reduce_sum3A_166, %ge3A_167 : i32
        %and3A_169 = arith.andi %gt3A_158, %ge3A_168 : i1
        %convert_element_type3A_170 = arith.extui %and3A_169 : i1 to i32
        %add3A_171 = arith.addi %add3A_153, %convert_element_type3A_170 : i32
        %shift_left3A_172 = arith.constant 9 : i32
        %shift_left3A_173 = arith.shli %shift_left3A_172, %sub3A_31 : i32
        %or3A_174 = arith.ori %scan3A_29, %shift_left3A_173 : i32
        %gt3A_175 = arith.constant 0 : i32
        %gt3A_176 = arith.cmpi sgt, %or3A_174, %gt3A_175 : i32
        %ge3A_177 = vector.broadcast %or3A_174 : i32 to vector<13x8192xi32>
        %ge3A_178 = arith.cmpi sge, %bitcast_convert_type3A, %ge3A_177 : vector<13x8192xi32>
        %convert_element_type3A_179 = arith.extui %ge3A_178 : vector<13x8192xi1> to vector<13x8192xi32>
        %reduce_sum3A_180 = vector.shape_cast %convert_element_type3A_179 : vector<13x8192xi32> to vector<1x13x8192xi32>
        %reduce_sum3A_181 = arith.constant dense<0> : vector<1xi32>
        %reduce_sum3A_182 = vector.multi_reduction <add>, %reduce_sum3A_180, %reduce_sum3A_181 [1, 2] : vector<1x13x8192xi32> to vector<1xi32>
        %reduce_sum3A_183 = vector.shape_cast %reduce_sum3A_182 : vector<1xi32> to vector<1x1x1xi32>
        %reduce_sum3A_184 = vector.extract %reduce_sum3A_183[0, 0, 0] : i32 from vector<1x1x1xi32>
        %ge3A_185 = arith.constant 1000 : i32
        %ge3A_186 = arith.cmpi sge, %reduce_sum3A_184, %ge3A_185 : i32
        %and3A_187 = arith.andi %gt3A_176, %ge3A_186 : i1
        %convert_element_type3A_188 = arith.extui %and3A_187 : i1 to i32
        %add3A_189 = arith.addi %add3A_171, %convert_element_type3A_188 : i32
        %shift_left3A_190 = arith.constant 10 : i32
        %shift_left3A_191 = arith.shli %shift_left3A_190, %sub3A_31 : i32
        %or3A_192 = arith.ori %scan3A_29, %shift_left3A_191 : i32
        %gt3A_193 = arith.constant 0 : i32
        %gt3A_194 = arith.cmpi sgt, %or3A_192, %gt3A_193 : i32
        %ge3A_195 = vector.broadcast %or3A_192 : i32 to vector<13x8192xi32>
        %ge3A_196 = arith.cmpi sge, %bitcast_convert_type3A, %ge3A_195 : vector<13x8192xi32>
        %convert_element_type3A_197 = arith.extui %ge3A_196 : vector<13x8192xi1> to vector<13x8192xi32>
        %reduce_sum3A_198 = vector.shape_cast %convert_element_type3A_197 : vector<13x8192xi32> to vector<1x13x8192xi32>
        %reduce_sum3A_199 = arith.constant dense<0> : vector<1xi32>
        %reduce_sum3A_200 = vector.multi_reduction <add>, %reduce_sum3A_198, %reduce_sum3A_199 [1, 2] : vector<1x13x8192xi32> to vector<1xi32>
        %reduce_sum3A_201 = vector.shape_cast %reduce_sum3A_200 : vector<1xi32> to vector<1x1x1xi32>
        %reduce_sum3A_202 = vector.extract %reduce_sum3A_201[0, 0, 0] : i32 from vector<1x1x1xi32>
        %ge3A_203 = arith.constant 1000 : i32
        %ge3A_204 = arith.cmpi sge, %reduce_sum3A_202, %ge3A_203 : i32
        %and3A_205 = arith.andi %gt3A_194, %ge3A_204 : i1
        %convert_element_type3A_206 = arith.extui %and3A_205 : i1 to i32
        %add3A_207 = arith.addi %add3A_189, %convert_element_type3A_206 : i32
        %shift_left3A_208 = arith.constant 11 : i32
        %shift_left3A_209 = arith.shli %shift_left3A_208, %sub3A_31 : i32
        %or3A_210 = arith.ori %scan3A_29, %shift_left3A_209 : i32
        %gt3A_211 = arith.constant 0 : i32
        %gt3A_212 = arith.cmpi sgt, %or3A_210, %gt3A_211 : i32
        %ge3A_213 = vector.broadcast %or3A_210 : i32 to vector<13x8192xi32>
        %ge3A_214 = arith.cmpi sge, %bitcast_convert_type3A, %ge3A_213 : vector<13x8192xi32>
        %convert_element_type3A_215 = arith.extui %ge3A_214 : vector<13x8192xi1> to vector<13x8192xi32>
        %reduce_sum3A_216 = vector.shape_cast %convert_element_type3A_215 : vector<13x8192xi32> to vector<1x13x8192xi32>
        %reduce_sum3A_217 = arith.constant dense<0> : vector<1xi32>
        %reduce_sum3A_218 = vector.multi_reduction <add>, %reduce_sum3A_216, %reduce_sum3A_217 [1, 2] : vector<1x13x8192xi32> to vector<1xi32>
        %reduce_sum3A_219 = vector.shape_cast %reduce_sum3A_218 : vector<1xi32> to vector<1x1x1xi32>
        %reduce_sum3A_220 = vector.extract %reduce_sum3A_219[0, 0, 0] : i32 from vector<1x1x1xi32>
        %ge3A_221 = arith.constant 1000 : i32
        %ge3A_222 = arith.cmpi sge, %reduce_sum3A_220, %ge3A_221 : i32
        %and3A_223 = arith.andi %gt3A_212, %ge3A_222 : i1
        %convert_element_type3A_224 = arith.extui %and3A_223 : i1 to i32
        %add3A_225 = arith.addi %add3A_207, %convert_element_type3A_224 : i32
        %shift_left3A_226 = arith.constant 12 : i32
        %shift_left3A_227 = arith.shli %shift_left3A_226, %sub3A_31 : i32
        %or3A_228 = arith.ori %scan3A_29, %shift_left3A_227 : i32
        %gt3A_229 = arith.constant 0 : i32
        %gt3A_230 = arith.cmpi sgt, %or3A_228, %gt3A_229 : i32
        %ge3A_231 = vector.broadcast %or3A_228 : i32 to vector<13x8192xi32>
        %ge3A_232 = arith.cmpi sge, %bitcast_convert_type3A, %ge3A_231 : vector<13x8192xi32>
        %convert_element_type3A_233 = arith.extui %ge3A_232 : vector<13x8192xi1> to vector<13x8192xi32>
        %reduce_sum3A_234 = vector.shape_cast %convert_element_type3A_233 : vector<13x8192xi32> to vector<1x13x8192xi32>
        %reduce_sum3A_235 = arith.constant dense<0> : vector<1xi32>
        %reduce_sum3A_236 = vector.multi_reduction <add>, %reduce_sum3A_234, %reduce_sum3A_235 [1, 2] : vector<1x13x8192xi32> to vector<1xi32>
        %reduce_sum3A_237 = vector.shape_cast %reduce_sum3A_236 : vector<1xi32> to vector<1x1x1xi32>
        %reduce_sum3A_238 = vector.extract %reduce_sum3A_237[0, 0, 0] : i32 from vector<1x1x1xi32>
        %ge3A_239 = arith.constant 1000 : i32
        %ge3A_240 = arith.cmpi sge, %reduce_sum3A_238, %ge3A_239 : i32
        %and3A_241 = arith.andi %gt3A_230, %ge3A_240 : i1
        %convert_element_type3A_242 = arith.extui %and3A_241 : i1 to i32
        %add3A_243 = arith.addi %add3A_225, %convert_element_type3A_242 : i32
        %shift_left3A_244 = arith.constant 13 : i32
        %shift_left3A_245 = arith.shli %shift_left3A_244, %sub3A_31 : i32
        %or3A_246 = arith.ori %scan3A_29, %shift_left3A_245 : i32
        %gt3A_247 = arith.constant 0 : i32
        %gt3A_248 = arith.cmpi sgt, %or3A_246, %gt3A_247 : i32
        %ge3A_249 = vector.broadcast %or3A_246 : i32 to vector<13x8192xi32>
        %ge3A_250 = arith.cmpi sge, %bitcast_convert_type3A, %ge3A_249 : vector<13x8192xi32>
        %convert_element_type3A_251 = arith.extui %ge3A_250 : vector<13x8192xi1> to vector<13x8192xi32>
        %reduce_sum3A_252 = vector.shape_cast %convert_element_type3A_251 : vector<13x8192xi32> to vector<1x13x8192xi32>
        %reduce_sum3A_253 = arith.constant dense<0> : vector<1xi32>
        %reduce_sum3A_254 = vector.multi_reduction <add>, %reduce_sum3A_252, %reduce_sum3A_253 [1, 2] : vector<1x13x8192xi32> to vector<1xi32>
        %reduce_sum3A_255 = vector.shape_cast %reduce_sum3A_254 : vector<1xi32> to vector<1x1x1xi32>
        %reduce_sum3A_256 = vector.extract %reduce_sum3A_255[0, 0, 0] : i32 from vector<1x1x1xi32>
        %ge3A_257 = arith.constant 1000 : i32
        %ge3A_258 = arith.cmpi sge, %reduce_sum3A_256, %ge3A_257 : i32
        %and3A_259 = arith.andi %gt3A_248, %ge3A_258 : i1
        %convert_element_type3A_260 = arith.extui %and3A_259 : i1 to i32
        %add3A_261 = arith.addi %add3A_243, %convert_element_type3A_260 : i32
        %shift_left3A_262 = arith.constant 14 : i32
        %shift_left3A_263 = arith.shli %shift_left3A_262, %sub3A_31 : i32
        %or3A_264 = arith.ori %scan3A_29, %shift_left3A_263 : i32
        %gt3A_265 = arith.constant 0 : i32
        %gt3A_266 = arith.cmpi sgt, %or3A_264, %gt3A_265 : i32
        %ge3A_267 = vector.broadcast %or3A_264 : i32 to vector<13x8192xi32>
        %ge3A_268 = arith.cmpi sge, %bitcast_convert_type3A, %ge3A_267 : vector<13x8192xi32>
        %convert_element_type3A_269 = arith.extui %ge3A_268 : vector<13x8192xi1> to vector<13x8192xi32>
        %reduce_sum3A_270 = vector.shape_cast %convert_element_type3A_269 : vector<13x8192xi32> to vector<1x13x8192xi32>
        %reduce_sum3A_271 = arith.constant dense<0> : vector<1xi32>
        %reduce_sum3A_272 = vector.multi_reduction <add>, %reduce_sum3A_270, %reduce_sum3A_271 [1, 2] : vector<1x13x8192xi32> to vector<1xi32>
        %reduce_sum3A_273 = vector.shape_cast %reduce_sum3A_272 : vector<1xi32> to vector<1x1x1xi32>
        %reduce_sum3A_274 = vector.extract %reduce_sum3A_273[0, 0, 0] : i32 from vector<1x1x1xi32>
        %ge3A_275 = arith.constant 1000 : i32
        %ge3A_276 = arith.cmpi sge, %reduce_sum3A_274, %ge3A_275 : i32
        %and3A_277 = arith.andi %gt3A_266, %ge3A_276 : i1
        %convert_element_type3A_278 = arith.extui %and3A_277 : i1 to i32
        %add3A_279 = arith.addi %add3A_261, %convert_element_type3A_278 : i32
        %shift_left3A_280 = arith.constant 15 : i32
        %shift_left3A_281 = arith.shli %shift_left3A_280, %sub3A_31 : i32
        %or3A_282 = arith.ori %scan3A_29, %shift_left3A_281 : i32
        %gt3A_283 = arith.constant 0 : i32
        %gt3A_284 = arith.cmpi sgt, %or3A_282, %gt3A_283 : i32
        %ge3A_285 = vector.broadcast %or3A_282 : i32 to vector<13x8192xi32>
        %ge3A_286 = arith.cmpi sge, %bitcast_convert_type3A, %ge3A_285 : vector<13x8192xi32>
        %convert_element_type3A_287 = arith.extui %ge3A_286 : vector<13x8192xi1> to vector<13x8192xi32>
        %reduce_sum3A_288 = vector.shape_cast %convert_element_type3A_287 : vector<13x8192xi32> to vector<1x13x8192xi32>
        %reduce_sum3A_289 = arith.constant dense<0> : vector<1xi32>
        %reduce_sum3A_290 = vector.multi_reduction <add>, %reduce_sum3A_288, %reduce_sum3A_289 [1, 2] : vector<1x13x8192xi32> to vector<1xi32>
        %reduce_sum3A_291 = vector.shape_cast %reduce_sum3A_290 : vector<1xi32> to vector<1x1x1xi32>
        %reduce_sum3A_292 = vector.extract %reduce_sum3A_291[0, 0, 0] : i32 from vector<1x1x1xi32>
        %ge3A_293 = arith.constant 1000 : i32
        %ge3A_294 = arith.cmpi sge, %reduce_sum3A_292, %ge3A_293 : i32
        %and3A_295 = arith.andi %gt3A_284, %ge3A_294 : i1
        %convert_element_type3A_296 = arith.extui %and3A_295 : i1 to i32
        %add3A_297 = arith.addi %add3A_279, %convert_element_type3A_296 : i32
        %shift_left3A_298 = arith.shli %add3A_297, %sub3A_31 : i32
        %or3A_299 = arith.ori %scan3A_29, %shift_left3A_298 : i32
        scf.yield %or3A_299 : i32
      }
      %scan3A_13 = arith.constant 8 : i32
      %bitcast_convert_type3A_14 = arith.bitcast %scan3A_12 : i32 to f32
      %ge3A = vector.broadcast %bitcast_convert_type3A_14 : f32 to vector<13x8192xf32>
      %ge3A_15 = arith.cmpf oge, %get3A_7, %ge3A : vector<13x8192xf32>
      %sqrt3A = math.sqrt %get3A_7 : vector<13x8192xf32>
      %jit3A = arith.constant 0.000000e+00 : f32
      %broadcast_in_dim3A = vector.broadcast %jit3A : f32 to vector<13x8192xf32>
      %select_n3A = arith.select %ge3A_15, %sqrt3A, %broadcast_in_dim3A : vector<13x8192xi1>, vector<13x8192xf32>
      %reduce_sum3A = vector.shape_cast %select_n3A : vector<13x8192xf32> to vector<1x13x8192xf32>
      %reduce_sum3A_16 = arith.constant dense<0.000000e+00> : vector<1xf32>
      %reduce_sum3A_17 = vector.multi_reduction <add>, %reduce_sum3A, %reduce_sum3A_16 [1, 2] : vector<1x13x8192xf32> to vector<1xf32>
      %reduce_sum3A_18 = vector.shape_cast %reduce_sum3A_17 : vector<1xf32> to vector<1x1x1xf32>
      %reduce_sum3A_19 = vector.extract %reduce_sum3A_18[0, 0, 0] : f32 from vector<1x1x1xf32>
      %broadcast_in_dim3A_20 = vector.broadcast %bitcast_convert_type3A_14 : f32 to vector<1x1xf32>
      %swap3A = arith.constant 0 : index
      %swap3A_21 = arith.constant 0 : index
      %swap3A_22 = vector.load %arg3[%swap3A, %swap3A_21] : memref<1x1xf32, #tpu.memory_space<vmem>>, vector<1x1xf32>
      tpu.vector_store %arg3[%swap3A, %swap3A_21], %broadcast_in_dim3A_20 {strides = array<i32>} : memref<1x1xf32, #tpu.memory_space<vmem>>, vector<1x1xf32>,
      %div3A = arith.constant 1.000000e+03 : f32
      %div3A_23 = arith.divf %reduce_sum3A_19, %div3A : f32
      %broadcast_in_dim3A_24 = vector.broadcast %div3A_23 : f32 to vector<1x1xf32>
      %swap3A_25 = arith.constant 0 : index
      %swap3A_26 = arith.constant 0 : index
      %swap3A_27 = vector.load %arg4[%swap3A_25, %swap3A_26] : memref<1x1xf32, #tpu.memory_space<vmem>>, vector<1x1xf32>
      tpu.vector_store %arg4[%swap3A_25, %swap3A_26], %broadcast_in_dim3A_24 {strides = array<i32>} : memref<1x1xf32, #tpu.memory_space<vmem>>, vector<1x1xf32>,
    } else {
    }
    return
  }
  func.func @transform_0(%arg0: i32) -> (i32, i32) {
    %lt3A = arith.constant 13 : i32
    %lt3A_0 = arith.cmpi slt, %arg0, %lt3A : i32
    %jit3A = arith.constant 0 : i32
    %select_n3A = arith.select %lt3A_0, %arg0, %jit3A : i32
    %c0_i32 = arith.constant 0 : i32
    %c0_i32_1 = arith.constant 0 : i32
    return %select_n3A, %c0_i32 : i32, i32
  }
  func.func @transform_1(%arg0: i32) -> (i32, i32) {
    %lt3A = arith.constant 13 : i32
    %lt3A_0 = arith.cmpi slt, %arg0, %lt3A : i32
    %jit3A = arith.constant 0 : i32
    %select_n3A = arith.select %lt3A_0, %arg0, %jit3A : i32
    %c0_i32 = arith.constant 0 : i32
    %c0_i32_1 = arith.constant 0 : i32
    return %c0_i32, %select_n3A : i32, i32
  }
  func.func @transform_2(%arg0: i32) -> (i32, i32) {
    %c0_i32 = arith.constant 0 : i32
    %c0_i32_0 = arith.constant 0 : i32
    %c0_i32_1 = arith.constant 0 : i32
    return %c0_i32, %c0_i32_0 : i32, i32
  }
  func.func @transform_3(%arg0: i32) -> (i32, i32) {
    %c0_i32 = arith.constant 0 : i32
    %c0_i32_0 = arith.constant 0 : i32
    %c0_i32_1 = arith.constant 0 : i32
    return %c0_i32, %c0_i32_0 : i32, i32
  }
}

module attributes {stable_mosaic.version = 14 : i64} {
  func.func @_m2_body(%arg0: i32, %arg1: memref<2048x128xf32, #tpu.memory_space<vmem>>, %arg2: memref<32x8192xf32, #tpu.memory_space<vmem>>, %arg3: memref<32x8192xf32, #tpu.memory_space<vmem>>, %arg4: memref<1x1xf32, #tpu.memory_space<smem>>, %arg5: memref<1x1xf32, #tpu.memory_space<smem>>, %arg6: memref<32x8192xf32, #tpu.memory_space<vmem>>) attributes {dimension_semantics = [#tpu.dimension_semantics<arbitrary>], iteration_bounds = array<i64: 13>, scalar_prefetch = 0 : i64, scratch_operands = 0 : i64, tpu.core_type = #tpu.core_type<tc>, window_params = [{transform_indices = @transform_0, window_bounds = array<i64: 2048, 128>}, {transform_indices = @transform_1, window_bounds = array<i64: 32, 8192>}, {transform_indices = @transform_2, window_bounds = array<i64: 32, 8192>}, {transform_indices = @transform_3, window_bounds = array<i64: 1, 1>}, {transform_indices = @transform_4, window_bounds = array<i64: 1, 1>}, {transform_indices = @transform_5, window_bounds = array<i64: 32, 8192>}]} {
    %get3A = arith.constant 0 : index
    %get3A_0 = arith.constant 0 : index
    %get3A_1 = vector.load %arg1[%get3A, %get3A_0] : memref<2048x128xf32, #tpu.memory_space<vmem>>, vector<2048x128xf32>
    %slice3A = vector.extract_strided_slice %get3A_1 {offsets = [0, 0], sizes = [2048, 32], strides = [1, 1]} : vector<2048x128xf32> to vector<2048x32xf32>
    %slice3A_2 = vector.extract_strided_slice %get3A_1 {offsets = [0, 32], sizes = [2048, 32], strides = [1, 1]} : vector<2048x128xf32> to vector<2048x32xf32>
    %slice3A_3 = vector.extract_strided_slice %get3A_1 {offsets = [0, 64], sizes = [2048, 32], strides = [1, 1]} : vector<2048x128xf32> to vector<2048x32xf32>
    %slice3A_4 = vector.extract_strided_slice %get3A_1 {offsets = [0, 96], sizes = [2048, 32], strides = [1, 1]} : vector<2048x128xf32> to vector<2048x32xf32>
    %concatenate3A = tpu.concatenate %slice3A, %slice3A_2, %slice3A_3, %slice3A_4 in 0 : vector<2048x32xf32>, vector<2048x32xf32>, vector<2048x32xf32>, vector<2048x32xf32> -> vector<8192x32xf32>
    %transpose3A = tpu.transpose %concatenate3A, [1, 0] : vector<8192x32xf32> -> vector<32x8192xf32>
    %get3A_5 = arith.constant 0 : index
    %get3A_6 = arith.constant 0 : index
    %get3A_7 = vector.load %arg2[%get3A_5, %get3A_6] : memref<32x8192xf32, #tpu.memory_space<vmem>>, vector<32x8192xf32>
    %add3A = arith.addf %transpose3A, %get3A_7 : vector<32x8192xf32>
    %get3A_8 = arith.constant 0 : index
    %get3A_9 = arith.constant 0 : index
    %get3A_10 = vector.load %arg3[%get3A_8, %get3A_9] : memref<32x8192xf32, #tpu.memory_space<vmem>>, vector<32x8192xf32>
    %get3A_11 = arith.constant 0 : index
    %get3A_12 = arith.constant 0 : index
    %get3A_13 = memref.load %arg4[%get3A_11, %get3A_12] : memref<1x1xf32, #tpu.memory_space<smem>>
    %get3A_14 = arith.constant 0 : index
    %get3A_15 = arith.constant 0 : index
    %get3A_16 = memref.load %arg5[%get3A_14, %get3A_15] : memref<1x1xf32, #tpu.memory_space<smem>>
    %mul3A = arith.mulf %add3A, %add3A : vector<32x8192xf32>
    %reduce_sum3A = arith.constant dense<0.000000e+00> : vector<8192xf32>
    %reduce_sum3A_17 = vector.multi_reduction <add>, %mul3A, %reduce_sum3A [0] : vector<32x8192xf32> to vector<8192xf32>
    %broadcast_in_dim3A = vector.shape_cast %reduce_sum3A_17 : vector<8192xf32> to vector<1x8192xf32>
    %sqrt3A = math.sqrt %broadcast_in_dim3A : vector<1x8192xf32>
    %gt3A = vector.broadcast %get3A_16 : f32 to vector<1x8192xf32>
    %gt3A_18 = arith.cmpf ogt, %sqrt3A, %gt3A : vector<1x8192xf32>
    %max3A = arith.constant 9.99999996E-13 : f32
    %max3A_19 = vector.broadcast %max3A : f32 to vector<1x8192xf32>
    %max3A_20 = arith.maximumf %sqrt3A, %max3A_19 : vector<1x8192xf32>
    %div3A = vector.broadcast %get3A_16 : f32 to vector<1x8192xf32>
    %div3A_21 = arith.divf %div3A, %max3A_20 : vector<1x8192xf32>
    %jit3A = arith.constant 1.000000e+00 : f32
    %broadcast_in_dim3A_22 = vector.broadcast %jit3A : f32 to vector<1x8192xf32>
    %select_n3A = arith.select %gt3A_18, %div3A_21, %broadcast_in_dim3A_22 : vector<1x8192xi1>, vector<1x8192xf32>
    %ge3A = vector.broadcast %get3A_13 : f32 to vector<1x8192xf32>
    %ge3A_23 = arith.cmpf oge, %broadcast_in_dim3A, %ge3A : vector<1x8192xf32>
    %jit3A_24 = arith.constant 0.000000e+00 : f32
    %broadcast_in_dim3A_25 = vector.broadcast %jit3A_24 : f32 to vector<1x8192xf32>
    %select_n3A_26 = arith.select %ge3A_23, %select_n3A, %broadcast_in_dim3A_25 : vector<1x8192xi1>, vector<1x8192xf32>
    %mul3A_27 = vector.broadcast %select_n3A_26 : vector<1x8192xf32> to vector<32x8192xf32>
    %mul3A_28 = arith.mulf %add3A, %mul3A_27 : vector<32x8192xf32>
    %mul3A_29 = arith.constant 0.00999999977 : f32
    %mul3A_30 = vector.broadcast %mul3A_29 : f32 to vector<32x8192xf32>
    %mul3A_31 = arith.mulf %mul3A_30, %mul3A_28 : vector<32x8192xf32>
    %sub3A = arith.subf %get3A_10, %mul3A_31 : vector<32x8192xf32>
    %swap3A = arith.constant 0 : index
    %swap3A_32 = arith.constant 0 : index
    %swap3A_33 = vector.load %arg6[%swap3A, %swap3A_32] : memref<32x8192xf32, #tpu.memory_space<vmem>>, vector<32x8192xf32>
    tpu.vector_store %arg6[%swap3A, %swap3A_32], %sub3A {strides = array<i32>} : memref<32x8192xf32, #tpu.memory_space<vmem>>, vector<32x8192xf32>,
    return
  }
  func.func @transform_0(%arg0: i32) -> (i32, i32) {
    %c0_i32 = arith.constant 0 : i32
    %c0_i32_0 = arith.constant 0 : i32
    return %arg0, %c0_i32 : i32, i32
  }
  func.func @transform_1(%arg0: i32) -> (i32, i32) {
    %c0_i32 = arith.constant 0 : i32
    %c0_i32_0 = arith.constant 0 : i32
    return %c0_i32, %arg0 : i32, i32
  }
  func.func @transform_2(%arg0: i32) -> (i32, i32) {
    %c0_i32 = arith.constant 0 : i32
    %c0_i32_0 = arith.constant 0 : i32
    return %c0_i32, %arg0 : i32, i32
  }
  func.func @transform_3(%arg0: i32) -> (i32, i32) {
    %c0_i32 = arith.constant 0 : i32
    %c0_i32_0 = arith.constant 0 : i32
    %c0_i32_1 = arith.constant 0 : i32
    return %c0_i32, %c0_i32_0 : i32, i32
  }
  func.func @transform_4(%arg0: i32) -> (i32, i32) {
    %c0_i32 = arith.constant 0 : i32
    %c0_i32_0 = arith.constant 0 : i32
    %c0_i32_1 = arith.constant 0 : i32
    return %c0_i32, %c0_i32_0 : i32, i32
  }
  func.func @transform_5(%arg0: i32) -> (i32, i32) {
    %c0_i32 = arith.constant 0 : i32
    %c0_i32_0 = arith.constant 0 : i32
    return %c0_i32, %arg0 : i32, i32
  }
}

</mosaic_0001>

<sc_bundles>
// kernel: kernel.6.cloned.1.call-start
scs
__scs_entry_jumppad:
0x0: {  	(pc) =	sbr.rel $0x88, $3  }
0x1: {  	(tag) =	ssettag $0x0;
	lr =	simm.s32 $0x1  }
0x2: {  	[smem:$0x3F9D] =	sst lr;
	_ =	strace $0xD0000000  }
0x3: {  	_ = 	snop  }
0x4: {  	_ = 	snop  }
0x5: {  	_ = 	snop  }
0x6: {  	_ = 	snop  }
0x7: {  	_ = 	snop  }
__scs_overlays_trampoline_lowered:
0x8: {  	[smem:$0x3FAC] =	sst s0  }
0x9: {  	[smem:$0x3FAD] =	sst s1  }
0xa: {  	[smem:$0x3FAE] =	sst s2  }
0xb: {  	[smem:$0x3FAF] =	sst s3  }
0xc: {  	[smem:$0x3FB0] =	sst s4  }
0xd: {  	[smem:$0x3FB1] =	sst s5  }
0xe: {  	[smem:$0x3FB2] =	sst s6  }
0xf: {  	[smem:$0x3FB3] =	sst s7  }
0x10: {  	[smem:$0x3FB4] =	sst s8  }
0x11: {  	[smem:$0x3FB5] =	sst s9;
	s0 =	simm.s32 @!p0 $0x0  }
0x12: {  	s1 =	sld [smem:$0x3F9B];
	s0 =	simm.s32 @p0 $0x1  }
0x13: {  	[smem:$0x3FB6] =	sst s0;
	s0 =	simm.s32 @!p1 $0x0  }
0x14: {  	s2 =	sld [smem:$0x3F9A];
	s0 =	simm.s32 @p1 $0x1  }
0x15: {  	[smem:$0x3FB7] =	sst s0;
	s0 =	simm.s32 @!p2 $0x0  }
0x16: {  	s3 =	sld [smem:$0x3FDB];
	s0 =	simm.s32 @p2 $0x1  }
0x17: {  	s4 =	simm.s32 $0x1BF5;
	[smem:$0x3FB9] =	sst s0  }
0x18: {  	s0 =	sld [smem:$0x3F9C];
	_ =	swait.ge [sflag:s4], $0x0  }
0x19: {  	s7 =	sld [smem:$0x3F9D]  }
0x1a: {  	s8 =	sadd.s32 $0xFFFFE003, lr  }
0x1b: {  	s9 =	sadd.s32 $0xFFFFFEF7, lr;
	s5 =	simm.s32 $0xFFFFFFFF;
	p2 =	slt.u32 s8, $0xFFFFF086  }
0x1c: {  	p1 =	slt.u32 s9, $0xF7A;
	s5 =	simm.s32 @!p2 $0x0  }
0x1d: {  	s5 =	simm.s32 @p1 $0x1;
	p0 =	seq.s32 s7, s2  }
0x1e: {  	s7 =	smul.u32 @!p0 $0xF7A, s2;
	p2 =	seq.s32 @!p0 s5, $0x0  }
0x1f: {  	s9 =	smul.u32 $0xF7A, s1;
	s8 =	simm.s32 @!p0 $0x1BF5;
	p2 =	por !p2, p0  }
0x20: {  	[sflag:s8] =	ssyncset.s32 @!p0 $0xFFFFF086;
	s6 =	sadd.s32 @!p0 s3, s7;
	s7 =	simm.s32 @!p0 $0x108  }
0x21: {  	s3 =	sadd.s32 s3, s9;
	s6 =	sadd.s32 @!p0 $0x88, s6;
	s7 =	simm.s32 @p2 $0x1082  }
0x22: {  	[simem:s7], [sflag:s8] =	dma.local @!p0 [hbm:s6], $0xF7A  }
0x23: {  	s9 =	sor.u32 $0xD0000000, s2;
	s6 =	simm.s32 $0x108;
	_ =	swait.ge @!p0 [sflag:s8], $0x0  }
0x24: {  	s3 =	sadd.s32 $0x88, s3;
	s6 =	simm.s32 @!p1 $0x1082;
	[sflag:s4] =	ssyncset.s32 $0xFFFFF086  }
0x25: {  	[simem:s6], [sflag:s4] =	dma.local [hbm:s3], $0xF7A  }
0x26: {  	[smem:$0x3F9D] =	sst s1;
	(tag) =	ssettag s2;
	_ =	strace s9  }
0x27: {  	s1 =	sld [smem:$0x3FAD]  }
0x28: {  	s2 =	sld [smem:$0x3FAE]  }
0x29: {  	s4 =	sld [smem:$0x3FB0]  }
0x2a: {  	p0 =	seq.s32 s5, $0x0;
	s5 =	sld [smem:$0x3FB1]  }
0x2b: {  	s6 =	sld [smem:$0x3FB2]  }
0x2c: {  	s7 =	sld [smem:$0x3FB3]  }
0x2d: {  	s3 =	simm.s32 $0x108;
	s8 =	sld [smem:$0x3FB4]  }
0x2e: {  	s3 =	simm.s32 @!p0 $0x1082;
	s9 =	sld [smem:$0x3FB5]  }
0x2f: {  	lr =	sadd.s32 s0, s3;
	s0 =	sld [smem:$0x3FAC]  }
0x30: {  	s3 =	sld [smem:$0x3FAF]  }
0x31: {  	[smem:$0x3FB8] =	sst s10  }
0x32: {  	s10 =	sld [smem:$0x3FB6];
	_ =	sdelay $0x3  }
0x33: {  	p0 =	seq.s32 s10, $0x1;
	s10 =	sld [smem:$0x3FB8];
	_ =	sdelay $0x3  }
0x34: {  	[smem:$0x3FB8] =	sst s10  }
0x35: {  	s10 =	sld [smem:$0x3FB7];
	_ =	sdelay $0x3  }
0x36: {  	p1 =	seq.s32 s10, $0x1;
	s10 =	sld [smem:$0x3FB8];
	_ =	sdelay $0x3  }
0x37: {  	[smem:$0x3FB8] =	sst s10  }
0x38: {  	s10 =	sld [smem:$0x3FB9]  }
0x39: {  	_ = 	snop;
	(pc) =	sbr.ind lr, $3  }
0x3a: {  	_ = 	snop  }
0x3b: {  	_ = 	snop  }
0x3c: {  	p2 =	seq.s32 s10, $0x1;
	s10 =	sld [smem:$0x3FB8]  }
0x3d: {  	_ =	shalt  }
0x3e: {  	_ =	shalt  }
0x3f: {  	_ =	shalt  }
0x40: {  	_ =	shalt  }
0x41: {  	_ =	shalt  }
0x42: {  	_ =	shalt  }
0x43: {  	_ =	shalt  }
0x44: {  	_ =	shalt  }
0x45: {  	_ =	shalt  }
0x46: {  	_ =	shalt  }
0x47: {  	_ =	shalt  }
0x48: {  	_ =	shalt  }
0x49: {  	_ =	shalt  }
0x4a: {  	_ =	shalt  }
0x4b: {  	_ =	shalt  }
0x4c: {  	_ =	shalt  }
0x4d: {  	_ =	shalt  }
0x4e: {  	_ =	shalt  }
0x4f: {  	_ =	shalt  }
0x50: {  	_ =	shalt  }
0x51: {  	_ =	shalt  }
0x52: {  	_ =	shalt  }
0x53: {  	_ =	shalt  }
0x54: {  	_ =	shalt  }
0x55: {  	_ =	shalt  }
0x56: {  	_ =	shalt  }
0x57: {  	_ =	shalt  }
0x58: {  	_ =	shalt  }
0x59: {  	_ =	shalt  }
0x5a: {  	_ =	shalt  }
0x5b: {  	_ =	shalt  }
0x5c: {  	_ =	shalt  }
0x5d: {  	_ =	shalt  }
0x5e: {  	_ =	shalt  }
0x5f: {  	_ =	shalt  }
0x60: {  	_ =	shalt  }
0x61: {  	_ =	shalt  }
0x62: {  	_ =	shalt  }
0x63: {  	_ =	shalt  }
0x64: {  	_ =	shalt  }
0x65: {  	_ =	shalt  }
0x66: {  	_ =	shalt  }
0x67: {  	_ =	shalt  }
0x68: {  	_ =	shalt  }
0x69: {  	_ =	shalt  }
0x6a: {  	_ =	shalt  }
0x6b: {  	_ =	shalt  }
0x6c: {  	_ =	shalt  }
0x6d: {  	_ =	shalt  }
0x6e: {  	_ =	shalt  }
0x6f: {  	_ =	shalt  }
0x70: {  	_ =	shalt  }
0x71: {  	_ =	shalt  }
0x72: {  	_ =	shalt  }
0x73: {  	_ =	shalt  }
0x74: {  	_ =	shalt  }
0x75: {  	_ =	shalt  }
0x76: {  	_ =	shalt  }
0x77: {  	_ =	shalt  }
0x78: {  	_ =	shalt  }
0x79: {  	_ =	shalt  }
0x7a: {  	_ =	shalt  }
0x7b: {  	_ =	shalt  }
0x7c: {  	_ =	shalt  }
0x7d: {  	_ =	shalt  }
0x7e: {  	_ =	shalt  }
0x7f: {  	_ =	shalt  }
0x80: {  	_ =	shalt  }
0x81: {  	_ =	shalt  }
0x82: {  	_ =	shalt  }
0x83: {  	_ =	shalt  }
0x84: {  	_ =	shalt  }
0x85: {  	_ =	shalt  }
0x86: {  	_ =	shalt  }
0x87: {  	_ =	shalt  }
.Lfunc_end0:
.L_simem_size_0:
called_computation_lowered:
.L_overlay_start_0:
0x88: {  	s2 =	sld [smem:$0x3FD9]  }
0x89: {  	s3 =	sld [smem:$0x3FFE];
	_ =	sdelay $0x1  }
0x8a: {  	s1 =	srdreg.scid  }
0x8b: {  	s0 =	sand.u32 $0x1, s1  }
0x8c: {  	s17 =	sshll.u32 s0, $0xA;
	s2 =	sadd.s32 s3, s2  }
0x8d: {  	s2 =	sadd.s32 s2, s17  }
0x8e: {  	[smem:$0x3FC4] =	sst s2  }
0x8f: {  	_ = 	snop  }
0x90: {  	s2 =	sld [smem:$0x3FC7]  }
0x91: {  	s18 =	sld [smem:$0x3FD0];
	(tm) =	ssettm $0x1  }
0x92: {  	s4 =	sld [smem:$0x3FFB];
	_ =	sdelay $0x3  }
0x93: {  	_ =	strace s4  }
0x94: {  	s4 =	sld [smem:$0x3FFC];
	_ =	sdelay $0x3  }
0x95: {  	_ =	strace s4  }
0x96: {  	s4 =	sld [smem:$0x3FFD];
	_ =	sdelay $0x3  }
0x97: {  	_ =	strace s4  }
0x98: {  	_ =	strace $0x8FFFFFFF  }
0x99: {  	s19 =	sld [smem:$0x3FDB];
	_ =	sdelay $0x1  }
0x9a: {  	s5 =	simm.s32 $_scs_section_size  }
0x9b: {  	s6 =	simm.s32 $_size__tile_overlayer_lowered;
	s7 =	simm.s32 $_tile_overlayer_lowered  }
0x9c: {  	s22 =	simm.s32 $0x1BFF;
	s21 =	sshll.u32 s7, $0x1;
	s4 =	sadd.s32 s5, s19  }
0x9d: {  	s8 =	simm.s32 $0x0;
	s20 =	sshll.u32 s6, $0x1;
	s6 =	sadd.s32 s21, s4  }
0x9e: {  	[timem:s8], [sflag:s22] =	dma.local [hbm:s6], s20  }
0x9f: {  	_ =	swait.ge [sflag:s22], s20  }
0xa0: {  	s5 =	ssub.s32 $0x0, s20;
	[sflag:s22] =	ssyncset.done $0x0  }
0xa1: {  	[sflag:s22] =	ssyncadd.s32 s5;
	_ =	sdelay $0x1  }
0xa2: {  	s23 =	simm.s32 $0x1B8B  }
0xa3: {  	_ =	swait.ge [sflag:s23], $0x1  }
0xa4: {  	[sflag:s23] =	ssyncset.done $0x0  }
0xa5: {  	s25 =	simm.s32 $0x1B8E;
	s24 =	sld [smem:$0x3FFE];
	[sflag:s23] =	ssyncadd.s32 $0xFFFFFFFF  }
0xa6: {  	s26 =	simm.s32 $execute0_lowered;
	[smem:$0x3FD2] =	sst s25  }
0xa7: {  	s6 =	sshll.u32 s26, $0x1;
	_ =	strace $0x80000046;
	[dreg:$0x1] =	wrdreg $0xFFFFFFFF  }
0xa8: {  	s28 =	simm.s32 $_size_execute0_lowered;
	s4 =	sadd.s32 s4, s6;
	[dreg:$0x0] =	wrdreg $0x0  }
0xa9: {  	s6 =	sshll.u32 s28, $0x1;
	[dreg:$0x2] =	wrdreg s4  }
0xaa: {  	[dreg:$0x3] =	wrdreg s6  }
0xab: {  	[dreg:$0x4] =	wrdreg $0xC0  }
0xac: {  	_ =	task [dreg:s8], $0x5FFFF  }
0xad: {  	[dreg:$0x1] =	wrdreg $0xFFFFFFFF  }
0xae: {  	[dreg:$0x0] =	wrdreg $0x60  }
0xaf: {  	[dreg:$0x2] =	wrdreg s18  }
0xb0: {  	[dreg:$0x3] =	wrdreg s2  }
0xb1: {  	[dreg:$0x4] =	wrdreg s24  }
0xb2: {  	[dreg:$0x5] =	wrdreg $0x0  }
0xb3: {  	[dreg:$0x6] =	wrdreg $0x9  }
0xb4: {  	_ =	task.clear_ibuf [dreg:s8], $0x7FFFF;
	_ =	strace $0x90000046  }
0xb5: {  	s29 =	simm.s32 $0x9;
	_ =	strace $0x80000048  }
0xb6: {  	_ =	swait.ge [sflag:s29], $0x1  }
0xb7: {  	[sflag:s29] =	ssyncadd.s32 $0xFFFFFFFF  }
0xb8: {  	_ =	strace $0x90000048  }
0xb9: {  	_ =	sfence  }
0xba: {  	s30 =	sld [smem:$0x0];
	_ =	sdelay $0x2  }
0xbb: {  	s31 =	sshll.u32 s1, $0xD;
	s1 =	sshrl.u32 s1, $0x2  }
0xbc: {  	s3 =	sand.u32 $0x4000, s31;
	s1 =	sadd.s32 s1, s30  }
0xbd: {  	s0 =	sor.u32 s3, s0;
	s1 =	sshll.u32 s1, $0x11  }
0xbe: {  	s0 =	sor.u32 s1, s0  }
0xbf: {  	s0 =	sadd.s32 $0x8F2B, s0  }
0xc0: {  	[sflag:s0] =	ssyncadd.remote.s32 $0x1  }
0xc1: {  	_ =	sfence.sel $0xFFFF  }
0xc2: {  	[dreg:$0x0] =	wrdreg $0xFFFFFFFF;
	(pc) =	sbr.abs _section_cstart, $3  }
0xc3: {  	[dreg:$0x1] =	wrdreg $0xFFFFFFFF  }
0xc4: {  	_ =	task.clear_ibuf [dreg:s8], $0x2FFFF;
	_ =	strace $0x9FFFFFFF  }
0xc5: {  	(tm) =	ssettm $0x7FFFFFFF  }
tec
execute0_lowered:
.L_overlay_start_1:
0x0: {  	(tag) =	ssettag $0x1  }
0x1: {  	v0 =	vimm.s32 $0x303;
	vm14 =	vcmask $0x300  }
0x2: {  	vm13 =	vcmask $0x704;
	v0 =	vsel vm14, $0x0, v0  }
0x3: {  	vm12 =	vcmask $0xB08;
	v0 =	vsel vm13, $0x100, v0  }
0x4: {  	vm11 =	vcmask $0xF0C;
	v0 =	vsel vm12, $0x200, v0  }
0x5: {  	vm10 =	vcmask $0x1310;
	v0 =	vsel vm11, $0x300, v0  }
0x6: {  	vm9 =	vcmask $0x1714;
	v0 =	vsel vm10, $0x1, v0  }
0x7: {  	vm8 =	vcmask $0x1B18;
	v0 =	vsel vm9, $0x101, v0  }
0x8: {  	vm7 =	vcmask $0x1F1C;
	v0 =	vsel vm8, $0x201, v0  }
0x9: {  	vm6 =	vcmask $0x2320;
	v0 =	vsel vm7, $0x301, v0  }
0xa: {  	s0 =	srdreg.scid;
	vm5 =	vcmask $0x2724;
	v0 =	vsel vm6, $0x2, v0  }
0xb: {  	vm4 =	vcmask $0x2B28;
	s0 =	sand.u32 $0x1, s0;
	v0 =	vsel vm5, $0x102, v0  }
0xc: {  	vm3 =	vcmask $0x2F2C;
	s1 =	smul.u32 $0xD000, s0;
	v0 =	vsel vm4, $0x202, v0  }
0xd: {  	vm2 =	vcmask $0x3330;
	v0 =	vsel vm3, $0x302, v0  }
0xe: {  	vm1 =	vcmask $0x3734;
	v1 =	vmov s1;
	v0 =	vsel vm2, $0x3, v0  }
0xf: {  	vm0 =	vcmask $0x3B38;
	v1 =	vsub.s32 $0x0, v1;
	v2 =	vsel vm1, $0x103, v0  }
0x10: {  	v0 =	vbroadcast v1, $0x0;
	v1 =	vsel vm0, $0x203, v2  }
0x11: {  	[tilespmem:$0x1FFB0] =	vst v1;
	v1 =	vimm.s32 $0x307  }
0x12: {  	v1 =	vsel vm14, $0x4, v1  }
0x13: {  	v2 =	vimm.s32 $0x30B;
	v1 =	vsel vm13, $0x104, v1  }
0x14: {  	v3 =	vimm.s32 $0x30F;
	v2 =	vsel vm14, $0x8, v2;
	v1 =	vsel vm12, $0x204, v1  }
0x15: {  	v3 =	vsel vm14, $0xC, v3;
	v2 =	vsel vm13, $0x108, v2;
	v1 =	vsel vm11, $0x304, v1  }
0x16: {  	v3 =	vsel vm13, $0x10C, v3;
	v2 =	vsel vm12, $0x208, v2;
	v1 =	vsel vm10, $0x5, v1  }
0x17: {  	v3 =	vsel vm12, $0x20C, v3;
	v2 =	vsel vm11, $0x308, v2;
	v1 =	vsel vm9, $0x105, v1  }
0x18: {  	v3 =	vsel vm11, $0x30C, v3;
	v2 =	vsel vm10, $0x9, v2;
	v1 =	vsel vm8, $0x205, v1  }
0x19: {  	v3 =	vsel vm10, $0xD, v3;
	v2 =	vsel vm9, $0x109, v2;
	v1 =	vsel vm7, $0x305, v1  }
0x1a: {  	v3 =	vsel vm9, $0x10D, v3;
	v2 =	vsel vm8, $0x209, v2;
	v1 =	vsel vm6, $0x6, v1  }
0x1b: {  	v3 =	vsel vm8, $0x20D, v3;
	v2 =	vsel vm7, $0x309, v2;
	v1 =	vsel vm5, $0x106, v1  }
0x1c: {  	v3 =	vsel vm7, $0x30D, v3;
	v2 =	vsel vm6, $0xA, v2;
	v1 =	vsel vm4, $0x206, v1  }
0x1d: {  	v3 =	vsel vm6, $0xE, v3;
	v2 =	vsel vm5, $0x10A, v2;
	v1 =	vsel vm3, $0x306, v1  }
0x1e: {  	v3 =	vsel vm5, $0x10E, v3;
	v2 =	vsel vm4, $0x20A, v2;
	v1 =	vsel vm2, $0x7, v1  }
0x1f: {  	v3 =	vsel vm4, $0x20E, v3;
	v2 =	vsel vm3, $0x30A, v2;
	v1 =	vsel vm1, $0x107, v1  }
0x20: {  	v3 =	vsel vm3, $0x30E, v3;
	v2 =	vsel vm2, $0xB, v2;
	v1 =	vsel vm0, $0x207, v1  }
0x21: {  	v3 =	vsel vm2, $0xF, v3;
	[tilespmem:$0x1FFC0] =	vst v1;
	v1 =	vsel vm1, $0x10B, v2  }
0x22: {  	v2 =	vsel vm1, $0x10F, v3;
	v1 =	vsel vm0, $0x20B, v1  }
0x23: {  	[tilespmem:$0x1FFD0] =	vst v1;
	v1 =	vsel vm0, $0x20F, v2  }
0x24: {  	[tilespmem:$0x1FFE0] =	vst v1;
	v1 =	vimm.s32 $0x313  }
0x25: {  	v1 =	vsel vm14, $0x10, v1  }
0x26: {  	v2 =	vimm.s32 $0x317;
	v1 =	vsel vm13, $0x110, v1  }
0x27: {  	v5 =	vimm.s32 $0x31B;
	v2 =	vsel vm14, $0x14, v2;
	v1 =	vsel vm12, $0x210, v1  }
0x28: {  	v5 =	vsel vm14, $0x18, v5;
	v2 =	vsel vm13, $0x114, v2;
	v1 =	vsel vm11, $0x310, v1  }
0x29: {  	v5 =	vsel vm13, $0x118, v5;
	v2 =	vsel vm12, $0x214, v2;
	v1 =	vsel vm10, $0x11, v1  }
0x2a: {  	v5 =	vsel vm12, $0x218, v5;
	v2 =	vsel vm11, $0x314, v2;
	v1 =	vsel vm9, $0x111, v1  }
0x2b: {  	v5 =	vsel vm11, $0x318, v5;
	v2 =	vsel vm10, $0x15, v2;
	v1 =	vsel vm8, $0x211, v1  }
0x2c: {  	v5 =	vsel vm10, $0x19, v5;
	v2 =	vsel vm9, $0x115, v2;
	v1 =	vsel vm7, $0x311, v1  }
0x2d: {  	v5 =	vsel vm9, $0x119, v5;
	v2 =	vsel vm8, $0x215, v2;
	v1 =	vsel vm6, $0x12, v1  }
0x2e: {  	v5 =	vsel vm8, $0x219, v5;
	v2 =	vsel vm7, $0x315, v2;
	v1 =	vsel vm5, $0x112, v1  }
0x2f: {  	v5 =	vsel vm7, $0x319, v5;
	v2 =	vsel vm6, $0x16, v2;
	v1 =	vsel vm4, $0x212, v1  }
0x30: {  	v5 =	vsel vm6, $0x1A, v5;
	v2 =	vsel vm5, $0x116, v2;
	v1 =	vsel vm3, $0x312, v1  }
0x31: {  	v5 =	vsel vm5, $0x11A, v5;
	v2 =	vsel vm4, $0x216, v2;
	v1 =	vsel vm2, $0x13, v1  }
0x32: {  	v5 =	vsel vm4, $0x21A, v5;
	v2 =	vsel vm3, $0x316, v2;
	v1 =	vsel vm1, $0x113, v1  }
0x33: {  	v5 =	vsel vm3, $0x31A, v5;
	v2 =	vsel vm2, $0x17, v2;
	v1 =	vsel vm0, $0x213, v1  }
0x34: {  	v8 =	vimm.s32 $0x327;
	v6 =	vsel vm2, $0x1B, v5;
	[tilespmem:$0x1FFF0] =	vst v1;
	v1 =	vsel vm1, $0x117, v2  }
0x35: {  	v2 =	vsel vm1, $0x11B, v6;
	v6 =	vsel vm0, $0x217, v1;
	v1 =	vimm.s32 $0x31F  }
0x36: {  	v7 =	vsel vm0, $0x21B, v2;
	v2 =	vimm.s32 $0x323;
	v1 =	vsel vm14, $0x1C, v1  }
0x37: {  	v11 =	vimm.s32 $0x333;
	v2 =	vsel vm14, $0x20, v2;
	v1 =	vsel vm13, $0x11C, v1  }
0x38: {  	v8 =	vsel vm14, $0x24, v8;
	v2 =	vsel vm13, $0x120, v2;
	v1 =	vsel vm12, $0x21C, v1  }
0x39: {  	v8 =	vsel vm13, $0x124, v8;
	v2 =	vsel vm12, $0x220, v2;
	v1 =	vsel vm11, $0x31C, v1  }
0x3a: {  	v8 =	vsel vm12, $0x224, v8;
	v2 =	vsel vm11, $0x320, v2;
	v1 =	vsel vm10, $0x1D, v1  }
0x3b: {  	v8 =	vsel vm11, $0x324, v8;
	v2 =	vsel vm10, $0x21, v2;
	v1 =	vsel vm9, $0x11D, v1  }
0x3c: {  	v8 =	vsel vm10, $0x25, v8;
	v2 =	vsel vm9, $0x121, v2;
	v1 =	vsel vm8, $0x21D, v1  }
0x3d: {  	v8 =	vsel vm9, $0x125, v8;
	v2 =	vsel vm8, $0x221, v2;
	v1 =	vsel vm7, $0x31D, v1  }
0x3e: {  	v8 =	vsel vm8, $0x225, v8;
	v2 =	vsel vm7, $0x321, v2;
	v1 =	vsel vm6, $0x1E, v1  }
0x3f: {  	v8 =	vsel vm7, $0x325, v8;
	v2 =	vsel vm6, $0x22, v2;
	v1 =	vsel vm5, $0x11E, v1  }
0x40: {  	v8 =	vsel vm6, $0x26, v8;
	v2 =	vsel vm5, $0x122, v2;
	v1 =	vsel vm4, $0x21E, v1  }
0x41: {  	v8 =	vsel vm5, $0x126, v8;
	v2 =	vsel vm4, $0x222, v2;
	v1 =	vsel vm3, $0x31E, v1  }
0x42: {  	v8 =	vsel vm4, $0x226, v8;
	v2 =	vsel vm3, $0x322, v2;
	v1 =	vsel vm2, $0x1F, v1  }
0x43: {  	v8 =	vsel vm3, $0x326, v8;
	v2 =	vsel vm2, $0x23, v2;
	v1 =	vsel vm1, $0x11F, v1  }
0x44: {  	v9 =	vsel vm2, $0x27, v8;
	v8 =	vsel vm0, $0x21F, v1;
	v1 =	vsel vm1, $0x123, v2  }
0x45: {  	v2 =	vsel vm1, $0x127, v9;
	v9 =	vsel vm0, $0x223, v1;
	v1 =	vimm.s32 $0x32B  }
0x46: {  	v10 =	vsel vm0, $0x227, v2;
	v2 =	vimm.s32 $0x32F;
	v1 =	vsel vm14, $0x28, v1  }
0x47: {  	v14 =	vimm.s32 $0x33F;
	v2 =	vsel vm14, $0x2C, v2;
	v1 =	vsel vm13, $0x128, v1  }
0x48: {  	v11 =	vsel vm14, $0x30, v11;
	v2 =	vsel vm13, $0x12C, v2;
	v1 =	vsel vm12, $0x228, v1  }
0x49: {  	v11 =	vsel vm13, $0x130, v11;
	v2 =	vsel vm12, $0x22C, v2;
	v1 =	vsel vm11, $0x328, v1  }
0x4a: {  	v11 =	vsel vm12, $0x230, v11;
	v2 =	vsel vm11, $0x32C, v2;
	v1 =	vsel vm10, $0x29, v1  }
0x4b: {  	v11 =	vsel vm11, $0x330, v11;
	v2 =	vsel vm10, $0x2D, v2;
	v1 =	vsel vm9, $0x129, v1  }
0x4c: {  	v11 =	vsel vm10, $0x31, v11;
	v2 =	vsel vm9, $0x12D, v2;
	v1 =	vsel vm8, $0x229, v1  }
0x4d: {  	v11 =	vsel vm9, $0x131, v11;
	v2 =	vsel vm8, $0x22D, v2;
	v1 =	vsel vm7, $0x329, v1  }
0x4e: {  	v11 =	vsel vm8, $0x231, v11;
	v2 =	vsel vm7, $0x32D, v2;
	v1 =	vsel vm6, $0x2A, v1  }
0x4f: {  	v11 =	vsel vm7, $0x331, v11;
	v2 =	vsel vm6, $0x2E, v2;
	v1 =	vsel vm5, $0x12A, v1  }
0x50: {  	v11 =	vsel vm6, $0x32, v11;
	v2 =	vsel vm5, $0x12E, v2;
	v1 =	vsel vm4, $0x22A, v1  }
0x51: {  	v11 =	vsel vm5, $0x132, v11;
	v2 =	vsel vm4, $0x22E, v2;
	v1 =	vsel vm3, $0x32A, v1  }
0x52: {  	v11 =	vsel vm4, $0x232, v11;
	v2 =	vsel vm3, $0x32E, v2;
	v1 =	vsel vm2, $0x2B, v1  }
0x53: {  	v11 =	vsel vm3, $0x332, v11;
	v2 =	vsel vm2, $0x2F, v2;
	v1 =	vsel vm1, $0x12B, v1  }
0x54: {  	v12 =	vsel vm2, $0x33, v11;
	v11 =	vsel vm0, $0x22B, v1;
	v1 =	vsel vm1, $0x12F, v2  }
0x55: {  	v2 =	vsel vm1, $0x133, v12;
	v12 =	vsel vm0, $0x22F, v1;
	v1 =	vimm.s32 $0x337  }
0x56: {  	v13 =	vsel vm0, $0x233, v2;
	v2 =	vimm.s32 $0x33B;
	v1 =	vsel vm14, $0x34, v1  }
0x57: {  	v17 =	vimm.s32 $0x34B;
	v2 =	vsel vm14, $0x38, v2;
	v1 =	vsel vm13, $0x134, v1  }
0x58: {  	v14 =	vsel vm14, $0x3C, v14;
	v2 =	vsel vm13, $0x138, v2;
	v1 =	vsel vm12, $0x234, v1  }
0x59: {  	v14 =	vsel vm13, $0x13C, v14;
	v2 =	vsel vm12, $0x238, v2;
	v1 =	vsel vm11, $0x334, v1  }
0x5a: {  	v14 =	vsel vm12, $0x23C, v14;
	v2 =	vsel vm11, $0x338, v2;
	v1 =	vsel vm10, $0x35, v1  }
0x5b: {  	v14 =	vsel vm11, $0x33C, v14;
	v2 =	vsel vm10, $0x39, v2;
	v1 =	vsel vm9, $0x135, v1  }
0x5c: {  	v14 =	vsel vm10, $0x3D, v14;
	v2 =	vsel vm9, $0x139, v2;
	v1 =	vsel vm8, $0x235, v1  }
0x5d: {  	v14 =	vsel vm9, $0x13D, v14;
	v2 =	vsel vm8, $0x239, v2;
	v1 =	vsel vm7, $0x335, v1  }
0x5e: {  	v14 =	vsel vm8, $0x23D, v14;
	v2 =	vsel vm7, $0x339, v2;
	v1 =	vsel vm6, $0x36, v1  }
0x5f: {  	v14 =	vsel vm7, $0x33D, v14;
	v2 =	vsel vm6, $0x3A, v2;
	v1 =	vsel vm5, $0x136, v1  }
0x60: {  	v14 =	vsel vm6, $0x3E, v14;
	v2 =	vsel vm5, $0x13A, v2;
	v1 =	vsel vm4, $0x236, v1  }
0x61: {  	v14 =	vsel vm5, $0x13E, v14;
	v2 =	vsel vm4, $0x23A, v2;
	v1 =	vsel vm3, $0x336, v1  }
0x62: {  	v14 =	vsel vm4, $0x23E, v14;
	v2 =	vsel vm3, $0x33A, v2;
	v1 =	vsel vm2, $0x37, v1  }
0x63: {  	v14 =	vsel vm3, $0x33E, v14;
	v2 =	vsel vm2, $0x3B, v2;
	v1 =	vsel vm1, $0x137, v1  }
0x64: {  	v15 =	vsel vm2, $0x3F, v14;
	v14 =	vsel vm0, $0x237, v1;
	v1 =	vsel vm1, $0x13B, v2  }
0x65: {  	v2 =	vsel vm1, $0x13F, v15;
	v15 =	vsel vm0, $0x23B, v1;
	v1 =	vimm.s32 $0x343  }
0x66: {  	v16 =	vsel vm0, $0x23F, v2;
	v2 =	vimm.s32 $0x347;
	v1 =	vsel vm14, $0x40, v1  }
0x67: {  	v20 =	vimm.s32 $0x357;
	v2 =	vsel vm14, $0x44, v2;
	v1 =	vsel vm13, $0x140, v1  }
0x68: {  	v17 =	vsel vm14, $0x48, v17;
	v2 =	vsel vm13, $0x144, v2;
	v1 =	vsel vm12, $0x240, v1  }
0x69: {  	v17 =	vsel vm13, $0x148, v17;
	v2 =	vsel vm12, $0x244, v2;
	v1 =	vsel vm11, $0x340, v1  }
0x6a: {  	v17 =	vsel vm12, $0x248, v17;
	v2 =	vsel vm11, $0x344, v2;
	v1 =	vsel vm10, $0x41, v1  }
0x6b: {  	v17 =	vsel vm11, $0x348, v17;
	v2 =	vsel vm10, $0x45, v2;
	v1 =	vsel vm9, $0x141, v1  }
0x6c: {  	v17 =	vsel vm10, $0x49, v17;
	v2 =	vsel vm9, $0x145, v2;
	v1 =	vsel vm8, $0x241, v1  }
0x6d: {  	v17 =	vsel vm9, $0x149, v17;
	v2 =	vsel vm8, $0x245, v2;
	v1 =	vsel vm7, $0x341, v1  }
0x6e: {  	v17 =	vsel vm8, $0x249, v17;
	v2 =	vsel vm7, $0x345, v2;
	v1 =	vsel vm6, $0x42, v1  }
0x6f: {  	v17 =	vsel vm7, $0x349, v17;
	v2 =	vsel vm6, $0x46, v2;
	v1 =	vsel vm5, $0x142, v1  }
0x70: {  	v17 =	vsel vm6, $0x4A, v17;
	v2 =	vsel vm5, $0x146, v2;
	v1 =	vsel vm4, $0x242, v1  }
0x71: {  	v17 =	vsel vm5, $0x14A, v17;
	v2 =	vsel vm4, $0x246, v2;
	v1 =	vsel vm3, $0x342, v1  }
0x72: {  	v17 =	vsel vm4, $0x24A, v17;
	v2 =	vsel vm3, $0x346, v2;
	v1 =	vsel vm2, $0x43, v1  }
0x73: {  	v17 =	vsel vm3, $0x34A, v17;
	v2 =	vsel vm2, $0x47, v2;
	v1 =	vsel vm1, $0x143, v1  }
0x74: {  	v18 =	vsel vm2, $0x4B, v17;
	v17 =	vsel vm0, $0x243, v1;
	v1 =	vsel vm1, $0x147, v2  }
0x75: {  	v2 =	vsel vm1, $0x14B, v18;
	v18 =	vsel vm0, $0x247, v1;
	v1 =	vimm.s32 $0x34F  }
0x76: {  	v19 =	vsel vm0, $0x24B, v2;
	v2 =	vimm.s32 $0x353;
	v1 =	vsel vm14, $0x4C, v1  }
0x77: {  	v23 =	vimm.s32 $0x363;
	v2 =	vsel vm14, $0x50, v2;
	v1 =	vsel vm13, $0x14C, v1  }
0x78: {  	v20 =	vsel vm14, $0x54, v20;
	v2 =	vsel vm13, $0x150, v2;
	v1 =	vsel vm12, $0x24C, v1  }
0x79: {  	v20 =	vsel vm13, $0x154, v20;
	v2 =	vsel vm12, $0x250, v2;
	v1 =	vsel vm11, $0x34C, v1  }
0x7a: {  	v20 =	vsel vm12, $0x254, v20;
	v2 =	vsel vm11, $0x350, v2;
	v1 =	vsel vm10, $0x4D, v1  }
0x7b: {  	v20 =	vsel vm11, $0x354, v20;
	v2 =	vsel vm10, $0x51, v2;
	v1 =	vsel vm9, $0x14D, v1  }
0x7c: {  	v20 =	vsel vm10, $0x55, v20;
	v2 =	vsel vm9, $0x151, v2;
	v1 =	vsel vm8, $0x24D, v1  }
0x7d: {  	v20 =	vsel vm9, $0x155, v20;
	v2 =	vsel vm8, $0x251, v2;
	v1 =	vsel vm7, $0x34D, v1  }
0x7e: {  	v20 =	vsel vm8, $0x255, v20;
	v2 =	vsel vm7, $0x351, v2;
	v1 =	vsel vm6, $0x4E, v1  }
0x7f: {  	v20 =	vsel vm7, $0x355, v20;
	v2 =	vsel vm6, $0x52, v2;
	v1 =	vsel vm5, $0x14E, v1  }
0x80: {  	v20 =	vsel vm6, $0x56, v20;
	v2 =	vsel vm5, $0x152, v2;
	v1 =	vsel vm4, $0x24E, v1  }
0x81: {  	v20 =	vsel vm5, $0x156, v20;
	v2 =	vsel vm4, $0x252, v2;
	v1 =	vsel vm3, $0x34E, v1  }
0x82: {  	v20 =	vsel vm4, $0x256, v20;
	v2 =	vsel vm3, $0x352, v2;
	v1 =	vsel vm2, $0x4F, v1  }
0x83: {  	v20 =	vsel vm3, $0x356, v20;
	v2 =	vsel vm2, $0x53, v2;
	v1 =	vsel vm1, $0x14F, v1  }
0x84: {  	v21 =	vsel vm2, $0x57, v20;
	v20 =	vsel vm0, $0x24F, v1;
	v1 =	vsel vm1, $0x153, v2  }
0x85: {  	v2 =	vsel vm1, $0x157, v21;
	v21 =	vsel vm0, $0x253, v1;
	v1 =	vimm.s32 $0x35B  }
0x86: {  	v22 =	vsel vm0, $0x257, v2;
	v2 =	vimm.s32 $0x35F;
	v1 =	vsel vm14, $0x58, v1  }
0x87: {  	v26 =	vimm.s32 $0x36F;
	v2 =	vsel vm14, $0x5C, v2;
	v1 =	vsel vm13, $0x158, v1  }
0x88: {  	v23 =	vsel vm14, $0x60, v23;
	v2 =	vsel vm13, $0x15C, v2;
	v1 =	vsel vm12, $0x258, v1  }
0x89: {  	v23 =	vsel vm13, $0x160, v23;
	v2 =	vsel vm12, $0x25C, v2;
	v1 =	vsel vm11, $0x358, v1  }
0x8a: {  	v23 =	vsel vm12, $0x260, v23;
	v2 =	vsel vm11, $0x35C, v2;
	v1 =	vsel vm10, $0x59, v1  }
0x8b: {  	v23 =	vsel vm11, $0x360, v23;
	v2 =	vsel vm10, $0x5D, v2;
	v1 =	vsel vm9, $0x159, v1  }
0x8c: {  	v23 =	vsel vm10, $0x61, v23;
	v2 =	vsel vm9, $0x15D, v2;
	v1 =	vsel vm8, $0x259, v1  }
0x8d: {  	v23 =	vsel vm9, $0x161, v23;
	v2 =	vsel vm8, $0x25D, v2;
	v1 =	vsel vm7, $0x359, v1  }
0x8e: {  	v23 =	vsel vm8, $0x261, v23;
	v2 =	vsel vm7, $0x35D, v2;
	v1 =	vsel vm6, $0x5A, v1  }
0x8f: {  	v23 =	vsel vm7, $0x361, v23;
	v2 =	vsel vm6, $0x5E, v2;
	v1 =	vsel vm5, $0x15A, v1  }
0x90: {  	v23 =	vsel vm6, $0x62, v23;
	v2 =	vsel vm5, $0x15E, v2;
	v1 =	vsel vm4, $0x25A, v1  }
0x91: {  	v23 =	vsel vm5, $0x162, v23;
	v2 =	vsel vm4, $0x25E, v2;
	v1 =	vsel vm3, $0x35A, v1  }
0x92: {  	v23 =	vsel vm4, $0x262, v23;
	v2 =	vsel vm3, $0x35E, v2;
	v1 =	vsel vm2, $0x5B, v1  }
0x93: {  	v23 =	vsel vm3, $0x362, v23;
	v2 =	vsel vm2, $0x5F, v2;
	v1 =	vsel vm1, $0x15B, v1  }
0x94: {  	v24 =	vsel vm2, $0x63, v23;
	v23 =	vsel vm0, $0x25B, v1;
	v1 =	vsel vm1, $0x15F, v2  }
0x95: {  	v2 =	vsel vm1, $0x163, v24;
	v24 =	vsel vm0, $0x25F, v1;
	v1 =	vimm.s32 $0x367  }
0x96: {  	v25 =	vsel vm0, $0x263, v2;
	v2 =	vimm.s32 $0x36B;
	v1 =	vsel vm14, $0x64, v1  }
0x97: {  	v29 =	vimm.s32 $0x37B;
	v2 =	vsel vm14, $0x68, v2;
	v1 =	vsel vm13, $0x164, v1  }
0x98: {  	v26 =	vsel vm14, $0x6C, v26;
	v2 =	vsel vm13, $0x168, v2;
	v1 =	vsel vm12, $0x264, v1  }
0x99: {  	v26 =	vsel vm13, $0x16C, v26;
	v2 =	vsel vm12, $0x268, v2;
	v1 =	vsel vm11, $0x364, v1  }
0x9a: {  	v26 =	vsel vm12, $0x26C, v26;
	v2 =	vsel vm11, $0x368, v2;
	v1 =	vsel vm10, $0x65, v1  }
0x9b: {  	v26 =	vsel vm11, $0x36C, v26;
	v2 =	vsel vm10, $0x69, v2;
	v1 =	vsel vm9, $0x165, v1  }
0x9c: {  	v26 =	vsel vm10, $0x6D, v26;
	v2 =	vsel vm9, $0x169, v2;
	v1 =	vsel vm8, $0x265, v1  }
0x9d: {  	v26 =	vsel vm9, $0x16D, v26;
	v2 =	vsel vm8, $0x269, v2;
	v1 =	vsel vm7, $0x365, v1  }
0x9e: {  	v26 =	vsel vm8, $0x26D, v26;
	v2 =	vsel vm7, $0x369, v2;
	v1 =	vsel vm6, $0x66, v1  }
0x9f: {  	v26 =	vsel vm7, $0x36D, v26;
	v2 =	vsel vm6, $0x6A, v2;
	v1 =	vsel vm5, $0x166, v1  }
0xa0: {  	v26 =	vsel vm6, $0x6E, v26;
	v2 =	vsel vm5, $0x16A, v2;
	v1 =	vsel vm4, $0x266, v1  }
0xa1: {  	v26 =	vsel vm5, $0x16E, v26;
	v2 =	vsel vm4, $0x26A, v2;
	v1 =	vsel vm3, $0x366, v1  }
0xa2: {  	v26 =	vsel vm4, $0x26E, v26;
	v2 =	vsel vm3, $0x36A, v2;
	v1 =	vsel vm2, $0x67, v1  }
0xa3: {  	v26 =	vsel vm3, $0x36E, v26;
	v2 =	vsel vm2, $0x6B, v2;
	v1 =	vsel vm1, $0x167, v1  }
0xa4: {  	v27 =	vsel vm2, $0x6F, v26;
	v26 =	vsel vm0, $0x267, v1;
	v1 =	vsel vm1, $0x16B, v2  }
0xa5: {  	v2 =	vsel vm1, $0x16F, v27;
	v27 =	vsel vm0, $0x26B, v1;
	v1 =	vimm.s32 $0x373  }
0xa6: {  	v28 =	vsel vm0, $0x26F, v2;
	v2 =	vimm.s32 $0x377;
	v1 =	vsel vm14, $0x70, v1  }
0xa7: {  	v32 =	vimm.s32 $0x387;
	v2 =	vsel vm14, $0x74, v2;
	v1 =	vsel vm13, $0x170, v1  }
0xa8: {  	v29 =	vsel vm14, $0x78, v29;
	v2 =	vsel vm13, $0x174, v2;
	v1 =	vsel vm12, $0x270, v1  }
0xa9: {  	v29 =	vsel vm13, $0x178, v29;
	v2 =	vsel vm12, $0x274, v2;
	v1 =	vsel vm11, $0x370, v1  }
0xaa: {  	v29 =	vsel vm12, $0x278, v29;
	v2 =	vsel vm11, $0x374, v2;
	v1 =	vsel vm10, $0x71, v1  }
0xab: {  	v29 =	vsel vm11, $0x378, v29;
	v2 =	vsel vm10, $0x75, v2;
	v1 =	vsel vm9, $0x171, v1  }
0xac: {  	v29 =	vsel vm10, $0x79, v29;
	v2 =	vsel vm9, $0x175, v2;
	v1 =	vsel vm8, $0x271, v1  }
0xad: {  	v29 =	vsel vm9, $0x179, v29;
	v2 =	vsel vm8, $0x275, v2;
	v1 =	vsel vm7, $0x371, v1  }
0xae: {  	v29 =	vsel vm8, $0x279, v29;
	v2 =	vsel vm7, $0x375, v2;
	v1 =	vsel vm6, $0x72, v1  }
0xaf: {  	v29 =	vsel vm7, $0x379, v29;
	v2 =	vsel vm6, $0x76, v2;
	v1 =	vsel vm5, $0x172, v1  }
0xb0: {  	v29 =	vsel vm6, $0x7A, v29;
	v2 =	vsel vm5, $0x176, v2;
	v1 =	vsel vm4, $0x272, v1  }
0xb1: {  	v29 =	vsel vm5, $0x17A, v29;
	v2 =	vsel vm4, $0x276, v2;
	v1 =	vsel vm3, $0x372, v1  }
0xb2: {  	v29 =	vsel vm4, $0x27A, v29;
	v2 =	vsel vm3, $0x376, v2;
	v1 =	vsel vm2, $0x73, v1  }
0xb3: {  	v29 =	vsel vm3, $0x37A, v29;
	v2 =	vsel vm2, $0x77, v2;
	v1 =	vsel vm1, $0x173, v1  }
0xb4: {  	v30 =	vsel vm2, $0x7B, v29;
	v29 =	vsel vm0, $0x273, v1;
	v1 =	vsel vm1, $0x177, v2  }
0xb5: {  	v2 =	vsel vm1, $0x17B, v30;
	v30 =	vsel vm0, $0x277, v1;
	v1 =	vimm.s32 $0x37F  }
0xb6: {  	v31 =	vsel vm0, $0x27B, v2;
	v2 =	vimm.s32 $0x383;
	v1 =	vsel vm14, $0x7C, v1  }
0xb7: {  	v35 =	vimm.s32 $0x393;
	v2 =	vsel vm14, $0x80, v2;
	v1 =	vsel vm13, $0x17C, v1  }
0xb8: {  	v32 =	vsel vm14, $0x84, v32;
	v2 =	vsel vm13, $0x180, v2;
	v1 =	vsel vm12, $0x27C, v1  }
0xb9: {  	v32 =	vsel vm13, $0x184, v32;
	v2 =	vsel vm12, $0x280, v2;
	v1 =	vsel vm11, $0x37C, v1  }
0xba: {  	v32 =	vsel vm12, $0x284, v32;
	v2 =	vsel vm11, $0x380, v2;
	v1 =	vsel vm10, $0x7D, v1  }
0xbb: {  	v32 =	vsel vm11, $0x384, v32;
	v2 =	vsel vm10, $0x81, v2;
	v1 =	vsel vm9, $0x17D, v1  }
0xbc: {  	v32 =	vsel vm10, $0x85, v32;
	v2 =	vsel vm9, $0x181, v2;
	v1 =	vsel vm8, $0x27D, v1  }
0xbd: {  	v32 =	vsel vm9, $0x185, v32;
	v2 =	vsel vm8, $0x281, v2;
	v1 =	vsel vm7, $0x37D, v1  }
0xbe: {  	v32 =	vsel vm8, $0x285, v32;
	v2 =	vsel vm7, $0x381, v2;
	v1 =	vsel vm6, $0x7E, v1  }
0xbf: {  	v32 =	vsel vm7, $0x385, v32;
	v2 =	vsel vm6, $0x82, v2;
	v1 =	vsel vm5, $0x17E, v1  }
0xc0: {  	v32 =	vsel vm6, $0x86, v32;
	v2 =	vsel vm5, $0x182, v2;
	v1 =	vsel vm4, $0x27E, v1  }
0xc1: {  	v32 =	vsel vm5, $0x186, v32;
	v2 =	vsel vm4, $0x282, v2;
	v1 =	vsel vm3, $0x37E, v1  }
0xc2: {  	v32 =	vsel vm4, $0x286, v32;
	v2 =	vsel vm3, $0x382, v2;
	v1 =	vsel vm2, $0x7F, v1  }
0xc3: {  	v32 =	vsel vm3, $0x386, v32;
	v2 =	vsel vm2, $0x83, v2;
	v1 =	vsel vm1, $0x17F, v1  }
0xc4: {  	v33 =	vsel vm2, $0x87, v32;
	v32 =	vsel vm0, $0x27F, v1;
	v1 =	vsel vm1, $0x183, v2  }
0xc5: {  	v2 =	vsel vm1, $0x187, v33;
	v33 =	vsel vm0, $0x283, v1;
	v1 =	vimm.s32 $0x38B  }
0xc6: {  	v34 =	vsel vm0, $0x287, v2;
	v2 =	vimm.s32 $0x38F;
	v1 =	vsel vm14, $0x88, v1  }
0xc7: {  	v38 =	vimm.s32 $0x39F;
	v2 =	vsel vm14, $0x8C, v2;
	v1 =	vsel vm13, $0x188, v1  }
0xc8: {  	v35 =	vsel vm14, $0x90, v35;
	v2 =	vsel vm13, $0x18C, v2;
	v1 =	vsel vm12, $0x288, v1  }
0xc9: {  	v35 =	vsel vm13, $0x190, v35;
	v2 =	vsel vm12, $0x28C, v2;
	v1 =	vsel vm11, $0x388, v1  }
0xca: {  	v35 =	vsel vm12, $0x290, v35;
	v2 =	vsel vm11, $0x38C, v2;
	v1 =	vsel vm10, $0x89, v1  }
0xcb: {  	v35 =	vsel vm11, $0x390, v35;
	v2 =	vsel vm10, $0x8D, v2;
	v1 =	vsel vm9, $0x189, v1  }
0xcc: {  	v35 =	vsel vm10, $0x91, v35;
	v2 =	vsel vm9, $0x18D, v2;
	v1 =	vsel vm8, $0x289, v1  }
0xcd: {  	v35 =	vsel vm9, $0x191, v35;
	v2 =	vsel vm8, $0x28D, v2;
	v1 =	vsel vm7, $0x389, v1  }
0xce: {  	v35 =	vsel vm8, $0x291, v35;
	v2 =	vsel vm7, $0x38D, v2;
	v1 =	vsel vm6, $0x8A, v1  }
0xcf: {  	v35 =	vsel vm7, $0x391, v35;
	v2 =	vsel vm6, $0x8E, v2;
	v1 =	vsel vm5, $0x18A, v1  }
0xd0: {  	v35 =	vsel vm6, $0x92, v35;
	v2 =	vsel vm5, $0x18E, v2;
	v1 =	vsel vm4, $0x28A, v1  }
0xd1: {  	v35 =	vsel vm5, $0x192, v35;
	v2 =	vsel vm4, $0x28E, v2;
	v1 =	vsel vm3, $0x38A, v1  }
0xd2: {  	v35 =	vsel vm4, $0x292, v35;
	v2 =	vsel vm3, $0x38E, v2;
	v1 =	vsel vm2, $0x8B, v1  }
0xd3: {  	v35 =	vsel vm3, $0x392, v35;
	v2 =	vsel vm2, $0x8F, v2;
	v1 =	vsel vm1, $0x18B, v1  }
0xd4: {  	v36 =	vsel vm2, $0x93, v35;
	v35 =	vsel vm0, $0x28B, v1;
	v1 =	vsel vm1, $0x18F, v2  }
0xd5: {  	v2 =	vsel vm1, $0x193, v36;
	v36 =	vsel vm0, $0x28F, v1;
	v1 =	vimm.s32 $0x397  }
0xd6: {  	v37 =	vsel vm0, $0x293, v2;
	v2 =	vimm.s32 $0x39B;
	v1 =	vsel vm14, $0x94, v1  }
0xd7: {  	v41 =	vimm.s32 $0x3AB;
	v2 =	vsel vm14, $0x98, v2;
	v1 =	vsel vm13, $0x194, v1  }
0xd8: {  	v38 =	vsel vm14, $0x9C, v38;
	v2 =	vsel vm13, $0x198, v2;
	v1 =	vsel vm12, $0x294, v1  }
0xd9: {  	v38 =	vsel vm13, $0x19C, v38;
	v2 =	vsel vm12, $0x298, v2;
	v1 =	vsel vm11, $0x394, v1  }
0xda: {  	v38 =	vsel vm12, $0x29C, v38;
	v2 =	vsel vm11, $0x398, v2;
	v1 =	vsel vm10, $0x95, v1  }
0xdb: {  	v38 =	vsel vm11, $0x39C, v38;
	v2 =	vsel vm10, $0x99, v2;
	v1 =	vsel vm9, $0x195, v1  }
0xdc: {  	v38 =	vsel vm10, $0x9D, v38;
	v2 =	vsel vm9, $0x199, v2;
	v1 =	vsel vm8, $0x295, v1  }
0xdd: {  	v38 =	vsel vm9, $0x19D, v38;
	v2 =	vsel vm8, $0x299, v2;
	v1 =	vsel vm7, $0x395, v1  }
0xde: {  	v38 =	vsel vm8, $0x29D, v38;
	v2 =	vsel vm7, $0x399, v2;
	v1 =	vsel vm6, $0x96, v1  }
0xdf: {  	v38 =	vsel vm7, $0x39D, v38;
	v2 =	vsel vm6, $0x9A, v2;
	v1 =	vsel vm5, $0x196, v1  }
0xe0: {  	v38 =	vsel vm6, $0x9E, v38;
	v2 =	vsel vm5, $0x19A, v2;
	v1 =	vsel vm4, $0x296, v1  }
0xe1: {  	v38 =	vsel vm5, $0x19E, v38;
	v2 =	vsel vm4, $0x29A, v2;
	v1 =	vsel vm3, $0x396, v1  }
0xe2: {  	v38 =	vsel vm4, $0x29E, v38;
	v2 =	vsel vm3, $0x39A, v2;
	v1 =	vsel vm2, $0x97, v1  }
0xe3: {  	v38 =	vsel vm3, $0x39E, v38;
	v2 =	vsel vm2, $0x9B, v2;
	v1 =	vsel vm1, $0x197, v1  }
0xe4: {  	v39 =	vsel vm2, $0x9F, v38;
	v38 =	vsel vm0, $0x297, v1;
	v1 =	vsel vm1, $0x19B, v2  }
0xe5: {  	v2 =	vsel vm1, $0x19F, v39;
	v39 =	vsel vm0, $0x29B, v1;
	v1 =	vimm.s32 $0x3A3  }
0xe6: {  	v40 =	vsel vm0, $0x29F, v2;
	v2 =	vimm.s32 $0x3A7;
	v1 =	vsel vm14, $0xA0, v1  }
0xe7: {  	v44 =	vimm.s32 $0x3B7;
	v2 =	vsel vm14, $0xA4, v2;
	v1 =	vsel vm13, $0x1A0, v1  }
0xe8: {  	v41 =	vsel vm14, $0xA8, v41;
	v2 =	vsel vm13, $0x1A4, v2;
	v1 =	vsel vm12, $0x2A0, v1  }
0xe9: {  	v41 =	vsel vm13, $0x1A8, v41;
	v2 =	vsel vm12, $0x2A4, v2;
	v1 =	vsel vm11, $0x3A0, v1  }
0xea: {  	v41 =	vsel vm12, $0x2A8, v41;
	v2 =	vsel vm11, $0x3A4, v2;
	v1 =	vsel vm10, $0xA1, v1  }
0xeb: {  	v41 =	vsel vm11, $0x3A8, v41;
	v2 =	vsel vm10, $0xA5, v2;
	v1 =	vsel vm9, $0x1A1, v1  }
0xec: {  	v41 =	vsel vm10, $0xA9, v41;
	v2 =	vsel vm9, $0x1A5, v2;
	v1 =	vsel vm8, $0x2A1, v1  }
0xed: {  	v41 =	vsel vm9, $0x1A9, v41;
	v2 =	vsel vm8, $0x2A5, v2;
	v1 =	vsel vm7, $0x3A1, v1  }
0xee: {  	v41 =	vsel vm8, $0x2A9, v41;
	v2 =	vsel vm7, $0x3A5, v2;
	v1 =	vsel vm6, $0xA2, v1  }
0xef: {  	v41 =	vsel vm7, $0x3A9, v41;
	v2 =	vsel vm6, $0xA6, v2;
	v1 =	vsel vm5, $0x1A2, v1  }
0xf0: {  	v41 =	vsel vm6, $0xAA, v41;
	v2 =	vsel vm5, $0x1A6, v2;
	v1 =	vsel vm4, $0x2A2, v1  }
0xf1: {  	v41 =	vsel vm5, $0x1AA, v41;
	v2 =	vsel vm4, $0x2A6, v2;
	v1 =	vsel vm3, $0x3A2, v1  }
0xf2: {  	v41 =	vsel vm4, $0x2AA, v41;
	v2 =	vsel vm3, $0x3A6, v2;
	v1 =	vsel vm2, $0xA3, v1  }
0xf3: {  	v41 =	vsel vm3, $0x3AA, v41;
	v2 =	vsel vm2, $0xA7, v2;
	v1 =	vsel vm1, $0x1A3, v1  }
0xf4: {  	v42 =	vsel vm2, $0xAB, v41;
	v41 =	vsel vm0, $0x2A3, v1;
	v1 =	vsel vm1, $0x1A7, v2  }
0xf5: {  	v2 =	vsel vm1, $0x1AB, v42;
	v42 =	vsel vm0, $0x2A7, v1;
	v1 =	vimm.s32 $0x3AF  }
0xf6: {  	v43 =	vsel vm0, $0x2AB, v2;
	v2 =	vimm.s32 $0x3B3;
	v1 =	vsel vm14, $0xAC, v1  }
0xf7: {  	v47 =	vimm.s32 $0x3C3;
	v2 =	vsel vm14, $0xB0, v2;
	v1 =	vsel vm13, $0x1AC, v1  }
0xf8: {  	v44 =	vsel vm14, $0xB4, v44;
	v2 =	vsel vm13, $0x1B0, v2;
	v1 =	vsel vm12, $0x2AC, v1  }
0xf9: {  	v44 =	vsel vm13, $0x1B4, v44;
	v2 =	vsel vm12, $0x2B0, v2;
	v1 =	vsel vm11, $0x3AC, v1  }
0xfa: {  	v44 =	vsel vm12, $0x2B4, v44;
	v2 =	vsel vm11, $0x3B0, v2;
	v1 =	vsel vm10, $0xAD, v1  }
0xfb: {  	v44 =	vsel vm11, $0x3B4, v44;
	v2 =	vsel vm10, $0xB1, v2;
	v1 =	vsel vm9, $0x1AD, v1  }
0xfc: {  	v44 =	vsel vm10, $0xB5, v44;
	v2 =	vsel vm9, $0x1B1, v2;
	v1 =	vsel vm8, $0x2AD, v1  }
0xfd: {  	v44 =	vsel vm9, $0x1B5, v44;
	v2 =	vsel vm8, $0x2B1, v2;
	v1 =	vsel vm7, $0x3AD, v1  }
0xfe: {  	v44 =	vsel vm8, $0x2B5, v44;
	v2 =	vsel vm7, $0x3B1, v2;
	v1 =	vsel vm6, $0xAE, v1  }
0xff: {  	v44 =	vsel vm7, $0x3B5, v44;
	v2 =	vsel vm6, $0xB2, v2;
	v1 =	vsel vm5, $0x1AE, v1  }
0x100: {  	v44 =	vsel vm6, $0xB6, v44;
	v2 =	vsel vm5, $0x1B2, v2;
	v1 =	vsel vm4, $0x2AE, v1  }
0x101: {  	v44 =	vsel vm5, $0x1B6, v44;
	v2 =	vsel vm4, $0x2B2, v2;
	v1 =	vsel vm3, $0x3AE, v1  }
0x102: {  	v44 =	vsel vm4, $0x2B6, v44;
	v2 =	vsel vm3, $0x3B2, v2;
	v1 =	vsel vm2, $0xAF, v1  }
0x103: {  	v44 =	vsel vm3, $0x3B6, v44;
	v2 =	vsel vm2, $0xB3, v2;
	v1 =	vsel vm1, $0x1AF, v1  }
0x104: {  	v45 =	vsel vm2, $0xB7, v44;
	v44 =	vsel vm0, $0x2AF, v1;
	v1 =	vsel vm1, $0x1B3, v2  }
0x105: {  	v2 =	vsel vm1, $0x1B7, v45;
	v45 =	vsel vm0, $0x2B3, v1;
	v1 =	vimm.s32 $0x3BB  }
0x106: {  	v46 =	vsel vm0, $0x2B7, v2;
	v2 =	vimm.s32 $0x3BF;
	v1 =	vsel vm14, $0xB8, v1  }
0x107: {  	v50 =	vimm.s32 $0x3CF;
	v2 =	vsel vm14, $0xBC, v2;
	v1 =	vsel vm13, $0x1B8, v1  }
0x108: {  	v47 =	vsel vm14, $0xC0, v47;
	v2 =	vsel vm13, $0x1BC, v2;
	v1 =	vsel vm12, $0x2B8, v1  }
0x109: {  	v47 =	vsel vm13, $0x1C0, v47;
	v2 =	vsel vm12, $0x2BC, v2;
	v1 =	vsel vm11, $0x3B8, v1  }
0x10a: {  	v47 =	vsel vm12, $0x2C0, v47;
	v2 =	vsel vm11, $0x3BC, v2;
	v1 =	vsel vm10, $0xB9, v1  }
0x10b: {  	v47 =	vsel vm11, $0x3C0, v47;
	v2 =	vsel vm10, $0xBD, v2;
	v1 =	vsel vm9, $0x1B9, v1  }
0x10c: {  	v47 =	vsel vm10, $0xC1, v47;
	v2 =	vsel vm9, $0x1BD, v2;
	v1 =	vsel vm8, $0x2B9, v1  }
0x10d: {  	v47 =	vsel vm9, $0x1C1, v47;
	v2 =	vsel vm8, $0x2BD, v2;
	v1 =	vsel vm7, $0x3B9, v1  }
0x10e: {  	v47 =	vsel vm8, $0x2C1, v47;
	v2 =	vsel vm7, $0x3BD, v2;
	v1 =	vsel vm6, $0xBA, v1  }
0x10f: {  	v47 =	vsel vm7, $0x3C1, v47;
	v2 =	vsel vm6, $0xBE, v2;
	v1 =	vsel vm5, $0x1BA, v1  }
0x110: {  	v47 =	vsel vm6, $0xC2, v47;
	v2 =	vsel vm5, $0x1BE, v2;
	v1 =	vsel vm4, $0x2BA, v1  }
0x111: {  	v47 =	vsel vm5, $0x1C2, v47;
	v2 =	vsel vm4, $0x2BE, v2;
	v1 =	vsel vm3, $0x3BA, v1  }
0x112: {  	v47 =	vsel vm4, $0x2C2, v47;
	v2 =	vsel vm3, $0x3BE, v2;
	v1 =	vsel vm2, $0xBB, v1  }
0x113: {  	v47 =	vsel vm3, $0x3C2, v47;
	v2 =	vsel vm2, $0xBF, v2;
	v1 =	vsel vm1, $0x1BB, v1  }
0x114: {  	v48 =	vsel vm2, $0xC3, v47;
	v47 =	vsel vm0, $0x2BB, v1;
	v1 =	vsel vm1, $0x1BF, v2  }
0x115: {  	v2 =	vsel vm1, $0x1C3, v48;
	v48 =	vsel vm0, $0x2BF, v1;
	v1 =	vimm.s32 $0x3C7  }
0x116: {  	v49 =	vsel vm0, $0x2C3, v2;
	v2 =	vimm.s32 $0x3CB;
	v1 =	vsel vm14, $0xC4, v1  }
0x117: {  	v53 =	vimm.s32 $0x3DB;
	v2 =	vsel vm14, $0xC8, v2;
	v1 =	vsel vm13, $0x1C4, v1  }
0x118: {  	v50 =	vsel vm14, $0xCC, v50;
	v2 =	vsel vm13, $0x1C8, v2;
	v1 =	vsel vm12, $0x2C4, v1  }
0x119: {  	v50 =	vsel vm13, $0x1CC, v50;
	v2 =	vsel vm12, $0x2C8, v2;
	v1 =	vsel vm11, $0x3C4, v1  }
0x11a: {  	v50 =	vsel vm12, $0x2CC, v50;
	v2 =	vsel vm11, $0x3C8, v2;
	v1 =	vsel vm10, $0xC5, v1  }
0x11b: {  	v50 =	vsel vm11, $0x3CC, v50;
	v2 =	vsel vm10, $0xC9, v2;
	v1 =	vsel vm9, $0x1C5, v1  }
0x11c: {  	v50 =	vsel vm10, $0xCD, v50;
	v2 =	vsel vm9, $0x1C9, v2;
	v1 =	vsel vm8, $0x2C5, v1  }
0x11d: {  	v50 =	vsel vm9, $0x1CD, v50;
	v2 =	vsel vm8, $0x2C9, v2;
	v1 =	vsel vm7, $0x3C5, v1  }
0x11e: {  	v50 =	vsel vm8, $0x2CD, v50;
	v2 =	vsel vm7, $0x3C9, v2;
	v1 =	vsel vm6, $0xC6, v1  }
0x11f: {  	v50 =	vsel vm7, $0x3CD, v50;
	v2 =	vsel vm6, $0xCA, v2;
	v1 =	vsel vm5, $0x1C6, v1  }
0x120: {  	v50 =	vsel vm6, $0xCE, v50;
	v2 =	vsel vm5, $0x1CA, v2;
	v1 =	vsel vm4, $0x2C6, v1  }
0x121: {  	v50 =	vsel vm5, $0x1CE, v50;
	v2 =	vsel vm4, $0x2CA, v2;
	v1 =	vsel vm3, $0x3C6, v1  }
0x122: {  	v50 =	vsel vm4, $0x2CE, v50;
	v2 =	vsel vm3, $0x3CA, v2;
	v1 =	vsel vm2, $0xC7, v1  }
0x123: {  	v50 =	vsel vm3, $0x3CE, v50;
	v2 =	vsel vm2, $0xCB, v2;
	v1 =	vsel vm1, $0x1C7, v1  }
0x124: {  	v51 =	vsel vm2, $0xCF, v50;
	v50 =	vsel vm0, $0x2C7, v1;
	v1 =	vsel vm1, $0x1CB, v2  }
0x125: {  	v2 =	vsel vm1, $0x1CF, v51;
	v51 =	vsel vm0, $0x2CB, v1;
	v1 =	vimm.s32 $0x3D3  }
0x126: {  	v52 =	vsel vm0, $0x2CF, v2;
	v2 =	vimm.s32 $0x3D7;
	v1 =	vsel vm14, $0xD0, v1  }
0x127: {  	v56 =	vimm.s32 $0x3E7;
	v2 =	vsel vm14, $0xD4, v2;
	v1 =	vsel vm13, $0x1D0, v1  }
0x128: {  	v53 =	vsel vm14, $0xD8, v53;
	v2 =	vsel vm13, $0x1D4, v2;
	v1 =	vsel vm12, $0x2D0, v1  }
0x129: {  	v53 =	vsel vm13, $0x1D8, v53;
	v2 =	vsel vm12, $0x2D4, v2;
	v1 =	vsel vm11, $0x3D0, v1  }
0x12a: {  	v53 =	vsel vm12, $0x2D8, v53;
	v2 =	vsel vm11, $0x3D4, v2;
	v1 =	vsel vm10, $0xD1, v1  }
0x12b: {  	v53 =	vsel vm11, $0x3D8, v53;
	v2 =	vsel vm10, $0xD5, v2;
	v1 =	vsel vm9, $0x1D1, v1  }
0x12c: {  	v53 =	vsel vm10, $0xD9, v53;
	v2 =	vsel vm9, $0x1D5, v2;
	v1 =	vsel vm8, $0x2D1, v1  }
0x12d: {  	v53 =	vsel vm9, $0x1D9, v53;
	v2 =	vsel vm8, $0x2D5, v2;
	v1 =	vsel vm7, $0x3D1, v1  }
0x12e: {  	v53 =	vsel vm8, $0x2D9, v53;
	v2 =	vsel vm7, $0x3D5, v2;
	v1 =	vsel vm6, $0xD2, v1  }
0x12f: {  	v53 =	vsel vm7, $0x3D9, v53;
	v2 =	vsel vm6, $0xD6, v2;
	v1 =	vsel vm5, $0x1D2, v1  }
0x130: {  	v53 =	vsel vm6, $0xDA, v53;
	v2 =	vsel vm5, $0x1D6, v2;
	v1 =	vsel vm4, $0x2D2, v1  }
0x131: {  	v53 =	vsel vm5, $0x1DA, v53;
	v2 =	vsel vm4, $0x2D6, v2;
	v1 =	vsel vm3, $0x3D2, v1  }
0x132: {  	v53 =	vsel vm4, $0x2DA, v53;
	v2 =	vsel vm3, $0x3D6, v2;
	v1 =	vsel vm2, $0xD3, v1  }
0x133: {  	v53 =	vsel vm3, $0x3DA, v53;
	v2 =	vsel vm2, $0xD7, v2;
	v1 =	vsel vm1, $0x1D3, v1  }
0x134: {  	v54 =	vsel vm2, $0xDB, v53;
	v53 =	vsel vm0, $0x2D3, v1;
	v1 =	vsel vm1, $0x1D7, v2  }
0x135: {  	v2 =	vsel vm1, $0x1DB, v54;
	v54 =	vsel vm0, $0x2D7, v1;
	v1 =	vimm.s32 $0x3DF  }
0x136: {  	v55 =	vsel vm0, $0x2DB, v2;
	v2 =	vimm.s32 $0x3E3;
	v1 =	vsel vm14, $0xDC, v1  }
0x137: {  	v59 =	vimm.s32 $0x3F3;
	v2 =	vsel vm14, $0xE0, v2;
	v1 =	vsel vm13, $0x1DC, v1  }
0x138: {  	v56 =	vsel vm14, $0xE4, v56;
	v2 =	vsel vm13, $0x1E0, v2;
	v1 =	vsel vm12, $0x2DC, v1  }
0x139: {  	v56 =	vsel vm13, $0x1E4, v56;
	v2 =	vsel vm12, $0x2E0, v2;
	v1 =	vsel vm11, $0x3DC, v1  }
0x13a: {  	v56 =	vsel vm12, $0x2E4, v56;
	v2 =	vsel vm11, $0x3E0, v2;
	v1 =	vsel vm10, $0xDD, v1  }
0x13b: {  	v56 =	vsel vm11, $0x3E4, v56;
	v2 =	vsel vm10, $0xE1, v2;
	v1 =	vsel vm9, $0x1DD, v1  }
0x13c: {  	v56 =	vsel vm10, $0xE5, v56;
	v2 =	vsel vm9, $0x1E1, v2;
	v1 =	vsel vm8, $0x2DD, v1  }
0x13d: {  	v56 =	vsel vm9, $0x1E5, v56;
	v2 =	vsel vm8, $0x2E1, v2;
	v1 =	vsel vm7, $0x3DD, v1  }
0x13e: {  	v56 =	vsel vm8, $0x2E5, v56;
	v2 =	vsel vm7, $0x3E1, v2;
	v1 =	vsel vm6, $0xDE, v1  }
0x13f: {  	v56 =	vsel vm7, $0x3E5, v56;
	v2 =	vsel vm6, $0xE2, v2;
	v1 =	vsel vm5, $0x1DE, v1  }
0x140: {  	v56 =	vsel vm6, $0xE6, v56;
	v2 =	vsel vm5, $0x1E2, v2;
	v1 =	vsel vm4, $0x2DE, v1  }
0x141: {  	v56 =	vsel vm5, $0x1E6, v56;
	v2 =	vsel vm4, $0x2E2, v2;
	v1 =	vsel vm3, $0x3DE, v1  }
0x142: {  	s5 =	rddreg [dreg:$0x0];
	s9 =	stileid.u32;
	v56 =	vsel vm4, $0x2E6, v56;
	v2 =	vsel vm3, $0x3E2, v2;
	v1 =	vsel vm2, $0xDF, v1  }
0x143: {  	s6 =	rddreg [dreg:$0x1];
	s8 =	smul.u32 $0x68000, s9;
	v56 =	vsel vm3, $0x3E6, v56;
	v2 =	vsel vm2, $0xE3, v2;
	v1 =	vsel vm1, $0x1DF, v1  }
0x144: {  	s7 =	rddreg [dreg:$0x2];
	s4 =	smul.u32 $0xD00, s9;
	v57 =	vsel vm2, $0xE7, v56;
	v56 =	vsel vm0, $0x2DF, v1;
	v1 =	vsel vm1, $0x1E3, v2  }
0x145: {  	s2 =	rddreg [dreg:$0x3];
	s12 =	sshrl.u32 s8, $0x2;
	v2 =	vsel vm1, $0x1E7, v57;
	v57 =	vsel vm0, $0x2E3, v1;
	v1 =	vimm.s32 $0x3EB  }
0x146: {  	s3 =	simm.s32 $0x0;
	s1 =	sadd.s32 s4, s1;
	s4 =	sadd.s32 s12, s2;
	v58 =	vsel vm0, $0x2E7, v2;
	v2 =	vimm.s32 $0x3EF;
	v1 =	vsel vm14, $0xE8, v1  }
0x147: {  	v62 =	vimm.s32 $0x3FF;
	[smem:$0x7FF] =	sst s3;
	s14 =	sadd.s32 $0xD00, s4;
	v2 =	vsel vm14, $0xEC, v2;
	v1 =	vsel vm13, $0x1E8, v1  }
0x148: {  	v59 =	vsel vm14, $0xF0, v59;
	s15 =	sadd.s32 $0x1A00, s4;
	_ =	strace $0x80000047;
	[dreg:$0x5] =	wrdreg s14;
	v2 =	vsel vm13, $0x1EC, v2;
	v1 =	vsel vm12, $0x2E8, v1  }
0x149: {  	s28 =	simm.s32 $0x1B010;
	v59 =	vsel vm13, $0x1F0, v59;
	s16 =	sadd.s32 $0x2700, s4;
	[dreg:$0x6] =	wrdreg s15;
	v2 =	vsel vm12, $0x2EC, v2;
	v1 =	vsel vm11, $0x3E8, v1  }
0x14a: {  	s29 =	simm.s32 $0x1C010;
	v59 =	vsel vm12, $0x2F0, v59;
	s17 =	sadd.s32 $0x3400, s4;
	[dreg:$0x7] =	wrdreg s16;
	v2 =	vsel vm11, $0x3EC, v2;
	v1 =	vsel vm10, $0xE9, v1  }
0x14b: {  	s30 =	simm.s32 $0x1D010;
	v59 =	vsel vm11, $0x3F0, v59;
	s18 =	sadd.s32 $0x4100, s4;
	[dreg:$0x8] =	wrdreg s17;
	v2 =	vsel vm10, $0xED, v2;
	v1 =	vsel vm9, $0x1E9, v1  }
0x14c: {  	s31 =	simm.s32 $0x0;
	v59 =	vsel vm10, $0xF1, v59;
	s19 =	sadd.s32 $0x4E00, s4;
	[dreg:$0x9] =	wrdreg s18;
	v2 =	vsel vm9, $0x1ED, v2;
	v1 =	vsel vm8, $0x2E9, v1  }
0x14d: {  	s25 =	sshll.u32 s9, $0x7;
	s20 =	sadd.s32 $0x5B00, s4;
	v59 =	vsel vm9, $0x1F1, v59;
	[dreg:$0xa] =	wrdreg s19;
	v2 =	vsel vm8, $0x2ED, v2;
	v1 =	vsel vm7, $0x3E9, v1  }
0x14e: {  	s26 =	sshll.u32 s9, $0x5;
	s21 =	sadd.s32 $0x6800, s4;
	v59 =	vsel vm8, $0x2F1, v59;
	[dreg:$0xb] =	wrdreg s20;
	v2 =	vsel vm7, $0x3ED, v2;
	v1 =	vsel vm6, $0xEA, v1  }
0x14f: {  	s0 =	ssub.s32 $0x2, s0;
	s22 =	sadd.s32 $0x7500, s4;
	v59 =	vsel vm7, $0x3F1, v59;
	[dreg:$0xc] =	wrdreg s21;
	v2 =	vsel vm6, $0xEE, v2;
	v1 =	vsel vm5, $0x1EA, v1  }
0x150: {  	s13 =	sshrl.u32 s0, $0x1;
	s23 =	sadd.s32 $0x8200, s4;
	v59 =	vsel vm6, $0xF2, v59;
	[dreg:$0xd] =	wrdreg s22;
	v2 =	vsel vm5, $0x1EE, v2;
	v1 =	vsel vm4, $0x2EA, v1  }
0x151: {  	s8 =	sand.u32 $0xE0, s26;
	s24 =	sadd.s32 $0x8F00, s4;
	v59 =	vsel vm5, $0x1F2, v59;
	[dreg:$0xe] =	wrdreg s23;
	v2 =	vsel vm4, $0x2EE, v2;
	v1 =	vsel vm3, $0x3EA, v1  }
0x152: {  	s0 =	ssub.s32 s0, s13;
	s10 =	sadd.s32 $0x9C00, s4;
	v59 =	vsel vm4, $0x2F2, v59;
	[dreg:$0xf] =	wrdreg s24;
	v2 =	vsel vm3, $0x3EE, v2;
	v1 =	vsel vm2, $0xEB, v1  }
0x153: {  	s1 =	sshll.u32 s1, $0x2;
	s11 =	sadd.s32 $0xA900, s4;
	v59 =	vsel vm3, $0x3F2, v59;
	[dreg:$0x10] =	wrdreg s10;
	v2 =	vsel vm2, $0xEF, v2;
	v1 =	vsel vm1, $0x1EB, v1  }
0x154: {  	s12 =	sadd.s32 $0xB600, s4;
	s13 =	sadd.s32 $0xC300, s4;
	v60 =	vsel vm2, $0xF3, v59;
	[dreg:$0x11] =	wrdreg s11;
	v59 =	vsel vm0, $0x2EB, v1;
	v1 =	vsel vm1, $0x1EF, v2  }
0x155: {  	s0 =	smax.u32 s0, $0x1;
	s1 =	sadd.s32 s1, s7;
	[dreg:$0x12] =	wrdreg s12;
	v2 =	vsel vm1, $0x1F3, v60;
	v60 =	vsel vm0, $0x2EF, v1;
	v1 =	vimm.s32 $0x3F7  }
0x156: {  	s26 =	sadd.s32 $0x14500, s4;
	s1 =	sadd.s32 $0x1A00, s1;
	[dreg:$0x13] =	wrdreg s13;
	v61 =	vsel vm0, $0x2F3, v2;
	v2 =	vimm.s32 $0x3FB;
	v1 =	vsel vm14, $0xF4, v1  }
0x157: {  	v62 =	vsel vm14, $0xFC, v62;
	s7 =	sand.u32 $0x400, s25;
	s25 =	sadd.s32 $0x13800, s4;
	[dreg:$0x16] =	wrdreg s1;
	v2 =	vsel vm14, $0xF8, v2;
	v1 =	vsel vm13, $0x1F4, v1  }
0x158: {  	v62 =	vsel vm13, $0x1FC, v62;
	s7 =	sor.u32 s8, s7;
	s8 =	sadd.s32 $0x16C00, s4;
	[dreg:$0x17] =	wrdreg s0;
	v2 =	vsel vm13, $0x1F8, v2;
	v1 =	vsel vm12, $0x2F4, v1  }
0x159: {  	v62 =	vsel vm12, $0x2FC, v62;
	s20 =	sadd.s32 s6, s7;
	s14 =	sshll.u32 s9, $0xC;
	[dreg:$0x1e] =	wrdreg s25;
	v2 =	vsel vm12, $0x2F8, v2;
	v1 =	vsel vm11, $0x3F4, v1  }
0x15a: {  	v62 =	vsel vm11, $0x3FC, v62;
	s15 =	sadd.s32 $0xD000, s4;
	s16 =	sadd.s32 $0xDD00, s4;
	[dreg:$0x1f] =	wrdreg s26;
	v2 =	vsel vm11, $0x3F8, v2;
	v1 =	vsel vm10, $0xF5, v1  }
0x15b: {  	v62 =	vsel vm10, $0xFD, v62;
	s17 =	sadd.s32 $0xEA00, s4;
	s18 =	sadd.s32 $0xF700, s4;
	[dreg:$0x14] =	wrdreg s15;
	v2 =	vsel vm10, $0xF9, v2;
	v1 =	vsel vm9, $0x1F5, v1  }
0x15c: {  	v62 =	vsel vm9, $0x1FD, v62;
	s19 =	sadd.s32 $0x10400, s4;
	s21 =	sadd.s32 $0x11100, s4;
	[dreg:$0x15] =	wrdreg s16;
	v2 =	vsel vm9, $0x1F9, v2;
	v1 =	vsel vm8, $0x2F5, v1  }
0x15d: {  	v62 =	vsel vm8, $0x2FD, v62;
	s23 =	sadd.s32 $0x11E00, s4;
	s24 =	sadd.s32 $0x12B00, s4;
	[dreg:$0x18] =	wrdreg s17;
	v2 =	vsel vm8, $0x2F9, v2;
	v1 =	vsel vm7, $0x3F5, v1  }
0x15e: {  	v62 =	vsel vm7, $0x3FD, v62;
	s6 =	sadd.s32 $0x15200, s4;
	s7 =	sadd.s32 $0x15F00, s4;
	[dreg:$0x19] =	wrdreg s18;
	v2 =	vsel vm7, $0x3F9, v2;
	v1 =	vsel vm6, $0xF6, v1  }
0x15f: {  	v62 =	vsel vm6, $0xFE, v62;
	s9 =	sadd.s32 $0x17900, s4;
	s10 =	sadd.s32 $0x18600, s4;
	[dreg:$0x1a] =	wrdreg s19;
	v2 =	vsel vm6, $0xFA, v2;
	v1 =	vsel vm5, $0x1F6, v1  }
0x160: {  	v62 =	vsel vm5, $0x1FE, v62;
	s11 =	sadd.s32 $0x19300, s4;
	s25 =	simm.s32 $0x1A010;
	[dreg:$0x1b] =	wrdreg s21;
	v2 =	vsel vm5, $0x1FA, v2;
	v1 =	vsel vm4, $0x2F6, v1  }
0x161: {  	v62 =	vsel vm4, $0x2FE, v62;
	s26 =	simm.s32 $0x80;
	s22 =	sadd.s32 s5, s14;
	[dreg:$0x1c] =	wrdreg s23;
	v2 =	vsel vm4, $0x2FA, v2;
	v1 =	vsel vm3, $0x3F6, v1  }
0x162: {  	v62 =	vsel vm3, $0x3FE, v62;
	[dreg:$0x1d] =	wrdreg s24;
	s12 =	sadd.s32 $0x10, s20;
	s13 =	sadd.s32 $0x100, s20;
	v2 =	vsel vm3, $0x3FA, v2;
	v1 =	vsel vm2, $0xF7, v1  }
0x163: {  	v63 =	vsel vm2, $0xFF, v62;
	s14 =	sadd.s32 $0x110, s20;
	s15 =	sadd.s32 $0x200, s20;
	s16 =	sadd.s32 $0x210, s20;
	v2 =	vsel vm2, $0xFB, v2;
	v1 =	vsel vm1, $0x1F7, v1  }
0x164: {  	s17 =	sadd.s32 $0x300, s20;
	s18 =	sadd.s32 $0x310, s20;
	s21 =	simm.s32 $0x1E810;
	v62 =	vsel vm0, $0x2F7, v1;
	v1 =	vsel vm1, $0x1FB, v2;
	v2 =	vsel vm1, $0x1FF, v63  }
0x165: {  	s23 =	simm.s32 $0x1;
	s24 =	simm.s32 $0x1E010;
	s19 =	sadd.s32 $0x800, s22;
	v63 =	vsel vm0, $0x2FB, v1;
	v1 =	vsel vm0, $0x2FF, v2;
	v2 =	vimm.f32 $0.0e+00  }
.LBB2_1:
0x166: {  	s1 =	simm.s32 $0x80;
	s0 =	simm.s32 $0x0  }
.LBB2_2:
0x167: {  	p0 =	sne.s32 s1, $0x3380;
	[tilespmem:s0+$0x1E810] =	vst v2;
	s5 =	smov.u32 s1;
	s1 =	sadd.s32 $0x80, s1  }
.Ltmp0:
0x168: {  	[tilespmem:s0+$0x1E820] =	vst v2;
	(pc) =	sbr.rel @p0 .LBB2_2-.Ltmp0, $2  }
0x169: {  	_ =	sdelay $0x2  }
0x16a: {  	s0 =	sshra.s32 s5, $0x2  }
0x16b: {  	[tilespmem:s0+$0x1E810] =	vst v2  }
0x16c: {  	[tilespmem:s0+$0x1E820] =	vst v2  }
0x16d: {  	[spmem:s4] =	stream.linear.scatter [tilespmem:s21], [sflag:$0x1], $0xD00, $0x38;
	[tilespmem:$0x1F510] =	vst v63  }
0x16e: {  	_ =	swait.ge [sflag:s23], $0xD00  }
0x16f: {  	[sflag:s23] =	ssyncset.done $0x0  }
0x170: {  	s1 =	rddreg [dreg:$0x5];
	[sflag:s23] =	ssyncadd.s32 $0xFFFFF300  }
0x171: {  	[spmem:s1] =	stream.linear.scatter [tilespmem:s21], [sflag:$0x1], $0xD00, $0x38;
	[tilespmem:$0x1F510] =	vst v63  }
0x172: {  	_ =	swait.ge [sflag:s23], $0xD00  }
0x173: {  	[sflag:s23] =	ssyncset.done $0x0  }
0x174: {  	s5 =	rddreg [dreg:$0x6];
	[sflag:s23] =	ssyncadd.s32 $0xFFFFF300  }
0x175: {  	[spmem:s5] =	stream.linear.scatter [tilespmem:s21], [sflag:$0x1], $0xD00, $0x38;
	[tilespmem:$0x1F510] =	vst v63  }
0x176: {  	_ =	swait.ge [sflag:s23], $0xD00  }
0x177: {  	[sflag:s23] =	ssyncset.done $0x0  }
0x178: {  	s1 =	rddreg [dreg:$0x7];
	[sflag:s23] =	ssyncadd.s32 $0xFFFFF300  }
0x179: {  	[spmem:s1] =	stream.linear.scatter [tilespmem:s21], [sflag:$0x1], $0xD00, $0x38;
	[tilespmem:$0x1F510] =	vst v63  }
0x17a: {  	_ =	swait.ge [sflag:s23], $0xD00  }
0x17b: {  	[sflag:s23] =	ssyncset.done $0x0  }
0x17c: {  	s5 =	rddreg [dreg:$0x8];
	[sflag:s23] =	ssyncadd.s32 $0xFFFFF300  }
0x17d: {  	[spmem:s5] =	stream.linear.scatter [tilespmem:s21], [sflag:$0x1], $0xD00, $0x38;
	[tilespmem:$0x1F510] =	vst v63  }
0x17e: {  	_ =	swait.ge [sflag:s23], $0xD00  }
0x17f: {  	[sflag:s23] =	ssyncset.done $0x0  }
0x180: {  	s1 =	rddreg [dreg:$0x9];
	[sflag:s23] =	ssyncadd.s32 $0xFFFFF300  }
0x181: {  	[spmem:s1] =	stream.linear.scatter [tilespmem:s21], [sflag:$0x1], $0xD00, $0x38;
	[tilespmem:$0x1F510] =	vst v63  }
0x182: {  	_ =	swait.ge [sflag:s23], $0xD00  }
0x183: {  	[sflag:s23] =	ssyncset.done $0x0  }
0x184: {  	s5 =	rddreg [dreg:$0xa];
	[sflag:s23] =	ssyncadd.s32 $0xFFFFF300  }
0x185: {  	[spmem:s5] =	stream.linear.scatter [tilespmem:s21], [sflag:$0x1], $0xD00, $0x38;
	[tilespmem:$0x1F510] =	vst v63  }
0x186: {  	_ =	swait.ge [sflag:s23], $0xD00  }
0x187: {  	[sflag:s23] =	ssyncset.done $0x0  }
0x188: {  	s1 =	rddreg [dreg:$0xb];
	[sflag:s23] =	ssyncadd.s32 $0xFFFFF300  }
0x189: {  	[spmem:s1] =	stream.linear.scatter [tilespmem:s21], [sflag:$0x1], $0xD00, $0x38;
	[tilespmem:$0x1F510] =	vst v63  }
0x18a: {  	_ =	swait.ge [sflag:s23], $0xD00  }
0x18b: {  	[sflag:s23] =	ssyncset.done $0x0  }
0x18c: {  	s5 =	rddreg [dreg:$0xc];
	[sflag:s23] =	ssyncadd.s32 $0xFFFFF300  }
0x18d: {  	[spmem:s5] =	stream.linear.scatter [tilespmem:s21], [sflag:$0x1], $0xD00, $0x38;
	[tilespmem:$0x1F510] =	vst v63  }
0x18e: {  	_ =	swait.ge [sflag:s23], $0xD00  }
0x18f: {  	[sflag:s23] =	ssyncset.done $0x0  }
0x190: {  	s1 =	rddreg [dreg:$0xd];
	[sflag:s23] =	ssyncadd.s32 $0xFFFFF300  }
0x191: {  	[spmem:s1] =	stream.linear.scatter [tilespmem:s21], [sflag:$0x1], $0xD00, $0x38;
	[tilespmem:$0x1F510] =	vst v63  }
0x192: {  	_ =	swait.ge [sflag:s23], $0xD00  }
0x193: {  	[sflag:s23] =	ssyncset.done $0x0  }
0x194: {  	s5 =	rddreg [dreg:$0xe];
	[sflag:s23] =	ssyncadd.s32 $0xFFFFF300  }
0x195: {  	[spmem:s5] =	stream.linear.scatter [tilespmem:s21], [sflag:$0x1], $0xD00, $0x38;
	[tilespmem:$0x1F510] =	vst v63  }
0x196: {  	_ =	swait.ge [sflag:s23], $0xD00  }
0x197: {  	[sflag:s23] =	ssyncset.done $0x0  }
0x198: {  	s1 =	rddreg [dreg:$0xf];
	[sflag:s23] =	ssyncadd.s32 $0xFFFFF300  }
0x199: {  	[spmem:s1] =	stream.linear.scatter [tilespmem:s21], [sflag:$0x1], $0xD00, $0x38;
	[tilespmem:$0x1F510] =	vst v63  }
0x19a: {  	_ =	swait.ge [sflag:s23], $0xD00  }
0x19b: {  	[sflag:s23] =	ssyncset.done $0x0  }
0x19c: {  	s5 =	rddreg [dreg:$0x10];
	[sflag:s23] =	ssyncadd.s32 $0xFFFFF300  }
0x19d: {  	[spmem:s5] =	stream.linear.scatter [tilespmem:s21], [sflag:$0x1], $0xD00, $0x38;
	[tilespmem:$0x1F510] =	vst v63  }
0x19e: {  	_ =	swait.ge [sflag:s23], $0xD00  }
0x19f: {  	[sflag:s23] =	ssyncset.done $0x0  }
0x1a0: {  	s1 =	rddreg [dreg:$0x11];
	[sflag:s23] =	ssyncadd.s32 $0xFFFFF300  }
0x1a1: {  	[spmem:s1] =	stream.linear.scatter [tilespmem:s21], [sflag:$0x1], $0xD00, $0x38;
	[tilespmem:$0x1F510] =	vst v63  }
0x1a2: {  	_ =	swait.ge [sflag:s23], $0xD00  }
0x1a3: {  	[sflag:s23] =	ssyncset.done $0x0  }
0x1a4: {  	s5 =	rddreg [dreg:$0x12];
	[sflag:s23] =	ssyncadd.s32 $0xFFFFF300  }
0x1a5: {  	[spmem:s5] =	stream.linear.scatter [tilespmem:s21], [sflag:$0x1], $0xD00, $0x38;
	[tilespmem:$0x1F510] =	vst v63  }
0x1a6: {  	_ =	swait.ge [sflag:s23], $0xD00  }
0x1a7: {  	[sflag:s23] =	ssyncset.done $0x0  }
0x1a8: {  	s1 =	rddreg [dreg:$0x13];
	[sflag:s23] =	ssyncadd.s32 $0xFFFFF300  }
0x1a9: {  	[spmem:s1] =	stream.linear.scatter [tilespmem:s21], [sflag:$0x1], $0xD00, $0x38;
	[tilespmem:$0x1F510] =	vst v63  }
0x1aa: {  	_ =	swait.ge [sflag:s23], $0xD00  }
0x1ab: {  	[sflag:s23] =	ssyncset.done $0x0  }
0x1ac: {  	s5 =	rddreg [dreg:$0x14];
	[sflag:s23] =	ssyncadd.s32 $0xFFFFF300  }
0x1ad: {  	[spmem:s5] =	stream.linear.scatter [tilespmem:s21], [sflag:$0x1], $0xD00, $0x38;
	[tilespmem:$0x1F510] =	vst v63  }
0x1ae: {  	_ =	swait.ge [sflag:s23], $0xD00  }
0x1af: {  	[sflag:s23] =	ssyncset.done $0x0  }
0x1b0: {  	s1 =	rddreg [dreg:$0x15];
	[sflag:s23] =	ssyncadd.s32 $0xFFFFF300  }
0x1b1: {  	[spmem:s1] =	stream.linear.scatter [tilespmem:s21], [sflag:$0x1], $0xD00, $0x38;
	[tilespmem:$0x1F510] =	vst v63  }
0x1b2: {  	_ =	swait.ge [sflag:s23], $0xD00  }
0x1b3: {  	[sflag:s23] =	ssyncset.done $0x0  }
0x1b4: {  	s5 =	rddreg [dreg:$0x18];
	[sflag:s23] =	ssyncadd.s32 $0xFFFFF300  }
0x1b5: {  	[spmem:s5] =	stream.linear.scatter [tilespmem:s21], [sflag:$0x1], $0xD00, $0x38;
	[tilespmem:$0x1F510] =	vst v63  }
0x1b6: {  	_ =	swait.ge [sflag:s23], $0xD00  }
0x1b7: {  	[sflag:s23] =	ssyncset.done $0x0  }
0x1b8: {  	s1 =	rddreg [dreg:$0x19];
	[sflag:s23] =	ssyncadd.s32 $0xFFFFF300  }
0x1b9: {  	[spmem:s1] =	stream.linear.scatter [tilespmem:s21], [sflag:$0x1], $0xD00, $0x38;
	[tilespmem:$0x1F510] =	vst v63  }
0x1ba: {  	_ =	swait.ge [sflag:s23], $0xD00  }
0x1bb: {  	[sflag:s23] =	ssyncset.done $0x0  }
0x1bc: {  	s5 =	rddreg [dreg:$0x1a];
	[sflag:s23] =	ssyncadd.s32 $0xFFFFF300  }
0x1bd: {  	[spmem:s5] =	stream.linear.scatter [tilespmem:s21], [sflag:$0x1], $0xD00, $0x38;
	[tilespmem:$0x1F510] =	vst v63  }
0x1be: {  	_ =	swait.ge [sflag:s23], $0xD00  }
0x1bf: {  	[sflag:s23] =	ssyncset.done $0x0  }
0x1c0: {  	s1 =	rddreg [dreg:$0x1b];
	[sflag:s23] =	ssyncadd.s32 $0xFFFFF300  }
0x1c1: {  	[spmem:s1] =	stream.linear.scatter [tilespmem:s21], [sflag:$0x1], $0xD00, $0x38;
	[tilespmem:$0x1F510] =	vst v63  }
0x1c2: {  	_ =	swait.ge [sflag:s23], $0xD00  }
0x1c3: {  	[sflag:s23] =	ssyncset.done $0x0  }
0x1c4: {  	s5 =	rddreg [dreg:$0x1c];
	[sflag:s23] =	ssyncadd.s32 $0xFFFFF300  }
0x1c5: {  	[spmem:s5] =	stream.linear.scatter [tilespmem:s21], [sflag:$0x1], $0xD00, $0x38;
	[tilespmem:$0x1F510] =	vst v63  }
0x1c6: {  	_ =	swait.ge [sflag:s23], $0xD00  }
0x1c7: {  	[sflag:s23] =	ssyncset.done $0x0  }
0x1c8: {  	s1 =	rddreg [dreg:$0x1d];
	[sflag:s23] =	ssyncadd.s32 $0xFFFFF300  }
0x1c9: {  	[spmem:s1] =	stream.linear.scatter [tilespmem:s21], [sflag:$0x1], $0xD00, $0x38;
	[tilespmem:$0x1F510] =	vst v63  }
0x1ca: {  	_ =	swait.ge [sflag:s23], $0xD00  }
0x1cb: {  	[sflag:s23] =	ssyncset.done $0x0  }
0x1cc: {  	s5 =	rddreg [dreg:$0x1e];
	[sflag:s23] =	ssyncadd.s32 $0xFFFFF300  }
0x1cd: {  	[spmem:s5] =	stream.linear.scatter [tilespmem:s21], [sflag:$0x1], $0xD00, $0x38;
	[tilespmem:$0x1F510] =	vst v63  }
0x1ce: {  	_ =	swait.ge [sflag:s23], $0xD00  }
0x1cf: {  	[sflag:s23] =	ssyncset.done $0x0  }
0x1d0: {  	s1 =	rddreg [dreg:$0x1f];
	[sflag:s23] =	ssyncadd.s32 $0xFFFFF300  }
0x1d1: {  	[spmem:s1] =	stream.linear.scatter [tilespmem:s21], [sflag:$0x1], $0xD00, $0x38;
	[tilespmem:$0x1F510] =	vst v63  }
0x1d2: {  	_ =	swait.ge [sflag:s23], $0xD00  }
0x1d3: {  	[sflag:s23] =	ssyncset.done $0x0  }
0x1d4: {  	[sflag:s23] =	ssyncadd.s32 $0xFFFFF300  }
0x1d5: {  	[spmem:s6] =	stream.linear.scatter [tilespmem:s21], [sflag:$0x1], $0xD00, $0x38;
	[tilespmem:$0x1F510] =	vst v63  }
0x1d6: {  	_ =	swait.ge [sflag:s23], $0xD00  }
0x1d7: {  	[sflag:s23] =	ssyncset.done $0x0  }
0x1d8: {  	[sflag:s23] =	ssyncadd.s32 $0xFFFFF300  }
0x1d9: {  	[spmem:s7] =	stream.linear.scatter [tilespmem:s21], [sflag:$0x1], $0xD00, $0x38;
	[tilespmem:$0x1F510] =	vst v63  }
0x1da: {  	_ =	swait.ge [sflag:s23], $0xD00  }
0x1db: {  	[sflag:s23] =	ssyncset.done $0x0  }
0x1dc: {  	[sflag:s23] =	ssyncadd.s32 $0xFFFFF300  }
0x1dd: {  	[spmem:s8] =	stream.linear.scatter [tilespmem:s21], [sflag:$0x1], $0xD00, $0x38;
	[tilespmem:$0x1F510] =	vst v63  }
0x1de: {  	_ =	swait.ge [sflag:s23], $0xD00  }
0x1df: {  	[sflag:s23] =	ssyncset.done $0x0  }
0x1e0: {  	[sflag:s23] =	ssyncadd.s32 $0xFFFFF300  }
0x1e1: {  	[spmem:s9] =	stream.linear.scatter [tilespmem:s21], [sflag:$0x1], $0xD00, $0x38;
	[tilespmem:$0x1F510] =	vst v63  }
0x1e2: {  	_ =	swait.ge [sflag:s23], $0xD00  }
0x1e3: {  	[sflag:s23] =	ssyncset.done $0x0  }
0x1e4: {  	[sflag:s23] =	ssyncadd.s32 $0xFFFFF300  }
0x1e5: {  	[spmem:s10] =	stream.linear.scatter [tilespmem:s21], [sflag:$0x1], $0xD00, $0x38;
	[tilespmem:$0x1F510] =	vst v63  }
0x1e6: {  	_ =	swait.ge [sflag:s23], $0xD00  }
0x1e7: {  	[sflag:s23] =	ssyncset.done $0x0  }
0x1e8: {  	[sflag:s23] =	ssyncadd.s32 $0xFFFFF300  }
0x1e9: {  	[spmem:s11] =	stream.linear.scatter [tilespmem:s21], [sflag:$0x1], $0xD00, $0x38;
	[tilespmem:$0x1F510] =	vst v63  }
0x1ea: {  	_ =	swait.ge [sflag:s23], $0xD00  }
0x1eb: {  	[sflag:s23] =	ssyncset.done $0x0  }
0x1ec: {  	[sflag:s23] =	ssyncadd.s32 $0xFFFFF300  }
0x1ed: {  	[tilespmem:s24], [sflag:$0x1] =	stream.linear.gather [hbm4b:s20+s3], $0x80, $0x38;
	[tilespmem:$0x1F510] =	vst v63  }
0x1ee: {  	_ =	swait.ge [sflag:s23], $0x80  }
0x1ef: {  	[sflag:s23] =	ssyncset.done $0x0  }
0x1f0: {  	s5 =	simm.s32 $0x1E090;
	[sflag:s23] =	ssyncadd.s32 $0xFFFFFF80  }
0x1f1: {  	[tilespmem:s5], [sflag:$0x1] =	stream.linear.gather [hbm4b:s12+s3], $0x80, $0x38;
	[tilespmem:$0x1F510] =	vst v63  }
0x1f2: {  	_ =	swait.ge [sflag:s23], $0x80  }
0x1f3: {  	[sflag:s23] =	ssyncset.done $0x0  }
0x1f4: {  	s1 =	simm.s32 $0x1E110;
	[sflag:s23] =	ssyncadd.s32 $0xFFFFFF80  }
0x1f5: {  	[tilespmem:s1], [sflag:$0x1] =	stream.linear.gather [hbm4b:s13+s3], $0x80, $0x38;
	[tilespmem:$0x1F510] =	vst v63  }
0x1f6: {  	_ =	swait.ge [sflag:s23], $0x80  }
0x1f7: {  	[sflag:s23] =	ssyncset.done $0x0  }
0x1f8: {  	s5 =	simm.s32 $0x1E190;
	[sflag:s23] =	ssyncadd.s32 $0xFFFFFF80  }
0x1f9: {  	[tilespmem:s5], [sflag:$0x1] =	stream.linear.gather [hbm4b:s14+s3], $0x80, $0x38;
	[tilespmem:$0x1F510] =	vst v63  }
0x1fa: {  	_ =	swait.ge [sflag:s23], $0x80  }
0x1fb: {  	[sflag:s23] =	ssyncset.done $0x0  }
0x1fc: {  	s1 =	simm.s32 $0x1E210;
	[sflag:s23] =	ssyncadd.s32 $0xFFFFFF80  }
0x1fd: {  	[tilespmem:s1], [sflag:$0x1] =	stream.linear.gather [hbm4b:s15+s3], $0x80, $0x38;
	[tilespmem:$0x1F510] =	vst v63  }
0x1fe: {  	_ =	swait.ge [sflag:s23], $0x80  }
0x1ff: {  	[sflag:s23] =	ssyncset.done $0x0  }
0x200: {  	s5 =	simm.s32 $0x1E290;
	[sflag:s23] =	ssyncadd.s32 $0xFFFFFF80  }
0x201: {  	[tilespmem:s5], [sflag:$0x1] =	stream.linear.gather [hbm4b:s16+s3], $0x80, $0x38;
	[tilespmem:$0x1F510] =	vst v63  }
0x202: {  	_ =	swait.ge [sflag:s23], $0x80  }
0x203: {  	[sflag:s23] =	ssyncset.done $0x0  }
0x204: {  	s1 =	simm.s32 $0x1E310;
	[sflag:s23] =	ssyncadd.s32 $0xFFFFFF80  }
0x205: {  	[tilespmem:s1], [sflag:$0x1] =	stream.linear.gather [hbm4b:s17+s3], $0x80, $0x38;
	[tilespmem:$0x1F510] =	vst v63  }
0x206: {  	_ =	swait.ge [sflag:s23], $0x80  }
0x207: {  	[sflag:s23] =	ssyncset.done $0x0  }
0x208: {  	s5 =	simm.s32 $0x1E390;
	[sflag:s23] =	ssyncadd.s32 $0xFFFFFF80  }
0x209: {  	[tilespmem:s5], [sflag:$0x1] =	stream.linear.gather [hbm4b:s18+s3], $0x80, $0x38;
	[tilespmem:$0x1F510] =	vst v63  }
0x20a: {  	_ =	swait.ge [sflag:s23], $0x80  }
0x20b: {  	v3 =	vld [tilespmem:$0x1FFB0];
	_ =	sdelay $0x5  }
0x20c: {  	[sflag:s23] =	ssyncset.done $0x0  }
0x20d: {  	[sflag:s23] =	ssyncadd.s32 $0xFFFFFF80  }
0x20e: {  	v3 =	vld.idx.msk [tilespmem:v3+s24+$0x0], $0xffff;
	_ =	sdelay $0x4  }
0x20f: {  	v4 =	vshll.u32 v3, $0x2;
	v5 =	vshrl.u32 v3, $0xB  }
0x210: {  	v3 =	vand.u32 $0xFFFFE000, v3;
	v4 =	vand.u32 $0x1FFC, v4;
	v5 =	vand.u32 $0x3, v5  }
0x211: {  	v3 =	vor.u32 v4, v3;
	v4 =	vor.u32 v0, v5  }
0x212: {  	v3 =	vadd.s32 v3, v4  }
0x213: {  	v3 =	vmin.u32 v3, $0xD000  }
0x214: {  	[tilespmem:$0x1E410] =	vst v3;
	v3 =	vld [tilespmem:$0x1FFC0];
	_ =	sdelay $0x7  }
0x215: {  	v3 =	vld.idx.msk [tilespmem:v3+s24+$0x0], $0xffff;
	_ =	sdelay $0x4  }
0x216: {  	v4 =	vshll.u32 v3, $0x2;
	v5 =	vshrl.u32 v3, $0xB  }
0x217: {  	v3 =	vand.u32 $0xFFFFE000, v3;
	v4 =	vand.u32 $0x1FFC, v4;
	v5 =	vand.u32 $0x3, v5  }
0x218: {  	v3 =	vor.u32 v4, v3;
	v4 =	vor.u32 v0, v5  }
0x219: {  	v3 =	vadd.s32 v3, v4  }
0x21a: {  	v3 =	vmin.u32 v3, $0xD000  }
0x21b: {  	[tilespmem:$0x1E420] =	vst v3;
	v3 =	vld [tilespmem:$0x1FFD0];
	_ =	sdelay $0x7  }
0x21c: {  	v3 =	vld.idx.msk [tilespmem:v3+s24+$0x0], $0xffff;
	_ =	sdelay $0x4  }
0x21d: {  	v4 =	vshll.u32 v3, $0x2;
	v5 =	vshrl.u32 v3, $0xB  }
0x21e: {  	v3 =	vand.u32 $0xFFFFE000, v3;
	v4 =	vand.u32 $0x1FFC, v4;
	v5 =	vand.u32 $0x3, v5  }
0x21f: {  	v3 =	vor.u32 v4, v3;
	v4 =	vor.u32 v0, v5  }
0x220: {  	v3 =	vadd.s32 v3, v4  }
0x221: {  	v3 =	vmin.u32 v3, $0xD000  }
0x222: {  	[tilespmem:$0x1E430] =	vst v3;
	v3 =	vld [tilespmem:$0x1FFE0];
	_ =	sdelay $0x7  }
0x223: {  	v3 =	vld.idx.msk [tilespmem:v3+s24+$0x0], $0xffff;
	_ =	sdelay $0x4  }
0x224: {  	v4 =	vshll.u32 v3, $0x2;
	v5 =	vshrl.u32 v3, $0xB  }
0x225: {  	v3 =	vand.u32 $0xFFFFE000, v3;
	v4 =	vand.u32 $0x1FFC, v4;
	v5 =	vand.u32 $0x3, v5  }
0x226: {  	v3 =	vor.u32 v4, v3;
	v4 =	vor.u32 v0, v5  }
0x227: {  	v3 =	vadd.s32 v3, v4  }
0x228: {  	v3 =	vmin.u32 v3, $0xD000  }
0x229: {  	[tilespmem:$0x1E440] =	vst v3;
	v3 =	vld [tilespmem:$0x1FFF0];
	_ =	sdelay $0x7  }
0x22a: {  	v3 =	vld.idx.msk [tilespmem:v3+s24+$0x0], $0xffff;
	_ =	sdelay $0x4  }
0x22b: {  	v4 =	vshll.u32 v3, $0x2;
	v5 =	vshrl.u32 v3, $0xB  }
0x22c: {  	v3 =	vand.u32 $0xFFFFE000, v3;
	v4 =	vand.u32 $0x1FFC, v4;
	v5 =	vand.u32 $0x3, v5  }
0x22d: {  	v3 =	vor.u32 v4, v3;
	v4 =	vor.u32 v0, v5  }
0x22e: {  	v3 =	vadd.s32 v3, v4  }
0x22f: {  	v3 =	vmin.u32 v3, $0xD000  }
0x230: {  	[tilespmem:$0x1E450] =	vst v3  }
0x231: {  	v3 =	vld.idx.msk [tilespmem:v6+s24+$0x0], $0xffff;
	_ =	sdelay $0x4  }
0x232: {  	v4 =	vshll.u32 v3, $0x2;
	v5 =	vshrl.u32 v3, $0xB  }
0x233: {  	v3 =	vand.u32 $0xFFFFE000, v3;
	v4 =	vand.u32 $0x1FFC, v4;
	v5 =	vand.u32 $0x3, v5  }
0x234: {  	v3 =	vor.u32 v4, v3;
	v4 =	vor.u32 v0, v5  }
0x235: {  	v3 =	vadd.s32 v3, v4  }
0x236: {  	v3 =	vmin.u32 v3, $0xD000  }
0x237: {  	[tilespmem:$0x1E460] =	vst v3  }
0x238: {  	v3 =	vld.idx.msk [tilespmem:v7+s24+$0x0], $0xffff;
	_ =	sdelay $0x4  }
0x239: {  	v4 =	vshll.u32 v3, $0x2;
	v5 =	vshrl.u32 v3, $0xB  }
0x23a: {  	v3 =	vand.u32 $0xFFFFE000, v3;
	v4 =	vand.u32 $0x1FFC, v4;
	v5 =	vand.u32 $0x3, v5  }
0x23b: {  	v3 =	vor.u32 v4, v3;
	v4 =	vor.u32 v0, v5  }
0x23c: {  	v3 =	vadd.s32 v3, v4  }
0x23d: {  	v3 =	vmin.u32 v3, $0xD000  }
0x23e: {  	[tilespmem:$0x1E470] =	vst v3  }
0x23f: {  	v3 =	vld.idx.msk [tilespmem:v8+s24+$0x0], $0xffff;
	_ =	sdelay $0x4  }
0x240: {  	v4 =	vshll.u32 v3, $0x2;
	v5 =	vshrl.u32 v3, $0xB  }
0x241: {  	v3 =	vand.u32 $0xFFFFE000, v3;
	v4 =	vand.u32 $0x1FFC, v4;
	v5 =	vand.u32 $0x3, v5  }
0x242: {  	v3 =	vor.u32 v4, v3;
	v4 =	vor.u32 v0, v5  }
0x243: {  	v3 =	vadd.s32 v3, v4  }
0x244: {  	v3 =	vmin.u32 v3, $0xD000  }
0x245: {  	[tilespmem:$0x1E480] =	vst v3  }
0x246: {  	v3 =	vld.idx.msk [tilespmem:v9+s24+$0x0], $0xffff;
	_ =	sdelay $0x4  }
0x247: {  	v4 =	vshll.u32 v3, $0x2;
	v5 =	vshrl.u32 v3, $0xB  }
0x248: {  	v3 =	vand.u32 $0xFFFFE000, v3;
	v4 =	vand.u32 $0x1FFC, v4;
	v5 =	vand.u32 $0x3, v5  }
0x249: {  	v3 =	vor.u32 v4, v3;
	v4 =	vor.u32 v0, v5  }
0x24a: {  	v3 =	vadd.s32 v3, v4  }
0x24b: {  	v3 =	vmin.u32 v3, $0xD000  }
0x24c: {  	[tilespmem:$0x1E490] =	vst v3  }
0x24d: {  	v3 =	vld.idx.msk [tilespmem:v10+s24+$0x0], $0xffff;
	_ =	sdelay $0x4  }
0x24e: {  	v4 =	vshll.u32 v3, $0x2;
	v5 =	vshrl.u32 v3, $0xB  }
0x24f: {  	v3 =	vand.u32 $0xFFFFE000, v3;
	v4 =	vand.u32 $0x1FFC, v4;
	v5 =	vand.u32 $0x3, v5  }
0x250: {  	v3 =	vor.u32 v4, v3;
	v4 =	vor.u32 v0, v5  }
0x251: {  	v3 =	vadd.s32 v3, v4  }
0x252: {  	v3 =	vmin.u32 v3, $0xD000  }
0x253: {  	[tilespmem:$0x1E4A0] =	vst v3  }
0x254: {  	v3 =	vld.idx.msk [tilespmem:v11+s24+$0x0], $0xffff;
	_ =	sdelay $0x4  }
0x255: {  	v4 =	vshll.u32 v3, $0x2;
	v5 =	vshrl.u32 v3, $0xB  }
0x256: {  	v3 =	vand.u32 $0xFFFFE000, v3;
	v4 =	vand.u32 $0x1FFC, v4;
	v5 =	vand.u32 $0x3, v5  }
0x257: {  	v3 =	vor.u32 v4, v3;
	v4 =	vor.u32 v0, v5  }
0x258: {  	v3 =	vadd.s32 v3, v4  }
0x259: {  	v3 =	vmin.u32 v3, $0xD000  }
0x25a: {  	[tilespmem:$0x1E4B0] =	vst v3  }
0x25b: {  	v3 =	vld.idx.msk [tilespmem:v12+s24+$0x0], $0xffff;
	_ =	sdelay $0x4  }
0x25c: {  	v4 =	vshll.u32 v3, $0x2;
	v5 =	vshrl.u32 v3, $0xB  }
0x25d: {  	v3 =	vand.u32 $0xFFFFE000, v3;
	v4 =	vand.u32 $0x1FFC, v4;
	v5 =	vand.u32 $0x3, v5  }
0x25e: {  	v3 =	vor.u32 v4, v3;
	v4 =	vor.u32 v0, v5  }
0x25f: {  	v3 =	vadd.s32 v3, v4  }
0x260: {  	v3 =	vmin.u32 v3, $0xD000  }
0x261: {  	[tilespmem:$0x1E4C0] =	vst v3  }
0x262: {  	v3 =	vld.idx.msk [tilespmem:v13+s24+$0x0], $0xffff;
	_ =	sdelay $0x4  }
0x263: {  	v4 =	vshll.u32 v3, $0x2;
	v5 =	vshrl.u32 v3, $0xB  }
0x264: {  	v3 =	vand.u32 $0xFFFFE000, v3;
	v4 =	vand.u32 $0x1FFC, v4;
	v5 =	vand.u32 $0x3, v5  }
0x265: {  	v3 =	vor.u32 v4, v3;
	v4 =	vor.u32 v0, v5  }
0x266: {  	v3 =	vadd.s32 v3, v4  }
0x267: {  	v3 =	vmin.u32 v3, $0xD000  }
0x268: {  	[tilespmem:$0x1E4D0] =	vst v3  }
0x269: {  	v3 =	vld.idx.msk [tilespmem:v14+s24+$0x0], $0xffff;
	_ =	sdelay $0x4  }
0x26a: {  	v4 =	vshll.u32 v3, $0x2;
	v5 =	vshrl.u32 v3, $0xB  }
0x26b: {  	v3 =	vand.u32 $0xFFFFE000, v3;
	v4 =	vand.u32 $0x1FFC, v4;
	v5 =	vand.u32 $0x3, v5  }
0x26c: {  	v3 =	vor.u32 v4, v3;
	v4 =	vor.u32 v0, v5  }
0x26d: {  	v3 =	vadd.s32 v3, v4  }
0x26e: {  	v3 =	vmin.u32 v3, $0xD000  }
0x26f: {  	[tilespmem:$0x1E4E0] =	vst v3  }
0x270: {  	v3 =	vld.idx.msk [tilespmem:v15+s24+$0x0], $0xffff;
	_ =	sdelay $0x4  }
0x271: {  	v4 =	vshll.u32 v3, $0x2;
	v5 =	vshrl.u32 v3, $0xB  }
0x272: {  	v3 =	vand.u32 $0xFFFFE000, v3;
	v4 =	vand.u32 $0x1FFC, v4;
	v5 =	vand.u32 $0x3, v5  }
0x273: {  	v3 =	vor.u32 v4, v3;
	v4 =	vor.u32 v0, v5  }
0x274: {  	v3 =	vadd.s32 v3, v4  }
0x275: {  	v3 =	vmin.u32 v3, $0xD000  }
0x276: {  	[tilespmem:$0x1E4F0] =	vst v3  }
0x277: {  	v3 =	vld.idx.msk [tilespmem:v16+s24+$0x0], $0xffff;
	_ =	sdelay $0x4  }
0x278: {  	v4 =	vshll.u32 v3, $0x2;
	v5 =	vshrl.u32 v3, $0xB  }
0x279: {  	v3 =	vand.u32 $0xFFFFE000, v3;
	v4 =	vand.u32 $0x1FFC, v4;
	v5 =	vand.u32 $0x3, v5  }
0x27a: {  	v3 =	vor.u32 v4, v3;
	v4 =	vor.u32 v0, v5  }
0x27b: {  	v3 =	vadd.s32 v3, v4  }
0x27c: {  	v3 =	vmin.u32 v3, $0xD000  }
0x27d: {  	[tilespmem:$0x1E500] =	vst v3  }
0x27e: {  	v3 =	vld.idx.msk [tilespmem:v17+s24+$0x0], $0xffff;
	_ =	sdelay $0x4  }
0x27f: {  	v4 =	vshll.u32 v3, $0x2;
	v5 =	vshrl.u32 v3, $0xB  }
0x280: {  	v3 =	vand.u32 $0xFFFFE000, v3;
	v4 =	vand.u32 $0x1FFC, v4;
	v5 =	vand.u32 $0x3, v5  }
0x281: {  	v3 =	vor.u32 v4, v3;
	v4 =	vor.u32 v0, v5  }
0x282: {  	v3 =	vadd.s32 v3, v4  }
0x283: {  	v3 =	vmin.u32 v3, $0xD000  }
0x284: {  	[tilespmem:$0x1E510] =	vst v3  }
0x285: {  	v3 =	vld.idx.msk [tilespmem:v18+s24+$0x0], $0xffff;
	_ =	sdelay $0x4  }
0x286: {  	v4 =	vshll.u32 v3, $0x2;
	v5 =	vshrl.u32 v3, $0xB  }
0x287: {  	v3 =	vand.u32 $0xFFFFE000, v3;
	v4 =	vand.u32 $0x1FFC, v4;
	v5 =	vand.u32 $0x3, v5  }
0x288: {  	v3 =	vor.u32 v4, v3;
	v4 =	vor.u32 v0, v5  }
0x289: {  	v3 =	vadd.s32 v3, v4  }
0x28a: {  	v3 =	vmin.u32 v3, $0xD000  }
0x28b: {  	[tilespmem:$0x1E520] =	vst v3  }
0x28c: {  	v3 =	vld.idx.msk [tilespmem:v19+s24+$0x0], $0xffff;
	_ =	sdelay $0x4  }
0x28d: {  	v4 =	vshll.u32 v3, $0x2;
	v5 =	vshrl.u32 v3, $0xB  }
0x28e: {  	v3 =	vand.u32 $0xFFFFE000, v3;
	v4 =	vand.u32 $0x1FFC, v4;
	v5 =	vand.u32 $0x3, v5  }
0x28f: {  	v3 =	vor.u32 v4, v3;
	v4 =	vor.u32 v0, v5  }
0x290: {  	v3 =	vadd.s32 v3, v4  }
0x291: {  	v3 =	vmin.u32 v3, $0xD000  }
0x292: {  	[tilespmem:$0x1E530] =	vst v3  }
0x293: {  	v3 =	vld.idx.msk [tilespmem:v20+s24+$0x0], $0xffff;
	_ =	sdelay $0x4  }
0x294: {  	v4 =	vshll.u32 v3, $0x2;
	v5 =	vshrl.u32 v3, $0xB  }
0x295: {  	v3 =	vand.u32 $0xFFFFE000, v3;
	v4 =	vand.u32 $0x1FFC, v4;
	v5 =	vand.u32 $0x3, v5  }
0x296: {  	v3 =	vor.u32 v4, v3;
	v4 =	vor.u32 v0, v5  }
0x297: {  	v3 =	vadd.s32 v3, v4  }
0x298: {  	v3 =	vmin.u32 v3, $0xD000  }
0x299: {  	[tilespmem:$0x1E540] =	vst v3  }
0x29a: {  	v3 =	vld.idx.msk [tilespmem:v21+s24+$0x0], $0xffff;
	_ =	sdelay $0x4  }
0x29b: {  	v4 =	vshll.u32 v3, $0x2;
	v5 =	vshrl.u32 v3, $0xB  }
0x29c: {  	v3 =	vand.u32 $0xFFFFE000, v3;
	v4 =	vand.u32 $0x1FFC, v4;
	v5 =	vand.u32 $0x3, v5  }
0x29d: {  	v3 =	vor.u32 v4, v3;
	v4 =	vor.u32 v0, v5  }
0x29e: {  	v3 =	vadd.s32 v3, v4  }
0x29f: {  	v3 =	vmin.u32 v3, $0xD000  }
0x2a0: {  	[tilespmem:$0x1E550] =	vst v3  }
0x2a1: {  	v3 =	vld.idx.msk [tilespmem:v22+s24+$0x0], $0xffff;
	_ =	sdelay $0x4  }
0x2a2: {  	v4 =	vshll.u32 v3, $0x2;
	v5 =	vshrl.u32 v3, $0xB  }
0x2a3: {  	v3 =	vand.u32 $0xFFFFE000, v3;
	v4 =	vand.u32 $0x1FFC, v4;
	v5 =	vand.u32 $0x3, v5  }
0x2a4: {  	v3 =	vor.u32 v4, v3;
	v4 =	vor.u32 v0, v5  }
0x2a5: {  	v3 =	vadd.s32 v3, v4  }
0x2a6: {  	v3 =	vmin.u32 v3, $0xD000  }
0x2a7: {  	[tilespmem:$0x1E560] =	vst v3  }
0x2a8: {  	v3 =	vld.idx.msk [tilespmem:v23+s24+$0x0], $0xffff;
	_ =	sdelay $0x4  }
0x2a9: {  	v4 =	vshll.u32 v3, $0x2;
	v5 =	vshrl.u32 v3, $0xB  }
0x2aa: {  	v3 =	vand.u32 $0xFFFFE000, v3;
	v4 =	vand.u32 $0x1FFC, v4;
	v5 =	vand.u32 $0x3, v5  }
0x2ab: {  	v3 =	vor.u32 v4, v3;
	v4 =	vor.u32 v0, v5  }
0x2ac: {  	v3 =	vadd.s32 v3, v4  }
0x2ad: {  	v3 =	vmin.u32 v3, $0xD000  }
0x2ae: {  	[tilespmem:$0x1E570] =	vst v3  }
0x2af: {  	v3 =	vld.idx.msk [tilespmem:v24+s24+$0x0], $0xffff;
	_ =	sdelay $0x4  }
0x2b0: {  	v4 =	vshll.u32 v3, $0x2;
	v5 =	vshrl.u32 v3, $0xB  }
0x2b1: {  	v3 =	vand.u32 $0xFFFFE000, v3;
	v4 =	vand.u32 $0x1FFC, v4;
	v5 =	vand.u32 $0x3, v5  }
0x2b2: {  	v3 =	vor.u32 v4, v3;
	v4 =	vor.u32 v0, v5  }
0x2b3: {  	v3 =	vadd.s32 v3, v4  }
0x2b4: {  	v3 =	vmin.u32 v3, $0xD000  }
0x2b5: {  	[tilespmem:$0x1E580] =	vst v3  }
0x2b6: {  	v3 =	vld.idx.msk [tilespmem:v25+s24+$0x0], $0xffff;
	_ =	sdelay $0x4  }
0x2b7: {  	v4 =	vshll.u32 v3, $0x2;
	v5 =	vshrl.u32 v3, $0xB  }
0x2b8: {  	v3 =	vand.u32 $0xFFFFE000, v3;
	v4 =	vand.u32 $0x1FFC, v4;
	v5 =	vand.u32 $0x3, v5  }
0x2b9: {  	v3 =	vor.u32 v4, v3;
	v4 =	vor.u32 v0, v5  }
0x2ba: {  	v3 =	vadd.s32 v3, v4  }
0x2bb: {  	v3 =	vmin.u32 v3, $0xD000  }
0x2bc: {  	[tilespmem:$0x1E590] =	vst v3  }
0x2bd: {  	v3 =	vld.idx.msk [tilespmem:v26+s24+$0x0], $0xffff;
	_ =	sdelay $0x4  }
0x2be: {  	v4 =	vshll.u32 v3, $0x2;
	v5 =	vshrl.u32 v3, $0xB  }
0x2bf: {  	v3 =	vand.u32 $0xFFFFE000, v3;
	v4 =	vand.u32 $0x1FFC, v4;
	v5 =	vand.u32 $0x3, v5  }
0x2c0: {  	v3 =	vor.u32 v4, v3;
	v4 =	vor.u32 v0, v5  }
0x2c1: {  	v3 =	vadd.s32 v3, v4  }
0x2c2: {  	v3 =	vmin.u32 v3, $0xD000  }
0x2c3: {  	[tilespmem:$0x1E5A0] =	vst v3  }
0x2c4: {  	v3 =	vld.idx.msk [tilespmem:v27+s24+$0x0], $0xffff;
	_ =	sdelay $0x4  }
0x2c5: {  	v4 =	vshll.u32 v3, $0x2;
	v5 =	vshrl.u32 v3, $0xB  }
0x2c6: {  	v3 =	vand.u32 $0xFFFFE000, v3;
	v4 =	vand.u32 $0x1FFC, v4;
	v5 =	vand.u32 $0x3, v5  }
0x2c7: {  	v3 =	vor.u32 v4, v3;
	v4 =	vor.u32 v0, v5  }
0x2c8: {  	v3 =	vadd.s32 v3, v4  }
0x2c9: {  	v3 =	vmin.u32 v3, $0xD000  }
0x2ca: {  	[tilespmem:$0x1E5B0] =	vst v3  }
0x2cb: {  	v3 =	vld.idx.msk [tilespmem:v28+s24+$0x0], $0xffff;
	_ =	sdelay $0x4  }
0x2cc: {  	v4 =	vshll.u32 v3, $0x2;
	v5 =	vshrl.u32 v3, $0xB  }
0x2cd: {  	v3 =	vand.u32 $0xFFFFE000, v3;
	v4 =	vand.u32 $0x1FFC, v4;
	v5 =	vand.u32 $0x3, v5  }
0x2ce: {  	v3 =	vor.u32 v4, v3;
	v4 =	vor.u32 v0, v5  }
0x2cf: {  	v3 =	vadd.s32 v3, v4  }
0x2d0: {  	v3 =	vmin.u32 v3, $0xD000  }
0x2d1: {  	[tilespmem:$0x1E5C0] =	vst v3  }
0x2d2: {  	v3 =	vld.idx.msk [tilespmem:v29+s24+$0x0], $0xffff;
	_ =	sdelay $0x4  }
0x2d3: {  	v4 =	vshll.u32 v3, $0x2;
	v5 =	vshrl.u32 v3, $0xB  }
0x2d4: {  	v3 =	vand.u32 $0xFFFFE000, v3;
	v4 =	vand.u32 $0x1FFC, v4;
	v5 =	vand.u32 $0x3, v5  }
0x2d5: {  	v3 =	vor.u32 v4, v3;
	v4 =	vor.u32 v0, v5  }
0x2d6: {  	v3 =	vadd.s32 v3, v4  }
0x2d7: {  	v3 =	vmin.u32 v3, $0xD000  }
0x2d8: {  	[tilespmem:$0x1E5D0] =	vst v3  }
0x2d9: {  	v3 =	vld.idx.msk [tilespmem:v30+s24+$0x0], $0xffff;
	_ =	sdelay $0x4  }
0x2da: {  	v4 =	vshll.u32 v3, $0x2;
	v5 =	vshrl.u32 v3, $0xB  }
0x2db: {  	v3 =	vand.u32 $0xFFFFE000, v3;
	v4 =	vand.u32 $0x1FFC, v4;
	v5 =	vand.u32 $0x3, v5  }
0x2dc: {  	v3 =	vor.u32 v4, v3;
	v4 =	vor.u32 v0, v5  }
0x2dd: {  	v3 =	vadd.s32 v3, v4  }
0x2de: {  	v3 =	vmin.u32 v3, $0xD000  }
0x2df: {  	[tilespmem:$0x1E5E0] =	vst v3  }
0x2e0: {  	v3 =	vld.idx.msk [tilespmem:v31+s24+$0x0], $0xffff;
	_ =	sdelay $0x4  }
0x2e1: {  	v4 =	vshll.u32 v3, $0x2;
	v5 =	vshrl.u32 v3, $0xB  }
0x2e2: {  	v3 =	vand.u32 $0xFFFFE000, v3;
	v4 =	vand.u32 $0x1FFC, v4;
	v5 =	vand.u32 $0x3, v5  }
0x2e3: {  	v3 =	vor.u32 v4, v3;
	v4 =	vor.u32 v0, v5  }
0x2e4: {  	v3 =	vadd.s32 v3, v4  }
0x2e5: {  	v3 =	vmin.u32 v3, $0xD000  }
0x2e6: {  	[tilespmem:$0x1E5F0] =	vst v3  }
0x2e7: {  	v3 =	vld.idx.msk [tilespmem:v32+s24+$0x0], $0xffff;
	_ =	sdelay $0x4  }
0x2e8: {  	v4 =	vshll.u32 v3, $0x2;
	v5 =	vshrl.u32 v3, $0xB  }
0x2e9: {  	v3 =	vand.u32 $0xFFFFE000, v3;
	v4 =	vand.u32 $0x1FFC, v4;
	v5 =	vand.u32 $0x3, v5  }
0x2ea: {  	v3 =	vor.u32 v4, v3;
	v4 =	vor.u32 v0, v5  }
0x2eb: {  	v3 =	vadd.s32 v3, v4  }
0x2ec: {  	v3 =	vmin.u32 v3, $0xD000  }
0x2ed: {  	[tilespmem:$0x1E600] =	vst v3  }
0x2ee: {  	v3 =	vld.idx.msk [tilespmem:v33+s24+$0x0], $0xffff;
	_ =	sdelay $0x4  }
0x2ef: {  	v4 =	vshll.u32 v3, $0x2;
	v5 =	vshrl.u32 v3, $0xB  }
0x2f0: {  	v3 =	vand.u32 $0xFFFFE000, v3;
	v4 =	vand.u32 $0x1FFC, v4;
	v5 =	vand.u32 $0x3, v5  }
0x2f1: {  	v3 =	vor.u32 v4, v3;
	v4 =	vor.u32 v0, v5  }
0x2f2: {  	v3 =	vadd.s32 v3, v4  }
0x2f3: {  	v3 =	vmin.u32 v3, $0xD000  }
0x2f4: {  	[tilespmem:$0x1E610] =	vst v3  }
0x2f5: {  	v3 =	vld.idx.msk [tilespmem:v34+s24+$0x0], $0xffff;
	_ =	sdelay $0x4  }
0x2f6: {  	v4 =	vshll.u32 v3, $0x2;
	v5 =	vshrl.u32 v3, $0xB  }
0x2f7: {  	v3 =	vand.u32 $0xFFFFE000, v3;
	v4 =	vand.u32 $0x1FFC, v4;
	v5 =	vand.u32 $0x3, v5  }
0x2f8: {  	v3 =	vor.u32 v4, v3;
	v4 =	vor.u32 v0, v5  }
0x2f9: {  	v3 =	vadd.s32 v3, v4  }
0x2fa: {  	v3 =	vmin.u32 v3, $0xD000  }
0x2fb: {  	[tilespmem:$0x1E620] =	vst v3  }
0x2fc: {  	v3 =	vld.idx.msk [tilespmem:v35+s24+$0x0], $0xffff;
	_ =	sdelay $0x4  }
0x2fd: {  	v4 =	vshll.u32 v3, $0x2;
	v5 =	vshrl.u32 v3, $0xB  }
0x2fe: {  	v3 =	vand.u32 $0xFFFFE000, v3;
	v4 =	vand.u32 $0x1FFC, v4;
	v5 =	vand.u32 $0x3, v5  }
0x2ff: {  	v3 =	vor.u32 v4, v3;
	v4 =	vor.u32 v0, v5  }
0x300: {  	v3 =	vadd.s32 v3, v4  }
0x301: {  	v3 =	vmin.u32 v3, $0xD000  }
0x302: {  	[tilespmem:$0x1E630] =	vst v3  }
0x303: {  	v3 =	vld.idx.msk [tilespmem:v36+s24+$0x0], $0xffff;
	_ =	sdelay $0x4  }
0x304: {  	v4 =	vshll.u32 v3, $0x2;
	v5 =	vshrl.u32 v3, $0xB  }
0x305: {  	v3 =	vand.u32 $0xFFFFE000, v3;
	v4 =	vand.u32 $0x1FFC, v4;
	v5 =	vand.u32 $0x3, v5  }
0x306: {  	v3 =	vor.u32 v4, v3;
	v4 =	vor.u32 v0, v5  }
0x307: {  	v3 =	vadd.s32 v3, v4  }
0x308: {  	v3 =	vmin.u32 v3, $0xD000  }
0x309: {  	[tilespmem:$0x1E640] =	vst v3  }
0x30a: {  	v3 =	vld.idx.msk [tilespmem:v37+s24+$0x0], $0xffff;
	_ =	sdelay $0x4  }
0x30b: {  	v4 =	vshll.u32 v3, $0x2;
	v5 =	vshrl.u32 v3, $0xB  }
0x30c: {  	v3 =	vand.u32 $0xFFFFE000, v3;
	v4 =	vand.u32 $0x1FFC, v4;
	v5 =	vand.u32 $0x3, v5  }
0x30d: {  	v3 =	vor.u32 v4, v3;
	v4 =	vor.u32 v0, v5  }
0x30e: {  	v3 =	vadd.s32 v3, v4  }
0x30f: {  	v3 =	vmin.u32 v3, $0xD000  }
0x310: {  	[tilespmem:$0x1E650] =	vst v3  }
0x311: {  	v3 =	vld.idx.msk [tilespmem:v38+s24+$0x0], $0xffff;
	_ =	sdelay $0x4  }
0x312: {  	v4 =	vshll.u32 v3, $0x2;
	v5 =	vshrl.u32 v3, $0xB  }
0x313: {  	v3 =	vand.u32 $0xFFFFE000, v3;
	v4 =	vand.u32 $0x1FFC, v4;
	v5 =	vand.u32 $0x3, v5  }
0x314: {  	v3 =	vor.u32 v4, v3;
	v4 =	vor.u32 v0, v5  }
0x315: {  	v3 =	vadd.s32 v3, v4  }
0x316: {  	v3 =	vmin.u32 v3, $0xD000  }
0x317: {  	[tilespmem:$0x1E660] =	vst v3  }
0x318: {  	v3 =	vld.idx.msk [tilespmem:v39+s24+$0x0], $0xffff;
	_ =	sdelay $0x4  }
0x319: {  	v4 =	vshll.u32 v3, $0x2;
	v5 =	vshrl.u32 v3, $0xB  }
0x31a: {  	v3 =	vand.u32 $0xFFFFE000, v3;
	v4 =	vand.u32 $0x1FFC, v4;
	v5 =	vand.u32 $0x3, v5  }
0x31b: {  	v3 =	vor.u32 v4, v3;
	v4 =	vor.u32 v0, v5  }
0x31c: {  	v3 =	vadd.s32 v3, v4  }
0x31d: {  	v3 =	vmin.u32 v3, $0xD000  }
0x31e: {  	[tilespmem:$0x1E670] =	vst v3  }
0x31f: {  	v3 =	vld.idx.msk [tilespmem:v40+s24+$0x0], $0xffff;
	_ =	sdelay $0x4  }
0x320: {  	v4 =	vshll.u32 v3, $0x2;
	v5 =	vshrl.u32 v3, $0xB  }
0x321: {  	v3 =	vand.u32 $0xFFFFE000, v3;
	v4 =	vand.u32 $0x1FFC, v4;
	v5 =	vand.u32 $0x3, v5  }
0x322: {  	v3 =	vor.u32 v4, v3;
	v4 =	vor.u32 v0, v5  }
0x323: {  	v3 =	vadd.s32 v3, v4  }
0x324: {  	v3 =	vmin.u32 v3, $0xD000  }
0x325: {  	[tilespmem:$0x1E680] =	vst v3  }
0x326: {  	v3 =	vld.idx.msk [tilespmem:v41+s24+$0x0], $0xffff;
	_ =	sdelay $0x4  }
0x327: {  	v4 =	vshll.u32 v3, $0x2;
	v5 =	vshrl.u32 v3, $0xB  }
0x328: {  	v3 =	vand.u32 $0xFFFFE000, v3;
	v4 =	vand.u32 $0x1FFC, v4;
	v5 =	vand.u32 $0x3, v5  }
0x329: {  	v3 =	vor.u32 v4, v3;
	v4 =	vor.u32 v0, v5  }
0x32a: {  	v3 =	vadd.s32 v3, v4  }
0x32b: {  	v3 =	vmin.u32 v3, $0xD000  }
0x32c: {  	[tilespmem:$0x1E690] =	vst v3  }
0x32d: {  	v3 =	vld.idx.msk [tilespmem:v42+s24+$0x0], $0xffff;
	_ =	sdelay $0x4  }
0x32e: {  	v4 =	vshll.u32 v3, $0x2;
	v5 =	vshrl.u32 v3, $0xB  }
0x32f: {  	v3 =	vand.u32 $0xFFFFE000, v3;
	v4 =	vand.u32 $0x1FFC, v4;
	v5 =	vand.u32 $0x3, v5  }
0x330: {  	v3 =	vor.u32 v4, v3;
	v4 =	vor.u32 v0, v5  }
0x331: {  	v3 =	vadd.s32 v3, v4  }
0x332: {  	v3 =	vmin.u32 v3, $0xD000  }
0x333: {  	[tilespmem:$0x1E6A0] =	vst v3  }
0x334: {  	v3 =	vld.idx.msk [tilespmem:v43+s24+$0x0], $0xffff;
	_ =	sdelay $0x4  }
0x335: {  	v4 =	vshll.u32 v3, $0x2;
	v5 =	vshrl.u32 v3, $0xB  }
0x336: {  	v3 =	vand.u32 $0xFFFFE000, v3;
	v4 =	vand.u32 $0x1FFC, v4;
	v5 =	vand.u32 $0x3, v5  }
0x337: {  	v3 =	vor.u32 v4, v3;
	v4 =	vor.u32 v0, v5  }
0x338: {  	v3 =	vadd.s32 v3, v4  }
0x339: {  	v3 =	vmin.u32 v3, $0xD000  }
0x33a: {  	[tilespmem:$0x1E6B0] =	vst v3  }
0x33b: {  	v3 =	vld.idx.msk [tilespmem:v44+s24+$0x0], $0xffff;
	_ =	sdelay $0x4  }
0x33c: {  	v4 =	vshll.u32 v3, $0x2;
	v5 =	vshrl.u32 v3, $0xB  }
0x33d: {  	v3 =	vand.u32 $0xFFFFE000, v3;
	v4 =	vand.u32 $0x1FFC, v4;
	v5 =	vand.u32 $0x3, v5  }
0x33e: {  	v3 =	vor.u32 v4, v3;
	v4 =	vor.u32 v0, v5  }
0x33f: {  	v3 =	vadd.s32 v3, v4  }
0x340: {  	v3 =	vmin.u32 v3, $0xD000  }
0x341: {  	[tilespmem:$0x1E6C0] =	vst v3  }
0x342: {  	v3 =	vld.idx.msk [tilespmem:v45+s24+$0x0], $0xffff;
	_ =	sdelay $0x4  }
0x343: {  	v4 =	vshll.u32 v3, $0x2;
	v5 =	vshrl.u32 v3, $0xB  }
0x344: {  	v3 =	vand.u32 $0xFFFFE000, v3;
	v4 =	vand.u32 $0x1FFC, v4;
	v5 =	vand.u32 $0x3, v5  }
0x345: {  	v3 =	vor.u32 v4, v3;
	v4 =	vor.u32 v0, v5  }
0x346: {  	v3 =	vadd.s32 v3, v4  }
0x347: {  	v3 =	vmin.u32 v3, $0xD000  }
0x348: {  	[tilespmem:$0x1E6D0] =	vst v3  }
0x349: {  	v3 =	vld.idx.msk [tilespmem:v46+s24+$0x0], $0xffff;
	_ =	sdelay $0x4  }
0x34a: {  	v4 =	vshll.u32 v3, $0x2;
	v5 =	vshrl.u32 v3, $0xB  }
0x34b: {  	v3 =	vand.u32 $0xFFFFE000, v3;
	v4 =	vand.u32 $0x1FFC, v4;
	v5 =	vand.u32 $0x3, v5  }
0x34c: {  	v3 =	vor.u32 v4, v3;
	v4 =	vor.u32 v0, v5  }
0x34d: {  	v3 =	vadd.s32 v3, v4  }
0x34e: {  	v3 =	vmin.u32 v3, $0xD000  }
0x34f: {  	[tilespmem:$0x1E6E0] =	vst v3  }
0x350: {  	v3 =	vld.idx.msk [tilespmem:v47+s24+$0x0], $0xffff;
	_ =	sdelay $0x4  }
0x351: {  	v4 =	vshll.u32 v3, $0x2;
	v5 =	vshrl.u32 v3, $0xB  }
0x352: {  	v3 =	vand.u32 $0xFFFFE000, v3;
	v4 =	vand.u32 $0x1FFC, v4;
	v5 =	vand.u32 $0x3, v5  }
0x353: {  	v3 =	vor.u32 v4, v3;
	v4 =	vor.u32 v0, v5  }
0x354: {  	v3 =	vadd.s32 v3, v4  }
0x355: {  	v3 =	vmin.u32 v3, $0xD000  }
0x356: {  	[tilespmem:$0x1E6F0] =	vst v3  }
0x357: {  	v3 =	vld.idx.msk [tilespmem:v48+s24+$0x0], $0xffff;
	_ =	sdelay $0x4  }
0x358: {  	v4 =	vshll.u32 v3, $0x2;
	v5 =	vshrl.u32 v3, $0xB  }
0x359: {  	v3 =	vand.u32 $0xFFFFE000, v3;
	v4 =	vand.u32 $0x1FFC, v4;
	v5 =	vand.u32 $0x3, v5  }
0x35a: {  	v3 =	vor.u32 v4, v3;
	v4 =	vor.u32 v0, v5  }
0x35b: {  	v3 =	vadd.s32 v3, v4  }
0x35c: {  	v3 =	vmin.u32 v3, $0xD000  }
0x35d: {  	[tilespmem:$0x1E700] =	vst v3  }
0x35e: {  	v3 =	vld.idx.msk [tilespmem:v49+s24+$0x0], $0xffff;
	_ =	sdelay $0x4  }
0x35f: {  	v4 =	vshll.u32 v3, $0x2;
	v5 =	vshrl.u32 v3, $0xB  }
0x360: {  	v3 =	vand.u32 $0xFFFFE000, v3;
	v4 =	vand.u32 $0x1FFC, v4;
	v5 =	vand.u32 $0x3, v5  }
0x361: {  	v3 =	vor.u32 v4, v3;
	v4 =	vor.u32 v0, v5  }
0x362: {  	v3 =	vadd.s32 v3, v4  }
0x363: {  	v3 =	vmin.u32 v3, $0xD000  }
0x364: {  	[tilespmem:$0x1E710] =	vst v3  }
0x365: {  	v3 =	vld.idx.msk [tilespmem:v50+s24+$0x0], $0xffff;
	_ =	sdelay $0x4  }
0x366: {  	v4 =	vshll.u32 v3, $0x2;
	v5 =	vshrl.u32 v3, $0xB  }
0x367: {  	v3 =	vand.u32 $0xFFFFE000, v3;
	v4 =	vand.u32 $0x1FFC, v4;
	v5 =	vand.u32 $0x3, v5  }
0x368: {  	v3 =	vor.u32 v4, v3;
	v4 =	vor.u32 v0, v5  }
0x369: {  	v3 =	vadd.s32 v3, v4  }
0x36a: {  	v3 =	vmin.u32 v3, $0xD000  }
0x36b: {  	[tilespmem:$0x1E720] =	vst v3  }
0x36c: {  	v3 =	vld.idx.msk [tilespmem:v51+s24+$0x0], $0xffff;
	_ =	sdelay $0x4  }
0x36d: {  	v4 =	vshll.u32 v3, $0x2;
	v5 =	vshrl.u32 v3, $0xB  }
0x36e: {  	v3 =	vand.u32 $0xFFFFE000, v3;
	v4 =	vand.u32 $0x1FFC, v4;
	v5 =	vand.u32 $0x3, v5  }
0x36f: {  	v3 =	vor.u32 v4, v3;
	v4 =	vor.u32 v0, v5  }
0x370: {  	v3 =	vadd.s32 v3, v4  }
0x371: {  	v3 =	vmin.u32 v3, $0xD000  }
0x372: {  	[tilespmem:$0x1E730] =	vst v3  }
0x373: {  	v3 =	vld.idx.msk [tilespmem:v52+s24+$0x0], $0xffff;
	_ =	sdelay $0x4  }
0x374: {  	v4 =	vshll.u32 v3, $0x2;
	v5 =	vshrl.u32 v3, $0xB  }
0x375: {  	v3 =	vand.u32 $0xFFFFE000, v3;
	v4 =	vand.u32 $0x1FFC, v4;
	v5 =	vand.u32 $0x3, v5  }
0x376: {  	v3 =	vor.u32 v4, v3;
	v4 =	vor.u32 v0, v5  }
0x377: {  	v3 =	vadd.s32 v3, v4  }
0x378: {  	v3 =	vmin.u32 v3, $0xD000  }
0x379: {  	[tilespmem:$0x1E740] =	vst v3  }
0x37a: {  	v3 =	vld.idx.msk [tilespmem:v53+s24+$0x0], $0xffff;
	_ =	sdelay $0x4  }
0x37b: {  	v4 =	vshll.u32 v3, $0x2;
	v5 =	vshrl.u32 v3, $0xB  }
0x37c: {  	v3 =	vand.u32 $0xFFFFE000, v3;
	v4 =	vand.u32 $0x1FFC, v4;
	v5 =	vand.u32 $0x3, v5  }
0x37d: {  	v3 =	vor.u32 v4, v3;
	v4 =	vor.u32 v0, v5  }
0x37e: {  	v3 =	vadd.s32 v3, v4  }
0x37f: {  	v3 =	vmin.u32 v3, $0xD000  }
0x380: {  	[tilespmem:$0x1E750] =	vst v3  }
0x381: {  	v3 =	vld.idx.msk [tilespmem:v54+s24+$0x0], $0xffff;
	_ =	sdelay $0x4  }
0x382: {  	v4 =	vshll.u32 v3, $0x2;
	v5 =	vshrl.u32 v3, $0xB  }
0x383: {  	v3 =	vand.u32 $0xFFFFE000, v3;
	v4 =	vand.u32 $0x1FFC, v4;
	v5 =	vand.u32 $0x3, v5  }
0x384: {  	v3 =	vor.u32 v4, v3;
	v4 =	vor.u32 v0, v5  }
0x385: {  	v3 =	vadd.s32 v3, v4  }
0x386: {  	v3 =	vmin.u32 v3, $0xD000  }
0x387: {  	[tilespmem:$0x1E760] =	vst v3  }
0x388: {  	v3 =	vld.idx.msk [tilespmem:v55+s24+$0x0], $0xffff;
	_ =	sdelay $0x4  }
0x389: {  	v4 =	vshll.u32 v3, $0x2;
	v5 =	vshrl.u32 v3, $0xB  }
0x38a: {  	v3 =	vand.u32 $0xFFFFE000, v3;
	v4 =	vand.u32 $0x1FFC, v4;
	v5 =	vand.u32 $0x3, v5  }
0x38b: {  	v3 =	vor.u32 v4, v3;
	v4 =	vor.u32 v0, v5  }
0x38c: {  	v3 =	vadd.s32 v3, v4  }
0x38d: {  	v3 =	vmin.u32 v3, $0xD000  }
0x38e: {  	[tilespmem:$0x1E770] =	vst v3  }
0x38f: {  	v3 =	vld.idx.msk [tilespmem:v56+s24+$0x0], $0xffff;
	_ =	sdelay $0x4  }
0x390: {  	v4 =	vshll.u32 v3, $0x2;
	v5 =	vshrl.u32 v3, $0xB  }
0x391: {  	v3 =	vand.u32 $0xFFFFE000, v3;
	v4 =	vand.u32 $0x1FFC, v4;
	v5 =	vand.u32 $0x3, v5  }
0x392: {  	v3 =	vor.u32 v4, v3;
	v4 =	vor.u32 v0, v5  }
0x393: {  	v3 =	vadd.s32 v3, v4  }
0x394: {  	v3 =	vmin.u32 v3, $0xD000  }
0x395: {  	[tilespmem:$0x1E780] =	vst v3  }
0x396: {  	v3 =	vld.idx.msk [tilespmem:v57+s24+$0x0], $0xffff;
	_ =	sdelay $0x4  }
0x397: {  	v4 =	vshll.u32 v3, $0x2;
	v5 =	vshrl.u32 v3, $0xB  }
0x398: {  	v3 =	vand.u32 $0xFFFFE000, v3;
	v4 =	vand.u32 $0x1FFC, v4;
	v5 =	vand.u32 $0x3, v5  }
0x399: {  	v3 =	vor.u32 v4, v3;
	v4 =	vor.u32 v0, v5  }
0x39a: {  	v3 =	vadd.s32 v3, v4  }
0x39b: {  	v3 =	vmin.u32 v3, $0xD000  }
0x39c: {  	[tilespmem:$0x1E790] =	vst v3  }
0x39d: {  	v3 =	vld.idx.msk [tilespmem:v58+s24+$0x0], $0xffff;
	_ =	sdelay $0x4  }
0x39e: {  	v4 =	vshll.u32 v3, $0x2;
	v5 =	vshrl.u32 v3, $0xB  }
0x39f: {  	v3 =	vand.u32 $0xFFFFE000, v3;
	v4 =	vand.u32 $0x1FFC, v4;
	v5 =	vand.u32 $0x3, v5  }
0x3a0: {  	v3 =	vor.u32 v4, v3;
	v4 =	vor.u32 v0, v5  }
0x3a1: {  	v3 =	vadd.s32 v3, v4  }
0x3a2: {  	v3 =	vmin.u32 v3, $0xD000  }
0x3a3: {  	[tilespmem:$0x1E7A0] =	vst v3  }
0x3a4: {  	v3 =	vld.idx.msk [tilespmem:v59+s24+$0x0], $0xffff;
	_ =	sdelay $0x4  }
0x3a5: {  	v4 =	vshll.u32 v3, $0x2;
	v5 =	vshrl.u32 v3, $0xB  }
0x3a6: {  	v3 =	vand.u32 $0xFFFFE000, v3;
	v4 =	vand.u32 $0x1FFC, v4;
	v5 =	vand.u32 $0x3, v5  }
0x3a7: {  	v3 =	vor.u32 v4, v3;
	v4 =	vor.u32 v0, v5  }
0x3a8: {  	v3 =	vadd.s32 v3, v4  }
0x3a9: {  	v3 =	vmin.u32 v3, $0xD000  }
0x3aa: {  	[tilespmem:$0x1E7B0] =	vst v3  }
0x3ab: {  	v3 =	vld.idx.msk [tilespmem:v60+s24+$0x0], $0xffff;
	_ =	sdelay $0x4  }
0x3ac: {  	v4 =	vshll.u32 v3, $0x2;
	v5 =	vshrl.u32 v3, $0xB  }
0x3ad: {  	v3 =	vand.u32 $0xFFFFE000, v3;
	v4 =	vand.u32 $0x1FFC, v4;
	v5 =	vand.u32 $0x3, v5  }
0x3ae: {  	v3 =	vor.u32 v4, v3;
	v4 =	vor.u32 v0, v5  }
0x3af: {  	v3 =	vadd.s32 v3, v4  }
0x3b0: {  	v3 =	vmin.u32 v3, $0xD000  }
0x3b1: {  	[tilespmem:$0x1E7C0] =	vst v3  }
0x3b2: {  	v3 =	vld.idx.msk [tilespmem:v61+s24+$0x0], $0xffff;
	_ =	sdelay $0x4  }
0x3b3: {  	v4 =	vshll.u32 v3, $0x2;
	v5 =	vshrl.u32 v3, $0xB  }
0x3b4: {  	v3 =	vand.u32 $0xFFFFE000, v3;
	v4 =	vand.u32 $0x1FFC, v4;
	v5 =	vand.u32 $0x3, v5  }
0x3b5: {  	v3 =	vor.u32 v4, v3;
	v4 =	vor.u32 v0, v5  }
0x3b6: {  	v3 =	vadd.s32 v3, v4  }
0x3b7: {  	v3 =	vmin.u32 v3, $0xD000  }
0x3b8: {  	[tilespmem:$0x1E7D0] =	vst v3  }
0x3b9: {  	v3 =	vld.idx.msk [tilespmem:v62+s24+$0x0], $0xffff;
	_ =	sdelay $0x4  }
0x3ba: {  	v4 =	vshll.u32 v3, $0x2;
	v5 =	vshrl.u32 v3, $0xB  }
0x3bb: {  	v3 =	vand.u32 $0xFFFFE000, v3;
	v4 =	vand.u32 $0x1FFC, v4;
	v5 =	vand.u32 $0x3, v5  }
0x3bc: {  	v3 =	vor.u32 v4, v3;
	v4 =	vor.u32 v0, v5  }
0x3bd: {  	v3 =	vadd.s32 v3, v4  }
0x3be: {  	v3 =	vmin.u32 v3, $0xD000  }
0x3bf: {  	[tilespmem:$0x1E7E0] =	vst v3  }
0x3c0: {  	v3 =	vld.idx.msk [tilespmem:v63+s24+$0x0], $0xffff;
	_ =	sdelay $0x4  }
0x3c1: {  	v4 =	vshll.u32 v3, $0x2;
	v5 =	vshrl.u32 v3, $0xB  }
0x3c2: {  	v3 =	vand.u32 $0xFFFFE000, v3;
	v4 =	vand.u32 $0x1FFC, v4;
	v5 =	vand.u32 $0x3, v5  }
0x3c3: {  	v3 =	vor.u32 v4, v3;
	v4 =	vor.u32 v0, v5  }
0x3c4: {  	v3 =	vadd.s32 v3, v4  }
0x3c5: {  	v3 =	vmin.u32 v3, $0xD000  }
0x3c6: {  	[tilespmem:$0x1E7F0] =	vst v3  }
0x3c7: {  	v3 =	vld.idx.msk [tilespmem:v1+s24+$0x0], $0xffff;
	_ =	sdelay $0x4  }
0x3c8: {  	v4 =	vshll.u32 v3, $0x2;
	v5 =	vshrl.u32 v3, $0xB  }
0x3c9: {  	v3 =	vand.u32 $0xFFFFE000, v3;
	v4 =	vand.u32 $0x1FFC, v4;
	v5 =	vand.u32 $0x3, v5  }
0x3ca: {  	v3 =	vor.u32 v4, v3;
	v4 =	vor.u32 v0, v5  }
0x3cb: {  	v3 =	vadd.s32 v3, v4  }
0x3cc: {  	v3 =	vmin.u32 v3, $0xD000  }
0x3cd: {  	[tilespmem:$0x1E800] =	vst v3  }
0x3ce: {  	[bflag:$0x0] =	sbarrier.arrive $0xFFFF  }
0x3cf: {  	[tilespmem:s25], [sflag:$0x1] =	stream.linear.gather [hbm4b:s22+s3], $0x4000, $0x38;
	[tilespmem:$0x1F510] =	vst v63  }
0x3d0: {  	_ =	swait.ge [sflag:s23], $0x4000  }
0x3d1: {  	[sflag:s23] =	ssyncset.done $0x0  }
0x3d2: {  	s1 =	simm.s32 $0x1E410;
	[sflag:s23] =	ssyncadd.s32 $0xFFFFC000  }
0x3d3: {  	[spmem:s2] =	stream.indirect.scatter.add.f32 [tilespmem:s25], [sflag:$0x1], $0x20, s1, s26, $0xb8;
	[tilespmem:$0x1F510] =	vst v63  }
0x3d4: {  	_ =	swait.ge [sflag:s23], $0x1000  }
0x3d5: {  	[sflag:s23] =	ssyncset.done $0x0  }
0x3d6: {  	s5 =	simm.s32 $0x1E490;
	[sflag:s23] =	ssyncadd.s32 $0xFFFFF000  }
0x3d7: {  	[spmem:s2] =	stream.indirect.scatter.add.f32 [tilespmem:s28], [sflag:$0x1], $0x20, s5, s26, $0xb8;
	[tilespmem:$0x1F510] =	vst v63  }
0x3d8: {  	_ =	swait.ge [sflag:s23], $0x1000  }
0x3d9: {  	[sflag:s23] =	ssyncset.done $0x0  }
0x3da: {  	s1 =	simm.s32 $0x1E510;
	[sflag:s23] =	ssyncadd.s32 $0xFFFFF000  }
0x3db: {  	[spmem:s2] =	stream.indirect.scatter.add.f32 [tilespmem:s29], [sflag:$0x1], $0x20, s1, s26, $0xb8;
	[tilespmem:$0x1F510] =	vst v63  }
0x3dc: {  	_ =	swait.ge [sflag:s23], $0x1000  }
0x3dd: {  	[sflag:s23] =	ssyncset.done $0x0  }
0x3de: {  	s5 =	simm.s32 $0x1E590;
	[sflag:s23] =	ssyncadd.s32 $0xFFFFF000  }
0x3df: {  	[spmem:s2] =	stream.indirect.scatter.add.f32 [tilespmem:s30], [sflag:$0x1], $0x20, s5, s26, $0xb8;
	[tilespmem:$0x1F510] =	vst v63  }
0x3e0: {  	_ =	swait.ge [sflag:s23], $0x1000  }
0x3e1: {  	[sflag:s23] =	ssyncset.done $0x0  }
0x3e2: {  	[sflag:s23] =	ssyncadd.s32 $0xFFFFF000  }
0x3e3: {  	[tilespmem:s25], [sflag:$0x1] =	stream.linear.gather [hbm4b:s19+s3], $0x4000, $0x38;
	[tilespmem:$0x1F510] =	vst v63  }
0x3e4: {  	_ =	swait.ge [sflag:s23], $0x4000  }
0x3e5: {  	[sflag:s23] =	ssyncset.done $0x0  }
0x3e6: {  	s1 =	simm.s32 $0x1E610;
	[sflag:s23] =	ssyncadd.s32 $0xFFFFC000  }
0x3e7: {  	[spmem:s2] =	stream.indirect.scatter.add.f32 [tilespmem:s25], [sflag:$0x1], $0x20, s1, s26, $0xb8;
	[tilespmem:$0x1F510] =	vst v63  }
0x3e8: {  	_ =	swait.ge [sflag:s23], $0x1000  }
0x3e9: {  	[sflag:s23] =	ssyncset.done $0x0  }
0x3ea: {  	s5 =	simm.s32 $0x1E690;
	[sflag:s23] =	ssyncadd.s32 $0xFFFFF000  }
0x3eb: {  	[spmem:s2] =	stream.indirect.scatter.add.f32 [tilespmem:s28], [sflag:$0x1], $0x20, s5, s26, $0xb8;
	[tilespmem:$0x1F510] =	vst v63  }
0x3ec: {  	_ =	swait.ge [sflag:s23], $0x1000  }
0x3ed: {  	[sflag:s23] =	ssyncset.done $0x0  }
0x3ee: {  	s1 =	simm.s32 $0x1E710;
	[sflag:s23] =	ssyncadd.s32 $0xFFFFF000  }
0x3ef: {  	[spmem:s2] =	stream.indirect.scatter.add.f32 [tilespmem:s29], [sflag:$0x1], $0x20, s1, s26, $0xb8;
	[tilespmem:$0x1F510] =	vst v63  }
0x3f0: {  	_ =	swait.ge [sflag:s23], $0x1000  }
0x3f1: {  	[sflag:s23] =	ssyncset.done $0x0  }
0x3f2: {  	s5 =	simm.s32 $0x1E790;
	[sflag:s23] =	ssyncadd.s32 $0xFFFFF000  }
0x3f3: {  	[spmem:s2] =	stream.indirect.scatter.add.f32 [tilespmem:s30], [sflag:$0x1], $0x20, s5, s26, $0xb8;
	[tilespmem:$0x1F510] =	vst v63  }
0x3f4: {  	_ =	swait.ge [sflag:s23], $0x1000  }
0x3f5: {  	[sflag:s23] =	ssyncset.done $0x0  }
0x3f6: {  	s1 =	stileid.u32;
	[sflag:s23] =	ssyncadd.s32 $0xFFFFF000  }
0x3f7: {  	s0 =	sshll.u32 s1, $0x6;
	[bflag:$0x0] =	sbarrier.arrive $0xFFFF  }
0x3f8: {  	s1 =	sshrl.u32 s4, $0x3;
	s0 =	sor.u32 $0x1C01, s0;
	s5 =	rddreg [dreg:$0x16]  }
0x3f9: {  	[hbm:s5], [sflag:s0] =	dma.local [spmem:s1], $0x3400  }
0x3fa: {  	_ =	swait.ge [sflag:s23], $0x3400  }
0x3fb: {  	s31 =	sadd.s32 $0x1, s31;
	s5 =	rddreg [dreg:$0x17]  }
0x3fc: {  	p0 =	sne.s32 s31, s5  }
.Ltmp1:
0x3fd: {  	_ = 	snop;
	(pc) =	sbr.rel @p0 .LBB2_1-.Ltmp1, $3  }
0x3fe: {  	_ =	sdelay $0x1  }
0x3ff: {  	[sflag:s23] =	ssyncset.done $0x0  }
0x400: {  	[sflag:s23] =	ssyncadd.s32 $0xFFFFCC00  }
0x401: {  	_ =	sfence.sel $0x180000  }
0x402: {  	[bflag:$0x0] =	sbarrier.arrive $0xFFFF  }
0x403: {  	_ =	strace $0x90000047  }
0x404: {  	s0 =	stileid.u32;
	[bflag:$0x2] =	sbarrier.arrive $0xFFFF  }
0x405: {  	p0 =	sne.s32 s0, $0x0;
	s0 =	rddreg [dreg:$0x4]  }
0x406: {  	s0 =	sadd.s32 @!p0 $0x100000, s0  }
0x407: {  	[sflag:s0] =	ssyncadd.tile.s32 @!p0 $0x1;
	_ =	shalt  }
.Lfunc_end2:
_tile_overlayer_lowered:
.L_overlay_start_2:
0x408: {  	(tag) =	ssettag $0x2  }
0x409: {  	s0 =	rddreg [dreg:$0x0];
	s2 =	stileid.u32  }
0x40a: {  	s1 =	rddreg [dreg:$0x1];
	p0 =	sne.s32 s2, $0x0  }
0x40b: {  	s3 =	rddreg [dreg:$0x2];
	[bflag:$0x3] =	sbarrier.arrive $0xFFFF;
	s2 =	simm.s32 @!p0 $0x1C01  }
0x40c: {  	[timem:s3], [sflag:s2] =	dma.local @!p0 [hbm:s0], s1  }
0x40d: {  	s0 =	simm.s32 @!p0 $0x1  }
0x40e: {  	_ =	swait.ge @!p0 [sflag:s0], s1  }
0x40f: {  	s1 =	ssub.s32 @!p0 $0x0, s1;
	[sflag:s0] =	ssyncset.done @!p0 $0x0  }
0x410: {  	[sflag:s0] =	ssyncadd.s32 @!p0 s1  }
0x411: {  	[bflag:$0x3] =	sbarrier.arrive $0xFFFF  }
0x412: {  	_ =	shalt  }

</sc_bundles>
